<compile_context>
chip_gen: v7x
topology: tpu7x:2x2x1
jax: 0.10.2.dev20260603
libtpu: 0.0.44.dev20260713+nightly
codegen_flags: <defaults>
</compile_context>

<pallas_src>
import functools

import jax
import jax.numpy as jnp
from jax import lax
from jax.experimental import pallas as pl
from jax.experimental.pallas import tpu as pltpu
from jax.experimental.pallas import tpu_sc as plsc

B, N, S, C, D = 2, 8192, 4096, 3, 128
K = 16
SB = 512
LANES = 16


def _topk_tc_body(xyz_ref, sxyz_ref, sxyzT_ref, idx_ref):
    q = xyz_ref[0]
    s = sxyz_ref[0]
    sT = sxyzT_ref[0]

    dot = lax.dot_general(
        q, sT, (((1,), (0,)), ((), ())),
        preferred_element_type=jnp.float32)
    qn = jnp.sum(q * q, axis=1, keepdims=True)
    sn = jnp.sum(s * s, axis=1).reshape(1, N)
    neg0 = 2.0 * dot
    neg0 = neg0 - qn
    neg0 = neg0 - sn

    iota_f = lax.broadcasted_iota(
        jnp.int32, (1, N), 1).astype(jnp.float32)
    kcol16 = lax.broadcasted_iota(jnp.int32, (SB, K), 1)
    big = jnp.float32(N)

    b = pl.program_id(0)

    def step(k, carry):
        i_prev, neg, idx_acc = carry
        neg = jnp.where(iota_f == i_prev[:, None], -jnp.inf, neg)
        m = jnp.max(neg, axis=1)
        i_f = jnp.min(jnp.where(neg == m[:, None], iota_f, big),
                      axis=1)
        idx_acc = jnp.where(kcol16 == k,
                            (i_f.astype(jnp.int32) + b * N)[:, None],
                            idx_acc)
        return i_f, neg, idx_acc

    _, _, idx_acc = lax.fori_loop(
        0, K, step,
        (jnp.full((SB,), -1.0, jnp.float32),
         neg0,
         jnp.zeros((SB, K), jnp.int32)))
    idx_ref[0] = idx_acc


def _topk_tc(xyz, s_xyz, s_xyzT):
    grid = (B, S // SB)
    return pl.pallas_call(
        _topk_tc_body,
        grid=grid,
        in_specs=[
            pl.BlockSpec((1, SB, C), lambda b, j: (b, j, 0)),
            pl.BlockSpec((1, N, C), lambda b, j: (b, 0, 0)),
            pl.BlockSpec((1, C, N), lambda b, j: (b, 0, 0)),
        ],
        out_specs=pl.BlockSpec((1, SB, K), lambda b, j: (b, j, 0)),
        out_shape=jax.ShapeDtypeStruct((B, S, K), jnp.int32),
    )(xyz, s_xyz, s_xyzT)


_NC, _NS = 2, 16
_NW = _NC * _NS
_RB = B * S * K
_RW = _RB // _NW
_QW = _RW // K
_CHUNK = 128
_GRP = _CHUNK // LANES


_NCH = _RW // _CHUNK
_NBUF = 2


def _gather_sc_body(points_hbm, xyzpad_hbm, idx_hbm, qp_hbm,
                    feat_hbm, xyz_hbm,
                    idx_v, rows_f0, rows_f1, rows_x0, rows_x1,
                    q_v, xyz_o, semf0, semf1, semx0, semx1):
    wid = lax.axis_index("s") * _NC + lax.axis_index("c")
    base = wid * _RW
    pltpu.sync_copy(idx_hbm.at[pl.ds(base, _RW)], idx_v)
    pltpu.sync_copy(qp_hbm.at[pl.ds(wid * _QW, _QW)], q_v)

    rows_f = (rows_f0, rows_f1)
    rows_x = (rows_x0, rows_x1)
    semf = (semf0, semf1)
    semx = (semx0, semx1)

    def fire(c, bi):
        idx_slice = idx_v.at[pl.ds(c * _CHUNK, _CHUNK)]
        pltpu.async_copy(points_hbm.at[idx_slice], rows_f[bi], semf[bi])
        pltpu.async_copy(xyzpad_hbm.at[idx_slice], rows_x[bi], semx[bi])

    def drain(bi):
        pltpu.make_async_copy(points_hbm.at[pl.ds(0, _CHUNK)],
                              rows_f[bi], semf[bi]).wait()
        pltpu.make_async_copy(xyzpad_hbm.at[pl.ds(0, _CHUNK)],
                              rows_x[bi], semx[bi]).wait()

    for bi in range(_NBUF):
        fire(bi, bi)

    def pair(cc, carry):
        for bi in range(_NBUF):
            c = cc * _NBUF + bi
            off = c * _CHUNK
            drain(bi)
            qbase = c * _GRP
            for r in range(_CHUNK):
                xyz_o[r] = rows_x[bi][r, pl.ds(0, LANES)] - q_v[qbase + r // K]
            pltpu.sync_copy(rows_f[bi], feat_hbm.at[pl.ds(base + off, _CHUNK)])
            pltpu.sync_copy(xyz_o, xyz_hbm.at[pl.ds(base + off, _CHUNK)])

            @pl.when(c + _NBUF < _NCH)
            def _():
                fire(c + _NBUF, bi)
        return carry

    lax.fori_loop(0, _NCH // _NBUF, pair, 0)


@functools.lru_cache(maxsize=None)
def _gather_sc():
    return pl.kernel(
        _gather_sc_body,
        mesh=plsc.VectorSubcoreMesh(core_axis_name="c", subcore_axis_name="s"),
        out_type=[
            jax.ShapeDtypeStruct((_RB, D), jnp.float32),
            jax.ShapeDtypeStruct((_RB, LANES), jnp.float32),
        ],
        scratch_types=[
            pltpu.VMEM((_RW,), jnp.int32),
            pltpu.VMEM((_CHUNK, D), jnp.float32),
            pltpu.VMEM((_CHUNK, D), jnp.float32),
            pltpu.VMEM((_CHUNK, D), jnp.float32),
            pltpu.VMEM((_CHUNK, D), jnp.float32),
            pltpu.VMEM((_QW, LANES), jnp.float32),
            pltpu.VMEM((_CHUNK, LANES), jnp.float32),
            pltpu.SemaphoreType.DMA,
            pltpu.SemaphoreType.DMA,
            pltpu.SemaphoreType.DMA,
            pltpu.SemaphoreType.DMA,
        ],
    )


def kernel(s_xyz, xyz, s_points, nsample):
    s_xyzT = jnp.swapaxes(s_xyz, 1, 2)
    idx = _topk_tc(xyz, s_xyz, s_xyzT)
    xyzpad = jnp.pad(s_xyz.reshape(B * N, C), ((0, 0), (0, D - C)))
    qpad = jnp.pad(xyz.reshape(B * S, C), ((0, 0), (0, LANES - C)))
    feat, gx16 = _gather_sc()(
        s_points.reshape(B * N, D), xyzpad, idx.reshape(_RB), qpad)
    new_points = jnp.concatenate(
        [gx16[:, :C], feat], axis=1).reshape(B, S, K, C + D)
    grouped_xyz_norm = new_points[..., :C]
    return new_points, grouped_xyz_norm

# --- scband reference (transcript-rebuilt; emitter-appended) ---
"""Pipeline reference for scband-multi-frame-estimatier-74586402062867 (READ-ONLY COPY).

The authoritative reference and input builder live on the scoring server;
editing this copy changes nothing except your own understanding.
"""

import jax, jax.numpy as jnp
import numpy as np


def setup_inputs(seed: int = 0) -> dict:
    key = jax.random.key(seed)
    k1, k2, k3 = jax.random.split(key, 3)
    B, N, S, C, D = 2, 8192, 4096, 3, 128
    return {
        "s_xyz": jax.random.normal(k1, (B, N, C), dtype=jnp.float32),
        "xyz": jax.random.normal(k2, (B, S, C), dtype=jnp.float32),
        "s_points": jax.random.normal(k3, (B, N, D), dtype=jnp.float32),
        "nsample": 16,
    }


def square_distance(src, dst):
    # src [B,N,C], dst [B,M,C] -> [B,N,M]
    dist = -2.0 * jnp.matmul(src, jnp.swapaxes(dst, 1, 2))
    dist = dist + jnp.sum(src ** 2, axis=-1)[:, :, None]
    dist = dist + jnp.sum(dst ** 2, axis=-1)[:, None, :]
    return dist


def knn_point(nsample, xyz, new_xyz):
    # returns indices of the nsample nearest support points per query [B,S,nsample]
    sqrdists = square_distance(new_xyz, xyz)
    _, group_idx = jax.lax.top_k(-sqrdists, nsample)
    return group_idx


def index_points_group(points, knn_idx):
    # points [B,N,C], knn_idx [B,S,K] -> [B,S,K,C]
    return jax.vmap(lambda p, i: p[i])(points, knn_idx)


def reference(s_xyz, xyz, s_points, nsample):
    # faithful jax translation of group_query(nsample, s_xyz, xyz, s_points)
    B, S, C = xyz.shape
    new_xyz = xyz
    idx = knn_point(16, s_xyz, new_xyz)
    idx = idx + (nsample - nsample)
    grouped_xyz = index_points_group(s_xyz, idx)          # [B,S,K,3]
    grouped_xyz_norm = grouped_xyz - new_xyz[:, :, None, :]
    grouped_points = index_points_group(s_points, idx)    # [B,S,K,D]
    new_points = jnp.concatenate([grouped_xyz_norm, grouped_points], axis=-1)
    return new_points, grouped_xyz_norm

if __name__ == "__main__":
    import jax
    _d = setup_inputs()
    print(jax.jit(kernel)(*tuple(_d.values())))

</pallas_src>

<mosaic_0001>
#map = affine_map<(d0, d1) -> (0, 0)>
#map1 = affine_map<(d0, d1) -> (0)>
module attributes {stable_mosaic.version = 14 : i64} {
  func.func @_gather_sc_body(%arg0: i32, %arg1: i32, %arg2: memref<16384x128xf32, #tpu.memory_space<hbm>>, %arg3: memref<16384x128xf32, #tpu.memory_space<hbm>>, %arg4: memref<131072xi32, #tpu.memory_space<hbm>>, %arg5: memref<8192x16xf32, #tpu.memory_space<hbm>>, %arg6: memref<131072x128xf32, #tpu.memory_space<hbm>>, %arg7: memref<131072x16xf32, #tpu.memory_space<hbm>>, %arg8: memref<4096xi32, #tpu.memory_space<vmem>>, %arg9: memref<128x128xf32, #tpu.memory_space<vmem>>, %arg10: memref<128x128xf32, #tpu.memory_space<vmem>>, %arg11: memref<128x128xf32, #tpu.memory_space<vmem>>, %arg12: memref<128x128xf32, #tpu.memory_space<vmem>>, %arg13: memref<256x16xf32, #tpu.memory_space<vmem>>, %arg14: memref<128x16xf32, #tpu.memory_space<vmem>>, %arg15: memref<!tpu.dma_semaphore, #tpu.memory_space<semaphore_mem>>, %arg16: memref<!tpu.dma_semaphore, #tpu.memory_space<semaphore_mem>>, %arg17: memref<!tpu.dma_semaphore, #tpu.memory_space<semaphore_mem>>, %arg18: memref<!tpu.dma_semaphore, #tpu.memory_space<semaphore_mem>>) attributes {dimension_semantics = [#tpu.dimension_semantics<core_parallel>, #tpu.dimension_semantics<subcore_parallel>], iteration_bounds = array<i64: 2, 16>, scalar_prefetch = 0 : i64, scratch_operands = 11 : i64, tpu.core_type = #tpu.core_type<sc_vector_subcore>, window_params = [{transform_indices = #map}, {transform_indices = #map}, {transform_indices = #map1}, {transform_indices = #map}, {transform_indices = #map}, {transform_indices = #map}]} {
    %mul3A = arith.constant 2 : i32
    %mul3A_0 = arith.muli %arg1, %mul3A : i32
    %add3A = arith.addi %mul3A_0, %arg0 : i32
    %mul3A_1 = arith.constant 4096 : i32
    %mul3A_2 = arith.muli %add3A, %mul3A_1 : i32
    "tpu.region"() ({
      %run_scoped3A = tpu.sem_alloc : memref<!tpu.dma_semaphore, #tpu.memory_space<semaphore_mem>>
      %dma_start3A_29 = tpu.memref_slice %arg4[%mul3A_2] : memref<131072xi32, #tpu.memory_space<hbm>> -> memref<4096xi32, #tpu.memory_space<hbm>>
      %dma_start3A_30 = tpu.memref_slice %arg4[%mul3A_2] : memref<131072xi32, #tpu.memory_space<hbm>> -> memref<4096xi32, #tpu.memory_space<hbm>>
      tpu.enqueue_dma source(%dma_start3A_30 : memref<4096xi32, #tpu.memory_space<hbm>>) target(%arg8 : memref<4096xi32, #tpu.memory_space<vmem>>) target_semaphore(%run_scoped3A : memref<!tpu.dma_semaphore, #tpu.memory_space<semaphore_mem>>)
      %dma_wait3A = tpu.memref_slice %arg4[%mul3A_2] : memref<131072xi32, #tpu.memory_space<hbm>> -> memref<4096xi32, #tpu.memory_space<hbm>>
      %dma_wait3A_31 = tpu.memref_slice %arg4[%mul3A_2] : memref<131072xi32, #tpu.memory_space<hbm>> -> memref<4096xi32, #tpu.memory_space<hbm>>
      tpu.wait_dma2 semaphore(%run_scoped3A : memref<!tpu.dma_semaphore, #tpu.memory_space<semaphore_mem>>) src(%dma_wait3A_31 : memref<4096xi32, #tpu.memory_space<hbm>>) dst(%arg8 : memref<4096xi32, #tpu.memory_space<vmem>>)
      tpu.yield
    }) : () -> ()
    %mul3A_3 = arith.constant 256 : i32
    %mul3A_4 = arith.muli %add3A, %mul3A_3 : i32
    "tpu.region"() ({
      %run_scoped3A = tpu.sem_alloc : memref<!tpu.dma_semaphore, #tpu.memory_space<semaphore_mem>>
      %dma_start3A_29 = arith.constant 0 : i32
      %dma_start3A_30 = tpu.memref_slice %arg5[%mul3A_4, %dma_start3A_29] : memref<8192x16xf32, #tpu.memory_space<hbm>> -> memref<256x16xf32, #tpu.memory_space<hbm>>
      %dma_start3A_31 = arith.constant 0 : i32
      %dma_start3A_32 = tpu.memref_slice %arg5[%mul3A_4, %dma_start3A_31] : memref<8192x16xf32, #tpu.memory_space<hbm>> -> memref<256x16xf32, #tpu.memory_space<hbm>>
      tpu.enqueue_dma source(%dma_start3A_32 : memref<256x16xf32, #tpu.memory_space<hbm>>) target(%arg13 : memref<256x16xf32, #tpu.memory_space<vmem>>) target_semaphore(%run_scoped3A : memref<!tpu.dma_semaphore, #tpu.memory_space<semaphore_mem>>)
      %dma_wait3A = arith.constant 0 : i32
      %dma_wait3A_33 = tpu.memref_slice %arg5[%mul3A_4, %dma_wait3A] : memref<8192x16xf32, #tpu.memory_space<hbm>> -> memref<256x16xf32, #tpu.memory_space<hbm>>
      %dma_wait3A_34 = arith.constant 0 : i32
      %dma_wait3A_35 = tpu.memref_slice %arg5[%mul3A_4, %dma_wait3A_34] : memref<8192x16xf32, #tpu.memory_space<hbm>> -> memref<256x16xf32, #tpu.memory_space<hbm>>
      tpu.wait_dma2 semaphore(%run_scoped3A : memref<!tpu.dma_semaphore, #tpu.memory_space<semaphore_mem>>) src(%dma_wait3A_35 : memref<256x16xf32, #tpu.memory_space<hbm>>) dst(%arg13 : memref<256x16xf32, #tpu.memory_space<vmem>>)
      tpu.yield
    }) : () -> ()
    %dma_start3A = arith.constant 0 : i32
    %dma_start3A_5 = tpu.memref_slice %arg8[%dma_start3A] : memref<4096xi32, #tpu.memory_space<vmem>> -> memref<128xi32, #tpu.memory_space<vmem>>
    %dma_start3A_6 = arith.constant 0 : i32
    %dma_start3A_7 = arith.constant 0 : i32
    %dma_start3A_8 = tpu.memref_slice %arg2[%dma_start3A_6, %dma_start3A_7] : memref<16384x128xf32, #tpu.memory_space<hbm>> -> memref<16384x128xf32, #tpu.memory_space<hbm>>
    tpu.enqueue_indirect_dma source(%dma_start3A_8 : memref<16384x128xf32, #tpu.memory_space<hbm>>) target(%arg9 : memref<128x128xf32, #tpu.memory_space<vmem>>) offsets(%dma_start3A_5 : memref<128xi32, #tpu.memory_space<vmem>>) semaphore(%arg15 : memref<!tpu.dma_semaphore, #tpu.memory_space<semaphore_mem>>)
    %dma_start3A_9 = arith.constant 0 : i32
    %dma_start3A_10 = tpu.memref_slice %arg8[%dma_start3A_9] : memref<4096xi32, #tpu.memory_space<vmem>> -> memref<128xi32, #tpu.memory_space<vmem>>
    %dma_start3A_11 = arith.constant 0 : i32
    %dma_start3A_12 = arith.constant 0 : i32
    %dma_start3A_13 = tpu.memref_slice %arg3[%dma_start3A_11, %dma_start3A_12] : memref<16384x128xf32, #tpu.memory_space<hbm>> -> memref<16384x128xf32, #tpu.memory_space<hbm>>
    tpu.enqueue_indirect_dma source(%dma_start3A_13 : memref<16384x128xf32, #tpu.memory_space<hbm>>) target(%arg11 : memref<128x128xf32, #tpu.memory_space<vmem>>) offsets(%dma_start3A_10 : memref<128xi32, #tpu.memory_space<vmem>>) semaphore(%arg17 : memref<!tpu.dma_semaphore, #tpu.memory_space<semaphore_mem>>)
    %dma_start3A_14 = arith.constant 128 : i32
    %dma_start3A_15 = tpu.memref_slice %arg8[%dma_start3A_14] : memref<4096xi32, #tpu.memory_space<vmem>> -> memref<128xi32, #tpu.memory_space<vmem>>
    %dma_start3A_16 = arith.constant 0 : i32
    %dma_start3A_17 = arith.constant 0 : i32
    %dma_start3A_18 = tpu.memref_slice %arg2[%dma_start3A_16, %dma_start3A_17] : memref<16384x128xf32, #tpu.memory_space<hbm>> -> memref<16384x128xf32, #tpu.memory_space<hbm>>
    tpu.enqueue_indirect_dma source(%dma_start3A_18 : memref<16384x128xf32, #tpu.memory_space<hbm>>) target(%arg10 : memref<128x128xf32, #tpu.memory_space<vmem>>) offsets(%dma_start3A_15 : memref<128xi32, #tpu.memory_space<vmem>>) semaphore(%arg16 : memref<!tpu.dma_semaphore, #tpu.memory_space<semaphore_mem>>)
    %dma_start3A_19 = arith.constant 128 : i32
    %dma_start3A_20 = tpu.memref_slice %arg8[%dma_start3A_19] : memref<4096xi32, #tpu.memory_space<vmem>> -> memref<128xi32, #tpu.memory_space<vmem>>
    %dma_start3A_21 = arith.constant 0 : i32
    %dma_start3A_22 = arith.constant 0 : i32
    %dma_start3A_23 = tpu.memref_slice %arg3[%dma_start3A_21, %dma_start3A_22] : memref<16384x128xf32, #tpu.memory_space<hbm>> -> memref<16384x128xf32, #tpu.memory_space<hbm>>
    tpu.enqueue_indirect_dma source(%dma_start3A_23 : memref<16384x128xf32, #tpu.memory_space<hbm>>) target(%arg12 : memref<128x128xf32, #tpu.memory_space<vmem>>) offsets(%dma_start3A_20 : memref<128xi32, #tpu.memory_space<vmem>>) semaphore(%arg18 : memref<!tpu.dma_semaphore, #tpu.memory_space<semaphore_mem>>)
    %scan3A = arith.constant 0 : i32
    %scan3A_24 = arith.constant 0 : i32
    %scan3A_25 = arith.constant 16 : i32
    %scan3A_26 = arith.addi %scan3A_24, %scan3A_25 : i32
    %scan3A_27 = arith.constant 1 : i32
    scf.for %scan3A_29 = %scan3A_24 to %scan3A_26 step %scan3A_27  : i32 {
      %mul3A_30 = arith.constant 2 : i32
      %mul3A_31 = arith.muli %scan3A_29, %mul3A_30 : i32
      %add3A_32 = arith.constant 0 : i32
      %add3A_33 = arith.addi %mul3A_31, %add3A_32 : i32
      %mul3A_34 = arith.constant 128 : i32
      %mul3A_35 = arith.muli %add3A_33, %mul3A_34 : i32
      %dma_wait3A = arith.constant 0 : i32
      %dma_wait3A_36 = arith.constant 0 : i32
      %dma_wait3A_37 = tpu.memref_slice %arg2[%dma_wait3A, %dma_wait3A_36] : memref<16384x128xf32, #tpu.memory_space<hbm>> -> memref<128x128xf32, #tpu.memory_space<hbm>>
      %dma_wait3A_38 = arith.constant 0 : i32
      %dma_wait3A_39 = arith.constant 0 : i32
      %dma_wait3A_40 = tpu.memref_slice %arg2[%dma_wait3A_38, %dma_wait3A_39] : memref<16384x128xf32, #tpu.memory_space<hbm>> -> memref<128x128xf32, #tpu.memory_space<hbm>>
      tpu.wait_dma2 semaphore(%arg15 : memref<!tpu.dma_semaphore, #tpu.memory_space<semaphore_mem>>) src(%dma_wait3A_40 : memref<128x128xf32, #tpu.memory_space<hbm>>) dst(%arg9 : memref<128x128xf32, #tpu.memory_space<vmem>>)
      %dma_wait3A_41 = arith.constant 0 : i32
      %dma_wait3A_42 = arith.constant 0 : i32
      %dma_wait3A_43 = tpu.memref_slice %arg3[%dma_wait3A_41, %dma_wait3A_42] : memref<16384x128xf32, #tpu.memory_space<hbm>> -> memref<128x128xf32, #tpu.memory_space<hbm>>
      %dma_wait3A_44 = arith.constant 0 : i32
      %dma_wait3A_45 = arith.constant 0 : i32
      %dma_wait3A_46 = tpu.memref_slice %arg3[%dma_wait3A_44, %dma_wait3A_45] : memref<16384x128xf32, #tpu.memory_space<hbm>> -> memref<128x128xf32, #tpu.memory_space<hbm>>
      tpu.wait_dma2 semaphore(%arg17 : memref<!tpu.dma_semaphore, #tpu.memory_space<semaphore_mem>>) src(%dma_wait3A_46 : memref<128x128xf32, #tpu.memory_space<hbm>>) dst(%arg11 : memref<128x128xf32, #tpu.memory_space<vmem>>)
      %mul3A_47 = arith.constant 8 : i32
      %mul3A_48 = arith.muli %add3A_33, %mul3A_47 : i32
      %get3A = arith.constant 0 : i32
      %get3A_49 = arith.index_cast %get3A : i32 to index
      %get3A_50 = arith.constant 0 : index
      %get3A_51 = tpu.vector_load %arg11[%get3A_49, %get3A_50] {strides = array<i32>} : memref<128x128xf32, #tpu.memory_space<vmem>>, vector<1x16xf32>,
      %get3A_52 = vector.shape_cast %get3A_51 : vector<1x16xf32> to vector<16xf32>
      %add3A_53 = arith.constant 0 : i32
      %add3A_54 = arith.addi %mul3A_48, %add3A_53 : i32
      %get3A_55 = arith.index_cast %add3A_54 : i32 to index
      %get3A_56 = arith.constant 0 : index
      %get3A_57 = tpu.vector_load %arg13[%get3A_55, %get3A_56] {strides = array<i32>} : memref<256x16xf32, #tpu.memory_space<vmem>>, vector<1x16xf32>,
      %get3A_58 = vector.shape_cast %get3A_57 : vector<1x16xf32> to vector<16xf32>
      %sub3A = arith.subf %get3A_52, %get3A_58 : vector<16xf32>
      %swap3A = arith.constant 0 : i32
      %swap3A_59 = arith.index_cast %swap3A : i32 to index
      %swap3A_60 = arith.constant 0 : index
      %swap3A_61 = tpu.vector_load %arg14[%swap3A_59, %swap3A_60] {strides = array<i32>} : memref<128x16xf32, #tpu.memory_space<vmem>>, vector<1x16xf32>,
      %swap3A_62 = vector.shape_cast %swap3A_61 : vector<1x16xf32> to vector<16xf32>
      %swap3A_63 = vector.shape_cast %sub3A : vector<16xf32> to vector<1x16xf32>
      tpu.vector_store %arg14[%swap3A_59, %swap3A_60], %swap3A_63 {strides = array<i32>} : memref<128x16xf32, #tpu.memory_space<vmem>>, vector<1x16xf32>,
      %get3A_64 = arith.constant 1 : i32
      %get3A_65 = arith.index_cast %get3A_64 : i32 to index
      %get3A_66 = arith.constant 0 : index
      %get3A_67 = tpu.vector_load %arg11[%get3A_65, %get3A_66] {strides = array<i32>} : memref<128x128xf32, #tpu.memory_space<vmem>>, vector<1x16xf32>,
      %get3A_68 = vector.shape_cast %get3A_67 : vector<1x16xf32> to vector<16xf32>
      %add3A_69 = arith.constant 0 : i32
      %add3A_70 = arith.addi %mul3A_48, %add3A_69 : i32
      %get3A_71 = arith.index_cast %add3A_70 : i32 to index
      %get3A_72 = arith.constant 0 : index
      %get3A_73 = tpu.vector_load %arg13[%get3A_71, %get3A_72] {strides = array<i32>} : memref<256x16xf32, #tpu.memory_space<vmem>>, vector<1x16xf32>,
      %get3A_74 = vector.shape_cast %get3A_73 : vector<1x16xf32> to vector<16xf32>
      %sub3A_75 = arith.subf %get3A_68, %get3A_74 : vector<16xf32>
      %swap3A_76 = arith.constant 1 : i32
      %swap3A_77 = arith.index_cast %swap3A_76 : i32 to index
      %swap3A_78 = arith.constant 0 : index
      %swap3A_79 = tpu.vector_load %arg14[%swap3A_77, %swap3A_78] {strides = array<i32>} : memref<128x16xf32, #tpu.memory_space<vmem>>, vector<1x16xf32>,
      %swap3A_80 = vector.shape_cast %swap3A_79 : vector<1x16xf32> to vector<16xf32>
      %swap3A_81 = vector.shape_cast %sub3A_75 : vector<16xf32> to vector<1x16xf32>
      tpu.vector_store %arg14[%swap3A_77, %swap3A_78], %swap3A_81 {strides = array<i32>} : memref<128x16xf32, #tpu.memory_space<vmem>>, vector<1x16xf32>,
      %get3A_82 = arith.constant 2 : i32
      %get3A_83 = arith.index_cast %get3A_82 : i32 to index
      %get3A_84 = arith.constant 0 : index
      %get3A_85 = tpu.vector_load %arg11[%get3A_83, %get3A_84] {strides = array<i32>} : memref<128x128xf32, #tpu.memory_space<vmem>>, vector<1x16xf32>,
      %get3A_86 = vector.shape_cast %get3A_85 : vector<1x16xf32> to vector<16xf32>
      %add3A_87 = arith.constant 0 : i32
      %add3A_88 = arith.addi %mul3A_48, %add3A_87 : i32
      %get3A_89 = arith.index_cast %add3A_88 : i32 to index
      %get3A_90 = arith.constant 0 : index
      %get3A_91 = tpu.vector_load %arg13[%get3A_89, %get3A_90] {strides = array<i32>} : memref<256x16xf32, #tpu.memory_space<vmem>>, vector<1x16xf32>,
      %get3A_92 = vector.shape_cast %get3A_91 : vector<1x16xf32> to vector<16xf32>
      %sub3A_93 = arith.subf %get3A_86, %get3A_92 : vector<16xf32>
      %swap3A_94 = arith.constant 2 : i32
      %swap3A_95 = arith.index_cast %swap3A_94 : i32 to index
      %swap3A_96 = arith.constant 0 : index
      %swap3A_97 = tpu.vector_load %arg14[%swap3A_95, %swap3A_96] {strides = array<i32>} : memref<128x16xf32, #tpu.memory_space<vmem>>, vector<1x16xf32>,
      %swap3A_98 = vector.shape_cast %swap3A_97 : vector<1x16xf32> to vector<16xf32>
      %swap3A_99 = vector.shape_cast %sub3A_93 : vector<16xf32> to vector<1x16xf32>
      tpu.vector_store %arg14[%swap3A_95, %swap3A_96], %swap3A_99 {strides = array<i32>} : memref<128x16xf32, #tpu.memory_space<vmem>>, vector<1x16xf32>,
      %get3A_100 = arith.constant 3 : i32
      %get3A_101 = arith.index_cast %get3A_100 : i32 to index
      %get3A_102 = arith.constant 0 : index
      %get3A_103 = tpu.vector_load %arg11[%get3A_101, %get3A_102] {strides = array<i32>} : memref<128x128xf32, #tpu.memory_space<vmem>>, vector<1x16xf32>,
      %get3A_104 = vector.shape_cast %get3A_103 : vector<1x16xf32> to vector<16xf32>
      %add3A_105 = arith.constant 0 : i32
      %add3A_106 = arith.addi %mul3A_48, %add3A_105 : i32
      %get3A_107 = arith.index_cast %add3A_106 : i32 to index
      %get3A_108 = arith.constant 0 : index
      %get3A_109 = tpu.vector_load %arg13[%get3A_107, %get3A_108] {strides = array<i32>} : memref<256x16xf32, #tpu.memory_space<vmem>>, vector<1x16xf32>,
      %get3A_110 = vector.shape_cast %get3A_109 : vector<1x16xf32> to vector<16xf32>
      %sub3A_111 = arith.subf %get3A_104, %get3A_110 : vector<16xf32>
      %swap3A_112 = arith.constant 3 : i32
      %swap3A_113 = arith.index_cast %swap3A_112 : i32 to index
      %swap3A_114 = arith.constant 0 : index
      %swap3A_115 = tpu.vector_load %arg14[%swap3A_113, %swap3A_114] {strides = array<i32>} : memref<128x16xf32, #tpu.memory_space<vmem>>, vector<1x16xf32>,
      %swap3A_116 = vector.shape_cast %swap3A_115 : vector<1x16xf32> to vector<16xf32>
      %swap3A_117 = vector.shape_cast %sub3A_111 : vector<16xf32> to vector<1x16xf32>
      tpu.vector_store %arg14[%swap3A_113, %swap3A_114], %swap3A_117 {strides = array<i32>} : memref<128x16xf32, #tpu.memory_space<vmem>>, vector<1x16xf32>,
      %get3A_118 = arith.constant 4 : i32
      %get3A_119 = arith.index_cast %get3A_118 : i32 to index
      %get3A_120 = arith.constant 0 : index
      %get3A_121 = tpu.vector_load %arg11[%get3A_119, %get3A_120] {strides = array<i32>} : memref<128x128xf32, #tpu.memory_space<vmem>>, vector<1x16xf32>,
      %get3A_122 = vector.shape_cast %get3A_121 : vector<1x16xf32> to vector<16xf32>
      %add3A_123 = arith.constant 0 : i32
      %add3A_124 = arith.addi %mul3A_48, %add3A_123 : i32
      %get3A_125 = arith.index_cast %add3A_124 : i32 to index
      %get3A_126 = arith.constant 0 : index
      %get3A_127 = tpu.vector_load %arg13[%get3A_125, %get3A_126] {strides = array<i32>} : memref<256x16xf32, #tpu.memory_space<vmem>>, vector<1x16xf32>,
      %get3A_128 = vector.shape_cast %get3A_127 : vector<1x16xf32> to vector<16xf32>
      %sub3A_129 = arith.subf %get3A_122, %get3A_128 : vector<16xf32>
      %swap3A_130 = arith.constant 4 : i32
      %swap3A_131 = arith.index_cast %swap3A_130 : i32 to index
      %swap3A_132 = arith.constant 0 : index
      %swap3A_133 = tpu.vector_load %arg14[%swap3A_131, %swap3A_132] {strides = array<i32>} : memref<128x16xf32, #tpu.memory_space<vmem>>, vector<1x16xf32>,
      %swap3A_134 = vector.shape_cast %swap3A_133 : vector<1x16xf32> to vector<16xf32>
      %swap3A_135 = vector.shape_cast %sub3A_129 : vector<16xf32> to vector<1x16xf32>
      tpu.vector_store %arg14[%swap3A_131, %swap3A_132], %swap3A_135 {strides = array<i32>} : memref<128x16xf32, #tpu.memory_space<vmem>>, vector<1x16xf32>,
      %get3A_136 = arith.constant 5 : i32
      %get3A_137 = arith.index_cast %get3A_136 : i32 to index
      %get3A_138 = arith.constant 0 : index
      %get3A_139 = tpu.vector_load %arg11[%get3A_137, %get3A_138] {strides = array<i32>} : memref<128x128xf32, #tpu.memory_space<vmem>>, vector<1x16xf32>,
      %get3A_140 = vector.shape_cast %get3A_139 : vector<1x16xf32> to vector<16xf32>
      %add3A_141 = arith.constant 0 : i32
      %add3A_142 = arith.addi %mul3A_48, %add3A_141 : i32
      %get3A_143 = arith.index_cast %add3A_142 : i32 to index
      %get3A_144 = arith.constant 0 : index
      %get3A_145 = tpu.vector_load %arg13[%get3A_143, %get3A_144] {strides = array<i32>} : memref<256x16xf32, #tpu.memory_space<vmem>>, vector<1x16xf32>,
      %get3A_146 = vector.shape_cast %get3A_145 : vector<1x16xf32> to vector<16xf32>
      %sub3A_147 = arith.subf %get3A_140, %get3A_146 : vector<16xf32>
      %swap3A_148 = arith.constant 5 : i32
      %swap3A_149 = arith.index_cast %swap3A_148 : i32 to index
      %swap3A_150 = arith.constant 0 : index
      %swap3A_151 = tpu.vector_load %arg14[%swap3A_149, %swap3A_150] {strides = array<i32>} : memref<128x16xf32, #tpu.memory_space<vmem>>, vector<1x16xf32>,
      %swap3A_152 = vector.shape_cast %swap3A_151 : vector<1x16xf32> to vector<16xf32>
      %swap3A_153 = vector.shape_cast %sub3A_147 : vector<16xf32> to vector<1x16xf32>
      tpu.vector_store %arg14[%swap3A_149, %swap3A_150], %swap3A_153 {strides = array<i32>} : memref<128x16xf32, #tpu.memory_space<vmem>>, vector<1x16xf32>,
      %get3A_154 = arith.constant 6 : i32
      %get3A_155 = arith.index_cast %get3A_154 : i32 to index
      %get3A_156 = arith.constant 0 : index
      %get3A_157 = tpu.vector_load %arg11[%get3A_155, %get3A_156] {strides = array<i32>} : memref<128x128xf32, #tpu.memory_space<vmem>>, vector<1x16xf32>,
      %get3A_158 = vector.shape_cast %get3A_157 : vector<1x16xf32> to vector<16xf32>
      %add3A_159 = arith.constant 0 : i32
      %add3A_160 = arith.addi %mul3A_48, %add3A_159 : i32
      %get3A_161 = arith.index_cast %add3A_160 : i32 to index
      %get3A_162 = arith.constant 0 : index
      %get3A_163 = tpu.vector_load %arg13[%get3A_161, %get3A_162] {strides = array<i32>} : memref<256x16xf32, #tpu.memory_space<vmem>>, vector<1x16xf32>,
      %get3A_164 = vector.shape_cast %get3A_163 : vector<1x16xf32> to vector<16xf32>
      %sub3A_165 = arith.subf %get3A_158, %get3A_164 : vector<16xf32>
      %swap3A_166 = arith.constant 6 : i32
      %swap3A_167 = arith.index_cast %swap3A_166 : i32 to index
      %swap3A_168 = arith.constant 0 : index
      %swap3A_169 = tpu.vector_load %arg14[%swap3A_167, %swap3A_168] {strides = array<i32>} : memref<128x16xf32, #tpu.memory_space<vmem>>, vector<1x16xf32>,
      %swap3A_170 = vector.shape_cast %swap3A_169 : vector<1x16xf32> to vector<16xf32>
      %swap3A_171 = vector.shape_cast %sub3A_165 : vector<16xf32> to vector<1x16xf32>
      tpu.vector_store %arg14[%swap3A_167, %swap3A_168], %swap3A_171 {strides = array<i32>} : memref<128x16xf32, #tpu.memory_space<vmem>>, vector<1x16xf32>,
      %get3A_172 = arith.constant 7 : i32
      %get3A_173 = arith.index_cast %get3A_172 : i32 to index
      %get3A_174 = arith.constant 0 : index
      %get3A_175 = tpu.vector_load %arg11[%get3A_173, %get3A_174] {strides = array<i32>} : memref<128x128xf32, #tpu.memory_space<vmem>>, vector<1x16xf32>,
      %get3A_176 = vector.shape_cast %get3A_175 : vector<1x16xf32> to vector<16xf32>
      %add3A_177 = arith.constant 0 : i32
      %add3A_178 = arith.addi %mul3A_48, %add3A_177 : i32
      %get3A_179 = arith.index_cast %add3A_178 : i32 to index
      %get3A_180 = arith.constant 0 : index
      %get3A_181 = tpu.vector_load %arg13[%get3A_179, %get3A_180] {strides = array<i32>} : memref<256x16xf32, #tpu.memory_space<vmem>>, vector<1x16xf32>,
      %get3A_182 = vector.shape_cast %get3A_181 : vector<1x16xf32> to vector<16xf32>
      %sub3A_183 = arith.subf %get3A_176, %get3A_182 : vector<16xf32>
      %swap3A_184 = arith.constant 7 : i32
      %swap3A_185 = arith.index_cast %swap3A_184 : i32 to index
      %swap3A_186 = arith.constant 0 : index
      %swap3A_187 = tpu.vector_load %arg14[%swap3A_185, %swap3A_186] {strides = array<i32>} : memref<128x16xf32, #tpu.memory_space<vmem>>, vector<1x16xf32>,
      %swap3A_188 = vector.shape_cast %swap3A_187 : vector<1x16xf32> to vector<16xf32>
      %swap3A_189 = vector.shape_cast %sub3A_183 : vector<16xf32> to vector<1x16xf32>
      tpu.vector_store %arg14[%swap3A_185, %swap3A_186], %swap3A_189 {strides = array<i32>} : memref<128x16xf32, #tpu.memory_space<vmem>>, vector<1x16xf32>,
      %get3A_190 = arith.constant 8 : i32
      %get3A_191 = arith.index_cast %get3A_190 : i32 to index
      %get3A_192 = arith.constant 0 : index
      %get3A_193 = tpu.vector_load %arg11[%get3A_191, %get3A_192] {strides = array<i32>} : memref<128x128xf32, #tpu.memory_space<vmem>>, vector<1x16xf32>,
      %get3A_194 = vector.shape_cast %get3A_193 : vector<1x16xf32> to vector<16xf32>
      %add3A_195 = arith.constant 0 : i32
      %add3A_196 = arith.addi %mul3A_48, %add3A_195 : i32
      %get3A_197 = arith.index_cast %add3A_196 : i32 to index
      %get3A_198 = arith.constant 0 : index
      %get3A_199 = tpu.vector_load %arg13[%get3A_197, %get3A_198] {strides = array<i32>} : memref<256x16xf32, #tpu.memory_space<vmem>>, vector<1x16xf32>,
      %get3A_200 = vector.shape_cast %get3A_199 : vector<1x16xf32> to vector<16xf32>
      %sub3A_201 = arith.subf %get3A_194, %get3A_200 : vector<16xf32>
      %swap3A_202 = arith.constant 8 : i32
      %swap3A_203 = arith.index_cast %swap3A_202 : i32 to index
      %swap3A_204 = arith.constant 0 : index
      %swap3A_205 = tpu.vector_load %arg14[%swap3A_203, %swap3A_204] {strides = array<i32>} : memref<128x16xf32, #tpu.memory_space<vmem>>, vector<1x16xf32>,
      %swap3A_206 = vector.shape_cast %swap3A_205 : vector<1x16xf32> to vector<16xf32>
      %swap3A_207 = vector.shape_cast %sub3A_201 : vector<16xf32> to vector<1x16xf32>
      tpu.vector_store %arg14[%swap3A_203, %swap3A_204], %swap3A_207 {strides = array<i32>} : memref<128x16xf32, #tpu.memory_space<vmem>>, vector<1x16xf32>,
      %get3A_208 = arith.constant 9 : i32
      %get3A_209 = arith.index_cast %get3A_208 : i32 to index
      %get3A_210 = arith.constant 0 : index
      %get3A_211 = tpu.vector_load %arg11[%get3A_209, %get3A_210] {strides = array<i32>} : memref<128x128xf32, #tpu.memory_space<vmem>>, vector<1x16xf32>,
      %get3A_212 = vector.shape_cast %get3A_211 : vector<1x16xf32> to vector<16xf32>
      %add3A_213 = arith.constant 0 : i32
      %add3A_214 = arith.addi %mul3A_48, %add3A_213 : i32
      %get3A_215 = arith.index_cast %add3A_214 : i32 to index
      %get3A_216 = arith.constant 0 : index
      %get3A_217 = tpu.vector_load %arg13[%get3A_215, %get3A_216] {strides = array<i32>} : memref<256x16xf32, #tpu.memory_space<vmem>>, vector<1x16xf32>,
      %get3A_218 = vector.shape_cast %get3A_217 : vector<1x16xf32> to vector<16xf32>
      %sub3A_219 = arith.subf %get3A_212, %get3A_218 : vector<16xf32>
      %swap3A_220 = arith.constant 9 : i32
      %swap3A_221 = arith.index_cast %swap3A_220 : i32 to index
      %swap3A_222 = arith.constant 0 : index
      %swap3A_223 = tpu.vector_load %arg14[%swap3A_221, %swap3A_222] {strides = array<i32>} : memref<128x16xf32, #tpu.memory_space<vmem>>, vector<1x16xf32>,
      %swap3A_224 = vector.shape_cast %swap3A_223 : vector<1x16xf32> to vector<16xf32>
      %swap3A_225 = vector.shape_cast %sub3A_219 : vector<16xf32> to vector<1x16xf32>
      tpu.vector_store %arg14[%swap3A_221, %swap3A_222], %swap3A_225 {strides = array<i32>} : memref<128x16xf32, #tpu.memory_space<vmem>>, vector<1x16xf32>,
      %get3A_226 = arith.constant 10 : i32
      %get3A_227 = arith.index_cast %get3A_226 : i32 to index
      %get3A_228 = arith.constant 0 : index
      %get3A_229 = tpu.vector_load %arg11[%get3A_227, %get3A_228] {strides = array<i32>} : memref<128x128xf32, #tpu.memory_space<vmem>>, vector<1x16xf32>,
      %get3A_230 = vector.shape_cast %get3A_229 : vector<1x16xf32> to vector<16xf32>
      %add3A_231 = arith.constant 0 : i32
      %add3A_232 = arith.addi %mul3A_48, %add3A_231 : i32
      %get3A_233 = arith.index_cast %add3A_232 : i32 to index
      %get3A_234 = arith.constant 0 : index
      %get3A_235 = tpu.vector_load %arg13[%get3A_233, %get3A_234] {strides = array<i32>} : memref<256x16xf32, #tpu.memory_space<vmem>>, vector<1x16xf32>,
      %get3A_236 = vector.shape_cast %get3A_235 : vector<1x16xf32> to vector<16xf32>
      %sub3A_237 = arith.subf %get3A_230, %get3A_236 : vector<16xf32>
      %swap3A_238 = arith.constant 10 : i32
      %swap3A_239 = arith.index_cast %swap3A_238 : i32 to index
      %swap3A_240 = arith.constant 0 : index
      %swap3A_241 = tpu.vector_load %arg14[%swap3A_239, %swap3A_240] {strides = array<i32>} : memref<128x16xf32, #tpu.memory_space<vmem>>, vector<1x16xf32>,
      %swap3A_242 = vector.shape_cast %swap3A_241 : vector<1x16xf32> to vector<16xf32>
      %swap3A_243 = vector.shape_cast %sub3A_237 : vector<16xf32> to vector<1x16xf32>
      tpu.vector_store %arg14[%swap3A_239, %swap3A_240], %swap3A_243 {strides = array<i32>} : memref<128x16xf32, #tpu.memory_space<vmem>>, vector<1x16xf32>,
      %get3A_244 = arith.constant 11 : i32
      %get3A_245 = arith.index_cast %get3A_244 : i32 to index
      %get3A_246 = arith.constant 0 : index
      %get3A_247 = tpu.vector_load %arg11[%get3A_245, %get3A_246] {strides = array<i32>} : memref<128x128xf32, #tpu.memory_space<vmem>>, vector<1x16xf32>,
      %get3A_248 = vector.shape_cast %get3A_247 : vector<1x16xf32> to vector<16xf32>
      %add3A_249 = arith.constant 0 : i32
      %add3A_250 = arith.addi %mul3A_48, %add3A_249 : i32
      %get3A_251 = arith.index_cast %add3A_250 : i32 to index
      %get3A_252 = arith.constant 0 : index
      %get3A_253 = tpu.vector_load %arg13[%get3A_251, %get3A_252] {strides = array<i32>} : memref<256x16xf32, #tpu.memory_space<vmem>>, vector<1x16xf32>,
      %get3A_254 = vector.shape_cast %get3A_253 : vector<1x16xf32> to vector<16xf32>
      %sub3A_255 = arith.subf %get3A_248, %get3A_254 : vector<16xf32>
      %swap3A_256 = arith.constant 11 : i32
      %swap3A_257 = arith.index_cast %swap3A_256 : i32 to index
      %swap3A_258 = arith.constant 0 : index
      %swap3A_259 = tpu.vector_load %arg14[%swap3A_257, %swap3A_258] {strides = array<i32>} : memref<128x16xf32, #tpu.memory_space<vmem>>, vector<1x16xf32>,
      %swap3A_260 = vector.shape_cast %swap3A_259 : vector<1x16xf32> to vector<16xf32>
      %swap3A_261 = vector.shape_cast %sub3A_255 : vector<16xf32> to vector<1x16xf32>
      tpu.vector_store %arg14[%swap3A_257, %swap3A_258], %swap3A_261 {strides = array<i32>} : memref<128x16xf32, #tpu.memory_space<vmem>>, vector<1x16xf32>,
      %get3A_262 = arith.constant 12 : i32
      %get3A_263 = arith.index_cast %get3A_262 : i32 to index
      %get3A_264 = arith.constant 0 : index
      %get3A_265 = tpu.vector_load %arg11[%get3A_263, %get3A_264] {strides = array<i32>} : memref<128x128xf32, #tpu.memory_space<vmem>>, vector<1x16xf32>,
      %get3A_266 = vector.shape_cast %get3A_265 : vector<1x16xf32> to vector<16xf32>
      %add3A_267 = arith.constant 0 : i32
      %add3A_268 = arith.addi %mul3A_48, %add3A_267 : i32
      %get3A_269 = arith.index_cast %add3A_268 : i32 to index
      %get3A_270 = arith.constant 0 : index
      %get3A_271 = tpu.vector_load %arg13[%get3A_269, %get3A_270] {strides = array<i32>} : memref<256x16xf32, #tpu.memory_space<vmem>>, vector<1x16xf32>,
      %get3A_272 = vector.shape_cast %get3A_271 : vector<1x16xf32> to vector<16xf32>
      %sub3A_273 = arith.subf %get3A_266, %get3A_272 : vector<16xf32>
      %swap3A_274 = arith.constant 12 : i32
      %swap3A_275 = arith.index_cast %swap3A_274 : i32 to index
      %swap3A_276 = arith.constant 0 : index
      %swap3A_277 = tpu.vector_load %arg14[%swap3A_275, %swap3A_276] {strides = array<i32>} : memref<128x16xf32, #tpu.memory_space<vmem>>, vector<1x16xf32>,
      %swap3A_278 = vector.shape_cast %swap3A_277 : vector<1x16xf32> to vector<16xf32>
      %swap3A_279 = vector.shape_cast %sub3A_273 : vector<16xf32> to vector<1x16xf32>
      tpu.vector_store %arg14[%swap3A_275, %swap3A_276], %swap3A_279 {strides = array<i32>} : memref<128x16xf32, #tpu.memory_space<vmem>>, vector<1x16xf32>,
      %get3A_280 = arith.constant 13 : i32
      %get3A_281 = arith.index_cast %get3A_280 : i32 to index
      %get3A_282 = arith.constant 0 : index
      %get3A_283 = tpu.vector_load %arg11[%get3A_281, %get3A_282] {strides = array<i32>} : memref<128x128xf32, #tpu.memory_space<vmem>>, vector<1x16xf32>,
      %get3A_284 = vector.shape_cast %get3A_283 : vector<1x16xf32> to vector<16xf32>
      %add3A_285 = arith.constant 0 : i32
      %add3A_286 = arith.addi %mul3A_48, %add3A_285 : i32
      %get3A_287 = arith.index_cast %add3A_286 : i32 to index
      %get3A_288 = arith.constant 0 : index
      %get3A_289 = tpu.vector_load %arg13[%get3A_287, %get3A_288] {strides = array<i32>} : memref<256x16xf32, #tpu.memory_space<vmem>>, vector<1x16xf32>,
      %get3A_290 = vector.shape_cast %get3A_289 : vector<1x16xf32> to vector<16xf32>
      %sub3A_291 = arith.subf %get3A_284, %get3A_290 : vector<16xf32>
      %swap3A_292 = arith.constant 13 : i32
      %swap3A_293 = arith.index_cast %swap3A_292 : i32 to index
      %swap3A_294 = arith.constant 0 : index
      %swap3A_295 = tpu.vector_load %arg14[%swap3A_293, %swap3A_294] {strides = array<i32>} : memref<128x16xf32, #tpu.memory_space<vmem>>, vector<1x16xf32>,
      %swap3A_296 = vector.shape_cast %swap3A_295 : vector<1x16xf32> to vector<16xf32>
      %swap3A_297 = vector.shape_cast %sub3A_291 : vector<16xf32> to vector<1x16xf32>
      tpu.vector_store %arg14[%swap3A_293, %swap3A_294], %swap3A_297 {strides = array<i32>} : memref<128x16xf32, #tpu.memory_space<vmem>>, vector<1x16xf32>,
      %get3A_298 = arith.constant 14 : i32
      %get3A_299 = arith.index_cast %get3A_298 : i32 to index
      %get3A_300 = arith.constant 0 : index
      %get3A_301 = tpu.vector_load %arg11[%get3A_299, %get3A_300] {strides = array<i32>} : memref<128x128xf32, #tpu.memory_space<vmem>>, vector<1x16xf32>,
      %get3A_302 = vector.shape_cast %get3A_301 : vector<1x16xf32> to vector<16xf32>
      %add3A_303 = arith.constant 0 : i32
      %add3A_304 = arith.addi %mul3A_48, %add3A_303 : i32
      %get3A_305 = arith.index_cast %add3A_304 : i32 to index
      %get3A_306 = arith.constant 0 : index
      %get3A_307 = tpu.vector_load %arg13[%get3A_305, %get3A_306] {strides = array<i32>} : memref<256x16xf32, #tpu.memory_space<vmem>>, vector<1x16xf32>,
      %get3A_308 = vector.shape_cast %get3A_307 : vector<1x16xf32> to vector<16xf32>
      %sub3A_309 = arith.subf %get3A_302, %get3A_308 : vector<16xf32>
      %swap3A_310 = arith.constant 14 : i32
      %swap3A_311 = arith.index_cast %swap3A_310 : i32 to index
      %swap3A_312 = arith.constant 0 : index
      %swap3A_313 = tpu.vector_load %arg14[%swap3A_311, %swap3A_312] {strides = array<i32>} : memref<128x16xf32, #tpu.memory_space<vmem>>, vector<1x16xf32>,
      %swap3A_314 = vector.shape_cast %swap3A_313 : vector<1x16xf32> to vector<16xf32>
      %swap3A_315 = vector.shape_cast %sub3A_309 : vector<16xf32> to vector<1x16xf32>
      tpu.vector_store %arg14[%swap3A_311, %swap3A_312], %swap3A_315 {strides = array<i32>} : memref<128x16xf32, #tpu.memory_space<vmem>>, vector<1x16xf32>,
      %get3A_316 = arith.constant 15 : i32
      %get3A_317 = arith.index_cast %get3A_316 : i32 to index
      %get3A_318 = arith.constant 0 : index
      %get3A_319 = tpu.vector_load %arg11[%get3A_317, %get3A_318] {strides = array<i32>} : memref<128x128xf32, #tpu.memory_space<vmem>>, vector<1x16xf32>,
      %get3A_320 = vector.shape_cast %get3A_319 : vector<1x16xf32> to vector<16xf32>
      %add3A_321 = arith.constant 0 : i32
      %add3A_322 = arith.addi %mul3A_48, %add3A_321 : i32
      %get3A_323 = arith.index_cast %add3A_322 : i32 to index
      %get3A_324 = arith.constant 0 : index
      %get3A_325 = tpu.vector_load %arg13[%get3A_323, %get3A_324] {strides = array<i32>} : memref<256x16xf32, #tpu.memory_space<vmem>>, vector<1x16xf32>,
      %get3A_326 = vector.shape_cast %get3A_325 : vector<1x16xf32> to vector<16xf32>
      %sub3A_327 = arith.subf %get3A_320, %get3A_326 : vector<16xf32>
      %swap3A_328 = arith.constant 15 : i32
      %swap3A_329 = arith.index_cast %swap3A_328 : i32 to index
      %swap3A_330 = arith.constant 0 : index
      %swap3A_331 = tpu.vector_load %arg14[%swap3A_329, %swap3A_330] {strides = array<i32>} : memref<128x16xf32, #tpu.memory_space<vmem>>, vector<1x16xf32>,
      %swap3A_332 = vector.shape_cast %swap3A_331 : vector<1x16xf32> to vector<16xf32>
      %swap3A_333 = vector.shape_cast %sub3A_327 : vector<16xf32> to vector<1x16xf32>
      tpu.vector_store %arg14[%swap3A_329, %swap3A_330], %swap3A_333 {strides = array<i32>} : memref<128x16xf32, #tpu.memory_space<vmem>>, vector<1x16xf32>,
      %get3A_334 = arith.constant 16 : i32
      %get3A_335 = arith.index_cast %get3A_334 : i32 to index
      %get3A_336 = arith.constant 0 : index
      %get3A_337 = tpu.vector_load %arg11[%get3A_335, %get3A_336] {strides = array<i32>} : memref<128x128xf32, #tpu.memory_space<vmem>>, vector<1x16xf32>,
      %get3A_338 = vector.shape_cast %get3A_337 : vector<1x16xf32> to vector<16xf32>
      %add3A_339 = arith.constant 1 : i32
      %add3A_340 = arith.addi %mul3A_48, %add3A_339 : i32
      %get3A_341 = arith.index_cast %add3A_340 : i32 to index
      %get3A_342 = arith.constant 0 : index
      %get3A_343 = tpu.vector_load %arg13[%get3A_341, %get3A_342] {strides = array<i32>} : memref<256x16xf32, #tpu.memory_space<vmem>>, vector<1x16xf32>,
      %get3A_344 = vector.shape_cast %get3A_343 : vector<1x16xf32> to vector<16xf32>
      %sub3A_345 = arith.subf %get3A_338, %get3A_344 : vector<16xf32>
      %swap3A_346 = arith.constant 16 : i32
      %swap3A_347 = arith.index_cast %swap3A_346 : i32 to index
      %swap3A_348 = arith.constant 0 : index
      %swap3A_349 = tpu.vector_load %arg14[%swap3A_347, %swap3A_348] {strides = array<i32>} : memref<128x16xf32, #tpu.memory_space<vmem>>, vector<1x16xf32>,
      %swap3A_350 = vector.shape_cast %swap3A_349 : vector<1x16xf32> to vector<16xf32>
      %swap3A_351 = vector.shape_cast %sub3A_345 : vector<16xf32> to vector<1x16xf32>
      tpu.vector_store %arg14[%swap3A_347, %swap3A_348], %swap3A_351 {strides = array<i32>} : memref<128x16xf32, #tpu.memory_space<vmem>>, vector<1x16xf32>,
      %get3A_352 = arith.constant 17 : i32
      %get3A_353 = arith.index_cast %get3A_352 : i32 to index
      %get3A_354 = arith.constant 0 : index
      %get3A_355 = tpu.vector_load %arg11[%get3A_353, %get3A_354] {strides = array<i32>} : memref<128x128xf32, #tpu.memory_space<vmem>>, vector<1x16xf32>,
      %get3A_356 = vector.shape_cast %get3A_355 : vector<1x16xf32> to vector<16xf32>
      %add3A_357 = arith.constant 1 : i32
      %add3A_358 = arith.addi %mul3A_48, %add3A_357 : i32
      %get3A_359 = arith.index_cast %add3A_358 : i32 to index
      %get3A_360 = arith.constant 0 : index
      %get3A_361 = tpu.vector_load %arg13[%get3A_359, %get3A_360] {strides = array<i32>} : memref<256x16xf32, #tpu.memory_space<vmem>>, vector<1x16xf32>,
      %get3A_362 = vector.shape_cast %get3A_361 : vector<1x16xf32> to vector<16xf32>
      %sub3A_363 = arith.subf %get3A_356, %get3A_362 : vector<16xf32>
      %swap3A_364 = arith.constant 17 : i32
      %swap3A_365 = arith.index_cast %swap3A_364 : i32 to index
      %swap3A_366 = arith.constant 0 : index
      %swap3A_367 = tpu.vector_load %arg14[%swap3A_365, %swap3A_366] {strides = array<i32>} : memref<128x16xf32, #tpu.memory_space<vmem>>, vector<1x16xf32>,
      %swap3A_368 = vector.shape_cast %swap3A_367 : vector<1x16xf32> to vector<16xf32>
      %swap3A_369 = vector.shape_cast %sub3A_363 : vector<16xf32> to vector<1x16xf32>
      tpu.vector_store %arg14[%swap3A_365, %swap3A_366], %swap3A_369 {strides = array<i32>} : memref<128x16xf32, #tpu.memory_space<vmem>>, vector<1x16xf32>,
      %get3A_370 = arith.constant 18 : i32
      %get3A_371 = arith.index_cast %get3A_370 : i32 to index
      %get3A_372 = arith.constant 0 : index
      %get3A_373 = tpu.vector_load %arg11[%get3A_371, %get3A_372] {strides = array<i32>} : memref<128x128xf32, #tpu.memory_space<vmem>>, vector<1x16xf32>,
      %get3A_374 = vector.shape_cast %get3A_373 : vector<1x16xf32> to vector<16xf32>
      %add3A_375 = arith.constant 1 : i32
      %add3A_376 = arith.addi %mul3A_48, %add3A_375 : i32
      %get3A_377 = arith.index_cast %add3A_376 : i32 to index
      %get3A_378 = arith.constant 0 : index
      %get3A_379 = tpu.vector_load %arg13[%get3A_377, %get3A_378] {strides = array<i32>} : memref<256x16xf32, #tpu.memory_space<vmem>>, vector<1x16xf32>,
      %get3A_380 = vector.shape_cast %get3A_379 : vector<1x16xf32> to vector<16xf32>
      %sub3A_381 = arith.subf %get3A_374, %get3A_380 : vector<16xf32>
      %swap3A_382 = arith.constant 18 : i32
      %swap3A_383 = arith.index_cast %swap3A_382 : i32 to index
      %swap3A_384 = arith.constant 0 : index
      %swap3A_385 = tpu.vector_load %arg14[%swap3A_383, %swap3A_384] {strides = array<i32>} : memref<128x16xf32, #tpu.memory_space<vmem>>, vector<1x16xf32>,
      %swap3A_386 = vector.shape_cast %swap3A_385 : vector<1x16xf32> to vector<16xf32>
      %swap3A_387 = vector.shape_cast %sub3A_381 : vector<16xf32> to vector<1x16xf32>
      tpu.vector_store %arg14[%swap3A_383, %swap3A_384], %swap3A_387 {strides = array<i32>} : memref<128x16xf32, #tpu.memory_space<vmem>>, vector<1x16xf32>,
      %get3A_388 = arith.constant 19 : i32
      %get3A_389 = arith.index_cast %get3A_388 : i32 to index
      %get3A_390 = arith.constant 0 : index
      %get3A_391 = tpu.vector_load %arg11[%get3A_389, %get3A_390] {strides = array<i32>} : memref<128x128xf32, #tpu.memory_space<vmem>>, vector<1x16xf32>,
      %get3A_392 = vector.shape_cast %get3A_391 : vector<1x16xf32> to vector<16xf32>
      %add3A_393 = arith.constant 1 : i32
      %add3A_394 = arith.addi %mul3A_48, %add3A_393 : i32
      %get3A_395 = arith.index_cast %add3A_394 : i32 to index
      %get3A_396 = arith.constant 0 : index
      %get3A_397 = tpu.vector_load %arg13[%get3A_395, %get3A_396] {strides = array<i32>} : memref<256x16xf32, #tpu.memory_space<vmem>>, vector<1x16xf32>,
      %get3A_398 = vector.shape_cast %get3A_397 : vector<1x16xf32> to vector<16xf32>
      %sub3A_399 = arith.subf %get3A_392, %get3A_398 : vector<16xf32>
      %swap3A_400 = arith.constant 19 : i32
      %swap3A_401 = arith.index_cast %swap3A_400 : i32 to index
      %swap3A_402 = arith.constant 0 : index
      %swap3A_403 = tpu.vector_load %arg14[%swap3A_401, %swap3A_402] {strides = array<i32>} : memref<128x16xf32, #tpu.memory_space<vmem>>, vector<1x16xf32>,
      %swap3A_404 = vector.shape_cast %swap3A_403 : vector<1x16xf32> to vector<16xf32>
      %swap3A_405 = vector.shape_cast %sub3A_399 : vector<16xf32> to vector<1x16xf32>
      tpu.vector_store %arg14[%swap3A_401, %swap3A_402], %swap3A_405 {strides = array<i32>} : memref<128x16xf32, #tpu.memory_space<vmem>>, vector<1x16xf32>,
      %get3A_406 = arith.constant 20 : i32
      %get3A_407 = arith.index_cast %get3A_406 : i32 to index
      %get3A_408 = arith.constant 0 : index
      %get3A_409 = tpu.vector_load %arg11[%get3A_407, %get3A_408] {strides = array<i32>} : memref<128x128xf32, #tpu.memory_space<vmem>>, vector<1x16xf32>,
      %get3A_410 = vector.shape_cast %get3A_409 : vector<1x16xf32> to vector<16xf32>
      %add3A_411 = arith.constant 1 : i32
      %add3A_412 = arith.addi %mul3A_48, %add3A_411 : i32
      %get3A_413 = arith.index_cast %add3A_412 : i32 to index
      %get3A_414 = arith.constant 0 : index
      %get3A_415 = tpu.vector_load %arg13[%get3A_413, %get3A_414] {strides = array<i32>} : memref<256x16xf32, #tpu.memory_space<vmem>>, vector<1x16xf32>,
      %get3A_416 = vector.shape_cast %get3A_415 : vector<1x16xf32> to vector<16xf32>
      %sub3A_417 = arith.subf %get3A_410, %get3A_416 : vector<16xf32>
      %swap3A_418 = arith.constant 20 : i32
      %swap3A_419 = arith.index_cast %swap3A_418 : i32 to index
      %swap3A_420 = arith.constant 0 : index
      %swap3A_421 = tpu.vector_load %arg14[%swap3A_419, %swap3A_420] {strides = array<i32>} : memref<128x16xf32, #tpu.memory_space<vmem>>, vector<1x16xf32>,
      %swap3A_422 = vector.shape_cast %swap3A_421 : vector<1x16xf32> to vector<16xf32>
      %swap3A_423 = vector.shape_cast %sub3A_417 : vector<16xf32> to vector<1x16xf32>
      tpu.vector_store %arg14[%swap3A_419, %swap3A_420], %swap3A_423 {strides = array<i32>} : memref<128x16xf32, #tpu.memory_space<vmem>>, vector<1x16xf32>,
      %get3A_424 = arith.constant 21 : i32
      %get3A_425 = arith.index_cast %get3A_424 : i32 to index
      %get3A_426 = arith.constant 0 : index
      %get3A_427 = tpu.vector_load %arg11[%get3A_425, %get3A_426] {strides = array<i32>} : memref<128x128xf32, #tpu.memory_space<vmem>>, vector<1x16xf32>,
      %get3A_428 = vector.shape_cast %get3A_427 : vector<1x16xf32> to vector<16xf32>
      %add3A_429 = arith.constant 1 : i32
      %add3A_430 = arith.addi %mul3A_48, %add3A_429 : i32
      %get3A_431 = arith.index_cast %add3A_430 : i32 to index
      %get3A_432 = arith.constant 0 : index
      %get3A_433 = tpu.vector_load %arg13[%get3A_431, %get3A_432] {strides = array<i32>} : memref<256x16xf32, #tpu.memory_space<vmem>>, vector<1x16xf32>,
      %get3A_434 = vector.shape_cast %get3A_433 : vector<1x16xf32> to vector<16xf32>
      %sub3A_435 = arith.subf %get3A_428, %get3A_434 : vector<16xf32>
      %swap3A_436 = arith.constant 21 : i32
      %swap3A_437 = arith.index_cast %swap3A_436 : i32 to index
      %swap3A_438 = arith.constant 0 : index
      %swap3A_439 = tpu.vector_load %arg14[%swap3A_437, %swap3A_438] {strides = array<i32>} : memref<128x16xf32, #tpu.memory_space<vmem>>, vector<1x16xf32>,
      %swap3A_440 = vector.shape_cast %swap3A_439 : vector<1x16xf32> to vector<16xf32>
      %swap3A_441 = vector.shape_cast %sub3A_435 : vector<16xf32> to vector<1x16xf32>
      tpu.vector_store %arg14[%swap3A_437, %swap3A_438], %swap3A_441 {strides = array<i32>} : memref<128x16xf32, #tpu.memory_space<vmem>>, vector<1x16xf32>,
      %get3A_442 = arith.constant 22 : i32
      %get3A_443 = arith.index_cast %get3A_442 : i32 to index
      %get3A_444 = arith.constant 0 : index
      %get3A_445 = tpu.vector_load %arg11[%get3A_443, %get3A_444] {strides = array<i32>} : memref<128x128xf32, #tpu.memory_space<vmem>>, vector<1x16xf32>,
      %get3A_446 = vector.shape_cast %get3A_445 : vector<1x16xf32> to vector<16xf32>
      %add3A_447 = arith.constant 1 : i32
      %add3A_448 = arith.addi %mul3A_48, %add3A_447 : i32
      %get3A_449 = arith.index_cast %add3A_448 : i32 to index
      %get3A_450 = arith.constant 0 : index
      %get3A_451 = tpu.vector_load %arg13[%get3A_449, %get3A_450] {strides = array<i32>} : memref<256x16xf32, #tpu.memory_space<vmem>>, vector<1x16xf32>,
      %get3A_452 = vector.shape_cast %get3A_451 : vector<1x16xf32> to vector<16xf32>
      %sub3A_453 = arith.subf %get3A_446, %get3A_452 : vector<16xf32>
      %swap3A_454 = arith.constant 22 : i32
      %swap3A_455 = arith.index_cast %swap3A_454 : i32 to index
      %swap3A_456 = arith.constant 0 : index
      %swap3A_457 = tpu.vector_load %arg14[%swap3A_455, %swap3A_456] {strides = array<i32>} : memref<128x16xf32, #tpu.memory_space<vmem>>, vector<1x16xf32>,
      %swap3A_458 = vector.shape_cast %swap3A_457 : vector<1x16xf32> to vector<16xf32>
      %swap3A_459 = vector.shape_cast %sub3A_453 : vector<16xf32> to vector<1x16xf32>
      tpu.vector_store %arg14[%swap3A_455, %swap3A_456], %swap3A_459 {strides = array<i32>} : memref<128x16xf32, #tpu.memory_space<vmem>>, vector<1x16xf32>,
      %get3A_460 = arith.constant 23 : i32
      %get3A_461 = arith.index_cast %get3A_460 : i32 to index
      %get3A_462 = arith.constant 0 : index
      %get3A_463 = tpu.vector_load %arg11[%get3A_461, %get3A_462] {strides = array<i32>} : memref<128x128xf32, #tpu.memory_space<vmem>>, vector<1x16xf32>,
      %get3A_464 = vector.shape_cast %get3A_463 : vector<1x16xf32> to vector<16xf32>
      %add3A_465 = arith.constant 1 : i32
      %add3A_466 = arith.addi %mul3A_48, %add3A_465 : i32
      %get3A_467 = arith.index_cast %add3A_466 : i32 to index
      %get3A_468 = arith.constant 0 : index
      %get3A_469 = tpu.vector_load %arg13[%get3A_467, %get3A_468] {strides = array<i32>} : memref<256x16xf32, #tpu.memory_space<vmem>>, vector<1x16xf32>,
      %get3A_470 = vector.shape_cast %get3A_469 : vector<1x16xf32> to vector<16xf32>
      %sub3A_471 = arith.subf %get3A_464, %get3A_470 : vector<16xf32>
      %swap3A_472 = arith.constant 23 : i32
      %swap3A_473 = arith.index_cast %swap3A_472 : i32 to index
      %swap3A_474 = arith.constant 0 : index
      %swap3A_475 = tpu.vector_load %arg14[%swap3A_473, %swap3A_474] {strides = array<i32>} : memref<128x16xf32, #tpu.memory_space<vmem>>, vector<1x16xf32>,
      %swap3A_476 = vector.shape_cast %swap3A_475 : vector<1x16xf32> to vector<16xf32>
      %swap3A_477 = vector.shape_cast %sub3A_471 : vector<16xf32> to vector<1x16xf32>
      tpu.vector_store %arg14[%swap3A_473, %swap3A_474], %swap3A_477 {strides = array<i32>} : memref<128x16xf32, #tpu.memory_space<vmem>>, vector<1x16xf32>,
      %get3A_478 = arith.constant 24 : i32
      %get3A_479 = arith.index_cast %get3A_478 : i32 to index
      %get3A_480 = arith.constant 0 : index
      %get3A_481 = tpu.vector_load %arg11[%get3A_479, %get3A_480] {strides = array<i32>} : memref<128x128xf32, #tpu.memory_space<vmem>>, vector<1x16xf32>,
      %get3A_482 = vector.shape_cast %get3A_481 : vector<1x16xf32> to vector<16xf32>
      %add3A_483 = arith.constant 1 : i32
      %add3A_484 = arith.addi %mul3A_48, %add3A_483 : i32
      %get3A_485 = arith.index_cast %add3A_484 : i32 to index
      %get3A_486 = arith.constant 0 : index
      %get3A_487 = tpu.vector_load %arg13[%get3A_485, %get3A_486] {strides = array<i32>} : memref<256x16xf32, #tpu.memory_space<vmem>>, vector<1x16xf32>,
      %get3A_488 = vector.shape_cast %get3A_487 : vector<1x16xf32> to vector<16xf32>
      %sub3A_489 = arith.subf %get3A_482, %get3A_488 : vector<16xf32>
      %swap3A_490 = arith.constant 24 : i32
      %swap3A_491 = arith.index_cast %swap3A_490 : i32 to index
      %swap3A_492 = arith.constant 0 : index
      %swap3A_493 = tpu.vector_load %arg14[%swap3A_491, %swap3A_492] {strides = array<i32>} : memref<128x16xf32, #tpu.memory_space<vmem>>, vector<1x16xf32>,
      %swap3A_494 = vector.shape_cast %swap3A_493 : vector<1x16xf32> to vector<16xf32>
      %swap3A_495 = vector.shape_cast %sub3A_489 : vector<16xf32> to vector<1x16xf32>
      tpu.vector_store %arg14[%swap3A_491, %swap3A_492], %swap3A_495 {strides = array<i32>} : memref<128x16xf32, #tpu.memory_space<vmem>>, vector<1x16xf32>,
      %get3A_496 = arith.constant 25 : i32
      %get3A_497 = arith.index_cast %get3A_496 : i32 to index
      %get3A_498 = arith.constant 0 : index
      %get3A_499 = tpu.vector_load %arg11[%get3A_497, %get3A_498] {strides = array<i32>} : memref<128x128xf32, #tpu.memory_space<vmem>>, vector<1x16xf32>,
      %get3A_500 = vector.shape_cast %get3A_499 : vector<1x16xf32> to vector<16xf32>
      %add3A_501 = arith.constant 1 : i32
      %add3A_502 = arith.addi %mul3A_48, %add3A_501 : i32
      %get3A_503 = arith.index_cast %add3A_502 : i32 to index
      %get3A_504 = arith.constant 0 : index
      %get3A_505 = tpu.vector_load %arg13[%get3A_503, %get3A_504] {strides = array<i32>} : memref<256x16xf32, #tpu.memory_space<vmem>>, vector<1x16xf32>,
      %get3A_506 = vector.shape_cast %get3A_505 : vector<1x16xf32> to vector<16xf32>
      %sub3A_507 = arith.subf %get3A_500, %get3A_506 : vector<16xf32>
      %swap3A_508 = arith.constant 25 : i32
      %swap3A_509 = arith.index_cast %swap3A_508 : i32 to index
      %swap3A_510 = arith.constant 0 : index
      %swap3A_511 = tpu.vector_load %arg14[%swap3A_509, %swap3A_510] {strides = array<i32>} : memref<128x16xf32, #tpu.memory_space<vmem>>, vector<1x16xf32>,
      %swap3A_512 = vector.shape_cast %swap3A_511 : vector<1x16xf32> to vector<16xf32>
      %swap3A_513 = vector.shape_cast %sub3A_507 : vector<16xf32> to vector<1x16xf32>
      tpu.vector_store %arg14[%swap3A_509, %swap3A_510], %swap3A_513 {strides = array<i32>} : memref<128x16xf32, #tpu.memory_space<vmem>>, vector<1x16xf32>,
      %get3A_514 = arith.constant 26 : i32
      %get3A_515 = arith.index_cast %get3A_514 : i32 to index
      %get3A_516 = arith.constant 0 : index
      %get3A_517 = tpu.vector_load %arg11[%get3A_515, %get3A_516] {strides = array<i32>} : memref<128x128xf32, #tpu.memory_space<vmem>>, vector<1x16xf32>,
      %get3A_518 = vector.shape_cast %get3A_517 : vector<1x16xf32> to vector<16xf32>
      %add3A_519 = arith.constant 1 : i32
      %add3A_520 = arith.addi %mul3A_48, %add3A_519 : i32
      %get3A_521 = arith.index_cast %add3A_520 : i32 to index
      %get3A_522 = arith.constant 0 : index
      %get3A_523 = tpu.vector_load %arg13[%get3A_521, %get3A_522] {strides = array<i32>} : memref<256x16xf32, #tpu.memory_space<vmem>>, vector<1x16xf32>,
      %get3A_524 = vector.shape_cast %get3A_523 : vector<1x16xf32> to vector<16xf32>
      %sub3A_525 = arith.subf %get3A_518, %get3A_524 : vector<16xf32>
      %swap3A_526 = arith.constant 26 : i32
      %swap3A_527 = arith.index_cast %swap3A_526 : i32 to index
      %swap3A_528 = arith.constant 0 : index
      %swap3A_529 = tpu.vector_load %arg14[%swap3A_527, %swap3A_528] {strides = array<i32>} : memref<128x16xf32, #tpu.memory_space<vmem>>, vector<1x16xf32>,
      %swap3A_530 = vector.shape_cast %swap3A_529 : vector<1x16xf32> to vector<16xf32>
      %swap3A_531 = vector.shape_cast %sub3A_525 : vector<16xf32> to vector<1x16xf32>
      tpu.vector_store %arg14[%swap3A_527, %swap3A_528], %swap3A_531 {strides = array<i32>} : memref<128x16xf32, #tpu.memory_space<vmem>>, vector<1x16xf32>,
      %get3A_532 = arith.constant 27 : i32
      %get3A_533 = arith.index_cast %get3A_532 : i32 to index
      %get3A_534 = arith.constant 0 : index
      %get3A_535 = tpu.vector_load %arg11[%get3A_533, %get3A_534] {strides = array<i32>} : memref<128x128xf32, #tpu.memory_space<vmem>>, vector<1x16xf32>,
      %get3A_536 = vector.shape_cast %get3A_535 : vector<1x16xf32> to vector<16xf32>
      %add3A_537 = arith.constant 1 : i32
      %add3A_538 = arith.addi %mul3A_48, %add3A_537 : i32
      %get3A_539 = arith.index_cast %add3A_538 : i32 to index
      %get3A_540 = arith.constant 0 : index
      %get3A_541 = tpu.vector_load %arg13[%get3A_539, %get3A_540] {strides = array<i32>} : memref<256x16xf32, #tpu.memory_space<vmem>>, vector<1x16xf32>,
      %get3A_542 = vector.shape_cast %get3A_541 : vector<1x16xf32> to vector<16xf32>
      %sub3A_543 = arith.subf %get3A_536, %get3A_542 : vector<16xf32>
      %swap3A_544 = arith.constant 27 : i32
      %swap3A_545 = arith.index_cast %swap3A_544 : i32 to index
      %swap3A_546 = arith.constant 0 : index
      %swap3A_547 = tpu.vector_load %arg14[%swap3A_545, %swap3A_546] {strides = array<i32>} : memref<128x16xf32, #tpu.memory_space<vmem>>, vector<1x16xf32>,
      %swap3A_548 = vector.shape_cast %swap3A_547 : vector<1x16xf32> to vector<16xf32>
      %swap3A_549 = vector.shape_cast %sub3A_543 : vector<16xf32> to vector<1x16xf32>
      tpu.vector_store %arg14[%swap3A_545, %swap3A_546], %swap3A_549 {strides = array<i32>} : memref<128x16xf32, #tpu.memory_space<vmem>>, vector<1x16xf32>,
      %get3A_550 = arith.constant 28 : i32
      %get3A_551 = arith.index_cast %get3A_550 : i32 to index
      %get3A_552 = arith.constant 0 : index
      %get3A_553 = tpu.vector_load %arg11[%get3A_551, %get3A_552] {strides = array<i32>} : memref<128x128xf32, #tpu.memory_space<vmem>>, vector<1x16xf32>,
      %get3A_554 = vector.shape_cast %get3A_553 : vector<1x16xf32> to vector<16xf32>
      %add3A_555 = arith.constant 1 : i32
      %add3A_556 = arith.addi %mul3A_48, %add3A_555 : i32
      %get3A_557 = arith.index_cast %add3A_556 : i32 to index
      %get3A_558 = arith.constant 0 : index
      %get3A_559 = tpu.vector_load %arg13[%get3A_557, %get3A_558] {strides = array<i32>} : memref<256x16xf32, #tpu.memory_space<vmem>>, vector<1x16xf32>,
      %get3A_560 = vector.shape_cast %get3A_559 : vector<1x16xf32> to vector<16xf32>
      %sub3A_561 = arith.subf %get3A_554, %get3A_560 : vector<16xf32>
      %swap3A_562 = arith.constant 28 : i32
      %swap3A_563 = arith.index_cast %swap3A_562 : i32 to index
      %swap3A_564 = arith.constant 0 : index
      %swap3A_565 = tpu.vector_load %arg14[%swap3A_563, %swap3A_564] {strides = array<i32>} : memref<128x16xf32, #tpu.memory_space<vmem>>, vector<1x16xf32>,
      %swap3A_566 = vector.shape_cast %swap3A_565 : vector<1x16xf32> to vector<16xf32>
      %swap3A_567 = vector.shape_cast %sub3A_561 : vector<16xf32> to vector<1x16xf32>
      tpu.vector_store %arg14[%swap3A_563, %swap3A_564], %swap3A_567 {strides = array<i32>} : memref<128x16xf32, #tpu.memory_space<vmem>>, vector<1x16xf32>,
      %get3A_568 = arith.constant 29 : i32
      %get3A_569 = arith.index_cast %get3A_568 : i32 to index
      %get3A_570 = arith.constant 0 : index
      %get3A_571 = tpu.vector_load %arg11[%get3A_569, %get3A_570] {strides = array<i32>} : memref<128x128xf32, #tpu.memory_space<vmem>>, vector<1x16xf32>,
      %get3A_572 = vector.shape_cast %get3A_571 : vector<1x16xf32> to vector<16xf32>
      %add3A_573 = arith.constant 1 : i32
      %add3A_574 = arith.addi %mul3A_48, %add3A_573 : i32
      %get3A_575 = arith.index_cast %add3A_574 : i32 to index
      %get3A_576 = arith.constant 0 : index
      %get3A_577 = tpu.vector_load %arg13[%get3A_575, %get3A_576] {strides = array<i32>} : memref<256x16xf32, #tpu.memory_space<vmem>>, vector<1x16xf32>,
      %get3A_578 = vector.shape_cast %get3A_577 : vector<1x16xf32> to vector<16xf32>
      %sub3A_579 = arith.subf %get3A_572, %get3A_578 : vector<16xf32>
      %swap3A_580 = arith.constant 29 : i32
      %swap3A_581 = arith.index_cast %swap3A_580 : i32 to index
      %swap3A_582 = arith.constant 0 : index
      %swap3A_583 = tpu.vector_load %arg14[%swap3A_581, %swap3A_582] {strides = array<i32>} : memref<128x16xf32, #tpu.memory_space<vmem>>, vector<1x16xf32>,
      %swap3A_584 = vector.shape_cast %swap3A_583 : vector<1x16xf32> to vector<16xf32>
      %swap3A_585 = vector.shape_cast %sub3A_579 : vector<16xf32> to vector<1x16xf32>
      tpu.vector_store %arg14[%swap3A_581, %swap3A_582], %swap3A_585 {strides = array<i32>} : memref<128x16xf32, #tpu.memory_space<vmem>>, vector<1x16xf32>,
      %get3A_586 = arith.constant 30 : i32
      %get3A_587 = arith.index_cast %get3A_586 : i32 to index
      %get3A_588 = arith.constant 0 : index
      %get3A_589 = tpu.vector_load %arg11[%get3A_587, %get3A_588] {strides = array<i32>} : memref<128x128xf32, #tpu.memory_space<vmem>>, vector<1x16xf32>,
      %get3A_590 = vector.shape_cast %get3A_589 : vector<1x16xf32> to vector<16xf32>
      %add3A_591 = arith.constant 1 : i32
      %add3A_592 = arith.addi %mul3A_48, %add3A_591 : i32
      %get3A_593 = arith.index_cast %add3A_592 : i32 to index
      %get3A_594 = arith.constant 0 : index
      %get3A_595 = tpu.vector_load %arg13[%get3A_593, %get3A_594] {strides = array<i32>} : memref<256x16xf32, #tpu.memory_space<vmem>>, vector<1x16xf32>,
      %get3A_596 = vector.shape_cast %get3A_595 : vector<1x16xf32> to vector<16xf32>
      %sub3A_597 = arith.subf %get3A_590, %get3A_596 : vector<16xf32>
      %swap3A_598 = arith.constant 30 : i32
      %swap3A_599 = arith.index_cast %swap3A_598 : i32 to index
      %swap3A_600 = arith.constant 0 : index
      %swap3A_601 = tpu.vector_load %arg14[%swap3A_599, %swap3A_600] {strides = array<i32>} : memref<128x16xf32, #tpu.memory_space<vmem>>, vector<1x16xf32>,
      %swap3A_602 = vector.shape_cast %swap3A_601 : vector<1x16xf32> to vector<16xf32>
      %swap3A_603 = vector.shape_cast %sub3A_597 : vector<16xf32> to vector<1x16xf32>
      tpu.vector_store %arg14[%swap3A_599, %swap3A_600], %swap3A_603 {strides = array<i32>} : memref<128x16xf32, #tpu.memory_space<vmem>>, vector<1x16xf32>,
      %get3A_604 = arith.constant 31 : i32
      %get3A_605 = arith.index_cast %get3A_604 : i32 to index
      %get3A_606 = arith.constant 0 : index
      %get3A_607 = tpu.vector_load %arg11[%get3A_605, %get3A_606] {strides = array<i32>} : memref<128x128xf32, #tpu.memory_space<vmem>>, vector<1x16xf32>,
      %get3A_608 = vector.shape_cast %get3A_607 : vector<1x16xf32> to vector<16xf32>
      %add3A_609 = arith.constant 1 : i32
      %add3A_610 = arith.addi %mul3A_48, %add3A_609 : i32
      %get3A_611 = arith.index_cast %add3A_610 : i32 to index
      %get3A_612 = arith.constant 0 : index
      %get3A_613 = tpu.vector_load %arg13[%get3A_611, %get3A_612] {strides = array<i32>} : memref<256x16xf32, #tpu.memory_space<vmem>>, vector<1x16xf32>,
      %get3A_614 = vector.shape_cast %get3A_613 : vector<1x16xf32> to vector<16xf32>
      %sub3A_615 = arith.subf %get3A_608, %get3A_614 : vector<16xf32>
      %swap3A_616 = arith.constant 31 : i32
      %swap3A_617 = arith.index_cast %swap3A_616 : i32 to index
      %swap3A_618 = arith.constant 0 : index
      %swap3A_619 = tpu.vector_load %arg14[%swap3A_617, %swap3A_618] {strides = array<i32>} : memref<128x16xf32, #tpu.memory_space<vmem>>, vector<1x16xf32>,
      %swap3A_620 = vector.shape_cast %swap3A_619 : vector<1x16xf32> to vector<16xf32>
      %swap3A_621 = vector.shape_cast %sub3A_615 : vector<16xf32> to vector<1x16xf32>
      tpu.vector_store %arg14[%swap3A_617, %swap3A_618], %swap3A_621 {strides = array<i32>} : memref<128x16xf32, #tpu.memory_space<vmem>>, vector<1x16xf32>,
      %get3A_622 = arith.constant 32 : i32
      %get3A_623 = arith.index_cast %get3A_622 : i32 to index
      %get3A_624 = arith.constant 0 : index
      %get3A_625 = tpu.vector_load %arg11[%get3A_623, %get3A_624] {strides = array<i32>} : memref<128x128xf32, #tpu.memory_space<vmem>>, vector<1x16xf32>,
      %get3A_626 = vector.shape_cast %get3A_625 : vector<1x16xf32> to vector<16xf32>
      %add3A_627 = arith.constant 2 : i32
      %add3A_628 = arith.addi %mul3A_48, %add3A_627 : i32
      %get3A_629 = arith.index_cast %add3A_628 : i32 to index
      %get3A_630 = arith.constant 0 : index
      %get3A_631 = tpu.vector_load %arg13[%get3A_629, %get3A_630] {strides = array<i32>} : memref<256x16xf32, #tpu.memory_space<vmem>>, vector<1x16xf32>,
      %get3A_632 = vector.shape_cast %get3A_631 : vector<1x16xf32> to vector<16xf32>
      %sub3A_633 = arith.subf %get3A_626, %get3A_632 : vector<16xf32>
      %swap3A_634 = arith.constant 32 : i32
      %swap3A_635 = arith.index_cast %swap3A_634 : i32 to index
      %swap3A_636 = arith.constant 0 : index
      %swap3A_637 = tpu.vector_load %arg14[%swap3A_635, %swap3A_636] {strides = array<i32>} : memref<128x16xf32, #tpu.memory_space<vmem>>, vector<1x16xf32>,
      %swap3A_638 = vector.shape_cast %swap3A_637 : vector<1x16xf32> to vector<16xf32>
      %swap3A_639 = vector.shape_cast %sub3A_633 : vector<16xf32> to vector<1x16xf32>
      tpu.vector_store %arg14[%swap3A_635, %swap3A_636], %swap3A_639 {strides = array<i32>} : memref<128x16xf32, #tpu.memory_space<vmem>>, vector<1x16xf32>,
      %get3A_640 = arith.constant 33 : i32
      %get3A_641 = arith.index_cast %get3A_640 : i32 to index
      %get3A_642 = arith.constant 0 : index
      %get3A_643 = tpu.vector_load %arg11[%get3A_641, %get3A_642] {strides = array<i32>} : memref<128x128xf32, #tpu.memory_space<vmem>>, vector<1x16xf32>,
      %get3A_644 = vector.shape_cast %get3A_643 : vector<1x16xf32> to vector<16xf32>
      %add3A_645 = arith.constant 2 : i32
      %add3A_646 = arith.addi %mul3A_48, %add3A_645 : i32
      %get3A_647 = arith.index_cast %add3A_646 : i32 to index
      %get3A_648 = arith.constant 0 : index
      %get3A_649 = tpu.vector_load %arg13[%get3A_647, %get3A_648] {strides = array<i32>} : memref<256x16xf32, #tpu.memory_space<vmem>>, vector<1x16xf32>,
      %get3A_650 = vector.shape_cast %get3A_649 : vector<1x16xf32> to vector<16xf32>
      %sub3A_651 = arith.subf %get3A_644, %get3A_650 : vector<16xf32>
      %swap3A_652 = arith.constant 33 : i32
      %swap3A_653 = arith.index_cast %swap3A_652 : i32 to index
      %swap3A_654 = arith.constant 0 : index
      %swap3A_655 = tpu.vector_load %arg14[%swap3A_653, %swap3A_654] {strides = array<i32>} : memref<128x16xf32, #tpu.memory_space<vmem>>, vector<1x16xf32>,
      %swap3A_656 = vector.shape_cast %swap3A_655 : vector<1x16xf32> to vector<16xf32>
      %swap3A_657 = vector.shape_cast %sub3A_651 : vector<16xf32> to vector<1x16xf32>
      tpu.vector_store %arg14[%swap3A_653, %swap3A_654], %swap3A_657 {strides = array<i32>} : memref<128x16xf32, #tpu.memory_space<vmem>>, vector<1x16xf32>,
      %get3A_658 = arith.constant 34 : i32
      %get3A_659 = arith.index_cast %get3A_658 : i32 to index
      %get3A_660 = arith.constant 0 : index
      %get3A_661 = tpu.vector_load %arg11[%get3A_659, %get3A_660] {strides = array<i32>} : memref<128x128xf32, #tpu.memory_space<vmem>>, vector<1x16xf32>,
      %get3A_662 = vector.shape_cast %get3A_661 : vector<1x16xf32> to vector<16xf32>
      %add3A_663 = arith.constant 2 : i32
      %add3A_664 = arith.addi %mul3A_48, %add3A_663 : i32
      %get3A_665 = arith.index_cast %add3A_664 : i32 to index
      %get3A_666 = arith.constant 0 : index
      %get3A_667 = tpu.vector_load %arg13[%get3A_665, %get3A_666] {strides = array<i32>} : memref<256x16xf32, #tpu.memory_space<vmem>>, vector<1x16xf32>,
      %get3A_668 = vector.shape_cast %get3A_667 : vector<1x16xf32> to vector<16xf32>
      %sub3A_669 = arith.subf %get3A_662, %get3A_668 : vector<16xf32>
      %swap3A_670 = arith.constant 34 : i32
      %swap3A_671 = arith.index_cast %swap3A_670 : i32 to index
      %swap3A_672 = arith.constant 0 : index
      %swap3A_673 = tpu.vector_load %arg14[%swap3A_671, %swap3A_672] {strides = array<i32>} : memref<128x16xf32, #tpu.memory_space<vmem>>, vector<1x16xf32>,
      %swap3A_674 = vector.shape_cast %swap3A_673 : vector<1x16xf32> to vector<16xf32>
      %swap3A_675 = vector.shape_cast %sub3A_669 : vector<16xf32> to vector<1x16xf32>
      tpu.vector_store %arg14[%swap3A_671, %swap3A_672], %swap3A_675 {strides = array<i32>} : memref<128x16xf32, #tpu.memory_space<vmem>>, vector<1x16xf32>,
      %get3A_676 = arith.constant 35 : i32
      %get3A_677 = arith.index_cast %get3A_676 : i32 to index
      %get3A_678 = arith.constant 0 : index
      %get3A_679 = tpu.vector_load %arg11[%get3A_677, %get3A_678] {strides = array<i32>} : memref<128x128xf32, #tpu.memory_space<vmem>>, vector<1x16xf32>,
      %get3A_680 = vector.shape_cast %get3A_679 : vector<1x16xf32> to vector<16xf32>
      %add3A_681 = arith.constant 2 : i32
      %add3A_682 = arith.addi %mul3A_48, %add3A_681 : i32
      %get3A_683 = arith.index_cast %add3A_682 : i32 to index
      %get3A_684 = arith.constant 0 : index
      %get3A_685 = tpu.vector_load %arg13[%get3A_683, %get3A_684] {strides = array<i32>} : memref<256x16xf32, #tpu.memory_space<vmem>>, vector<1x16xf32>,
      %get3A_686 = vector.shape_cast %get3A_685 : vector<1x16xf32> to vector<16xf32>
      %sub3A_687 = arith.subf %get3A_680, %get3A_686 : vector<16xf32>
      %swap3A_688 = arith.constant 35 : i32
      %swap3A_689 = arith.index_cast %swap3A_688 : i32 to index
      %swap3A_690 = arith.constant 0 : index
      %swap3A_691 = tpu.vector_load %arg14[%swap3A_689, %swap3A_690] {strides = array<i32>} : memref<128x16xf32, #tpu.memory_space<vmem>>, vector<1x16xf32>,
      %swap3A_692 = vector.shape_cast %swap3A_691 : vector<1x16xf32> to vector<16xf32>
      %swap3A_693 = vector.shape_cast %sub3A_687 : vector<16xf32> to vector<1x16xf32>
      tpu.vector_store %arg14[%swap3A_689, %swap3A_690], %swap3A_693 {strides = array<i32>} : memref<128x16xf32, #tpu.memory_space<vmem>>, vector<1x16xf32>,
      %get3A_694 = arith.constant 36 : i32
      %get3A_695 = arith.index_cast %get3A_694 : i32 to index
      %get3A_696 = arith.constant 0 : index
      %get3A_697 = tpu.vector_load %arg11[%get3A_695, %get3A_696] {strides = array<i32>} : memref<128x128xf32, #tpu.memory_space<vmem>>, vector<1x16xf32>,
      %get3A_698 = vector.shape_cast %get3A_697 : vector<1x16xf32> to vector<16xf32>
      %add3A_699 = arith.constant 2 : i32
      %add3A_700 = arith.addi %mul3A_48, %add3A_699 : i32
      %get3A_701 = arith.index_cast %add3A_700 : i32 to index
      %get3A_702 = arith.constant 0 : index
      %get3A_703 = tpu.vector_load %arg13[%get3A_701, %get3A_702] {strides = array<i32>} : memref<256x16xf32, #tpu.memory_space<vmem>>, vector<1x16xf32>,
      %get3A_704 = vector.shape_cast %get3A_703 : vector<1x16xf32> to vector<16xf32>
      %sub3A_705 = arith.subf %get3A_698, %get3A_704 : vector<16xf32>
      %swap3A_706 = arith.constant 36 : i32
      %swap3A_707 = arith.index_cast %swap3A_706 : i32 to index
      %swap3A_708 = arith.constant 0 : index
      %swap3A_709 = tpu.vector_load %arg14[%swap3A_707, %swap3A_708] {strides = array<i32>} : memref<128x16xf32, #tpu.memory_space<vmem>>, vector<1x16xf32>,
      %swap3A_710 = vector.shape_cast %swap3A_709 : vector<1x16xf32> to vector<16xf32>
      %swap3A_711 = vector.shape_cast %sub3A_705 : vector<16xf32> to vector<1x16xf32>
      tpu.vector_store %arg14[%swap3A_707, %swap3A_708], %swap3A_711 {strides = array<i32>} : memref<128x16xf32, #tpu.memory_space<vmem>>, vector<1x16xf32>,
      %get3A_712 = arith.constant 37 : i32
      %get3A_713 = arith.index_cast %get3A_712 : i32 to index
      %get3A_714 = arith.constant 0 : index
      %get3A_715 = tpu.vector_load %arg11[%get3A_713, %get3A_714] {strides = array<i32>} : memref<128x128xf32, #tpu.memory_space<vmem>>, vector<1x16xf32>,
      %get3A_716 = vector.shape_cast %get3A_715 : vector<1x16xf32> to vector<16xf32>
      %add3A_717 = arith.constant 2 : i32
      %add3A_718 = arith.addi %mul3A_48, %add3A_717 : i32
      %get3A_719 = arith.index_cast %add3A_718 : i32 to index
      %get3A_720 = arith.constant 0 : index
      %get3A_721 = tpu.vector_load %arg13[%get3A_719, %get3A_720] {strides = array<i32>} : memref<256x16xf32, #tpu.memory_space<vmem>>, vector<1x16xf32>,
      %get3A_722 = vector.shape_cast %get3A_721 : vector<1x16xf32> to vector<16xf32>
      %sub3A_723 = arith.subf %get3A_716, %get3A_722 : vector<16xf32>
      %swap3A_724 = arith.constant 37 : i32
      %swap3A_725 = arith.index_cast %swap3A_724 : i32 to index
      %swap3A_726 = arith.constant 0 : index
      %swap3A_727 = tpu.vector_load %arg14[%swap3A_725, %swap3A_726] {strides = array<i32>} : memref<128x16xf32, #tpu.memory_space<vmem>>, vector<1x16xf32>,
      %swap3A_728 = vector.shape_cast %swap3A_727 : vector<1x16xf32> to vector<16xf32>
      %swap3A_729 = vector.shape_cast %sub3A_723 : vector<16xf32> to vector<1x16xf32>
      tpu.vector_store %arg14[%swap3A_725, %swap3A_726], %swap3A_729 {strides = array<i32>} : memref<128x16xf32, #tpu.memory_space<vmem>>, vector<1x16xf32>,
      %get3A_730 = arith.constant 38 : i32
      %get3A_731 = arith.index_cast %get3A_730 : i32 to index
      %get3A_732 = arith.constant 0 : index
      %get3A_733 = tpu.vector_load %arg11[%get3A_731, %get3A_732] {strides = array<i32>} : memref<128x128xf32, #tpu.memory_space<vmem>>, vector<1x16xf32>,
      %get3A_734 = vector.shape_cast %get3A_733 : vector<1x16xf32> to vector<16xf32>
      %add3A_735 = arith.constant 2 : i32
      %add3A_736 = arith.addi %mul3A_48, %add3A_735 : i32
      %get3A_737 = arith.index_cast %add3A_736 : i32 to index
      %get3A_738 = arith.constant 0 : index
      %get3A_739 = tpu.vector_load %arg13[%get3A_737, %get3A_738] {strides = array<i32>} : memref<256x16xf32, #tpu.memory_space<vmem>>, vector<1x16xf32>,
      %get3A_740 = vector.shape_cast %get3A_739 : vector<1x16xf32> to vector<16xf32>
      %sub3A_741 = arith.subf %get3A_734, %get3A_740 : vector<16xf32>
      %swap3A_742 = arith.constant 38 : i32
      %swap3A_743 = arith.index_cast %swap3A_742 : i32 to index
      %swap3A_744 = arith.constant 0 : index
      %swap3A_745 = tpu.vector_load %arg14[%swap3A_743, %swap3A_744] {strides = array<i32>} : memref<128x16xf32, #tpu.memory_space<vmem>>, vector<1x16xf32>,
      %swap3A_746 = vector.shape_cast %swap3A_745 : vector<1x16xf32> to vector<16xf32>
      %swap3A_747 = vector.shape_cast %sub3A_741 : vector<16xf32> to vector<1x16xf32>
      tpu.vector_store %arg14[%swap3A_743, %swap3A_744], %swap3A_747 {strides = array<i32>} : memref<128x16xf32, #tpu.memory_space<vmem>>, vector<1x16xf32>,
      %get3A_748 = arith.constant 39 : i32
      %get3A_749 = arith.index_cast %get3A_748 : i32 to index
      %get3A_750 = arith.constant 0 : index
      %get3A_751 = tpu.vector_load %arg11[%get3A_749, %get3A_750] {strides = array<i32>} : memref<128x128xf32, #tpu.memory_space<vmem>>, vector<1x16xf32>,
      %get3A_752 = vector.shape_cast %get3A_751 : vector<1x16xf32> to vector<16xf32>
      %add3A_753 = arith.constant 2 : i32
      %add3A_754 = arith.addi %mul3A_48, %add3A_753 : i32
      %get3A_755 = arith.index_cast %add3A_754 : i32 to index
      %get3A_756 = arith.constant 0 : index
      %get3A_757 = tpu.vector_load %arg13[%get3A_755, %get3A_756] {strides = array<i32>} : memref<256x16xf32, #tpu.memory_space<vmem>>, vector<1x16xf32>,
      %get3A_758 = vector.shape_cast %get3A_757 : vector<1x16xf32> to vector<16xf32>
      %sub3A_759 = arith.subf %get3A_752, %get3A_758 : vector<16xf32>
      %swap3A_760 = arith.constant 39 : i32
      %swap3A_761 = arith.index_cast %swap3A_760 : i32 to index
      %swap3A_762 = arith.constant 0 : index
      %swap3A_763 = tpu.vector_load %arg14[%swap3A_761, %swap3A_762] {strides = array<i32>} : memref<128x16xf32, #tpu.memory_space<vmem>>, vector<1x16xf32>,
      %swap3A_764 = vector.shape_cast %swap3A_763 : vector<1x16xf32> to vector<16xf32>
      %swap3A_765 = vector.shape_cast %sub3A_759 : vector<16xf32> to vector<1x16xf32>
      tpu.vector_store %arg14[%swap3A_761, %swap3A_762], %swap3A_765 {strides = array<i32>} : memref<128x16xf32, #tpu.memory_space<vmem>>, vector<1x16xf32>,
      %get3A_766 = arith.constant 40 : i32
      %get3A_767 = arith.index_cast %get3A_766 : i32 to index
      %get3A_768 = arith.constant 0 : index
      %get3A_769 = tpu.vector_load %arg11[%get3A_767, %get3A_768] {strides = array<i32>} : memref<128x128xf32, #tpu.memory_space<vmem>>, vector<1x16xf32>,
      %get3A_770 = vector.shape_cast %get3A_769 : vector<1x16xf32> to vector<16xf32>
      %add3A_771 = arith.constant 2 : i32
      %add3A_772 = arith.addi %mul3A_48, %add3A_771 : i32
      %get3A_773 = arith.index_cast %add3A_772 : i32 to index
      %get3A_774 = arith.constant 0 : index
      %get3A_775 = tpu.vector_load %arg13[%get3A_773, %get3A_774] {strides = array<i32>} : memref<256x16xf32, #tpu.memory_space<vmem>>, vector<1x16xf32>,
      %get3A_776 = vector.shape_cast %get3A_775 : vector<1x16xf32> to vector<16xf32>
      %sub3A_777 = arith.subf %get3A_770, %get3A_776 : vector<16xf32>
      %swap3A_778 = arith.constant 40 : i32
      %swap3A_779 = arith.index_cast %swap3A_778 : i32 to index
      %swap3A_780 = arith.constant 0 : index
      %swap3A_781 = tpu.vector_load %arg14[%swap3A_779, %swap3A_780] {strides = array<i32>} : memref<128x16xf32, #tpu.memory_space<vmem>>, vector<1x16xf32>,
      %swap3A_782 = vector.shape_cast %swap3A_781 : vector<1x16xf32> to vector<16xf32>
      %swap3A_783 = vector.shape_cast %sub3A_777 : vector<16xf32> to vector<1x16xf32>
      tpu.vector_store %arg14[%swap3A_779, %swap3A_780], %swap3A_783 {strides = array<i32>} : memref<128x16xf32, #tpu.memory_space<vmem>>, vector<1x16xf32>,
      %get3A_784 = arith.constant 41 : i32
      %get3A_785 = arith.index_cast %get3A_784 : i32 to index
      %get3A_786 = arith.constant 0 : index
      %get3A_787 = tpu.vector_load %arg11[%get3A_785, %get3A_786] {strides = array<i32>} : memref<128x128xf32, #tpu.memory_space<vmem>>, vector<1x16xf32>,
      %get3A_788 = vector.shape_cast %get3A_787 : vector<1x16xf32> to vector<16xf32>
      %add3A_789 = arith.constant 2 : i32
      %add3A_790 = arith.addi %mul3A_48, %add3A_789 : i32
      %get3A_791 = arith.index_cast %add3A_790 : i32 to index
      %get3A_792 = arith.constant 0 : index
      %get3A_793 = tpu.vector_load %arg13[%get3A_791, %get3A_792] {strides = array<i32>} : memref<256x16xf32, #tpu.memory_space<vmem>>, vector<1x16xf32>,
      %get3A_794 = vector.shape_cast %get3A_793 : vector<1x16xf32> to vector<16xf32>
      %sub3A_795 = arith.subf %get3A_788, %get3A_794 : vector<16xf32>
      %swap3A_796 = arith.constant 41 : i32
      %swap3A_797 = arith.index_cast %swap3A_796 : i32 to index
      %swap3A_798 = arith.constant 0 : index
      %swap3A_799 = tpu.vector_load %arg14[%swap3A_797, %swap3A_798] {strides = array<i32>} : memref<128x16xf32, #tpu.memory_space<vmem>>, vector<1x16xf32>,
      %swap3A_800 = vector.shape_cast %swap3A_799 : vector<1x16xf32> to vector<16xf32>
      %swap3A_801 = vector.shape_cast %sub3A_795 : vector<16xf32> to vector<1x16xf32>
      tpu.vector_store %arg14[%swap3A_797, %swap3A_798], %swap3A_801 {strides = array<i32>} : memref<128x16xf32, #tpu.memory_space<vmem>>, vector<1x16xf32>,
      %get3A_802 = arith.constant 42 : i32
      %get3A_803 = arith.index_cast %get3A_802 : i32 to index
      %get3A_804 = arith.constant 0 : index
      %get3A_805 = tpu.vector_load %arg11[%get3A_803, %get3A_804] {strides = array<i32>} : memref<128x128xf32, #tpu.memory_space<vmem>>, vector<1x16xf32>,
      %get3A_806 = vector.shape_cast %get3A_805 : vector<1x16xf32> to vector<16xf32>
      %add3A_807 = arith.constant 2 : i32
      %add3A_808 = arith.addi %mul3A_48, %add3A_807 : i32
      %get3A_809 = arith.index_cast %add3A_808 : i32 to index
      %get3A_810 = arith.constant 0 : index
      %get3A_811 = tpu.vector_load %arg13[%get3A_809, %get3A_810] {strides = array<i32>} : memref<256x16xf32, #tpu.memory_space<vmem>>, vector<1x16xf32>,
      %get3A_812 = vector.shape_cast %get3A_811 : vector<1x16xf32> to vector<16xf32>
      %sub3A_813 = arith.subf %get3A_806, %get3A_812 : vector<16xf32>
      %swap3A_814 = arith.constant 42 : i32
      %swap3A_815 = arith.index_cast %swap3A_814 : i32 to index
      %swap3A_816 = arith.constant 0 : index
      %swap3A_817 = tpu.vector_load %arg14[%swap3A_815, %swap3A_816] {strides = array<i32>} : memref<128x16xf32, #tpu.memory_space<vmem>>, vector<1x16xf32>,
      %swap3A_818 = vector.shape_cast %swap3A_817 : vector<1x16xf32> to vector<16xf32>
      %swap3A_819 = vector.shape_cast %sub3A_813 : vector<16xf32> to vector<1x16xf32>
      tpu.vector_store %arg14[%swap3A_815, %swap3A_816], %swap3A_819 {strides = array<i32>} : memref<128x16xf32, #tpu.memory_space<vmem>>, vector<1x16xf32>,
      %get3A_820 = arith.constant 43 : i32
      %get3A_821 = arith.index_cast %get3A_820 : i32 to index
      %get3A_822 = arith.constant 0 : index
      %get3A_823 = tpu.vector_load %arg11[%get3A_821, %get3A_822] {strides = array<i32>} : memref<128x128xf32, #tpu.memory_space<vmem>>, vector<1x16xf32>,
      %get3A_824 = vector.shape_cast %get3A_823 : vector<1x16xf32> to vector<16xf32>
      %add3A_825 = arith.constant 2 : i32
      %add3A_826 = arith.addi %mul3A_48, %add3A_825 : i32
      %get3A_827 = arith.index_cast %add3A_826 : i32 to index
      %get3A_828 = arith.constant 0 : index
      %get3A_829 = tpu.vector_load %arg13[%get3A_827, %get3A_828] {strides = array<i32>} : memref<256x16xf32, #tpu.memory_space<vmem>>, vector<1x16xf32>,
      %get3A_830 = vector.shape_cast %get3A_829 : vector<1x16xf32> to vector<16xf32>
      %sub3A_831 = arith.subf %get3A_824, %get3A_830 : vector<16xf32>
      %swap3A_832 = arith.constant 43 : i32
      %swap3A_833 = arith.index_cast %swap3A_832 : i32 to index
      %swap3A_834 = arith.constant 0 : index
      %swap3A_835 = tpu.vector_load %arg14[%swap3A_833, %swap3A_834] {strides = array<i32>} : memref<128x16xf32, #tpu.memory_space<vmem>>, vector<1x16xf32>,
      %swap3A_836 = vector.shape_cast %swap3A_835 : vector<1x16xf32> to vector<16xf32>
      %swap3A_837 = vector.shape_cast %sub3A_831 : vector<16xf32> to vector<1x16xf32>
      tpu.vector_store %arg14[%swap3A_833, %swap3A_834], %swap3A_837 {strides = array<i32>} : memref<128x16xf32, #tpu.memory_space<vmem>>, vector<1x16xf32>,
      %get3A_838 = arith.constant 44 : i32
      %get3A_839 = arith.index_cast %get3A_838 : i32 to index
      %get3A_840 = arith.constant 0 : index
      %get3A_841 = tpu.vector_load %arg11[%get3A_839, %get3A_840] {strides = array<i32>} : memref<128x128xf32, #tpu.memory_space<vmem>>, vector<1x16xf32>,
      %get3A_842 = vector.shape_cast %get3A_841 : vector<1x16xf32> to vector<16xf32>
      %add3A_843 = arith.constant 2 : i32
      %add3A_844 = arith.addi %mul3A_48, %add3A_843 : i32
      %get3A_845 = arith.index_cast %add3A_844 : i32 to index
      %get3A_846 = arith.constant 0 : index
      %get3A_847 = tpu.vector_load %arg13[%get3A_845, %get3A_846] {strides = array<i32>} : memref<256x16xf32, #tpu.memory_space<vmem>>, vector<1x16xf32>,
      %get3A_848 = vector.shape_cast %get3A_847 : vector<1x16xf32> to vector<16xf32>
      %sub3A_849 = arith.subf %get3A_842, %get3A_848 : vector<16xf32>
      %swap3A_850 = arith.constant 44 : i32
      %swap3A_851 = arith.index_cast %swap3A_850 : i32 to index
      %swap3A_852 = arith.constant 0 : index
      %swap3A_853 = tpu.vector_load %arg14[%swap3A_851, %swap3A_852] {strides = array<i32>} : memref<128x16xf32, #tpu.memory_space<vmem>>, vector<1x16xf32>,
      %swap3A_854 = vector.shape_cast %swap3A_853 : vector<1x16xf32> to vector<16xf32>
      %swap3A_855 = vector.shape_cast %sub3A_849 : vector<16xf32> to vector<1x16xf32>
      tpu.vector_store %arg14[%swap3A_851, %swap3A_852], %swap3A_855 {strides = array<i32>} : memref<128x16xf32, #tpu.memory_space<vmem>>, vector<1x16xf32>,
      %get3A_856 = arith.constant 45 : i32
      %get3A_857 = arith.index_cast %get3A_856 : i32 to index
      %get3A_858 = arith.constant 0 : index
      %get3A_859 = tpu.vector_load %arg11[%get3A_857, %get3A_858] {strides = array<i32>} : memref<128x128xf32, #tpu.memory_space<vmem>>, vector<1x16xf32>,
      %get3A_860 = vector.shape_cast %get3A_859 : vector<1x16xf32> to vector<16xf32>
      %add3A_861 = arith.constant 2 : i32
      %add3A_862 = arith.addi %mul3A_48, %add3A_861 : i32
      %get3A_863 = arith.index_cast %add3A_862 : i32 to index
      %get3A_864 = arith.constant 0 : index
      %get3A_865 = tpu.vector_load %arg13[%get3A_863, %get3A_864] {strides = array<i32>} : memref<256x16xf32, #tpu.memory_space<vmem>>, vector<1x16xf32>,
      %get3A_866 = vector.shape_cast %get3A_865 : vector<1x16xf32> to vector<16xf32>
      %sub3A_867 = arith.subf %get3A_860, %get3A_866 : vector<16xf32>
      %swap3A_868 = arith.constant 45 : i32
      %swap3A_869 = arith.index_cast %swap3A_868 : i32 to index
      %swap3A_870 = arith.constant 0 : index
      %swap3A_871 = tpu.vector_load %arg14[%swap3A_869, %swap3A_870] {strides = array<i32>} : memref<128x16xf32, #tpu.memory_space<vmem>>, vector<1x16xf32>,
      %swap3A_872 = vector.shape_cast %swap3A_871 : vector<1x16xf32> to vector<16xf32>
      %swap3A_873 = vector.shape_cast %sub3A_867 : vector<16xf32> to vector<1x16xf32>
      tpu.vector_store %arg14[%swap3A_869, %swap3A_870], %swap3A_873 {strides = array<i32>} : memref<128x16xf32, #tpu.memory_space<vmem>>, vector<1x16xf32>,
      %get3A_874 = arith.constant 46 : i32
      %get3A_875 = arith.index_cast %get3A_874 : i32 to index
      %get3A_876 = arith.constant 0 : index
      %get3A_877 = tpu.vector_load %arg11[%get3A_875, %get3A_876] {strides = array<i32>} : memref<128x128xf32, #tpu.memory_space<vmem>>, vector<1x16xf32>,
      %get3A_878 = vector.shape_cast %get3A_877 : vector<1x16xf32> to vector<16xf32>
      %add3A_879 = arith.constant 2 : i32
      %add3A_880 = arith.addi %mul3A_48, %add3A_879 : i32
      %get3A_881 = arith.index_cast %add3A_880 : i32 to index
      %get3A_882 = arith.constant 0 : index
      %get3A_883 = tpu.vector_load %arg13[%get3A_881, %get3A_882] {strides = array<i32>} : memref<256x16xf32, #tpu.memory_space<vmem>>, vector<1x16xf32>,
      %get3A_884 = vector.shape_cast %get3A_883 : vector<1x16xf32> to vector<16xf32>
      %sub3A_885 = arith.subf %get3A_878, %get3A_884 : vector<16xf32>
      %swap3A_886 = arith.constant 46 : i32
      %swap3A_887 = arith.index_cast %swap3A_886 : i32 to index
      %swap3A_888 = arith.constant 0 : index
      %swap3A_889 = tpu.vector_load %arg14[%swap3A_887, %swap3A_888] {strides = array<i32>} : memref<128x16xf32, #tpu.memory_space<vmem>>, vector<1x16xf32>,
      %swap3A_890 = vector.shape_cast %swap3A_889 : vector<1x16xf32> to vector<16xf32>
      %swap3A_891 = vector.shape_cast %sub3A_885 : vector<16xf32> to vector<1x16xf32>
      tpu.vector_store %arg14[%swap3A_887, %swap3A_888], %swap3A_891 {strides = array<i32>} : memref<128x16xf32, #tpu.memory_space<vmem>>, vector<1x16xf32>,
      %get3A_892 = arith.constant 47 : i32
      %get3A_893 = arith.index_cast %get3A_892 : i32 to index
      %get3A_894 = arith.constant 0 : index
      %get3A_895 = tpu.vector_load %arg11[%get3A_893, %get3A_894] {strides = array<i32>} : memref<128x128xf32, #tpu.memory_space<vmem>>, vector<1x16xf32>,
      %get3A_896 = vector.shape_cast %get3A_895 : vector<1x16xf32> to vector<16xf32>
      %add3A_897 = arith.constant 2 : i32
      %add3A_898 = arith.addi %mul3A_48, %add3A_897 : i32
      %get3A_899 = arith.index_cast %add3A_898 : i32 to index
      %get3A_900 = arith.constant 0 : index
      %get3A_901 = tpu.vector_load %arg13[%get3A_899, %get3A_900] {strides = array<i32>} : memref<256x16xf32, #tpu.memory_space<vmem>>, vector<1x16xf32>,
      %get3A_902 = vector.shape_cast %get3A_901 : vector<1x16xf32> to vector<16xf32>
      %sub3A_903 = arith.subf %get3A_896, %get3A_902 : vector<16xf32>
      %swap3A_904 = arith.constant 47 : i32
      %swap3A_905 = arith.index_cast %swap3A_904 : i32 to index
      %swap3A_906 = arith.constant 0 : index
      %swap3A_907 = tpu.vector_load %arg14[%swap3A_905, %swap3A_906] {strides = array<i32>} : memref<128x16xf32, #tpu.memory_space<vmem>>, vector<1x16xf32>,
      %swap3A_908 = vector.shape_cast %swap3A_907 : vector<1x16xf32> to vector<16xf32>
      %swap3A_909 = vector.shape_cast %sub3A_903 : vector<16xf32> to vector<1x16xf32>
      tpu.vector_store %arg14[%swap3A_905, %swap3A_906], %swap3A_909 {strides = array<i32>} : memref<128x16xf32, #tpu.memory_space<vmem>>, vector<1x16xf32>,
      %get3A_910 = arith.constant 48 : i32
      %get3A_911 = arith.index_cast %get3A_910 : i32 to index
      %get3A_912 = arith.constant 0 : index
      %get3A_913 = tpu.vector_load %arg11[%get3A_911, %get3A_912] {strides = array<i32>} : memref<128x128xf32, #tpu.memory_space<vmem>>, vector<1x16xf32>,
      %get3A_914 = vector.shape_cast %get3A_913 : vector<1x16xf32> to vector<16xf32>
      %add3A_915 = arith.constant 3 : i32
      %add3A_916 = arith.addi %mul3A_48, %add3A_915 : i32
      %get3A_917 = arith.index_cast %add3A_916 : i32 to index
      %get3A_918 = arith.constant 0 : index
      %get3A_919 = tpu.vector_load %arg13[%get3A_917, %get3A_918] {strides = array<i32>} : memref<256x16xf32, #tpu.memory_space<vmem>>, vector<1x16xf32>,
      %get3A_920 = vector.shape_cast %get3A_919 : vector<1x16xf32> to vector<16xf32>
      %sub3A_921 = arith.subf %get3A_914, %get3A_920 : vector<16xf32>
      %swap3A_922 = arith.constant 48 : i32
      %swap3A_923 = arith.index_cast %swap3A_922 : i32 to index
      %swap3A_924 = arith.constant 0 : index
      %swap3A_925 = tpu.vector_load %arg14[%swap3A_923, %swap3A_924] {strides = array<i32>} : memref<128x16xf32, #tpu.memory_space<vmem>>, vector<1x16xf32>,
      %swap3A_926 = vector.shape_cast %swap3A_925 : vector<1x16xf32> to vector<16xf32>
      %swap3A_927 = vector.shape_cast %sub3A_921 : vector<16xf32> to vector<1x16xf32>
      tpu.vector_store %arg14[%swap3A_923, %swap3A_924], %swap3A_927 {strides = array<i32>} : memref<128x16xf32, #tpu.memory_space<vmem>>, vector<1x16xf32>,
      %get3A_928 = arith.constant 49 : i32
      %get3A_929 = arith.index_cast %get3A_928 : i32 to index
      %get3A_930 = arith.constant 0 : index
      %get3A_931 = tpu.vector_load %arg11[%get3A_929, %get3A_930] {strides = array<i32>} : memref<128x128xf32, #tpu.memory_space<vmem>>, vector<1x16xf32>,
      %get3A_932 = vector.shape_cast %get3A_931 : vector<1x16xf32> to vector<16xf32>
      %add3A_933 = arith.constant 3 : i32
      %add3A_934 = arith.addi %mul3A_48, %add3A_933 : i32
      %get3A_935 = arith.index_cast %add3A_934 : i32 to index
      %get3A_936 = arith.constant 0 : index
      %get3A_937 = tpu.vector_load %arg13[%get3A_935, %get3A_936] {strides = array<i32>} : memref<256x16xf32, #tpu.memory_space<vmem>>, vector<1x16xf32>,
      %get3A_938 = vector.shape_cast %get3A_937 : vector<1x16xf32> to vector<16xf32>
      %sub3A_939 = arith.subf %get3A_932, %get3A_938 : vector<16xf32>
      %swap3A_940 = arith.constant 49 : i32
      %swap3A_941 = arith.index_cast %swap3A_940 : i32 to index
      %swap3A_942 = arith.constant 0 : index
      %swap3A_943 = tpu.vector_load %arg14[%swap3A_941, %swap3A_942] {strides = array<i32>} : memref<128x16xf32, #tpu.memory_space<vmem>>, vector<1x16xf32>,
      %swap3A_944 = vector.shape_cast %swap3A_943 : vector<1x16xf32> to vector<16xf32>
      %swap3A_945 = vector.shape_cast %sub3A_939 : vector<16xf32> to vector<1x16xf32>
      tpu.vector_store %arg14[%swap3A_941, %swap3A_942], %swap3A_945 {strides = array<i32>} : memref<128x16xf32, #tpu.memory_space<vmem>>, vector<1x16xf32>,
      %get3A_946 = arith.constant 50 : i32
      %get3A_947 = arith.index_cast %get3A_946 : i32 to index
      %get3A_948 = arith.constant 0 : index
      %get3A_949 = tpu.vector_load %arg11[%get3A_947, %get3A_948] {strides = array<i32>} : memref<128x128xf32, #tpu.memory_space<vmem>>, vector<1x16xf32>,
      %get3A_950 = vector.shape_cast %get3A_949 : vector<1x16xf32> to vector<16xf32>
      %add3A_951 = arith.constant 3 : i32
      %add3A_952 = arith.addi %mul3A_48, %add3A_951 : i32
      %get3A_953 = arith.index_cast %add3A_952 : i32 to index
      %get3A_954 = arith.constant 0 : index
      %get3A_955 = tpu.vector_load %arg13[%get3A_953, %get3A_954] {strides = array<i32>} : memref<256x16xf32, #tpu.memory_space<vmem>>, vector<1x16xf32>,
      %get3A_956 = vector.shape_cast %get3A_955 : vector<1x16xf32> to vector<16xf32>
      %sub3A_957 = arith.subf %get3A_950, %get3A_956 : vector<16xf32>
      %swap3A_958 = arith.constant 50 : i32
      %swap3A_959 = arith.index_cast %swap3A_958 : i32 to index
      %swap3A_960 = arith.constant 0 : index
      %swap3A_961 = tpu.vector_load %arg14[%swap3A_959, %swap3A_960] {strides = array<i32>} : memref<128x16xf32, #tpu.memory_space<vmem>>, vector<1x16xf32>,
      %swap3A_962 = vector.shape_cast %swap3A_961 : vector<1x16xf32> to vector<16xf32>
      %swap3A_963 = vector.shape_cast %sub3A_957 : vector<16xf32> to vector<1x16xf32>
      tpu.vector_store %arg14[%swap3A_959, %swap3A_960], %swap3A_963 {strides = array<i32>} : memref<128x16xf32, #tpu.memory_space<vmem>>, vector<1x16xf32>,
      %get3A_964 = arith.constant 51 : i32
      %get3A_965 = arith.index_cast %get3A_964 : i32 to index
      %get3A_966 = arith.constant 0 : index
      %get3A_967 = tpu.vector_load %arg11[%get3A_965, %get3A_966] {strides = array<i32>} : memref<128x128xf32, #tpu.memory_space<vmem>>, vector<1x16xf32>,
      %get3A_968 = vector.shape_cast %get3A_967 : vector<1x16xf32> to vector<16xf32>
      %add3A_969 = arith.constant 3 : i32
      %add3A_970 = arith.addi %mul3A_48, %add3A_969 : i32
      %get3A_971 = arith.index_cast %add3A_970 : i32 to index
      %get3A_972 = arith.constant 0 : index
      %get3A_973 = tpu.vector_load %arg13[%get3A_971, %get3A_972] {strides = array<i32>} : memref<256x16xf32, #tpu.memory_space<vmem>>, vector<1x16xf32>,
      %get3A_974 = vector.shape_cast %get3A_973 : vector<1x16xf32> to vector<16xf32>
      %sub3A_975 = arith.subf %get3A_968, %get3A_974 : vector<16xf32>
      %swap3A_976 = arith.constant 51 : i32
      %swap3A_977 = arith.index_cast %swap3A_976 : i32 to index
      %swap3A_978 = arith.constant 0 : index
      %swap3A_979 = tpu.vector_load %arg14[%swap3A_977, %swap3A_978] {strides = array<i32>} : memref<128x16xf32, #tpu.memory_space<vmem>>, vector<1x16xf32>,
      %swap3A_980 = vector.shape_cast %swap3A_979 : vector<1x16xf32> to vector<16xf32>
      %swap3A_981 = vector.shape_cast %sub3A_975 : vector<16xf32> to vector<1x16xf32>
      tpu.vector_store %arg14[%swap3A_977, %swap3A_978], %swap3A_981 {strides = array<i32>} : memref<128x16xf32, #tpu.memory_space<vmem>>, vector<1x16xf32>,
      %get3A_982 = arith.constant 52 : i32
      %get3A_983 = arith.index_cast %get3A_982 : i32 to index
      %get3A_984 = arith.constant 0 : index
      %get3A_985 = tpu.vector_load %arg11[%get3A_983, %get3A_984] {strides = array<i32>} : memref<128x128xf32, #tpu.memory_space<vmem>>, vector<1x16xf32>,
      %get3A_986 = vector.shape_cast %get3A_985 : vector<1x16xf32> to vector<16xf32>
      %add3A_987 = arith.constant 3 : i32
      %add3A_988 = arith.addi %mul3A_48, %add3A_987 : i32
      %get3A_989 = arith.index_cast %add3A_988 : i32 to index
      %get3A_990 = arith.constant 0 : index
      %get3A_991 = tpu.vector_load %arg13[%get3A_989, %get3A_990] {strides = array<i32>} : memref<256x16xf32, #tpu.memory_space<vmem>>, vector<1x16xf32>,
      %get3A_992 = vector.shape_cast %get3A_991 : vector<1x16xf32> to vector<16xf32>
      %sub3A_993 = arith.subf %get3A_986, %get3A_992 : vector<16xf32>
      %swap3A_994 = arith.constant 52 : i32
      %swap3A_995 = arith.index_cast %swap3A_994 : i32 to index
      %swap3A_996 = arith.constant 0 : index
      %swap3A_997 = tpu.vector_load %arg14[%swap3A_995, %swap3A_996] {strides = array<i32>} : memref<128x16xf32, #tpu.memory_space<vmem>>, vector<1x16xf32>,
      %swap3A_998 = vector.shape_cast %swap3A_997 : vector<1x16xf32> to vector<16xf32>
      %swap3A_999 = vector.shape_cast %sub3A_993 : vector<16xf32> to vector<1x16xf32>
      tpu.vector_store %arg14[%swap3A_995, %swap3A_996], %swap3A_999 {strides = array<i32>} : memref<128x16xf32, #tpu.memory_space<vmem>>, vector<1x16xf32>,
      %get3A_1000 = arith.constant 53 : i32
      %get3A_1001 = arith.index_cast %get3A_1000 : i32 to index
      %get3A_1002 = arith.constant 0 : index
      %get3A_1003 = tpu.vector_load %arg11[%get3A_1001, %get3A_1002] {strides = array<i32>} : memref<128x128xf32, #tpu.memory_space<vmem>>, vector<1x16xf32>,
      %get3A_1004 = vector.shape_cast %get3A_1003 : vector<1x16xf32> to vector<16xf32>
      %add3A_1005 = arith.constant 3 : i32
      %add3A_1006 = arith.addi %mul3A_48, %add3A_1005 : i32
      %get3A_1007 = arith.index_cast %add3A_1006 : i32 to index
      %get3A_1008 = arith.constant 0 : index
      %get3A_1009 = tpu.vector_load %arg13[%get3A_1007, %get3A_1008] {strides = array<i32>} : memref<256x16xf32, #tpu.memory_space<vmem>>, vector<1x16xf32>,
      %get3A_1010 = vector.shape_cast %get3A_1009 : vector<1x16xf32> to vector<16xf32>
      %sub3A_1011 = arith.subf %get3A_1004, %get3A_1010 : vector<16xf32>
      %swap3A_1012 = arith.constant 53 : i32
      %swap3A_1013 = arith.index_cast %swap3A_1012 : i32 to index
      %swap3A_1014 = arith.constant 0 : index
      %swap3A_1015 = tpu.vector_load %arg14[%swap3A_1013, %swap3A_1014] {strides = array<i32>} : memref<128x16xf32, #tpu.memory_space<vmem>>, vector<1x16xf32>,
      %swap3A_1016 = vector.shape_cast %swap3A_1015 : vector<1x16xf32> to vector<16xf32>
      %swap3A_1017 = vector.shape_cast %sub3A_1011 : vector<16xf32> to vector<1x16xf32>
      tpu.vector_store %arg14[%swap3A_1013, %swap3A_1014], %swap3A_1017 {strides = array<i32>} : memref<128x16xf32, #tpu.memory_space<vmem>>, vector<1x16xf32>,
      %get3A_1018 = arith.constant 54 : i32
      %get3A_1019 = arith.index_cast %get3A_1018 : i32 to index
      %get3A_1020 = arith.constant 0 : index
      %get3A_1021 = tpu.vector_load %arg11[%get3A_1019, %get3A_1020] {strides = array<i32>} : memref<128x128xf32, #tpu.memory_space<vmem>>, vector<1x16xf32>,
      %get3A_1022 = vector.shape_cast %get3A_1021 : vector<1x16xf32> to vector<16xf32>
      %add3A_1023 = arith.constant 3 : i32
      %add3A_1024 = arith.addi %mul3A_48, %add3A_1023 : i32
      %get3A_1025 = arith.index_cast %add3A_1024 : i32 to index
      %get3A_1026 = arith.constant 0 : index
      %get3A_1027 = tpu.vector_load %arg13[%get3A_1025, %get3A_1026] {strides = array<i32>} : memref<256x16xf32, #tpu.memory_space<vmem>>, vector<1x16xf32>,
      %get3A_1028 = vector.shape_cast %get3A_1027 : vector<1x16xf32> to vector<16xf32>
      %sub3A_1029 = arith.subf %get3A_1022, %get3A_1028 : vector<16xf32>
      %swap3A_1030 = arith.constant 54 : i32
      %swap3A_1031 = arith.index_cast %swap3A_1030 : i32 to index
      %swap3A_1032 = arith.constant 0 : index
      %swap3A_1033 = tpu.vector_load %arg14[%swap3A_1031, %swap3A_1032] {strides = array<i32>} : memref<128x16xf32, #tpu.memory_space<vmem>>, vector<1x16xf32>,
      %swap3A_1034 = vector.shape_cast %swap3A_1033 : vector<1x16xf32> to vector<16xf32>
      %swap3A_1035 = vector.shape_cast %sub3A_1029 : vector<16xf32> to vector<1x16xf32>
      tpu.vector_store %arg14[%swap3A_1031, %swap3A_1032], %swap3A_1035 {strides = array<i32>} : memref<128x16xf32, #tpu.memory_space<vmem>>, vector<1x16xf32>,
      %get3A_1036 = arith.constant 55 : i32
      %get3A_1037 = arith.index_cast %get3A_1036 : i32 to index
      %get3A_1038 = arith.constant 0 : index
      %get3A_1039 = tpu.vector_load %arg11[%get3A_1037, %get3A_1038] {strides = array<i32>} : memref<128x128xf32, #tpu.memory_space<vmem>>, vector<1x16xf32>,
      %get3A_1040 = vector.shape_cast %get3A_1039 : vector<1x16xf32> to vector<16xf32>
      %add3A_1041 = arith.constant 3 : i32
      %add3A_1042 = arith.addi %mul3A_48, %add3A_1041 : i32
      %get3A_1043 = arith.index_cast %add3A_1042 : i32 to index
      %get3A_1044 = arith.constant 0 : index
      %get3A_1045 = tpu.vector_load %arg13[%get3A_1043, %get3A_1044] {strides = array<i32>} : memref<256x16xf32, #tpu.memory_space<vmem>>, vector<1x16xf32>,
      %get3A_1046 = vector.shape_cast %get3A_1045 : vector<1x16xf32> to vector<16xf32>
      %sub3A_1047 = arith.subf %get3A_1040, %get3A_1046 : vector<16xf32>
      %swap3A_1048 = arith.constant 55 : i32
      %swap3A_1049 = arith.index_cast %swap3A_1048 : i32 to index
      %swap3A_1050 = arith.constant 0 : index
      %swap3A_1051 = tpu.vector_load %arg14[%swap3A_1049, %swap3A_1050] {strides = array<i32>} : memref<128x16xf32, #tpu.memory_space<vmem>>, vector<1x16xf32>,
      %swap3A_1052 = vector.shape_cast %swap3A_1051 : vector<1x16xf32> to vector<16xf32>
      %swap3A_1053 = vector.shape_cast %sub3A_1047 : vector<16xf32> to vector<1x16xf32>
      tpu.vector_store %arg14[%swap3A_1049, %swap3A_1050], %swap3A_1053 {strides = array<i32>} : memref<128x16xf32, #tpu.memory_space<vmem>>, vector<1x16xf32>,
      %get3A_1054 = arith.constant 56 : i32
      %get3A_1055 = arith.index_cast %get3A_1054 : i32 to index
      %get3A_1056 = arith.constant 0 : index
      %get3A_1057 = tpu.vector_load %arg11[%get3A_1055, %get3A_1056] {strides = array<i32>} : memref<128x128xf32, #tpu.memory_space<vmem>>, vector<1x16xf32>,
      %get3A_1058 = vector.shape_cast %get3A_1057 : vector<1x16xf32> to vector<16xf32>
      %add3A_1059 = arith.constant 3 : i32
      %add3A_1060 = arith.addi %mul3A_48, %add3A_1059 : i32
      %get3A_1061 = arith.index_cast %add3A_1060 : i32 to index
      %get3A_1062 = arith.constant 0 : index
      %get3A_1063 = tpu.vector_load %arg13[%get3A_1061, %get3A_1062] {strides = array<i32>} : memref<256x16xf32, #tpu.memory_space<vmem>>, vector<1x16xf32>,
      %get3A_1064 = vector.shape_cast %get3A_1063 : vector<1x16xf32> to vector<16xf32>
      %sub3A_1065 = arith.subf %get3A_1058, %get3A_1064 : vector<16xf32>
      %swap3A_1066 = arith.constant 56 : i32
      %swap3A_1067 = arith.index_cast %swap3A_1066 : i32 to index
      %swap3A_1068 = arith.constant 0 : index
      %swap3A_1069 = tpu.vector_load %arg14[%swap3A_1067, %swap3A_1068] {strides = array<i32>} : memref<128x16xf32, #tpu.memory_space<vmem>>, vector<1x16xf32>,
      %swap3A_1070 = vector.shape_cast %swap3A_1069 : vector<1x16xf32> to vector<16xf32>
      %swap3A_1071 = vector.shape_cast %sub3A_1065 : vector<16xf32> to vector<1x16xf32>
      tpu.vector_store %arg14[%swap3A_1067, %swap3A_1068], %swap3A_1071 {strides = array<i32>} : memref<128x16xf32, #tpu.memory_space<vmem>>, vector<1x16xf32>,
      %get3A_1072 = arith.constant 57 : i32
      %get3A_1073 = arith.index_cast %get3A_1072 : i32 to index
      %get3A_1074 = arith.constant 0 : index
      %get3A_1075 = tpu.vector_load %arg11[%get3A_1073, %get3A_1074] {strides = array<i32>} : memref<128x128xf32, #tpu.memory_space<vmem>>, vector<1x16xf32>,
      %get3A_1076 = vector.shape_cast %get3A_1075 : vector<1x16xf32> to vector<16xf32>
      %add3A_1077 = arith.constant 3 : i32
      %add3A_1078 = arith.addi %mul3A_48, %add3A_1077 : i32
      %get3A_1079 = arith.index_cast %add3A_1078 : i32 to index
      %get3A_1080 = arith.constant 0 : index
      %get3A_1081 = tpu.vector_load %arg13[%get3A_1079, %get3A_1080] {strides = array<i32>} : memref<256x16xf32, #tpu.memory_space<vmem>>, vector<1x16xf32>,
      %get3A_1082 = vector.shape_cast %get3A_1081 : vector<1x16xf32> to vector<16xf32>
      %sub3A_1083 = arith.subf %get3A_1076, %get3A_1082 : vector<16xf32>
      %swap3A_1084 = arith.constant 57 : i32
      %swap3A_1085 = arith.index_cast %swap3A_1084 : i32 to index
      %swap3A_1086 = arith.constant 0 : index
      %swap3A_1087 = tpu.vector_load %arg14[%swap3A_1085, %swap3A_1086] {strides = array<i32>} : memref<128x16xf32, #tpu.memory_space<vmem>>, vector<1x16xf32>,
      %swap3A_1088 = vector.shape_cast %swap3A_1087 : vector<1x16xf32> to vector<16xf32>
      %swap3A_1089 = vector.shape_cast %sub3A_1083 : vector<16xf32> to vector<1x16xf32>
      tpu.vector_store %arg14[%swap3A_1085, %swap3A_1086], %swap3A_1089 {strides = array<i32>} : memref<128x16xf32, #tpu.memory_space<vmem>>, vector<1x16xf32>,
      %get3A_1090 = arith.constant 58 : i32
      %get3A_1091 = arith.index_cast %get3A_1090 : i32 to index
      %get3A_1092 = arith.constant 0 : index
      %get3A_1093 = tpu.vector_load %arg11[%get3A_1091, %get3A_1092] {strides = array<i32>} : memref<128x128xf32, #tpu.memory_space<vmem>>, vector<1x16xf32>,
      %get3A_1094 = vector.shape_cast %get3A_1093 : vector<1x16xf32> to vector<16xf32>
      %add3A_1095 = arith.constant 3 : i32
      %add3A_1096 = arith.addi %mul3A_48, %add3A_1095 : i32
      %get3A_1097 = arith.index_cast %add3A_1096 : i32 to index
      %get3A_1098 = arith.constant 0 : index
      %get3A_1099 = tpu.vector_load %arg13[%get3A_1097, %get3A_1098] {strides = array<i32>} : memref<256x16xf32, #tpu.memory_space<vmem>>, vector<1x16xf32>,
      %get3A_1100 = vector.shape_cast %get3A_1099 : vector<1x16xf32> to vector<16xf32>
      %sub3A_1101 = arith.subf %get3A_1094, %get3A_1100 : vector<16xf32>
      %swap3A_1102 = arith.constant 58 : i32
      %swap3A_1103 = arith.index_cast %swap3A_1102 : i32 to index
      %swap3A_1104 = arith.constant 0 : index
      %swap3A_1105 = tpu.vector_load %arg14[%swap3A_1103, %swap3A_1104] {strides = array<i32>} : memref<128x16xf32, #tpu.memory_space<vmem>>, vector<1x16xf32>,
      %swap3A_1106 = vector.shape_cast %swap3A_1105 : vector<1x16xf32> to vector<16xf32>
      %swap3A_1107 = vector.shape_cast %sub3A_1101 : vector<16xf32> to vector<1x16xf32>
      tpu.vector_store %arg14[%swap3A_1103, %swap3A_1104], %swap3A_1107 {strides = array<i32>} : memref<128x16xf32, #tpu.memory_space<vmem>>, vector<1x16xf32>,
      %get3A_1108 = arith.constant 59 : i32
      %get3A_1109 = arith.index_cast %get3A_1108 : i32 to index
      %get3A_1110 = arith.constant 0 : index
      %get3A_1111 = tpu.vector_load %arg11[%get3A_1109, %get3A_1110] {strides = array<i32>} : memref<128x128xf32, #tpu.memory_space<vmem>>, vector<1x16xf32>,
      %get3A_1112 = vector.shape_cast %get3A_1111 : vector<1x16xf32> to vector<16xf32>
      %add3A_1113 = arith.constant 3 : i32
      %add3A_1114 = arith.addi %mul3A_48, %add3A_1113 : i32
      %get3A_1115 = arith.index_cast %add3A_1114 : i32 to index
      %get3A_1116 = arith.constant 0 : index
      %get3A_1117 = tpu.vector_load %arg13[%get3A_1115, %get3A_1116] {strides = array<i32>} : memref<256x16xf32, #tpu.memory_space<vmem>>, vector<1x16xf32>,
      %get3A_1118 = vector.shape_cast %get3A_1117 : vector<1x16xf32> to vector<16xf32>
      %sub3A_1119 = arith.subf %get3A_1112, %get3A_1118 : vector<16xf32>
      %swap3A_1120 = arith.constant 59 : i32
      %swap3A_1121 = arith.index_cast %swap3A_1120 : i32 to index
      %swap3A_1122 = arith.constant 0 : index
      %swap3A_1123 = tpu.vector_load %arg14[%swap3A_1121, %swap3A_1122] {strides = array<i32>} : memref<128x16xf32, #tpu.memory_space<vmem>>, vector<1x16xf32>,
      %swap3A_1124 = vector.shape_cast %swap3A_1123 : vector<1x16xf32> to vector<16xf32>
      %swap3A_1125 = vector.shape_cast %sub3A_1119 : vector<16xf32> to vector<1x16xf32>
      tpu.vector_store %arg14[%swap3A_1121, %swap3A_1122], %swap3A_1125 {strides = array<i32>} : memref<128x16xf32, #tpu.memory_space<vmem>>, vector<1x16xf32>,
      %get3A_1126 = arith.constant 60 : i32
      %get3A_1127 = arith.index_cast %get3A_1126 : i32 to index
      %get3A_1128 = arith.constant 0 : index
      %get3A_1129 = tpu.vector_load %arg11[%get3A_1127, %get3A_1128] {strides = array<i32>} : memref<128x128xf32, #tpu.memory_space<vmem>>, vector<1x16xf32>,
      %get3A_1130 = vector.shape_cast %get3A_1129 : vector<1x16xf32> to vector<16xf32>
      %add3A_1131 = arith.constant 3 : i32
      %add3A_1132 = arith.addi %mul3A_48, %add3A_1131 : i32
      %get3A_1133 = arith.index_cast %add3A_1132 : i32 to index
      %get3A_1134 = arith.constant 0 : index
      %get3A_1135 = tpu.vector_load %arg13[%get3A_1133, %get3A_1134] {strides = array<i32>} : memref<256x16xf32, #tpu.memory_space<vmem>>, vector<1x16xf32>,
      %get3A_1136 = vector.shape_cast %get3A_1135 : vector<1x16xf32> to vector<16xf32>
      %sub3A_1137 = arith.subf %get3A_1130, %get3A_1136 : vector<16xf32>
      %swap3A_1138 = arith.constant 60 : i32
      %swap3A_1139 = arith.index_cast %swap3A_1138 : i32 to index
      %swap3A_1140 = arith.constant 0 : index
      %swap3A_1141 = tpu.vector_load %arg14[%swap3A_1139, %swap3A_1140] {strides = array<i32>} : memref<128x16xf32, #tpu.memory_space<vmem>>, vector<1x16xf32>,
      %swap3A_1142 = vector.shape_cast %swap3A_1141 : vector<1x16xf32> to vector<16xf32>
      %swap3A_1143 = vector.shape_cast %sub3A_1137 : vector<16xf32> to vector<1x16xf32>
      tpu.vector_store %arg14[%swap3A_1139, %swap3A_1140], %swap3A_1143 {strides = array<i32>} : memref<128x16xf32, #tpu.memory_space<vmem>>, vector<1x16xf32>,
      %get3A_1144 = arith.constant 61 : i32
      %get3A_1145 = arith.index_cast %get3A_1144 : i32 to index
      %get3A_1146 = arith.constant 0 : index
      %get3A_1147 = tpu.vector_load %arg11[%get3A_1145, %get3A_1146] {strides = array<i32>} : memref<128x128xf32, #tpu.memory_space<vmem>>, vector<1x16xf32>,
      %get3A_1148 = vector.shape_cast %get3A_1147 : vector<1x16xf32> to vector<16xf32>
      %add3A_1149 = arith.constant 3 : i32
      %add3A_1150 = arith.addi %mul3A_48, %add3A_1149 : i32
      %get3A_1151 = arith.index_cast %add3A_1150 : i32 to index
      %get3A_1152 = arith.constant 0 : index
      %get3A_1153 = tpu.vector_load %arg13[%get3A_1151, %get3A_1152] {strides = array<i32>} : memref<256x16xf32, #tpu.memory_space<vmem>>, vector<1x16xf32>,
      %get3A_1154 = vector.shape_cast %get3A_1153 : vector<1x16xf32> to vector<16xf32>
      %sub3A_1155 = arith.subf %get3A_1148, %get3A_1154 : vector<16xf32>
      %swap3A_1156 = arith.constant 61 : i32
      %swap3A_1157 = arith.index_cast %swap3A_1156 : i32 to index
      %swap3A_1158 = arith.constant 0 : index
      %swap3A_1159 = tpu.vector_load %arg14[%swap3A_1157, %swap3A_1158] {strides = array<i32>} : memref<128x16xf32, #tpu.memory_space<vmem>>, vector<1x16xf32>,
      %swap3A_1160 = vector.shape_cast %swap3A_1159 : vector<1x16xf32> to vector<16xf32>
      %swap3A_1161 = vector.shape_cast %sub3A_1155 : vector<16xf32> to vector<1x16xf32>
      tpu.vector_store %arg14[%swap3A_1157, %swap3A_1158], %swap3A_1161 {strides = array<i32>} : memref<128x16xf32, #tpu.memory_space<vmem>>, vector<1x16xf32>,
      %get3A_1162 = arith.constant 62 : i32
      %get3A_1163 = arith.index_cast %get3A_1162 : i32 to index
      %get3A_1164 = arith.constant 0 : index
      %get3A_1165 = tpu.vector_load %arg11[%get3A_1163, %get3A_1164] {strides = array<i32>} : memref<128x128xf32, #tpu.memory_space<vmem>>, vector<1x16xf32>,
      %get3A_1166 = vector.shape_cast %get3A_1165 : vector<1x16xf32> to vector<16xf32>
      %add3A_1167 = arith.constant 3 : i32
      %add3A_1168 = arith.addi %mul3A_48, %add3A_1167 : i32
      %get3A_1169 = arith.index_cast %add3A_1168 : i32 to index
      %get3A_1170 = arith.constant 0 : index
      %get3A_1171 = tpu.vector_load %arg13[%get3A_1169, %get3A_1170] {strides = array<i32>} : memref<256x16xf32, #tpu.memory_space<vmem>>, vector<1x16xf32>,
      %get3A_1172 = vector.shape_cast %get3A_1171 : vector<1x16xf32> to vector<16xf32>
      %sub3A_1173 = arith.subf %get3A_1166, %get3A_1172 : vector<16xf32>
      %swap3A_1174 = arith.constant 62 : i32
      %swap3A_1175 = arith.index_cast %swap3A_1174 : i32 to index
      %swap3A_1176 = arith.constant 0 : index
      %swap3A_1177 = tpu.vector_load %arg14[%swap3A_1175, %swap3A_1176] {strides = array<i32>} : memref<128x16xf32, #tpu.memory_space<vmem>>, vector<1x16xf32>,
      %swap3A_1178 = vector.shape_cast %swap3A_1177 : vector<1x16xf32> to vector<16xf32>
      %swap3A_1179 = vector.shape_cast %sub3A_1173 : vector<16xf32> to vector<1x16xf32>
      tpu.vector_store %arg14[%swap3A_1175, %swap3A_1176], %swap3A_1179 {strides = array<i32>} : memref<128x16xf32, #tpu.memory_space<vmem>>, vector<1x16xf32>,
      %get3A_1180 = arith.constant 63 : i32
      %get3A_1181 = arith.index_cast %get3A_1180 : i32 to index
      %get3A_1182 = arith.constant 0 : index
      %get3A_1183 = tpu.vector_load %arg11[%get3A_1181, %get3A_1182] {strides = array<i32>} : memref<128x128xf32, #tpu.memory_space<vmem>>, vector<1x16xf32>,
      %get3A_1184 = vector.shape_cast %get3A_1183 : vector<1x16xf32> to vector<16xf32>
      %add3A_1185 = arith.constant 3 : i32
      %add3A_1186 = arith.addi %mul3A_48, %add3A_1185 : i32
      %get3A_1187 = arith.index_cast %add3A_1186 : i32 to index
      %get3A_1188 = arith.constant 0 : index
      %get3A_1189 = tpu.vector_load %arg13[%get3A_1187, %get3A_1188] {strides = array<i32>} : memref<256x16xf32, #tpu.memory_space<vmem>>, vector<1x16xf32>,
      %get3A_1190 = vector.shape_cast %get3A_1189 : vector<1x16xf32> to vector<16xf32>
      %sub3A_1191 = arith.subf %get3A_1184, %get3A_1190 : vector<16xf32>
      %swap3A_1192 = arith.constant 63 : i32
      %swap3A_1193 = arith.index_cast %swap3A_1192 : i32 to index
      %swap3A_1194 = arith.constant 0 : index
      %swap3A_1195 = tpu.vector_load %arg14[%swap3A_1193, %swap3A_1194] {strides = array<i32>} : memref<128x16xf32, #tpu.memory_space<vmem>>, vector<1x16xf32>,
      %swap3A_1196 = vector.shape_cast %swap3A_1195 : vector<1x16xf32> to vector<16xf32>
      %swap3A_1197 = vector.shape_cast %sub3A_1191 : vector<16xf32> to vector<1x16xf32>
      tpu.vector_store %arg14[%swap3A_1193, %swap3A_1194], %swap3A_1197 {strides = array<i32>} : memref<128x16xf32, #tpu.memory_space<vmem>>, vector<1x16xf32>,
      %get3A_1198 = arith.constant 64 : i32
      %get3A_1199 = arith.index_cast %get3A_1198 : i32 to index
      %get3A_1200 = arith.constant 0 : index
      %get3A_1201 = tpu.vector_load %arg11[%get3A_1199, %get3A_1200] {strides = array<i32>} : memref<128x128xf32, #tpu.memory_space<vmem>>, vector<1x16xf32>,
      %get3A_1202 = vector.shape_cast %get3A_1201 : vector<1x16xf32> to vector<16xf32>
      %add3A_1203 = arith.constant 4 : i32
      %add3A_1204 = arith.addi %mul3A_48, %add3A_1203 : i32
      %get3A_1205 = arith.index_cast %add3A_1204 : i32 to index
      %get3A_1206 = arith.constant 0 : index
      %get3A_1207 = tpu.vector_load %arg13[%get3A_1205, %get3A_1206] {strides = array<i32>} : memref<256x16xf32, #tpu.memory_space<vmem>>, vector<1x16xf32>,
      %get3A_1208 = vector.shape_cast %get3A_1207 : vector<1x16xf32> to vector<16xf32>
      %sub3A_1209 = arith.subf %get3A_1202, %get3A_1208 : vector<16xf32>
      %swap3A_1210 = arith.constant 64 : i32
      %swap3A_1211 = arith.index_cast %swap3A_1210 : i32 to index
      %swap3A_1212 = arith.constant 0 : index
      %swap3A_1213 = tpu.vector_load %arg14[%swap3A_1211, %swap3A_1212] {strides = array<i32>} : memref<128x16xf32, #tpu.memory_space<vmem>>, vector<1x16xf32>,
      %swap3A_1214 = vector.shape_cast %swap3A_1213 : vector<1x16xf32> to vector<16xf32>
      %swap3A_1215 = vector.shape_cast %sub3A_1209 : vector<16xf32> to vector<1x16xf32>
      tpu.vector_store %arg14[%swap3A_1211, %swap3A_1212], %swap3A_1215 {strides = array<i32>} : memref<128x16xf32, #tpu.memory_space<vmem>>, vector<1x16xf32>,
      %get3A_1216 = arith.constant 65 : i32
      %get3A_1217 = arith.index_cast %get3A_1216 : i32 to index
      %get3A_1218 = arith.constant 0 : index
      %get3A_1219 = tpu.vector_load %arg11[%get3A_1217, %get3A_1218] {strides = array<i32>} : memref<128x128xf32, #tpu.memory_space<vmem>>, vector<1x16xf32>,
      %get3A_1220 = vector.shape_cast %get3A_1219 : vector<1x16xf32> to vector<16xf32>
      %add3A_1221 = arith.constant 4 : i32
      %add3A_1222 = arith.addi %mul3A_48, %add3A_1221 : i32
      %get3A_1223 = arith.index_cast %add3A_1222 : i32 to index
      %get3A_1224 = arith.constant 0 : index
      %get3A_1225 = tpu.vector_load %arg13[%get3A_1223, %get3A_1224] {strides = array<i32>} : memref<256x16xf32, #tpu.memory_space<vmem>>, vector<1x16xf32>,
      %get3A_1226 = vector.shape_cast %get3A_1225 : vector<1x16xf32> to vector<16xf32>
      %sub3A_1227 = arith.subf %get3A_1220, %get3A_1226 : vector<16xf32>
      %swap3A_1228 = arith.constant 65 : i32
      %swap3A_1229 = arith.index_cast %swap3A_1228 : i32 to index
      %swap3A_1230 = arith.constant 0 : index
      %swap3A_1231 = tpu.vector_load %arg14[%swap3A_1229, %swap3A_1230] {strides = array<i32>} : memref<128x16xf32, #tpu.memory_space<vmem>>, vector<1x16xf32>,
      %swap3A_1232 = vector.shape_cast %swap3A_1231 : vector<1x16xf32> to vector<16xf32>
      %swap3A_1233 = vector.shape_cast %sub3A_1227 : vector<16xf32> to vector<1x16xf32>
      tpu.vector_store %arg14[%swap3A_1229, %swap3A_1230], %swap3A_1233 {strides = array<i32>} : memref<128x16xf32, #tpu.memory_space<vmem>>, vector<1x16xf32>,
      %get3A_1234 = arith.constant 66 : i32
      %get3A_1235 = arith.index_cast %get3A_1234 : i32 to index
      %get3A_1236 = arith.constant 0 : index
      %get3A_1237 = tpu.vector_load %arg11[%get3A_1235, %get3A_1236] {strides = array<i32>} : memref<128x128xf32, #tpu.memory_space<vmem>>, vector<1x16xf32>,
      %get3A_1238 = vector.shape_cast %get3A_1237 : vector<1x16xf32> to vector<16xf32>
      %add3A_1239 = arith.constant 4 : i32
      %add3A_1240 = arith.addi %mul3A_48, %add3A_1239 : i32
      %get3A_1241 = arith.index_cast %add3A_1240 : i32 to index
      %get3A_1242 = arith.constant 0 : index
      %get3A_1243 = tpu.vector_load %arg13[%get3A_1241, %get3A_1242] {strides = array<i32>} : memref<256x16xf32, #tpu.memory_space<vmem>>, vector<1x16xf32>,
      %get3A_1244 = vector.shape_cast %get3A_1243 : vector<1x16xf32> to vector<16xf32>
      %sub3A_1245 = arith.subf %get3A_1238, %get3A_1244 : vector<16xf32>
      %swap3A_1246 = arith.constant 66 : i32
      %swap3A_1247 = arith.index_cast %swap3A_1246 : i32 to index
      %swap3A_1248 = arith.constant 0 : index
      %swap3A_1249 = tpu.vector_load %arg14[%swap3A_1247, %swap3A_1248] {strides = array<i32>} : memref<128x16xf32, #tpu.memory_space<vmem>>, vector<1x16xf32>,
      %swap3A_1250 = vector.shape_cast %swap3A_1249 : vector<1x16xf32> to vector<16xf32>
      %swap3A_1251 = vector.shape_cast %sub3A_1245 : vector<16xf32> to vector<1x16xf32>
      tpu.vector_store %arg14[%swap3A_1247, %swap3A_1248], %swap3A_1251 {strides = array<i32>} : memref<128x16xf32, #tpu.memory_space<vmem>>, vector<1x16xf32>,
      %get3A_1252 = arith.constant 67 : i32
      %get3A_1253 = arith.index_cast %get3A_1252 : i32 to index
      %get3A_1254 = arith.constant 0 : index
      %get3A_1255 = tpu.vector_load %arg11[%get3A_1253, %get3A_1254] {strides = array<i32>} : memref<128x128xf32, #tpu.memory_space<vmem>>, vector<1x16xf32>,
      %get3A_1256 = vector.shape_cast %get3A_1255 : vector<1x16xf32> to vector<16xf32>
      %add3A_1257 = arith.constant 4 : i32
      %add3A_1258 = arith.addi %mul3A_48, %add3A_1257 : i32
      %get3A_1259 = arith.index_cast %add3A_1258 : i32 to index
      %get3A_1260 = arith.constant 0 : index
      %get3A_1261 = tpu.vector_load %arg13[%get3A_1259, %get3A_1260] {strides = array<i32>} : memref<256x16xf32, #tpu.memory_space<vmem>>, vector<1x16xf32>,
      %get3A_1262 = vector.shape_cast %get3A_1261 : vector<1x16xf32> to vector<16xf32>
      %sub3A_1263 = arith.subf %get3A_1256, %get3A_1262 : vector<16xf32>
      %swap3A_1264 = arith.constant 67 : i32
      %swap3A_1265 = arith.index_cast %swap3A_1264 : i32 to index
      %swap3A_1266 = arith.constant 0 : index
      %swap3A_1267 = tpu.vector_load %arg14[%swap3A_1265, %swap3A_1266] {strides = array<i32>} : memref<128x16xf32, #tpu.memory_space<vmem>>, vector<1x16xf32>,
      %swap3A_1268 = vector.shape_cast %swap3A_1267 : vector<1x16xf32> to vector<16xf32>
      %swap3A_1269 = vector.shape_cast %sub3A_1263 : vector<16xf32> to vector<1x16xf32>
      tpu.vector_store %arg14[%swap3A_1265, %swap3A_1266], %swap3A_1269 {strides = array<i32>} : memref<128x16xf32, #tpu.memory_space<vmem>>, vector<1x16xf32>,
      %get3A_1270 = arith.constant 68 : i32
      %get3A_1271 = arith.index_cast %get3A_1270 : i32 to index
      %get3A_1272 = arith.constant 0 : index
      %get3A_1273 = tpu.vector_load %arg11[%get3A_1271, %get3A_1272] {strides = array<i32>} : memref<128x128xf32, #tpu.memory_space<vmem>>, vector<1x16xf32>,
      %get3A_1274 = vector.shape_cast %get3A_1273 : vector<1x16xf32> to vector<16xf32>
      %add3A_1275 = arith.constant 4 : i32
      %add3A_1276 = arith.addi %mul3A_48, %add3A_1275 : i32
      %get3A_1277 = arith.index_cast %add3A_1276 : i32 to index
      %get3A_1278 = arith.constant 0 : index
      %get3A_1279 = tpu.vector_load %arg13[%get3A_1277, %get3A_1278] {strides = array<i32>} : memref<256x16xf32, #tpu.memory_space<vmem>>, vector<1x16xf32>,
      %get3A_1280 = vector.shape_cast %get3A_1279 : vector<1x16xf32> to vector<16xf32>
      %sub3A_1281 = arith.subf %get3A_1274, %get3A_1280 : vector<16xf32>
      %swap3A_1282 = arith.constant 68 : i32
      %swap3A_1283 = arith.index_cast %swap3A_1282 : i32 to index
      %swap3A_1284 = arith.constant 0 : index
      %swap3A_1285 = tpu.vector_load %arg14[%swap3A_1283, %swap3A_1284] {strides = array<i32>} : memref<128x16xf32, #tpu.memory_space<vmem>>, vector<1x16xf32>,
      %swap3A_1286 = vector.shape_cast %swap3A_1285 : vector<1x16xf32> to vector<16xf32>
      %swap3A_1287 = vector.shape_cast %sub3A_1281 : vector<16xf32> to vector<1x16xf32>
      tpu.vector_store %arg14[%swap3A_1283, %swap3A_1284], %swap3A_1287 {strides = array<i32>} : memref<128x16xf32, #tpu.memory_space<vmem>>, vector<1x16xf32>,
      %get3A_1288 = arith.constant 69 : i32
      %get3A_1289 = arith.index_cast %get3A_1288 : i32 to index
      %get3A_1290 = arith.constant 0 : index
      %get3A_1291 = tpu.vector_load %arg11[%get3A_1289, %get3A_1290] {strides = array<i32>} : memref<128x128xf32, #tpu.memory_space<vmem>>, vector<1x16xf32>,
      %get3A_1292 = vector.shape_cast %get3A_1291 : vector<1x16xf32> to vector<16xf32>
      %add3A_1293 = arith.constant 4 : i32
      %add3A_1294 = arith.addi %mul3A_48, %add3A_1293 : i32
      %get3A_1295 = arith.index_cast %add3A_1294 : i32 to index
      %get3A_1296 = arith.constant 0 : index
      %get3A_1297 = tpu.vector_load %arg13[%get3A_1295, %get3A_1296] {strides = array<i32>} : memref<256x16xf32, #tpu.memory_space<vmem>>, vector<1x16xf32>,
      %get3A_1298 = vector.shape_cast %get3A_1297 : vector<1x16xf32> to vector<16xf32>
      %sub3A_1299 = arith.subf %get3A_1292, %get3A_1298 : vector<16xf32>
      %swap3A_1300 = arith.constant 69 : i32
      %swap3A_1301 = arith.index_cast %swap3A_1300 : i32 to index
      %swap3A_1302 = arith.constant 0 : index
      %swap3A_1303 = tpu.vector_load %arg14[%swap3A_1301, %swap3A_1302] {strides = array<i32>} : memref<128x16xf32, #tpu.memory_space<vmem>>, vector<1x16xf32>,
      %swap3A_1304 = vector.shape_cast %swap3A_1303 : vector<1x16xf32> to vector<16xf32>
      %swap3A_1305 = vector.shape_cast %sub3A_1299 : vector<16xf32> to vector<1x16xf32>
      tpu.vector_store %arg14[%swap3A_1301, %swap3A_1302], %swap3A_1305 {strides = array<i32>} : memref<128x16xf32, #tpu.memory_space<vmem>>, vector<1x16xf32>,
      %get3A_1306 = arith.constant 70 : i32
      %get3A_1307 = arith.index_cast %get3A_1306 : i32 to index
      %get3A_1308 = arith.constant 0 : index
      %get3A_1309 = tpu.vector_load %arg11[%get3A_1307, %get3A_1308] {strides = array<i32>} : memref<128x128xf32, #tpu.memory_space<vmem>>, vector<1x16xf32>,
      %get3A_1310 = vector.shape_cast %get3A_1309 : vector<1x16xf32> to vector<16xf32>
      %add3A_1311 = arith.constant 4 : i32
      %add3A_1312 = arith.addi %mul3A_48, %add3A_1311 : i32
      %get3A_1313 = arith.index_cast %add3A_1312 : i32 to index
      %get3A_1314 = arith.constant 0 : index
      %get3A_1315 = tpu.vector_load %arg13[%get3A_1313, %get3A_1314] {strides = array<i32>} : memref<256x16xf32, #tpu.memory_space<vmem>>, vector<1x16xf32>,
      %get3A_1316 = vector.shape_cast %get3A_1315 : vector<1x16xf32> to vector<16xf32>
      %sub3A_1317 = arith.subf %get3A_1310, %get3A_1316 : vector<16xf32>
      %swap3A_1318 = arith.constant 70 : i32
      %swap3A_1319 = arith.index_cast %swap3A_1318 : i32 to index
      %swap3A_1320 = arith.constant 0 : index
      %swap3A_1321 = tpu.vector_load %arg14[%swap3A_1319, %swap3A_1320] {strides = array<i32>} : memref<128x16xf32, #tpu.memory_space<vmem>>, vector<1x16xf32>,
      %swap3A_1322 = vector.shape_cast %swap3A_1321 : vector<1x16xf32> to vector<16xf32>
      %swap3A_1323 = vector.shape_cast %sub3A_1317 : vector<16xf32> to vector<1x16xf32>
      tpu.vector_store %arg14[%swap3A_1319, %swap3A_1320], %swap3A_1323 {strides = array<i32>} : memref<128x16xf32, #tpu.memory_space<vmem>>, vector<1x16xf32>,
      %get3A_1324 = arith.constant 71 : i32
      %get3A_1325 = arith.index_cast %get3A_1324 : i32 to index
      %get3A_1326 = arith.constant 0 : index
      %get3A_1327 = tpu.vector_load %arg11[%get3A_1325, %get3A_1326] {strides = array<i32>} : memref<128x128xf32, #tpu.memory_space<vmem>>, vector<1x16xf32>,
      %get3A_1328 = vector.shape_cast %get3A_1327 : vector<1x16xf32> to vector<16xf32>
      %add3A_1329 = arith.constant 4 : i32
      %add3A_1330 = arith.addi %mul3A_48, %add3A_1329 : i32
      %get3A_1331 = arith.index_cast %add3A_1330 : i32 to index
      %get3A_1332 = arith.constant 0 : index
      %get3A_1333 = tpu.vector_load %arg13[%get3A_1331, %get3A_1332] {strides = array<i32>} : memref<256x16xf32, #tpu.memory_space<vmem>>, vector<1x16xf32>,
      %get3A_1334 = vector.shape_cast %get3A_1333 : vector<1x16xf32> to vector<16xf32>
      %sub3A_1335 = arith.subf %get3A_1328, %get3A_1334 : vector<16xf32>
      %swap3A_1336 = arith.constant 71 : i32
      %swap3A_1337 = arith.index_cast %swap3A_1336 : i32 to index
      %swap3A_1338 = arith.constant 0 : index
      %swap3A_1339 = tpu.vector_load %arg14[%swap3A_1337, %swap3A_1338] {strides = array<i32>} : memref<128x16xf32, #tpu.memory_space<vmem>>, vector<1x16xf32>,
      %swap3A_1340 = vector.shape_cast %swap3A_1339 : vector<1x16xf32> to vector<16xf32>
      %swap3A_1341 = vector.shape_cast %sub3A_1335 : vector<16xf32> to vector<1x16xf32>
      tpu.vector_store %arg14[%swap3A_1337, %swap3A_1338], %swap3A_1341 {strides = array<i32>} : memref<128x16xf32, #tpu.memory_space<vmem>>, vector<1x16xf32>,
      %get3A_1342 = arith.constant 72 : i32
      %get3A_1343 = arith.index_cast %get3A_1342 : i32 to index
      %get3A_1344 = arith.constant 0 : index
      %get3A_1345 = tpu.vector_load %arg11[%get3A_1343, %get3A_1344] {strides = array<i32>} : memref<128x128xf32, #tpu.memory_space<vmem>>, vector<1x16xf32>,
      %get3A_1346 = vector.shape_cast %get3A_1345 : vector<1x16xf32> to vector<16xf32>
      %add3A_1347 = arith.constant 4 : i32
      %add3A_1348 = arith.addi %mul3A_48, %add3A_1347 : i32
      %get3A_1349 = arith.index_cast %add3A_1348 : i32 to index
      %get3A_1350 = arith.constant 0 : index
      %get3A_1351 = tpu.vector_load %arg13[%get3A_1349, %get3A_1350] {strides = array<i32>} : memref<256x16xf32, #tpu.memory_space<vmem>>, vector<1x16xf32>,
      %get3A_1352 = vector.shape_cast %get3A_1351 : vector<1x16xf32> to vector<16xf32>
      %sub3A_1353 = arith.subf %get3A_1346, %get3A_1352 : vector<16xf32>
      %swap3A_1354 = arith.constant 72 : i32
      %swap3A_1355 = arith.index_cast %swap3A_1354 : i32 to index
      %swap3A_1356 = arith.constant 0 : index
      %swap3A_1357 = tpu.vector_load %arg14[%swap3A_1355, %swap3A_1356] {strides = array<i32>} : memref<128x16xf32, #tpu.memory_space<vmem>>, vector<1x16xf32>,
      %swap3A_1358 = vector.shape_cast %swap3A_1357 : vector<1x16xf32> to vector<16xf32>
      %swap3A_1359 = vector.shape_cast %sub3A_1353 : vector<16xf32> to vector<1x16xf32>
      tpu.vector_store %arg14[%swap3A_1355, %swap3A_1356], %swap3A_1359 {strides = array<i32>} : memref<128x16xf32, #tpu.memory_space<vmem>>, vector<1x16xf32>,
      %get3A_1360 = arith.constant 73 : i32
      %get3A_1361 = arith.index_cast %get3A_1360 : i32 to index
      %get3A_1362 = arith.constant 0 : index
      %get3A_1363 = tpu.vector_load %arg11[%get3A_1361, %get3A_1362] {strides = array<i32>} : memref<128x128xf32, #tpu.memory_space<vmem>>, vector<1x16xf32>,
      %get3A_1364 = vector.shape_cast %get3A_1363 : vector<1x16xf32> to vector<16xf32>
      %add3A_1365 = arith.constant 4 : i32
      %add3A_1366 = arith.addi %mul3A_48, %add3A_1365 : i32
      %get3A_1367 = arith.index_cast %add3A_1366 : i32 to index
      %get3A_1368 = arith.constant 0 : index
      %get3A_1369 = tpu.vector_load %arg13[%get3A_1367, %get3A_1368] {strides = array<i32>} : memref<256x16xf32, #tpu.memory_space<vmem>>, vector<1x16xf32>,
      %get3A_1370 = vector.shape_cast %get3A_1369 : vector<1x16xf32> to vector<16xf32>
      %sub3A_1371 = arith.subf %get3A_1364, %get3A_1370 : vector<16xf32>
      %swap3A_1372 = arith.constant 73 : i32
      %swap3A_1373 = arith.index_cast %swap3A_1372 : i32 to index
      %swap3A_1374 = arith.constant 0 : index
      %swap3A_1375 = tpu.vector_load %arg14[%swap3A_1373, %swap3A_1374] {strides = array<i32>} : memref<128x16xf32, #tpu.memory_space<vmem>>, vector<1x16xf32>,
      %swap3A_1376 = vector.shape_cast %swap3A_1375 : vector<1x16xf32> to vector<16xf32>
      %swap3A_1377 = vector.shape_cast %sub3A_1371 : vector<16xf32> to vector<1x16xf32>
      tpu.vector_store %arg14[%swap3A_1373, %swap3A_1374], %swap3A_1377 {strides = array<i32>} : memref<128x16xf32, #tpu.memory_space<vmem>>, vector<1x16xf32>,
      %get3A_1378 = arith.constant 74 : i32
      %get3A_1379 = arith.index_cast %get3A_1378 : i32 to index
      %get3A_1380 = arith.constant 0 : index
      %get3A_1381 = tpu.vector_load %arg11[%get3A_1379, %get3A_1380] {strides = array<i32>} : memref<128x128xf32, #tpu.memory_space<vmem>>, vector<1x16xf32>,
      %get3A_1382 = vector.shape_cast %get3A_1381 : vector<1x16xf32> to vector<16xf32>
      %add3A_1383 = arith.constant 4 : i32
      %add3A_1384 = arith.addi %mul3A_48, %add3A_1383 : i32
      %get3A_1385 = arith.index_cast %add3A_1384 : i32 to index
      %get3A_1386 = arith.constant 0 : index
      %get3A_1387 = tpu.vector_load %arg13[%get3A_1385, %get3A_1386] {strides = array<i32>} : memref<256x16xf32, #tpu.memory_space<vmem>>, vector<1x16xf32>,
      %get3A_1388 = vector.shape_cast %get3A_1387 : vector<1x16xf32> to vector<16xf32>
      %sub3A_1389 = arith.subf %get3A_1382, %get3A_1388 : vector<16xf32>
      %swap3A_1390 = arith.constant 74 : i32
      %swap3A_1391 = arith.index_cast %swap3A_1390 : i32 to index
      %swap3A_1392 = arith.constant 0 : index
      %swap3A_1393 = tpu.vector_load %arg14[%swap3A_1391, %swap3A_1392] {strides = array<i32>} : memref<128x16xf32, #tpu.memory_space<vmem>>, vector<1x16xf32>,
      %swap3A_1394 = vector.shape_cast %swap3A_1393 : vector<1x16xf32> to vector<16xf32>
      %swap3A_1395 = vector.shape_cast %sub3A_1389 : vector<16xf32> to vector<1x16xf32>
      tpu.vector_store %arg14[%swap3A_1391, %swap3A_1392], %swap3A_1395 {strides = array<i32>} : memref<128x16xf32, #tpu.memory_space<vmem>>, vector<1x16xf32>,
      %get3A_1396 = arith.constant 75 : i32
      %get3A_1397 = arith.index_cast %get3A_1396 : i32 to index
      %get3A_1398 = arith.constant 0 : index
      %get3A_1399 = tpu.vector_load %arg11[%get3A_1397, %get3A_1398] {strides = array<i32>} : memref<128x128xf32, #tpu.memory_space<vmem>>, vector<1x16xf32>,
      %get3A_1400 = vector.shape_cast %get3A_1399 : vector<1x16xf32> to vector<16xf32>
      %add3A_1401 = arith.constant 4 : i32
      %add3A_1402 = arith.addi %mul3A_48, %add3A_1401 : i32
      %get3A_1403 = arith.index_cast %add3A_1402 : i32 to index
      %get3A_1404 = arith.constant 0 : index
      %get3A_1405 = tpu.vector_load %arg13[%get3A_1403, %get3A_1404] {strides = array<i32>} : memref<256x16xf32, #tpu.memory_space<vmem>>, vector<1x16xf32>,
      %get3A_1406 = vector.shape_cast %get3A_1405 : vector<1x16xf32> to vector<16xf32>
      %sub3A_1407 = arith.subf %get3A_1400, %get3A_1406 : vector<16xf32>
      %swap3A_1408 = arith.constant 75 : i32
      %swap3A_1409 = arith.index_cast %swap3A_1408 : i32 to index
      %swap3A_1410 = arith.constant 0 : index
      %swap3A_1411 = tpu.vector_load %arg14[%swap3A_1409, %swap3A_1410] {strides = array<i32>} : memref<128x16xf32, #tpu.memory_space<vmem>>, vector<1x16xf32>,
      %swap3A_1412 = vector.shape_cast %swap3A_1411 : vector<1x16xf32> to vector<16xf32>
      %swap3A_1413 = vector.shape_cast %sub3A_1407 : vector<16xf32> to vector<1x16xf32>
      tpu.vector_store %arg14[%swap3A_1409, %swap3A_1410], %swap3A_1413 {strides = array<i32>} : memref<128x16xf32, #tpu.memory_space<vmem>>, vector<1x16xf32>,
      %get3A_1414 = arith.constant 76 : i32
      %get3A_1415 = arith.index_cast %get3A_1414 : i32 to index
      %get3A_1416 = arith.constant 0 : index
      %get3A_1417 = tpu.vector_load %arg11[%get3A_1415, %get3A_1416] {strides = array<i32>} : memref<128x128xf32, #tpu.memory_space<vmem>>, vector<1x16xf32>,
      %get3A_1418 = vector.shape_cast %get3A_1417 : vector<1x16xf32> to vector<16xf32>
      %add3A_1419 = arith.constant 4 : i32
      %add3A_1420 = arith.addi %mul3A_48, %add3A_1419 : i32
      %get3A_1421 = arith.index_cast %add3A_1420 : i32 to index
      %get3A_1422 = arith.constant 0 : index
      %get3A_1423 = tpu.vector_load %arg13[%get3A_1421, %get3A_1422] {strides = array<i32>} : memref<256x16xf32, #tpu.memory_space<vmem>>, vector<1x16xf32>,
      %get3A_1424 = vector.shape_cast %get3A_1423 : vector<1x16xf32> to vector<16xf32>
      %sub3A_1425 = arith.subf %get3A_1418, %get3A_1424 : vector<16xf32>
      %swap3A_1426 = arith.constant 76 : i32
      %swap3A_1427 = arith.index_cast %swap3A_1426 : i32 to index
      %swap3A_1428 = arith.constant 0 : index
      %swap3A_1429 = tpu.vector_load %arg14[%swap3A_1427, %swap3A_1428] {strides = array<i32>} : memref<128x16xf32, #tpu.memory_space<vmem>>, vector<1x16xf32>,
      %swap3A_1430 = vector.shape_cast %swap3A_1429 : vector<1x16xf32> to vector<16xf32>
      %swap3A_1431 = vector.shape_cast %sub3A_1425 : vector<16xf32> to vector<1x16xf32>
      tpu.vector_store %arg14[%swap3A_1427, %swap3A_1428], %swap3A_1431 {strides = array<i32>} : memref<128x16xf32, #tpu.memory_space<vmem>>, vector<1x16xf32>,
      %get3A_1432 = arith.constant 77 : i32
      %get3A_1433 = arith.index_cast %get3A_1432 : i32 to index
      %get3A_1434 = arith.constant 0 : index
      %get3A_1435 = tpu.vector_load %arg11[%get3A_1433, %get3A_1434] {strides = array<i32>} : memref<128x128xf32, #tpu.memory_space<vmem>>, vector<1x16xf32>,
      %get3A_1436 = vector.shape_cast %get3A_1435 : vector<1x16xf32> to vector<16xf32>
      %add3A_1437 = arith.constant 4 : i32
      %add3A_1438 = arith.addi %mul3A_48, %add3A_1437 : i32
      %get3A_1439 = arith.index_cast %add3A_1438 : i32 to index
      %get3A_1440 = arith.constant 0 : index
      %get3A_1441 = tpu.vector_load %arg13[%get3A_1439, %get3A_1440] {strides = array<i32>} : memref<256x16xf32, #tpu.memory_space<vmem>>, vector<1x16xf32>,
      %get3A_1442 = vector.shape_cast %get3A_1441 : vector<1x16xf32> to vector<16xf32>
      %sub3A_1443 = arith.subf %get3A_1436, %get3A_1442 : vector<16xf32>
      %swap3A_1444 = arith.constant 77 : i32
      %swap3A_1445 = arith.index_cast %swap3A_1444 : i32 to index
      %swap3A_1446 = arith.constant 0 : index
      %swap3A_1447 = tpu.vector_load %arg14[%swap3A_1445, %swap3A_1446] {strides = array<i32>} : memref<128x16xf32, #tpu.memory_space<vmem>>, vector<1x16xf32>,
      %swap3A_1448 = vector.shape_cast %swap3A_1447 : vector<1x16xf32> to vector<16xf32>
      %swap3A_1449 = vector.shape_cast %sub3A_1443 : vector<16xf32> to vector<1x16xf32>
      tpu.vector_store %arg14[%swap3A_1445, %swap3A_1446], %swap3A_1449 {strides = array<i32>} : memref<128x16xf32, #tpu.memory_space<vmem>>, vector<1x16xf32>,
      %get3A_1450 = arith.constant 78 : i32
      %get3A_1451 = arith.index_cast %get3A_1450 : i32 to index
      %get3A_1452 = arith.constant 0 : index
      %get3A_1453 = tpu.vector_load %arg11[%get3A_1451, %get3A_1452] {strides = array<i32>} : memref<128x128xf32, #tpu.memory_space<vmem>>, vector<1x16xf32>,
      %get3A_1454 = vector.shape_cast %get3A_1453 : vector<1x16xf32> to vector<16xf32>
      %add3A_1455 = arith.constant 4 : i32
      %add3A_1456 = arith.addi %mul3A_48, %add3A_1455 : i32
      %get3A_1457 = arith.index_cast %add3A_1456 : i32 to index
      %get3A_1458 = arith.constant 0 : index
      %get3A_1459 = tpu.vector_load %arg13[%get3A_1457, %get3A_1458] {strides = array<i32>} : memref<256x16xf32, #tpu.memory_space<vmem>>, vector<1x16xf32>,
      %get3A_1460 = vector.shape_cast %get3A_1459 : vector<1x16xf32> to vector<16xf32>
      %sub3A_1461 = arith.subf %get3A_1454, %get3A_1460 : vector<16xf32>
      %swap3A_1462 = arith.constant 78 : i32
      %swap3A_1463 = arith.index_cast %swap3A_1462 : i32 to index
      %swap3A_1464 = arith.constant 0 : index
      %swap3A_1465 = tpu.vector_load %arg14[%swap3A_1463, %swap3A_1464] {strides = array<i32>} : memref<128x16xf32, #tpu.memory_space<vmem>>, vector<1x16xf32>,
      %swap3A_1466 = vector.shape_cast %swap3A_1465 : vector<1x16xf32> to vector<16xf32>
      %swap3A_1467 = vector.shape_cast %sub3A_1461 : vector<16xf32> to vector<1x16xf32>
      tpu.vector_store %arg14[%swap3A_1463, %swap3A_1464], %swap3A_1467 {strides = array<i32>} : memref<128x16xf32, #tpu.memory_space<vmem>>, vector<1x16xf32>,
      %get3A_1468 = arith.constant 79 : i32
      %get3A_1469 = arith.index_cast %get3A_1468 : i32 to index
      %get3A_1470 = arith.constant 0 : index
      %get3A_1471 = tpu.vector_load %arg11[%get3A_1469, %get3A_1470] {strides = array<i32>} : memref<128x128xf32, #tpu.memory_space<vmem>>, vector<1x16xf32>,
      %get3A_1472 = vector.shape_cast %get3A_1471 : vector<1x16xf32> to vector<16xf32>
      %add3A_1473 = arith.constant 4 : i32
      %add3A_1474 = arith.addi %mul3A_48, %add3A_1473 : i32
      %get3A_1475 = arith.index_cast %add3A_1474 : i32 to index
      %get3A_1476 = arith.constant 0 : index
      %get3A_1477 = tpu.vector_load %arg13[%get3A_1475, %get3A_1476] {strides = array<i32>} : memref<256x16xf32, #tpu.memory_space<vmem>>, vector<1x16xf32>,
      %get3A_1478 = vector.shape_cast %get3A_1477 : vector<1x16xf32> to vector<16xf32>
      %sub3A_1479 = arith.subf %get3A_1472, %get3A_1478 : vector<16xf32>
      %swap3A_1480 = arith.constant 79 : i32
      %swap3A_1481 = arith.index_cast %swap3A_1480 : i32 to index
      %swap3A_1482 = arith.constant 0 : index
      %swap3A_1483 = tpu.vector_load %arg14[%swap3A_1481, %swap3A_1482] {strides = array<i32>} : memref<128x16xf32, #tpu.memory_space<vmem>>, vector<1x16xf32>,
      %swap3A_1484 = vector.shape_cast %swap3A_1483 : vector<1x16xf32> to vector<16xf32>
      %swap3A_1485 = vector.shape_cast %sub3A_1479 : vector<16xf32> to vector<1x16xf32>
      tpu.vector_store %arg14[%swap3A_1481, %swap3A_1482], %swap3A_1485 {strides = array<i32>} : memref<128x16xf32, #tpu.memory_space<vmem>>, vector<1x16xf32>,
      %get3A_1486 = arith.constant 80 : i32
      %get3A_1487 = arith.index_cast %get3A_1486 : i32 to index
      %get3A_1488 = arith.constant 0 : index
      %get3A_1489 = tpu.vector_load %arg11[%get3A_1487, %get3A_1488] {strides = array<i32>} : memref<128x128xf32, #tpu.memory_space<vmem>>, vector<1x16xf32>,
      %get3A_1490 = vector.shape_cast %get3A_1489 : vector<1x16xf32> to vector<16xf32>
      %add3A_1491 = arith.constant 5 : i32
      %add3A_1492 = arith.addi %mul3A_48, %add3A_1491 : i32
      %get3A_1493 = arith.index_cast %add3A_1492 : i32 to index
      %get3A_1494 = arith.constant 0 : index
      %get3A_1495 = tpu.vector_load %arg13[%get3A_1493, %get3A_1494] {strides = array<i32>} : memref<256x16xf32, #tpu.memory_space<vmem>>, vector<1x16xf32>,
      %get3A_1496 = vector.shape_cast %get3A_1495 : vector<1x16xf32> to vector<16xf32>
      %sub3A_1497 = arith.subf %get3A_1490, %get3A_1496 : vector<16xf32>
      %swap3A_1498 = arith.constant 80 : i32
      %swap3A_1499 = arith.index_cast %swap3A_1498 : i32 to index
      %swap3A_1500 = arith.constant 0 : index
      %swap3A_1501 = tpu.vector_load %arg14[%swap3A_1499, %swap3A_1500] {strides = array<i32>} : memref<128x16xf32, #tpu.memory_space<vmem>>, vector<1x16xf32>,
      %swap3A_1502 = vector.shape_cast %swap3A_1501 : vector<1x16xf32> to vector<16xf32>
      %swap3A_1503 = vector.shape_cast %sub3A_1497 : vector<16xf32> to vector<1x16xf32>
      tpu.vector_store %arg14[%swap3A_1499, %swap3A_1500], %swap3A_1503 {strides = array<i32>} : memref<128x16xf32, #tpu.memory_space<vmem>>, vector<1x16xf32>,
      %get3A_1504 = arith.constant 81 : i32
      %get3A_1505 = arith.index_cast %get3A_1504 : i32 to index
      %get3A_1506 = arith.constant 0 : index
      %get3A_1507 = tpu.vector_load %arg11[%get3A_1505, %get3A_1506] {strides = array<i32>} : memref<128x128xf32, #tpu.memory_space<vmem>>, vector<1x16xf32>,
      %get3A_1508 = vector.shape_cast %get3A_1507 : vector<1x16xf32> to vector<16xf32>
      %add3A_1509 = arith.constant 5 : i32
      %add3A_1510 = arith.addi %mul3A_48, %add3A_1509 : i32
      %get3A_1511 = arith.index_cast %add3A_1510 : i32 to index
      %get3A_1512 = arith.constant 0 : index
      %get3A_1513 = tpu.vector_load %arg13[%get3A_1511, %get3A_1512] {strides = array<i32>} : memref<256x16xf32, #tpu.memory_space<vmem>>, vector<1x16xf32>,
      %get3A_1514 = vector.shape_cast %get3A_1513 : vector<1x16xf32> to vector<16xf32>
      %sub3A_1515 = arith.subf %get3A_1508, %get3A_1514 : vector<16xf32>
      %swap3A_1516 = arith.constant 81 : i32
      %swap3A_1517 = arith.index_cast %swap3A_1516 : i32 to index
      %swap3A_1518 = arith.constant 0 : index
      %swap3A_1519 = tpu.vector_load %arg14[%swap3A_1517, %swap3A_1518] {strides = array<i32>} : memref<128x16xf32, #tpu.memory_space<vmem>>, vector<1x16xf32>,
      %swap3A_1520 = vector.shape_cast %swap3A_1519 : vector<1x16xf32> to vector<16xf32>
      %swap3A_1521 = vector.shape_cast %sub3A_1515 : vector<16xf32> to vector<1x16xf32>
      tpu.vector_store %arg14[%swap3A_1517, %swap3A_1518], %swap3A_1521 {strides = array<i32>} : memref<128x16xf32, #tpu.memory_space<vmem>>, vector<1x16xf32>,
      %get3A_1522 = arith.constant 82 : i32
      %get3A_1523 = arith.index_cast %get3A_1522 : i32 to index
      %get3A_1524 = arith.constant 0 : index
      %get3A_1525 = tpu.vector_load %arg11[%get3A_1523, %get3A_1524] {strides = array<i32>} : memref<128x128xf32, #tpu.memory_space<vmem>>, vector<1x16xf32>,
      %get3A_1526 = vector.shape_cast %get3A_1525 : vector<1x16xf32> to vector<16xf32>
      %add3A_1527 = arith.constant 5 : i32
      %add3A_1528 = arith.addi %mul3A_48, %add3A_1527 : i32
      %get3A_1529 = arith.index_cast %add3A_1528 : i32 to index
      %get3A_1530 = arith.constant 0 : index
      %get3A_1531 = tpu.vector_load %arg13[%get3A_1529, %get3A_1530] {strides = array<i32>} : memref<256x16xf32, #tpu.memory_space<vmem>>, vector<1x16xf32>,
      %get3A_1532 = vector.shape_cast %get3A_1531 : vector<1x16xf32> to vector<16xf32>
      %sub3A_1533 = arith.subf %get3A_1526, %get3A_1532 : vector<16xf32>
      %swap3A_1534 = arith.constant 82 : i32
      %swap3A_1535 = arith.index_cast %swap3A_1534 : i32 to index
      %swap3A_1536 = arith.constant 0 : index
      %swap3A_1537 = tpu.vector_load %arg14[%swap3A_1535, %swap3A_1536] {strides = array<i32>} : memref<128x16xf32, #tpu.memory_space<vmem>>, vector<1x16xf32>,
      %swap3A_1538 = vector.shape_cast %swap3A_1537 : vector<1x16xf32> to vector<16xf32>
      %swap3A_1539 = vector.shape_cast %sub3A_1533 : vector<16xf32> to vector<1x16xf32>
      tpu.vector_store %arg14[%swap3A_1535, %swap3A_1536], %swap3A_1539 {strides = array<i32>} : memref<128x16xf32, #tpu.memory_space<vmem>>, vector<1x16xf32>,
      %get3A_1540 = arith.constant 83 : i32
      %get3A_1541 = arith.index_cast %get3A_1540 : i32 to index
      %get3A_1542 = arith.constant 0 : index
      %get3A_1543 = tpu.vector_load %arg11[%get3A_1541, %get3A_1542] {strides = array<i32>} : memref<128x128xf32, #tpu.memory_space<vmem>>, vector<1x16xf32>,
      %get3A_1544 = vector.shape_cast %get3A_1543 : vector<1x16xf32> to vector<16xf32>
      %add3A_1545 = arith.constant 5 : i32
      %add3A_1546 = arith.addi %mul3A_48, %add3A_1545 : i32
      %get3A_1547 = arith.index_cast %add3A_1546 : i32 to index
      %get3A_1548 = arith.constant 0 : index
      %get3A_1549 = tpu.vector_load %arg13[%get3A_1547, %get3A_1548] {strides = array<i32>} : memref<256x16xf32, #tpu.memory_space<vmem>>, vector<1x16xf32>,
      %get3A_1550 = vector.shape_cast %get3A_1549 : vector<1x16xf32> to vector<16xf32>
      %sub3A_1551 = arith.subf %get3A_1544, %get3A_1550 : vector<16xf32>
      %swap3A_1552 = arith.constant 83 : i32
      %swap3A_1553 = arith.index_cast %swap3A_1552 : i32 to index
      %swap3A_1554 = arith.constant 0 : index
      %swap3A_1555 = tpu.vector_load %arg14[%swap3A_1553, %swap3A_1554] {strides = array<i32>} : memref<128x16xf32, #tpu.memory_space<vmem>>, vector<1x16xf32>,
      %swap3A_1556 = vector.shape_cast %swap3A_1555 : vector<1x16xf32> to vector<16xf32>
      %swap3A_1557 = vector.shape_cast %sub3A_1551 : vector<16xf32> to vector<1x16xf32>
      tpu.vector_store %arg14[%swap3A_1553, %swap3A_1554], %swap3A_1557 {strides = array<i32>} : memref<128x16xf32, #tpu.memory_space<vmem>>, vector<1x16xf32>,
      %get3A_1558 = arith.constant 84 : i32
      %get3A_1559 = arith.index_cast %get3A_1558 : i32 to index
      %get3A_1560 = arith.constant 0 : index
      %get3A_1561 = tpu.vector_load %arg11[%get3A_1559, %get3A_1560] {strides = array<i32>} : memref<128x128xf32, #tpu.memory_space<vmem>>, vector<1x16xf32>,
      %get3A_1562 = vector.shape_cast %get3A_1561 : vector<1x16xf32> to vector<16xf32>
      %add3A_1563 = arith.constant 5 : i32
      %add3A_1564 = arith.addi %mul3A_48, %add3A_1563 : i32
      %get3A_1565 = arith.index_cast %add3A_1564 : i32 to index
      %get3A_1566 = arith.constant 0 : index
      %get3A_1567 = tpu.vector_load %arg13[%get3A_1565, %get3A_1566] {strides = array<i32>} : memref<256x16xf32, #tpu.memory_space<vmem>>, vector<1x16xf32>,
      %get3A_1568 = vector.shape_cast %get3A_1567 : vector<1x16xf32> to vector<16xf32>
      %sub3A_1569 = arith.subf %get3A_1562, %get3A_1568 : vector<16xf32>
      %swap3A_1570 = arith.constant 84 : i32
      %swap3A_1571 = arith.index_cast %swap3A_1570 : i32 to index
      %swap3A_1572 = arith.constant 0 : index
      %swap3A_1573 = tpu.vector_load %arg14[%swap3A_1571, %swap3A_1572] {strides = array<i32>} : memref<128x16xf32, #tpu.memory_space<vmem>>, vector<1x16xf32>,
      %swap3A_1574 = vector.shape_cast %swap3A_1573 : vector<1x16xf32> to vector<16xf32>
      %swap3A_1575 = vector.shape_cast %sub3A_1569 : vector<16xf32> to vector<1x16xf32>
      tpu.vector_store %arg14[%swap3A_1571, %swap3A_1572], %swap3A_1575 {strides = array<i32>} : memref<128x16xf32, #tpu.memory_space<vmem>>, vector<1x16xf32>,
      %get3A_1576 = arith.constant 85 : i32
      %get3A_1577 = arith.index_cast %get3A_1576 : i32 to index
      %get3A_1578 = arith.constant 0 : index
      %get3A_1579 = tpu.vector_load %arg11[%get3A_1577, %get3A_1578] {strides = array<i32>} : memref<128x128xf32, #tpu.memory_space<vmem>>, vector<1x16xf32>,
      %get3A_1580 = vector.shape_cast %get3A_1579 : vector<1x16xf32> to vector<16xf32>
      %add3A_1581 = arith.constant 5 : i32
      %add3A_1582 = arith.addi %mul3A_48, %add3A_1581 : i32
      %get3A_1583 = arith.index_cast %add3A_1582 : i32 to index
      %get3A_1584 = arith.constant 0 : index
      %get3A_1585 = tpu.vector_load %arg13[%get3A_1583, %get3A_1584] {strides = array<i32>} : memref<256x16xf32, #tpu.memory_space<vmem>>, vector<1x16xf32>,
      %get3A_1586 = vector.shape_cast %get3A_1585 : vector<1x16xf32> to vector<16xf32>
      %sub3A_1587 = arith.subf %get3A_1580, %get3A_1586 : vector<16xf32>
      %swap3A_1588 = arith.constant 85 : i32
      %swap3A_1589 = arith.index_cast %swap3A_1588 : i32 to index
      %swap3A_1590 = arith.constant 0 : index
      %swap3A_1591 = tpu.vector_load %arg14[%swap3A_1589, %swap3A_1590] {strides = array<i32>} : memref<128x16xf32, #tpu.memory_space<vmem>>, vector<1x16xf32>,
      %swap3A_1592 = vector.shape_cast %swap3A_1591 : vector<1x16xf32> to vector<16xf32>
      %swap3A_1593 = vector.shape_cast %sub3A_1587 : vector<16xf32> to vector<1x16xf32>
      tpu.vector_store %arg14[%swap3A_1589, %swap3A_1590], %swap3A_1593 {strides = array<i32>} : memref<128x16xf32, #tpu.memory_space<vmem>>, vector<1x16xf32>,
      %get3A_1594 = arith.constant 86 : i32
      %get3A_1595 = arith.index_cast %get3A_1594 : i32 to index
      %get3A_1596 = arith.constant 0 : index
      %get3A_1597 = tpu.vector_load %arg11[%get3A_1595, %get3A_1596] {strides = array<i32>} : memref<128x128xf32, #tpu.memory_space<vmem>>, vector<1x16xf32>,
      %get3A_1598 = vector.shape_cast %get3A_1597 : vector<1x16xf32> to vector<16xf32>
      %add3A_1599 = arith.constant 5 : i32
      %add3A_1600 = arith.addi %mul3A_48, %add3A_1599 : i32
      %get3A_1601 = arith.index_cast %add3A_1600 : i32 to index
      %get3A_1602 = arith.constant 0 : index
      %get3A_1603 = tpu.vector_load %arg13[%get3A_1601, %get3A_1602] {strides = array<i32>} : memref<256x16xf32, #tpu.memory_space<vmem>>, vector<1x16xf32>,
      %get3A_1604 = vector.shape_cast %get3A_1603 : vector<1x16xf32> to vector<16xf32>
      %sub3A_1605 = arith.subf %get3A_1598, %get3A_1604 : vector<16xf32>
      %swap3A_1606 = arith.constant 86 : i32
      %swap3A_1607 = arith.index_cast %swap3A_1606 : i32 to index
      %swap3A_1608 = arith.constant 0 : index
      %swap3A_1609 = tpu.vector_load %arg14[%swap3A_1607, %swap3A_1608] {strides = array<i32>} : memref<128x16xf32, #tpu.memory_space<vmem>>, vector<1x16xf32>,
      %swap3A_1610 = vector.shape_cast %swap3A_1609 : vector<1x16xf32> to vector<16xf32>
      %swap3A_1611 = vector.shape_cast %sub3A_1605 : vector<16xf32> to vector<1x16xf32>
      tpu.vector_store %arg14[%swap3A_1607, %swap3A_1608], %swap3A_1611 {strides = array<i32>} : memref<128x16xf32, #tpu.memory_space<vmem>>, vector<1x16xf32>,
      %get3A_1612 = arith.constant 87 : i32
      %get3A_1613 = arith.index_cast %get3A_1612 : i32 to index
      %get3A_1614 = arith.constant 0 : index
      %get3A_1615 = tpu.vector_load %arg11[%get3A_1613, %get3A_1614] {strides = array<i32>} : memref<128x128xf32, #tpu.memory_space<vmem>>, vector<1x16xf32>,
      %get3A_1616 = vector.shape_cast %get3A_1615 : vector<1x16xf32> to vector<16xf32>
      %add3A_1617 = arith.constant 5 : i32
      %add3A_1618 = arith.addi %mul3A_48, %add3A_1617 : i32
      %get3A_1619 = arith.index_cast %add3A_1618 : i32 to index
      %get3A_1620 = arith.constant 0 : index
      %get3A_1621 = tpu.vector_load %arg13[%get3A_1619, %get3A_1620] {strides = array<i32>} : memref<256x16xf32, #tpu.memory_space<vmem>>, vector<1x16xf32>,
      %get3A_1622 = vector.shape_cast %get3A_1621 : vector<1x16xf32> to vector<16xf32>
      %sub3A_1623 = arith.subf %get3A_1616, %get3A_1622 : vector<16xf32>
      %swap3A_1624 = arith.constant 87 : i32
      %swap3A_1625 = arith.index_cast %swap3A_1624 : i32 to index
      %swap3A_1626 = arith.constant 0 : index
      %swap3A_1627 = tpu.vector_load %arg14[%swap3A_1625, %swap3A_1626] {strides = array<i32>} : memref<128x16xf32, #tpu.memory_space<vmem>>, vector<1x16xf32>,
      %swap3A_1628 = vector.shape_cast %swap3A_1627 : vector<1x16xf32> to vector<16xf32>
      %swap3A_1629 = vector.shape_cast %sub3A_1623 : vector<16xf32> to vector<1x16xf32>
      tpu.vector_store %arg14[%swap3A_1625, %swap3A_1626], %swap3A_1629 {strides = array<i32>} : memref<128x16xf32, #tpu.memory_space<vmem>>, vector<1x16xf32>,
      %get3A_1630 = arith.constant 88 : i32
      %get3A_1631 = arith.index_cast %get3A_1630 : i32 to index
      %get3A_1632 = arith.constant 0 : index
      %get3A_1633 = tpu.vector_load %arg11[%get3A_1631, %get3A_1632] {strides = array<i32>} : memref<128x128xf32, #tpu.memory_space<vmem>>, vector<1x16xf32>,
      %get3A_1634 = vector.shape_cast %get3A_1633 : vector<1x16xf32> to vector<16xf32>
      %add3A_1635 = arith.constant 5 : i32
      %add3A_1636 = arith.addi %mul3A_48, %add3A_1635 : i32
      %get3A_1637 = arith.index_cast %add3A_1636 : i32 to index
      %get3A_1638 = arith.constant 0 : index
      %get3A_1639 = tpu.vector_load %arg13[%get3A_1637, %get3A_1638] {strides = array<i32>} : memref<256x16xf32, #tpu.memory_space<vmem>>, vector<1x16xf32>,
      %get3A_1640 = vector.shape_cast %get3A_1639 : vector<1x16xf32> to vector<16xf32>
      %sub3A_1641 = arith.subf %get3A_1634, %get3A_1640 : vector<16xf32>
      %swap3A_1642 = arith.constant 88 : i32
      %swap3A_1643 = arith.index_cast %swap3A_1642 : i32 to index
      %swap3A_1644 = arith.constant 0 : index
      %swap3A_1645 = tpu.vector_load %arg14[%swap3A_1643, %swap3A_1644] {strides = array<i32>} : memref<128x16xf32, #tpu.memory_space<vmem>>, vector<1x16xf32>,
      %swap3A_1646 = vector.shape_cast %swap3A_1645 : vector<1x16xf32> to vector<16xf32>
      %swap3A_1647 = vector.shape_cast %sub3A_1641 : vector<16xf32> to vector<1x16xf32>
      tpu.vector_store %arg14[%swap3A_1643, %swap3A_1644], %swap3A_1647 {strides = array<i32>} : memref<128x16xf32, #tpu.memory_space<vmem>>, vector<1x16xf32>,
      %get3A_1648 = arith.constant 89 : i32
      %get3A_1649 = arith.index_cast %get3A_1648 : i32 to index
      %get3A_1650 = arith.constant 0 : index
      %get3A_1651 = tpu.vector_load %arg11[%get3A_1649, %get3A_1650] {strides = array<i32>} : memref<128x128xf32, #tpu.memory_space<vmem>>, vector<1x16xf32>,
      %get3A_1652 = vector.shape_cast %get3A_1651 : vector<1x16xf32> to vector<16xf32>
      %add3A_1653 = arith.constant 5 : i32
      %add3A_1654 = arith.addi %mul3A_48, %add3A_1653 : i32
      %get3A_1655 = arith.index_cast %add3A_1654 : i32 to index
      %get3A_1656 = arith.constant 0 : index
      %get3A_1657 = tpu.vector_load %arg13[%get3A_1655, %get3A_1656] {strides = array<i32>} : memref<256x16xf32, #tpu.memory_space<vmem>>, vector<1x16xf32>,
      %get3A_1658 = vector.shape_cast %get3A_1657 : vector<1x16xf32> to vector<16xf32>
      %sub3A_1659 = arith.subf %get3A_1652, %get3A_1658 : vector<16xf32>
      %swap3A_1660 = arith.constant 89 : i32
      %swap3A_1661 = arith.index_cast %swap3A_1660 : i32 to index
      %swap3A_1662 = arith.constant 0 : index
      %swap3A_1663 = tpu.vector_load %arg14[%swap3A_1661, %swap3A_1662] {strides = array<i32>} : memref<128x16xf32, #tpu.memory_space<vmem>>, vector<1x16xf32>,
      %swap3A_1664 = vector.shape_cast %swap3A_1663 : vector<1x16xf32> to vector<16xf32>
      %swap3A_1665 = vector.shape_cast %sub3A_1659 : vector<16xf32> to vector<1x16xf32>
      tpu.vector_store %arg14[%swap3A_1661, %swap3A_1662], %swap3A_1665 {strides = array<i32>} : memref<128x16xf32, #tpu.memory_space<vmem>>, vector<1x16xf32>,
      %get3A_1666 = arith.constant 90 : i32
      %get3A_1667 = arith.index_cast %get3A_1666 : i32 to index
      %get3A_1668 = arith.constant 0 : index
      %get3A_1669 = tpu.vector_load %arg11[%get3A_1667, %get3A_1668] {strides = array<i32>} : memref<128x128xf32, #tpu.memory_space<vmem>>, vector<1x16xf32>,
      %get3A_1670 = vector.shape_cast %get3A_1669 : vector<1x16xf32> to vector<16xf32>
      %add3A_1671 = arith.constant 5 : i32
      %add3A_1672 = arith.addi %mul3A_48, %add3A_1671 : i32
      %get3A_1673 = arith.index_cast %add3A_1672 : i32 to index
      %get3A_1674 = arith.constant 0 : index
      %get3A_1675 = tpu.vector_load %arg13[%get3A_1673, %get3A_1674] {strides = array<i32>} : memref<256x16xf32, #tpu.memory_space<vmem>>, vector<1x16xf32>,
      %get3A_1676 = vector.shape_cast %get3A_1675 : vector<1x16xf32> to vector<16xf32>
      %sub3A_1677 = arith.subf %get3A_1670, %get3A_1676 : vector<16xf32>
      %swap3A_1678 = arith.constant 90 : i32
      %swap3A_1679 = arith.index_cast %swap3A_1678 : i32 to index
      %swap3A_1680 = arith.constant 0 : index
      %swap3A_1681 = tpu.vector_load %arg14[%swap3A_1679, %swap3A_1680] {strides = array<i32>} : memref<128x16xf32, #tpu.memory_space<vmem>>, vector<1x16xf32>,
      %swap3A_1682 = vector.shape_cast %swap3A_1681 : vector<1x16xf32> to vector<16xf32>
      %swap3A_1683 = vector.shape_cast %sub3A_1677 : vector<16xf32> to vector<1x16xf32>
      tpu.vector_store %arg14[%swap3A_1679, %swap3A_1680], %swap3A_1683 {strides = array<i32>} : memref<128x16xf32, #tpu.memory_space<vmem>>, vector<1x16xf32>,
      %get3A_1684 = arith.constant 91 : i32
      %get3A_1685 = arith.index_cast %get3A_1684 : i32 to index
      %get3A_1686 = arith.constant 0 : index
      %get3A_1687 = tpu.vector_load %arg11[%get3A_1685, %get3A_1686] {strides = array<i32>} : memref<128x128xf32, #tpu.memory_space<vmem>>, vector<1x16xf32>,
      %get3A_1688 = vector.shape_cast %get3A_1687 : vector<1x16xf32> to vector<16xf32>
      %add3A_1689 = arith.constant 5 : i32
      %add3A_1690 = arith.addi %mul3A_48, %add3A_1689 : i32
      %get3A_1691 = arith.index_cast %add3A_1690 : i32 to index
      %get3A_1692 = arith.constant 0 : index
      %get3A_1693 = tpu.vector_load %arg13[%get3A_1691, %get3A_1692] {strides = array<i32>} : memref<256x16xf32, #tpu.memory_space<vmem>>, vector<1x16xf32>,
      %get3A_1694 = vector.shape_cast %get3A_1693 : vector<1x16xf32> to vector<16xf32>
      %sub3A_1695 = arith.subf %get3A_1688, %get3A_1694 : vector<16xf32>
      %swap3A_1696 = arith.constant 91 : i32
      %swap3A_1697 = arith.index_cast %swap3A_1696 : i32 to index
      %swap3A_1698 = arith.constant 0 : index
      %swap3A_1699 = tpu.vector_load %arg14[%swap3A_1697, %swap3A_1698] {strides = array<i32>} : memref<128x16xf32, #tpu.memory_space<vmem>>, vector<1x16xf32>,
      %swap3A_1700 = vector.shape_cast %swap3A_1699 : vector<1x16xf32> to vector<16xf32>
      %swap3A_1701 = vector.shape_cast %sub3A_1695 : vector<16xf32> to vector<1x16xf32>
      tpu.vector_store %arg14[%swap3A_1697, %swap3A_1698], %swap3A_1701 {strides = array<i32>} : memref<128x16xf32, #tpu.memory_space<vmem>>, vector<1x16xf32>,
      %get3A_1702 = arith.constant 92 : i32
      %get3A_1703 = arith.index_cast %get3A_1702 : i32 to index
      %get3A_1704 = arith.constant 0 : index
      %get3A_1705 = tpu.vector_load %arg11[%get3A_1703, %get3A_1704] {strides = array<i32>} : memref<128x128xf32, #tpu.memory_space<vmem>>, vector<1x16xf32>,
      %get3A_1706 = vector.shape_cast %get3A_1705 : vector<1x16xf32> to vector<16xf32>
      %add3A_1707 = arith.constant 5 : i32
      %add3A_1708 = arith.addi %mul3A_48, %add3A_1707 : i32
      %get3A_1709 = arith.index_cast %add3A_1708 : i32 to index
      %get3A_1710 = arith.constant 0 : index
      %get3A_1711 = tpu.vector_load %arg13[%get3A_1709, %get3A_1710] {strides = array<i32>} : memref<256x16xf32, #tpu.memory_space<vmem>>, vector<1x16xf32>,
      %get3A_1712 = vector.shape_cast %get3A_1711 : vector<1x16xf32> to vector<16xf32>
      %sub3A_1713 = arith.subf %get3A_1706, %get3A_1712 : vector<16xf32>
      %swap3A_1714 = arith.constant 92 : i32
      %swap3A_1715 = arith.index_cast %swap3A_1714 : i32 to index
      %swap3A_1716 = arith.constant 0 : index
      %swap3A_1717 = tpu.vector_load %arg14[%swap3A_1715, %swap3A_1716] {strides = array<i32>} : memref<128x16xf32, #tpu.memory_space<vmem>>, vector<1x16xf32>,
      %swap3A_1718 = vector.shape_cast %swap3A_1717 : vector<1x16xf32> to vector<16xf32>
      %swap3A_1719 = vector.shape_cast %sub3A_1713 : vector<16xf32> to vector<1x16xf32>
      tpu.vector_store %arg14[%swap3A_1715, %swap3A_1716], %swap3A_1719 {strides = array<i32>} : memref<128x16xf32, #tpu.memory_space<vmem>>, vector<1x16xf32>,
      %get3A_1720 = arith.constant 93 : i32
      %get3A_1721 = arith.index_cast %get3A_1720 : i32 to index
      %get3A_1722 = arith.constant 0 : index
      %get3A_1723 = tpu.vector_load %arg11[%get3A_1721, %get3A_1722] {strides = array<i32>} : memref<128x128xf32, #tpu.memory_space<vmem>>, vector<1x16xf32>,
      %get3A_1724 = vector.shape_cast %get3A_1723 : vector<1x16xf32> to vector<16xf32>
      %add3A_1725 = arith.constant 5 : i32
      %add3A_1726 = arith.addi %mul3A_48, %add3A_1725 : i32
      %get3A_1727 = arith.index_cast %add3A_1726 : i32 to index
      %get3A_1728 = arith.constant 0 : index
      %get3A_1729 = tpu.vector_load %arg13[%get3A_1727, %get3A_1728] {strides = array<i32>} : memref<256x16xf32, #tpu.memory_space<vmem>>, vector<1x16xf32>,
      %get3A_1730 = vector.shape_cast %get3A_1729 : vector<1x16xf32> to vector<16xf32>
      %sub3A_1731 = arith.subf %get3A_1724, %get3A_1730 : vector<16xf32>
      %swap3A_1732 = arith.constant 93 : i32
      %swap3A_1733 = arith.index_cast %swap3A_1732 : i32 to index
      %swap3A_1734 = arith.constant 0 : index
      %swap3A_1735 = tpu.vector_load %arg14[%swap3A_1733, %swap3A_1734] {strides = array<i32>} : memref<128x16xf32, #tpu.memory_space<vmem>>, vector<1x16xf32>,
      %swap3A_1736 = vector.shape_cast %swap3A_1735 : vector<1x16xf32> to vector<16xf32>
      %swap3A_1737 = vector.shape_cast %sub3A_1731 : vector<16xf32> to vector<1x16xf32>
      tpu.vector_store %arg14[%swap3A_1733, %swap3A_1734], %swap3A_1737 {strides = array<i32>} : memref<128x16xf32, #tpu.memory_space<vmem>>, vector<1x16xf32>,
      %get3A_1738 = arith.constant 94 : i32
      %get3A_1739 = arith.index_cast %get3A_1738 : i32 to index
      %get3A_1740 = arith.constant 0 : index
      %get3A_1741 = tpu.vector_load %arg11[%get3A_1739, %get3A_1740] {strides = array<i32>} : memref<128x128xf32, #tpu.memory_space<vmem>>, vector<1x16xf32>,
      %get3A_1742 = vector.shape_cast %get3A_1741 : vector<1x16xf32> to vector<16xf32>
      %add3A_1743 = arith.constant 5 : i32
      %add3A_1744 = arith.addi %mul3A_48, %add3A_1743 : i32
      %get3A_1745 = arith.index_cast %add3A_1744 : i32 to index
      %get3A_1746 = arith.constant 0 : index
      %get3A_1747 = tpu.vector_load %arg13[%get3A_1745, %get3A_1746] {strides = array<i32>} : memref<256x16xf32, #tpu.memory_space<vmem>>, vector<1x16xf32>,
      %get3A_1748 = vector.shape_cast %get3A_1747 : vector<1x16xf32> to vector<16xf32>
      %sub3A_1749 = arith.subf %get3A_1742, %get3A_1748 : vector<16xf32>
      %swap3A_1750 = arith.constant 94 : i32
      %swap3A_1751 = arith.index_cast %swap3A_1750 : i32 to index
      %swap3A_1752 = arith.constant 0 : index
      %swap3A_1753 = tpu.vector_load %arg14[%swap3A_1751, %swap3A_1752] {strides = array<i32>} : memref<128x16xf32, #tpu.memory_space<vmem>>, vector<1x16xf32>,
      %swap3A_1754 = vector.shape_cast %swap3A_1753 : vector<1x16xf32> to vector<16xf32>
      %swap3A_1755 = vector.shape_cast %sub3A_1749 : vector<16xf32> to vector<1x16xf32>
      tpu.vector_store %arg14[%swap3A_1751, %swap3A_1752], %swap3A_1755 {strides = array<i32>} : memref<128x16xf32, #tpu.memory_space<vmem>>, vector<1x16xf32>,
      %get3A_1756 = arith.constant 95 : i32
      %get3A_1757 = arith.index_cast %get3A_1756 : i32 to index
      %get3A_1758 = arith.constant 0 : index
      %get3A_1759 = tpu.vector_load %arg11[%get3A_1757, %get3A_1758] {strides = array<i32>} : memref<128x128xf32, #tpu.memory_space<vmem>>, vector<1x16xf32>,
      %get3A_1760 = vector.shape_cast %get3A_1759 : vector<1x16xf32> to vector<16xf32>
      %add3A_1761 = arith.constant 5 : i32
      %add3A_1762 = arith.addi %mul3A_48, %add3A_1761 : i32
      %get3A_1763 = arith.index_cast %add3A_1762 : i32 to index
      %get3A_1764 = arith.constant 0 : index
      %get3A_1765 = tpu.vector_load %arg13[%get3A_1763, %get3A_1764] {strides = array<i32>} : memref<256x16xf32, #tpu.memory_space<vmem>>, vector<1x16xf32>,
      %get3A_1766 = vector.shape_cast %get3A_1765 : vector<1x16xf32> to vector<16xf32>
      %sub3A_1767 = arith.subf %get3A_1760, %get3A_1766 : vector<16xf32>
      %swap3A_1768 = arith.constant 95 : i32
      %swap3A_1769 = arith.index_cast %swap3A_1768 : i32 to index
      %swap3A_1770 = arith.constant 0 : index
      %swap3A_1771 = tpu.vector_load %arg14[%swap3A_1769, %swap3A_1770] {strides = array<i32>} : memref<128x16xf32, #tpu.memory_space<vmem>>, vector<1x16xf32>,
      %swap3A_1772 = vector.shape_cast %swap3A_1771 : vector<1x16xf32> to vector<16xf32>
      %swap3A_1773 = vector.shape_cast %sub3A_1767 : vector<16xf32> to vector<1x16xf32>
      tpu.vector_store %arg14[%swap3A_1769, %swap3A_1770], %swap3A_1773 {strides = array<i32>} : memref<128x16xf32, #tpu.memory_space<vmem>>, vector<1x16xf32>,
      %get3A_1774 = arith.constant 96 : i32
      %get3A_1775 = arith.index_cast %get3A_1774 : i32 to index
      %get3A_1776 = arith.constant 0 : index
      %get3A_1777 = tpu.vector_load %arg11[%get3A_1775, %get3A_1776] {strides = array<i32>} : memref<128x128xf32, #tpu.memory_space<vmem>>, vector<1x16xf32>,
      %get3A_1778 = vector.shape_cast %get3A_1777 : vector<1x16xf32> to vector<16xf32>
      %add3A_1779 = arith.constant 6 : i32
      %add3A_1780 = arith.addi %mul3A_48, %add3A_1779 : i32
      %get3A_1781 = arith.index_cast %add3A_1780 : i32 to index
      %get3A_1782 = arith.constant 0 : index
      %get3A_1783 = tpu.vector_load %arg13[%get3A_1781, %get3A_1782] {strides = array<i32>} : memref<256x16xf32, #tpu.memory_space<vmem>>, vector<1x16xf32>,
      %get3A_1784 = vector.shape_cast %get3A_1783 : vector<1x16xf32> to vector<16xf32>
      %sub3A_1785 = arith.subf %get3A_1778, %get3A_1784 : vector<16xf32>
      %swap3A_1786 = arith.constant 96 : i32
      %swap3A_1787 = arith.index_cast %swap3A_1786 : i32 to index
      %swap3A_1788 = arith.constant 0 : index
      %swap3A_1789 = tpu.vector_load %arg14[%swap3A_1787, %swap3A_1788] {strides = array<i32>} : memref<128x16xf32, #tpu.memory_space<vmem>>, vector<1x16xf32>,
      %swap3A_1790 = vector.shape_cast %swap3A_1789 : vector<1x16xf32> to vector<16xf32>
      %swap3A_1791 = vector.shape_cast %sub3A_1785 : vector<16xf32> to vector<1x16xf32>
      tpu.vector_store %arg14[%swap3A_1787, %swap3A_1788], %swap3A_1791 {strides = array<i32>} : memref<128x16xf32, #tpu.memory_space<vmem>>, vector<1x16xf32>,
      %get3A_1792 = arith.constant 97 : i32
      %get3A_1793 = arith.index_cast %get3A_1792 : i32 to index
      %get3A_1794 = arith.constant 0 : index
      %get3A_1795 = tpu.vector_load %arg11[%get3A_1793, %get3A_1794] {strides = array<i32>} : memref<128x128xf32, #tpu.memory_space<vmem>>, vector<1x16xf32>,
      %get3A_1796 = vector.shape_cast %get3A_1795 : vector<1x16xf32> to vector<16xf32>
      %add3A_1797 = arith.constant 6 : i32
      %add3A_1798 = arith.addi %mul3A_48, %add3A_1797 : i32
      %get3A_1799 = arith.index_cast %add3A_1798 : i32 to index
      %get3A_1800 = arith.constant 0 : index
      %get3A_1801 = tpu.vector_load %arg13[%get3A_1799, %get3A_1800] {strides = array<i32>} : memref<256x16xf32, #tpu.memory_space<vmem>>, vector<1x16xf32>,
      %get3A_1802 = vector.shape_cast %get3A_1801 : vector<1x16xf32> to vector<16xf32>
      %sub3A_1803 = arith.subf %get3A_1796, %get3A_1802 : vector<16xf32>
      %swap3A_1804 = arith.constant 97 : i32
      %swap3A_1805 = arith.index_cast %swap3A_1804 : i32 to index
      %swap3A_1806 = arith.constant 0 : index
      %swap3A_1807 = tpu.vector_load %arg14[%swap3A_1805, %swap3A_1806] {strides = array<i32>} : memref<128x16xf32, #tpu.memory_space<vmem>>, vector<1x16xf32>,
      %swap3A_1808 = vector.shape_cast %swap3A_1807 : vector<1x16xf32> to vector<16xf32>
      %swap3A_1809 = vector.shape_cast %sub3A_1803 : vector<16xf32> to vector<1x16xf32>
      tpu.vector_store %arg14[%swap3A_1805, %swap3A_1806], %swap3A_1809 {strides = array<i32>} : memref<128x16xf32, #tpu.memory_space<vmem>>, vector<1x16xf32>,
      %get3A_1810 = arith.constant 98 : i32
      %get3A_1811 = arith.index_cast %get3A_1810 : i32 to index
      %get3A_1812 = arith.constant 0 : index
      %get3A_1813 = tpu.vector_load %arg11[%get3A_1811, %get3A_1812] {strides = array<i32>} : memref<128x128xf32, #tpu.memory_space<vmem>>, vector<1x16xf32>,
      %get3A_1814 = vector.shape_cast %get3A_1813 : vector<1x16xf32> to vector<16xf32>
      %add3A_1815 = arith.constant 6 : i32
      %add3A_1816 = arith.addi %mul3A_48, %add3A_1815 : i32
      %get3A_1817 = arith.index_cast %add3A_1816 : i32 to index
      %get3A_1818 = arith.constant 0 : index
      %get3A_1819 = tpu.vector_load %arg13[%get3A_1817, %get3A_1818] {strides = array<i32>} : memref<256x16xf32, #tpu.memory_space<vmem>>, vector<1x16xf32>,
      %get3A_1820 = vector.shape_cast %get3A_1819 : vector<1x16xf32> to vector<16xf32>
      %sub3A_1821 = arith.subf %get3A_1814, %get3A_1820 : vector<16xf32>
      %swap3A_1822 = arith.constant 98 : i32
      %swap3A_1823 = arith.index_cast %swap3A_1822 : i32 to index
      %swap3A_1824 = arith.constant 0 : index
      %swap3A_1825 = tpu.vector_load %arg14[%swap3A_1823, %swap3A_1824] {strides = array<i32>} : memref<128x16xf32, #tpu.memory_space<vmem>>, vector<1x16xf32>,
      %swap3A_1826 = vector.shape_cast %swap3A_1825 : vector<1x16xf32> to vector<16xf32>
      %swap3A_1827 = vector.shape_cast %sub3A_1821 : vector<16xf32> to vector<1x16xf32>
      tpu.vector_store %arg14[%swap3A_1823, %swap3A_1824], %swap3A_1827 {strides = array<i32>} : memref<128x16xf32, #tpu.memory_space<vmem>>, vector<1x16xf32>,
      %get3A_1828 = arith.constant 99 : i32
      %get3A_1829 = arith.index_cast %get3A_1828 : i32 to index
      %get3A_1830 = arith.constant 0 : index
      %get3A_1831 = tpu.vector_load %arg11[%get3A_1829, %get3A_1830] {strides = array<i32>} : memref<128x128xf32, #tpu.memory_space<vmem>>, vector<1x16xf32>,
      %get3A_1832 = vector.shape_cast %get3A_1831 : vector<1x16xf32> to vector<16xf32>
      %add3A_1833 = arith.constant 6 : i32
      %add3A_1834 = arith.addi %mul3A_48, %add3A_1833 : i32
      %get3A_1835 = arith.index_cast %add3A_1834 : i32 to index
      %get3A_1836 = arith.constant 0 : index
      %get3A_1837 = tpu.vector_load %arg13[%get3A_1835, %get3A_1836] {strides = array<i32>} : memref<256x16xf32, #tpu.memory_space<vmem>>, vector<1x16xf32>,
      %get3A_1838 = vector.shape_cast %get3A_1837 : vector<1x16xf32> to vector<16xf32>
      %sub3A_1839 = arith.subf %get3A_1832, %get3A_1838 : vector<16xf32>
      %swap3A_1840 = arith.constant 99 : i32
      %swap3A_1841 = arith.index_cast %swap3A_1840 : i32 to index
      %swap3A_1842 = arith.constant 0 : index
      %swap3A_1843 = tpu.vector_load %arg14[%swap3A_1841, %swap3A_1842] {strides = array<i32>} : memref<128x16xf32, #tpu.memory_space<vmem>>, vector<1x16xf32>,
      %swap3A_1844 = vector.shape_cast %swap3A_1843 : vector<1x16xf32> to vector<16xf32>
      %swap3A_1845 = vector.shape_cast %sub3A_1839 : vector<16xf32> to vector<1x16xf32>
      tpu.vector_store %arg14[%swap3A_1841, %swap3A_1842], %swap3A_1845 {strides = array<i32>} : memref<128x16xf32, #tpu.memory_space<vmem>>, vector<1x16xf32>,
      %get3A_1846 = arith.constant 100 : i32
      %get3A_1847 = arith.index_cast %get3A_1846 : i32 to index
      %get3A_1848 = arith.constant 0 : index
      %get3A_1849 = tpu.vector_load %arg11[%get3A_1847, %get3A_1848] {strides = array<i32>} : memref<128x128xf32, #tpu.memory_space<vmem>>, vector<1x16xf32>,
      %get3A_1850 = vector.shape_cast %get3A_1849 : vector<1x16xf32> to vector<16xf32>
      %add3A_1851 = arith.constant 6 : i32
      %add3A_1852 = arith.addi %mul3A_48, %add3A_1851 : i32
      %get3A_1853 = arith.index_cast %add3A_1852 : i32 to index
      %get3A_1854 = arith.constant 0 : index
      %get3A_1855 = tpu.vector_load %arg13[%get3A_1853, %get3A_1854] {strides = array<i32>} : memref<256x16xf32, #tpu.memory_space<vmem>>, vector<1x16xf32>,
      %get3A_1856 = vector.shape_cast %get3A_1855 : vector<1x16xf32> to vector<16xf32>
      %sub3A_1857 = arith.subf %get3A_1850, %get3A_1856 : vector<16xf32>
      %swap3A_1858 = arith.constant 100 : i32
      %swap3A_1859 = arith.index_cast %swap3A_1858 : i32 to index
      %swap3A_1860 = arith.constant 0 : index
      %swap3A_1861 = tpu.vector_load %arg14[%swap3A_1859, %swap3A_1860] {strides = array<i32>} : memref<128x16xf32, #tpu.memory_space<vmem>>, vector<1x16xf32>,
      %swap3A_1862 = vector.shape_cast %swap3A_1861 : vector<1x16xf32> to vector<16xf32>
      %swap3A_1863 = vector.shape_cast %sub3A_1857 : vector<16xf32> to vector<1x16xf32>
      tpu.vector_store %arg14[%swap3A_1859, %swap3A_1860], %swap3A_1863 {strides = array<i32>} : memref<128x16xf32, #tpu.memory_space<vmem>>, vector<1x16xf32>,
      %get3A_1864 = arith.constant 101 : i32
      %get3A_1865 = arith.index_cast %get3A_1864 : i32 to index
      %get3A_1866 = arith.constant 0 : index
      %get3A_1867 = tpu.vector_load %arg11[%get3A_1865, %get3A_1866] {strides = array<i32>} : memref<128x128xf32, #tpu.memory_space<vmem>>, vector<1x16xf32>,
      %get3A_1868 = vector.shape_cast %get3A_1867 : vector<1x16xf32> to vector<16xf32>
      %add3A_1869 = arith.constant 6 : i32
      %add3A_1870 = arith.addi %mul3A_48, %add3A_1869 : i32
      %get3A_1871 = arith.index_cast %add3A_1870 : i32 to index
      %get3A_1872 = arith.constant 0 : index
      %get3A_1873 = tpu.vector_load %arg13[%get3A_1871, %get3A_1872] {strides = array<i32>} : memref<256x16xf32, #tpu.memory_space<vmem>>, vector<1x16xf32>,
      %get3A_1874 = vector.shape_cast %get3A_1873 : vector<1x16xf32> to vector<16xf32>
      %sub3A_1875 = arith.subf %get3A_1868, %get3A_1874 : vector<16xf32>
      %swap3A_1876 = arith.constant 101 : i32
      %swap3A_1877 = arith.index_cast %swap3A_1876 : i32 to index
      %swap3A_1878 = arith.constant 0 : index
      %swap3A_1879 = tpu.vector_load %arg14[%swap3A_1877, %swap3A_1878] {strides = array<i32>} : memref<128x16xf32, #tpu.memory_space<vmem>>, vector<1x16xf32>,
      %swap3A_1880 = vector.shape_cast %swap3A_1879 : vector<1x16xf32> to vector<16xf32>
      %swap3A_1881 = vector.shape_cast %sub3A_1875 : vector<16xf32> to vector<1x16xf32>
      tpu.vector_store %arg14[%swap3A_1877, %swap3A_1878], %swap3A_1881 {strides = array<i32>} : memref<128x16xf32, #tpu.memory_space<vmem>>, vector<1x16xf32>,
      %get3A_1882 = arith.constant 102 : i32
      %get3A_1883 = arith.index_cast %get3A_1882 : i32 to index
      %get3A_1884 = arith.constant 0 : index
      %get3A_1885 = tpu.vector_load %arg11[%get3A_1883, %get3A_1884] {strides = array<i32>} : memref<128x128xf32, #tpu.memory_space<vmem>>, vector<1x16xf32>,
      %get3A_1886 = vector.shape_cast %get3A_1885 : vector<1x16xf32> to vector<16xf32>
      %add3A_1887 = arith.constant 6 : i32
      %add3A_1888 = arith.addi %mul3A_48, %add3A_1887 : i32
      %get3A_1889 = arith.index_cast %add3A_1888 : i32 to index
      %get3A_1890 = arith.constant 0 : index
      %get3A_1891 = tpu.vector_load %arg13[%get3A_1889, %get3A_1890] {strides = array<i32>} : memref<256x16xf32, #tpu.memory_space<vmem>>, vector<1x16xf32>,
      %get3A_1892 = vector.shape_cast %get3A_1891 : vector<1x16xf32> to vector<16xf32>
      %sub3A_1893 = arith.subf %get3A_1886, %get3A_1892 : vector<16xf32>
      %swap3A_1894 = arith.constant 102 : i32
      %swap3A_1895 = arith.index_cast %swap3A_1894 : i32 to index
      %swap3A_1896 = arith.constant 0 : index
      %swap3A_1897 = tpu.vector_load %arg14[%swap3A_1895, %swap3A_1896] {strides = array<i32>} : memref<128x16xf32, #tpu.memory_space<vmem>>, vector<1x16xf32>,
      %swap3A_1898 = vector.shape_cast %swap3A_1897 : vector<1x16xf32> to vector<16xf32>
      %swap3A_1899 = vector.shape_cast %sub3A_1893 : vector<16xf32> to vector<1x16xf32>
      tpu.vector_store %arg14[%swap3A_1895, %swap3A_1896], %swap3A_1899 {strides = array<i32>} : memref<128x16xf32, #tpu.memory_space<vmem>>, vector<1x16xf32>,
      %get3A_1900 = arith.constant 103 : i32
      %get3A_1901 = arith.index_cast %get3A_1900 : i32 to index
      %get3A_1902 = arith.constant 0 : index
      %get3A_1903 = tpu.vector_load %arg11[%get3A_1901, %get3A_1902] {strides = array<i32>} : memref<128x128xf32, #tpu.memory_space<vmem>>, vector<1x16xf32>,
      %get3A_1904 = vector.shape_cast %get3A_1903 : vector<1x16xf32> to vector<16xf32>
      %add3A_1905 = arith.constant 6 : i32
      %add3A_1906 = arith.addi %mul3A_48, %add3A_1905 : i32
      %get3A_1907 = arith.index_cast %add3A_1906 : i32 to index
      %get3A_1908 = arith.constant 0 : index
      %get3A_1909 = tpu.vector_load %arg13[%get3A_1907, %get3A_1908] {strides = array<i32>} : memref<256x16xf32, #tpu.memory_space<vmem>>, vector<1x16xf32>,
      %get3A_1910 = vector.shape_cast %get3A_1909 : vector<1x16xf32> to vector<16xf32>
      %sub3A_1911 = arith.subf %get3A_1904, %get3A_1910 : vector<16xf32>
      %swap3A_1912 = arith.constant 103 : i32
      %swap3A_1913 = arith.index_cast %swap3A_1912 : i32 to index
      %swap3A_1914 = arith.constant 0 : index
      %swap3A_1915 = tpu.vector_load %arg14[%swap3A_1913, %swap3A_1914] {strides = array<i32>} : memref<128x16xf32, #tpu.memory_space<vmem>>, vector<1x16xf32>,
      %swap3A_1916 = vector.shape_cast %swap3A_1915 : vector<1x16xf32> to vector<16xf32>
      %swap3A_1917 = vector.shape_cast %sub3A_1911 : vector<16xf32> to vector<1x16xf32>
      tpu.vector_store %arg14[%swap3A_1913, %swap3A_1914], %swap3A_1917 {strides = array<i32>} : memref<128x16xf32, #tpu.memory_space<vmem>>, vector<1x16xf32>,
      %get3A_1918 = arith.constant 104 : i32
      %get3A_1919 = arith.index_cast %get3A_1918 : i32 to index
      %get3A_1920 = arith.constant 0 : index
      %get3A_1921 = tpu.vector_load %arg11[%get3A_1919, %get3A_1920] {strides = array<i32>} : memref<128x128xf32, #tpu.memory_space<vmem>>, vector<1x16xf32>,
      %get3A_1922 = vector.shape_cast %get3A_1921 : vector<1x16xf32> to vector<16xf32>
      %add3A_1923 = arith.constant 6 : i32
      %add3A_1924 = arith.addi %mul3A_48, %add3A_1923 : i32
      %get3A_1925 = arith.index_cast %add3A_1924 : i32 to index
      %get3A_1926 = arith.constant 0 : index
      %get3A_1927 = tpu.vector_load %arg13[%get3A_1925, %get3A_1926] {strides = array<i32>} : memref<256x16xf32, #tpu.memory_space<vmem>>, vector<1x16xf32>,
      %get3A_1928 = vector.shape_cast %get3A_1927 : vector<1x16xf32> to vector<16xf32>
      %sub3A_1929 = arith.subf %get3A_1922, %get3A_1928 : vector<16xf32>
      %swap3A_1930 = arith.constant 104 : i32
      %swap3A_1931 = arith.index_cast %swap3A_1930 : i32 to index
      %swap3A_1932 = arith.constant 0 : index
      %swap3A_1933 = tpu.vector_load %arg14[%swap3A_1931, %swap3A_1932] {strides = array<i32>} : memref<128x16xf32, #tpu.memory_space<vmem>>, vector<1x16xf32>,
      %swap3A_1934 = vector.shape_cast %swap3A_1933 : vector<1x16xf32> to vector<16xf32>
      %swap3A_1935 = vector.shape_cast %sub3A_1929 : vector<16xf32> to vector<1x16xf32>
      tpu.vector_store %arg14[%swap3A_1931, %swap3A_1932], %swap3A_1935 {strides = array<i32>} : memref<128x16xf32, #tpu.memory_space<vmem>>, vector<1x16xf32>,
      %get3A_1936 = arith.constant 105 : i32
      %get3A_1937 = arith.index_cast %get3A_1936 : i32 to index
      %get3A_1938 = arith.constant 0 : index
      %get3A_1939 = tpu.vector_load %arg11[%get3A_1937, %get3A_1938] {strides = array<i32>} : memref<128x128xf32, #tpu.memory_space<vmem>>, vector<1x16xf32>,
      %get3A_1940 = vector.shape_cast %get3A_1939 : vector<1x16xf32> to vector<16xf32>
      %add3A_1941 = arith.constant 6 : i32
      %add3A_1942 = arith.addi %mul3A_48, %add3A_1941 : i32
      %get3A_1943 = arith.index_cast %add3A_1942 : i32 to index
      %get3A_1944 = arith.constant 0 : index
      %get3A_1945 = tpu.vector_load %arg13[%get3A_1943, %get3A_1944] {strides = array<i32>} : memref<256x16xf32, #tpu.memory_space<vmem>>, vector<1x16xf32>,
      %get3A_1946 = vector.shape_cast %get3A_1945 : vector<1x16xf32> to vector<16xf32>
      %sub3A_1947 = arith.subf %get3A_1940, %get3A_1946 : vector<16xf32>
      %swap3A_1948 = arith.constant 105 : i32
      %swap3A_1949 = arith.index_cast %swap3A_1948 : i32 to index
      %swap3A_1950 = arith.constant 0 : index
      %swap3A_1951 = tpu.vector_load %arg14[%swap3A_1949, %swap3A_1950] {strides = array<i32>} : memref<128x16xf32, #tpu.memory_space<vmem>>, vector<1x16xf32>,
      %swap3A_1952 = vector.shape_cast %swap3A_1951 : vector<1x16xf32> to vector<16xf32>
      %swap3A_1953 = vector.shape_cast %sub3A_1947 : vector<16xf32> to vector<1x16xf32>
      tpu.vector_store %arg14[%swap3A_1949, %swap3A_1950], %swap3A_1953 {strides = array<i32>} : memref<128x16xf32, #tpu.memory_space<vmem>>, vector<1x16xf32>,
      %get3A_1954 = arith.constant 106 : i32
      %get3A_1955 = arith.index_cast %get3A_1954 : i32 to index
      %get3A_1956 = arith.constant 0 : index
      %get3A_1957 = tpu.vector_load %arg11[%get3A_1955, %get3A_1956] {strides = array<i32>} : memref<128x128xf32, #tpu.memory_space<vmem>>, vector<1x16xf32>,
      %get3A_1958 = vector.shape_cast %get3A_1957 : vector<1x16xf32> to vector<16xf32>
      %add3A_1959 = arith.constant 6 : i32
      %add3A_1960 = arith.addi %mul3A_48, %add3A_1959 : i32
      %get3A_1961 = arith.index_cast %add3A_1960 : i32 to index
      %get3A_1962 = arith.constant 0 : index
      %get3A_1963 = tpu.vector_load %arg13[%get3A_1961, %get3A_1962] {strides = array<i32>} : memref<256x16xf32, #tpu.memory_space<vmem>>, vector<1x16xf32>,
      %get3A_1964 = vector.shape_cast %get3A_1963 : vector<1x16xf32> to vector<16xf32>
      %sub3A_1965 = arith.subf %get3A_1958, %get3A_1964 : vector<16xf32>
      %swap3A_1966 = arith.constant 106 : i32
      %swap3A_1967 = arith.index_cast %swap3A_1966 : i32 to index
      %swap3A_1968 = arith.constant 0 : index
      %swap3A_1969 = tpu.vector_load %arg14[%swap3A_1967, %swap3A_1968] {strides = array<i32>} : memref<128x16xf32, #tpu.memory_space<vmem>>, vector<1x16xf32>,
      %swap3A_1970 = vector.shape_cast %swap3A_1969 : vector<1x16xf32> to vector<16xf32>
      %swap3A_1971 = vector.shape_cast %sub3A_1965 : vector<16xf32> to vector<1x16xf32>
      tpu.vector_store %arg14[%swap3A_1967, %swap3A_1968], %swap3A_1971 {strides = array<i32>} : memref<128x16xf32, #tpu.memory_space<vmem>>, vector<1x16xf32>,
      %get3A_1972 = arith.constant 107 : i32
      %get3A_1973 = arith.index_cast %get3A_1972 : i32 to index
      %get3A_1974 = arith.constant 0 : index
      %get3A_1975 = tpu.vector_load %arg11[%get3A_1973, %get3A_1974] {strides = array<i32>} : memref<128x128xf32, #tpu.memory_space<vmem>>, vector<1x16xf32>,
      %get3A_1976 = vector.shape_cast %get3A_1975 : vector<1x16xf32> to vector<16xf32>
      %add3A_1977 = arith.constant 6 : i32
      %add3A_1978 = arith.addi %mul3A_48, %add3A_1977 : i32
      %get3A_1979 = arith.index_cast %add3A_1978 : i32 to index
      %get3A_1980 = arith.constant 0 : index
      %get3A_1981 = tpu.vector_load %arg13[%get3A_1979, %get3A_1980] {strides = array<i32>} : memref<256x16xf32, #tpu.memory_space<vmem>>, vector<1x16xf32>,
      %get3A_1982 = vector.shape_cast %get3A_1981 : vector<1x16xf32> to vector<16xf32>
      %sub3A_1983 = arith.subf %get3A_1976, %get3A_1982 : vector<16xf32>
      %swap3A_1984 = arith.constant 107 : i32
      %swap3A_1985 = arith.index_cast %swap3A_1984 : i32 to index
      %swap3A_1986 = arith.constant 0 : index
      %swap3A_1987 = tpu.vector_load %arg14[%swap3A_1985, %swap3A_1986] {strides = array<i32>} : memref<128x16xf32, #tpu.memory_space<vmem>>, vector<1x16xf32>,
      %swap3A_1988 = vector.shape_cast %swap3A_1987 : vector<1x16xf32> to vector<16xf32>
      %swap3A_1989 = vector.shape_cast %sub3A_1983 : vector<16xf32> to vector<1x16xf32>
      tpu.vector_store %arg14[%swap3A_1985, %swap3A_1986], %swap3A_1989 {strides = array<i32>} : memref<128x16xf32, #tpu.memory_space<vmem>>, vector<1x16xf32>,
      %get3A_1990 = arith.constant 108 : i32
      %get3A_1991 = arith.index_cast %get3A_1990 : i32 to index
      %get3A_1992 = arith.constant 0 : index
      %get3A_1993 = tpu.vector_load %arg11[%get3A_1991, %get3A_1992] {strides = array<i32>} : memref<128x128xf32, #tpu.memory_space<vmem>>, vector<1x16xf32>,
      %get3A_1994 = vector.shape_cast %get3A_1993 : vector<1x16xf32> to vector<16xf32>
      %add3A_1995 = arith.constant 6 : i32
      %add3A_1996 = arith.addi %mul3A_48, %add3A_1995 : i32
      %get3A_1997 = arith.index_cast %add3A_1996 : i32 to index
      %get3A_1998 = arith.constant 0 : index
      %get3A_1999 = tpu.vector_load %arg13[%get3A_1997, %get3A_1998] {strides = array<i32>} : memref<256x16xf32, #tpu.memory_space<vmem>>, vector<1x16xf32>,
      %get3A_2000 = vector.shape_cast %get3A_1999 : vector<1x16xf32> to vector<16xf32>
      %sub3A_2001 = arith.subf %get3A_1994, %get3A_2000 : vector<16xf32>
      %swap3A_2002 = arith.constant 108 : i32
      %swap3A_2003 = arith.index_cast %swap3A_2002 : i32 to index
      %swap3A_2004 = arith.constant 0 : index
      %swap3A_2005 = tpu.vector_load %arg14[%swap3A_2003, %swap3A_2004] {strides = array<i32>} : memref<128x16xf32, #tpu.memory_space<vmem>>, vector<1x16xf32>,
      %swap3A_2006 = vector.shape_cast %swap3A_2005 : vector<1x16xf32> to vector<16xf32>
      %swap3A_2007 = vector.shape_cast %sub3A_2001 : vector<16xf32> to vector<1x16xf32>
      tpu.vector_store %arg14[%swap3A_2003, %swap3A_2004], %swap3A_2007 {strides = array<i32>} : memref<128x16xf32, #tpu.memory_space<vmem>>, vector<1x16xf32>,
      %get3A_2008 = arith.constant 109 : i32
      %get3A_2009 = arith.index_cast %get3A_2008 : i32 to index
      %get3A_2010 = arith.constant 0 : index
      %get3A_2011 = tpu.vector_load %arg11[%get3A_2009, %get3A_2010] {strides = array<i32>} : memref<128x128xf32, #tpu.memory_space<vmem>>, vector<1x16xf32>,
      %get3A_2012 = vector.shape_cast %get3A_2011 : vector<1x16xf32> to vector<16xf32>
      %add3A_2013 = arith.constant 6 : i32
      %add3A_2014 = arith.addi %mul3A_48, %add3A_2013 : i32
      %get3A_2015 = arith.index_cast %add3A_2014 : i32 to index
      %get3A_2016 = arith.constant 0 : index
      %get3A_2017 = tpu.vector_load %arg13[%get3A_2015, %get3A_2016] {strides = array<i32>} : memref<256x16xf32, #tpu.memory_space<vmem>>, vector<1x16xf32>,
      %get3A_2018 = vector.shape_cast %get3A_2017 : vector<1x16xf32> to vector<16xf32>
      %sub3A_2019 = arith.subf %get3A_2012, %get3A_2018 : vector<16xf32>
      %swap3A_2020 = arith.constant 109 : i32
      %swap3A_2021 = arith.index_cast %swap3A_2020 : i32 to index
      %swap3A_2022 = arith.constant 0 : index
      %swap3A_2023 = tpu.vector_load %arg14[%swap3A_2021, %swap3A_2022] {strides = array<i32>} : memref<128x16xf32, #tpu.memory_space<vmem>>, vector<1x16xf32>,
      %swap3A_2024 = vector.shape_cast %swap3A_2023 : vector<1x16xf32> to vector<16xf32>
      %swap3A_2025 = vector.shape_cast %sub3A_2019 : vector<16xf32> to vector<1x16xf32>
      tpu.vector_store %arg14[%swap3A_2021, %swap3A_2022], %swap3A_2025 {strides = array<i32>} : memref<128x16xf32, #tpu.memory_space<vmem>>, vector<1x16xf32>,
      %get3A_2026 = arith.constant 110 : i32
      %get3A_2027 = arith.index_cast %get3A_2026 : i32 to index
      %get3A_2028 = arith.constant 0 : index
      %get3A_2029 = tpu.vector_load %arg11[%get3A_2027, %get3A_2028] {strides = array<i32>} : memref<128x128xf32, #tpu.memory_space<vmem>>, vector<1x16xf32>,
      %get3A_2030 = vector.shape_cast %get3A_2029 : vector<1x16xf32> to vector<16xf32>
      %add3A_2031 = arith.constant 6 : i32
      %add3A_2032 = arith.addi %mul3A_48, %add3A_2031 : i32
      %get3A_2033 = arith.index_cast %add3A_2032 : i32 to index
      %get3A_2034 = arith.constant 0 : index
      %get3A_2035 = tpu.vector_load %arg13[%get3A_2033, %get3A_2034] {strides = array<i32>} : memref<256x16xf32, #tpu.memory_space<vmem>>, vector<1x16xf32>,
      %get3A_2036 = vector.shape_cast %get3A_2035 : vector<1x16xf32> to vector<16xf32>
      %sub3A_2037 = arith.subf %get3A_2030, %get3A_2036 : vector<16xf32>
      %swap3A_2038 = arith.constant 110 : i32
      %swap3A_2039 = arith.index_cast %swap3A_2038 : i32 to index
      %swap3A_2040 = arith.constant 0 : index
      %swap3A_2041 = tpu.vector_load %arg14[%swap3A_2039, %swap3A_2040] {strides = array<i32>} : memref<128x16xf32, #tpu.memory_space<vmem>>, vector<1x16xf32>,
      %swap3A_2042 = vector.shape_cast %swap3A_2041 : vector<1x16xf32> to vector<16xf32>
      %swap3A_2043 = vector.shape_cast %sub3A_2037 : vector<16xf32> to vector<1x16xf32>
      tpu.vector_store %arg14[%swap3A_2039, %swap3A_2040], %swap3A_2043 {strides = array<i32>} : memref<128x16xf32, #tpu.memory_space<vmem>>, vector<1x16xf32>,
      %get3A_2044 = arith.constant 111 : i32
      %get3A_2045 = arith.index_cast %get3A_2044 : i32 to index
      %get3A_2046 = arith.constant 0 : index
      %get3A_2047 = tpu.vector_load %arg11[%get3A_2045, %get3A_2046] {strides = array<i32>} : memref<128x128xf32, #tpu.memory_space<vmem>>, vector<1x16xf32>,
      %get3A_2048 = vector.shape_cast %get3A_2047 : vector<1x16xf32> to vector<16xf32>
      %add3A_2049 = arith.constant 6 : i32
      %add3A_2050 = arith.addi %mul3A_48, %add3A_2049 : i32
      %get3A_2051 = arith.index_cast %add3A_2050 : i32 to index
      %get3A_2052 = arith.constant 0 : index
      %get3A_2053 = tpu.vector_load %arg13[%get3A_2051, %get3A_2052] {strides = array<i32>} : memref<256x16xf32, #tpu.memory_space<vmem>>, vector<1x16xf32>,
      %get3A_2054 = vector.shape_cast %get3A_2053 : vector<1x16xf32> to vector<16xf32>
      %sub3A_2055 = arith.subf %get3A_2048, %get3A_2054 : vector<16xf32>
      %swap3A_2056 = arith.constant 111 : i32
      %swap3A_2057 = arith.index_cast %swap3A_2056 : i32 to index
      %swap3A_2058 = arith.constant 0 : index
      %swap3A_2059 = tpu.vector_load %arg14[%swap3A_2057, %swap3A_2058] {strides = array<i32>} : memref<128x16xf32, #tpu.memory_space<vmem>>, vector<1x16xf32>,
      %swap3A_2060 = vector.shape_cast %swap3A_2059 : vector<1x16xf32> to vector<16xf32>
      %swap3A_2061 = vector.shape_cast %sub3A_2055 : vector<16xf32> to vector<1x16xf32>
      tpu.vector_store %arg14[%swap3A_2057, %swap3A_2058], %swap3A_2061 {strides = array<i32>} : memref<128x16xf32, #tpu.memory_space<vmem>>, vector<1x16xf32>,
      %get3A_2062 = arith.constant 112 : i32
      %get3A_2063 = arith.index_cast %get3A_2062 : i32 to index
      %get3A_2064 = arith.constant 0 : index
      %get3A_2065 = tpu.vector_load %arg11[%get3A_2063, %get3A_2064] {strides = array<i32>} : memref<128x128xf32, #tpu.memory_space<vmem>>, vector<1x16xf32>,
      %get3A_2066 = vector.shape_cast %get3A_2065 : vector<1x16xf32> to vector<16xf32>
      %add3A_2067 = arith.constant 7 : i32
      %add3A_2068 = arith.addi %mul3A_48, %add3A_2067 : i32
      %get3A_2069 = arith.index_cast %add3A_2068 : i32 to index
      %get3A_2070 = arith.constant 0 : index
      %get3A_2071 = tpu.vector_load %arg13[%get3A_2069, %get3A_2070] {strides = array<i32>} : memref<256x16xf32, #tpu.memory_space<vmem>>, vector<1x16xf32>,
      %get3A_2072 = vector.shape_cast %get3A_2071 : vector<1x16xf32> to vector<16xf32>
      %sub3A_2073 = arith.subf %get3A_2066, %get3A_2072 : vector<16xf32>
      %swap3A_2074 = arith.constant 112 : i32
      %swap3A_2075 = arith.index_cast %swap3A_2074 : i32 to index
      %swap3A_2076 = arith.constant 0 : index
      %swap3A_2077 = tpu.vector_load %arg14[%swap3A_2075, %swap3A_2076] {strides = array<i32>} : memref<128x16xf32, #tpu.memory_space<vmem>>, vector<1x16xf32>,
      %swap3A_2078 = vector.shape_cast %swap3A_2077 : vector<1x16xf32> to vector<16xf32>
      %swap3A_2079 = vector.shape_cast %sub3A_2073 : vector<16xf32> to vector<1x16xf32>
      tpu.vector_store %arg14[%swap3A_2075, %swap3A_2076], %swap3A_2079 {strides = array<i32>} : memref<128x16xf32, #tpu.memory_space<vmem>>, vector<1x16xf32>,
      %get3A_2080 = arith.constant 113 : i32
      %get3A_2081 = arith.index_cast %get3A_2080 : i32 to index
      %get3A_2082 = arith.constant 0 : index
      %get3A_2083 = tpu.vector_load %arg11[%get3A_2081, %get3A_2082] {strides = array<i32>} : memref<128x128xf32, #tpu.memory_space<vmem>>, vector<1x16xf32>,
      %get3A_2084 = vector.shape_cast %get3A_2083 : vector<1x16xf32> to vector<16xf32>
      %add3A_2085 = arith.constant 7 : i32
      %add3A_2086 = arith.addi %mul3A_48, %add3A_2085 : i32
      %get3A_2087 = arith.index_cast %add3A_2086 : i32 to index
      %get3A_2088 = arith.constant 0 : index
      %get3A_2089 = tpu.vector_load %arg13[%get3A_2087, %get3A_2088] {strides = array<i32>} : memref<256x16xf32, #tpu.memory_space<vmem>>, vector<1x16xf32>,
      %get3A_2090 = vector.shape_cast %get3A_2089 : vector<1x16xf32> to vector<16xf32>
      %sub3A_2091 = arith.subf %get3A_2084, %get3A_2090 : vector<16xf32>
      %swap3A_2092 = arith.constant 113 : i32
      %swap3A_2093 = arith.index_cast %swap3A_2092 : i32 to index
      %swap3A_2094 = arith.constant 0 : index
      %swap3A_2095 = tpu.vector_load %arg14[%swap3A_2093, %swap3A_2094] {strides = array<i32>} : memref<128x16xf32, #tpu.memory_space<vmem>>, vector<1x16xf32>,
      %swap3A_2096 = vector.shape_cast %swap3A_2095 : vector<1x16xf32> to vector<16xf32>
      %swap3A_2097 = vector.shape_cast %sub3A_2091 : vector<16xf32> to vector<1x16xf32>
      tpu.vector_store %arg14[%swap3A_2093, %swap3A_2094], %swap3A_2097 {strides = array<i32>} : memref<128x16xf32, #tpu.memory_space<vmem>>, vector<1x16xf32>,
      %get3A_2098 = arith.constant 114 : i32
      %get3A_2099 = arith.index_cast %get3A_2098 : i32 to index
      %get3A_2100 = arith.constant 0 : index
      %get3A_2101 = tpu.vector_load %arg11[%get3A_2099, %get3A_2100] {strides = array<i32>} : memref<128x128xf32, #tpu.memory_space<vmem>>, vector<1x16xf32>,
      %get3A_2102 = vector.shape_cast %get3A_2101 : vector<1x16xf32> to vector<16xf32>
      %add3A_2103 = arith.constant 7 : i32
      %add3A_2104 = arith.addi %mul3A_48, %add3A_2103 : i32
      %get3A_2105 = arith.index_cast %add3A_2104 : i32 to index
      %get3A_2106 = arith.constant 0 : index
      %get3A_2107 = tpu.vector_load %arg13[%get3A_2105, %get3A_2106] {strides = array<i32>} : memref<256x16xf32, #tpu.memory_space<vmem>>, vector<1x16xf32>,
      %get3A_2108 = vector.shape_cast %get3A_2107 : vector<1x16xf32> to vector<16xf32>
      %sub3A_2109 = arith.subf %get3A_2102, %get3A_2108 : vector<16xf32>
      %swap3A_2110 = arith.constant 114 : i32
      %swap3A_2111 = arith.index_cast %swap3A_2110 : i32 to index
      %swap3A_2112 = arith.constant 0 : index
      %swap3A_2113 = tpu.vector_load %arg14[%swap3A_2111, %swap3A_2112] {strides = array<i32>} : memref<128x16xf32, #tpu.memory_space<vmem>>, vector<1x16xf32>,
      %swap3A_2114 = vector.shape_cast %swap3A_2113 : vector<1x16xf32> to vector<16xf32>
      %swap3A_2115 = vector.shape_cast %sub3A_2109 : vector<16xf32> to vector<1x16xf32>
      tpu.vector_store %arg14[%swap3A_2111, %swap3A_2112], %swap3A_2115 {strides = array<i32>} : memref<128x16xf32, #tpu.memory_space<vmem>>, vector<1x16xf32>,
      %get3A_2116 = arith.constant 115 : i32
      %get3A_2117 = arith.index_cast %get3A_2116 : i32 to index
      %get3A_2118 = arith.constant 0 : index
      %get3A_2119 = tpu.vector_load %arg11[%get3A_2117, %get3A_2118] {strides = array<i32>} : memref<128x128xf32, #tpu.memory_space<vmem>>, vector<1x16xf32>,
      %get3A_2120 = vector.shape_cast %get3A_2119 : vector<1x16xf32> to vector<16xf32>
      %add3A_2121 = arith.constant 7 : i32
      %add3A_2122 = arith.addi %mul3A_48, %add3A_2121 : i32
      %get3A_2123 = arith.index_cast %add3A_2122 : i32 to index
      %get3A_2124 = arith.constant 0 : index
      %get3A_2125 = tpu.vector_load %arg13[%get3A_2123, %get3A_2124] {strides = array<i32>} : memref<256x16xf32, #tpu.memory_space<vmem>>, vector<1x16xf32>,
      %get3A_2126 = vector.shape_cast %get3A_2125 : vector<1x16xf32> to vector<16xf32>
      %sub3A_2127 = arith.subf %get3A_2120, %get3A_2126 : vector<16xf32>
      %swap3A_2128 = arith.constant 115 : i32
      %swap3A_2129 = arith.index_cast %swap3A_2128 : i32 to index
      %swap3A_2130 = arith.constant 0 : index
      %swap3A_2131 = tpu.vector_load %arg14[%swap3A_2129, %swap3A_2130] {strides = array<i32>} : memref<128x16xf32, #tpu.memory_space<vmem>>, vector<1x16xf32>,
      %swap3A_2132 = vector.shape_cast %swap3A_2131 : vector<1x16xf32> to vector<16xf32>
      %swap3A_2133 = vector.shape_cast %sub3A_2127 : vector<16xf32> to vector<1x16xf32>
      tpu.vector_store %arg14[%swap3A_2129, %swap3A_2130], %swap3A_2133 {strides = array<i32>} : memref<128x16xf32, #tpu.memory_space<vmem>>, vector<1x16xf32>,
      %get3A_2134 = arith.constant 116 : i32
      %get3A_2135 = arith.index_cast %get3A_2134 : i32 to index
      %get3A_2136 = arith.constant 0 : index
      %get3A_2137 = tpu.vector_load %arg11[%get3A_2135, %get3A_2136] {strides = array<i32>} : memref<128x128xf32, #tpu.memory_space<vmem>>, vector<1x16xf32>,
      %get3A_2138 = vector.shape_cast %get3A_2137 : vector<1x16xf32> to vector<16xf32>
      %add3A_2139 = arith.constant 7 : i32
      %add3A_2140 = arith.addi %mul3A_48, %add3A_2139 : i32
      %get3A_2141 = arith.index_cast %add3A_2140 : i32 to index
      %get3A_2142 = arith.constant 0 : index
      %get3A_2143 = tpu.vector_load %arg13[%get3A_2141, %get3A_2142] {strides = array<i32>} : memref<256x16xf32, #tpu.memory_space<vmem>>, vector<1x16xf32>,
      %get3A_2144 = vector.shape_cast %get3A_2143 : vector<1x16xf32> to vector<16xf32>
      %sub3A_2145 = arith.subf %get3A_2138, %get3A_2144 : vector<16xf32>
      %swap3A_2146 = arith.constant 116 : i32
      %swap3A_2147 = arith.index_cast %swap3A_2146 : i32 to index
      %swap3A_2148 = arith.constant 0 : index
      %swap3A_2149 = tpu.vector_load %arg14[%swap3A_2147, %swap3A_2148] {strides = array<i32>} : memref<128x16xf32, #tpu.memory_space<vmem>>, vector<1x16xf32>,
      %swap3A_2150 = vector.shape_cast %swap3A_2149 : vector<1x16xf32> to vector<16xf32>
      %swap3A_2151 = vector.shape_cast %sub3A_2145 : vector<16xf32> to vector<1x16xf32>
      tpu.vector_store %arg14[%swap3A_2147, %swap3A_2148], %swap3A_2151 {strides = array<i32>} : memref<128x16xf32, #tpu.memory_space<vmem>>, vector<1x16xf32>,
      %get3A_2152 = arith.constant 117 : i32
      %get3A_2153 = arith.index_cast %get3A_2152 : i32 to index
      %get3A_2154 = arith.constant 0 : index
      %get3A_2155 = tpu.vector_load %arg11[%get3A_2153, %get3A_2154] {strides = array<i32>} : memref<128x128xf32, #tpu.memory_space<vmem>>, vector<1x16xf32>,
      %get3A_2156 = vector.shape_cast %get3A_2155 : vector<1x16xf32> to vector<16xf32>
      %add3A_2157 = arith.constant 7 : i32
      %add3A_2158 = arith.addi %mul3A_48, %add3A_2157 : i32
      %get3A_2159 = arith.index_cast %add3A_2158 : i32 to index
      %get3A_2160 = arith.constant 0 : index
      %get3A_2161 = tpu.vector_load %arg13[%get3A_2159, %get3A_2160] {strides = array<i32>} : memref<256x16xf32, #tpu.memory_space<vmem>>, vector<1x16xf32>,
      %get3A_2162 = vector.shape_cast %get3A_2161 : vector<1x16xf32> to vector<16xf32>
      %sub3A_2163 = arith.subf %get3A_2156, %get3A_2162 : vector<16xf32>
      %swap3A_2164 = arith.constant 117 : i32
      %swap3A_2165 = arith.index_cast %swap3A_2164 : i32 to index
      %swap3A_2166 = arith.constant 0 : index
      %swap3A_2167 = tpu.vector_load %arg14[%swap3A_2165, %swap3A_2166] {strides = array<i32>} : memref<128x16xf32, #tpu.memory_space<vmem>>, vector<1x16xf32>,
      %swap3A_2168 = vector.shape_cast %swap3A_2167 : vector<1x16xf32> to vector<16xf32>
      %swap3A_2169 = vector.shape_cast %sub3A_2163 : vector<16xf32> to vector<1x16xf32>
      tpu.vector_store %arg14[%swap3A_2165, %swap3A_2166], %swap3A_2169 {strides = array<i32>} : memref<128x16xf32, #tpu.memory_space<vmem>>, vector<1x16xf32>,
      %get3A_2170 = arith.constant 118 : i32
      %get3A_2171 = arith.index_cast %get3A_2170 : i32 to index
      %get3A_2172 = arith.constant 0 : index
      %get3A_2173 = tpu.vector_load %arg11[%get3A_2171, %get3A_2172] {strides = array<i32>} : memref<128x128xf32, #tpu.memory_space<vmem>>, vector<1x16xf32>,
      %get3A_2174 = vector.shape_cast %get3A_2173 : vector<1x16xf32> to vector<16xf32>
      %add3A_2175 = arith.constant 7 : i32
      %add3A_2176 = arith.addi %mul3A_48, %add3A_2175 : i32
      %get3A_2177 = arith.index_cast %add3A_2176 : i32 to index
      %get3A_2178 = arith.constant 0 : index
      %get3A_2179 = tpu.vector_load %arg13[%get3A_2177, %get3A_2178] {strides = array<i32>} : memref<256x16xf32, #tpu.memory_space<vmem>>, vector<1x16xf32>,
      %get3A_2180 = vector.shape_cast %get3A_2179 : vector<1x16xf32> to vector<16xf32>
      %sub3A_2181 = arith.subf %get3A_2174, %get3A_2180 : vector<16xf32>
      %swap3A_2182 = arith.constant 118 : i32
      %swap3A_2183 = arith.index_cast %swap3A_2182 : i32 to index
      %swap3A_2184 = arith.constant 0 : index
      %swap3A_2185 = tpu.vector_load %arg14[%swap3A_2183, %swap3A_2184] {strides = array<i32>} : memref<128x16xf32, #tpu.memory_space<vmem>>, vector<1x16xf32>,
      %swap3A_2186 = vector.shape_cast %swap3A_2185 : vector<1x16xf32> to vector<16xf32>
      %swap3A_2187 = vector.shape_cast %sub3A_2181 : vector<16xf32> to vector<1x16xf32>
      tpu.vector_store %arg14[%swap3A_2183, %swap3A_2184], %swap3A_2187 {strides = array<i32>} : memref<128x16xf32, #tpu.memory_space<vmem>>, vector<1x16xf32>,
      %get3A_2188 = arith.constant 119 : i32
      %get3A_2189 = arith.index_cast %get3A_2188 : i32 to index
      %get3A_2190 = arith.constant 0 : index
      %get3A_2191 = tpu.vector_load %arg11[%get3A_2189, %get3A_2190] {strides = array<i32>} : memref<128x128xf32, #tpu.memory_space<vmem>>, vector<1x16xf32>,
      %get3A_2192 = vector.shape_cast %get3A_2191 : vector<1x16xf32> to vector<16xf32>
      %add3A_2193 = arith.constant 7 : i32
      %add3A_2194 = arith.addi %mul3A_48, %add3A_2193 : i32
      %get3A_2195 = arith.index_cast %add3A_2194 : i32 to index
      %get3A_2196 = arith.constant 0 : index
      %get3A_2197 = tpu.vector_load %arg13[%get3A_2195, %get3A_2196] {strides = array<i32>} : memref<256x16xf32, #tpu.memory_space<vmem>>, vector<1x16xf32>,
      %get3A_2198 = vector.shape_cast %get3A_2197 : vector<1x16xf32> to vector<16xf32>
      %sub3A_2199 = arith.subf %get3A_2192, %get3A_2198 : vector<16xf32>
      %swap3A_2200 = arith.constant 119 : i32
      %swap3A_2201 = arith.index_cast %swap3A_2200 : i32 to index
      %swap3A_2202 = arith.constant 0 : index
      %swap3A_2203 = tpu.vector_load %arg14[%swap3A_2201, %swap3A_2202] {strides = array<i32>} : memref<128x16xf32, #tpu.memory_space<vmem>>, vector<1x16xf32>,
      %swap3A_2204 = vector.shape_cast %swap3A_2203 : vector<1x16xf32> to vector<16xf32>
      %swap3A_2205 = vector.shape_cast %sub3A_2199 : vector<16xf32> to vector<1x16xf32>
      tpu.vector_store %arg14[%swap3A_2201, %swap3A_2202], %swap3A_2205 {strides = array<i32>} : memref<128x16xf32, #tpu.memory_space<vmem>>, vector<1x16xf32>,
      %get3A_2206 = arith.constant 120 : i32
      %get3A_2207 = arith.index_cast %get3A_2206 : i32 to index
      %get3A_2208 = arith.constant 0 : index
      %get3A_2209 = tpu.vector_load %arg11[%get3A_2207, %get3A_2208] {strides = array<i32>} : memref<128x128xf32, #tpu.memory_space<vmem>>, vector<1x16xf32>,
      %get3A_2210 = vector.shape_cast %get3A_2209 : vector<1x16xf32> to vector<16xf32>
      %add3A_2211 = arith.constant 7 : i32
      %add3A_2212 = arith.addi %mul3A_48, %add3A_2211 : i32
      %get3A_2213 = arith.index_cast %add3A_2212 : i32 to index
      %get3A_2214 = arith.constant 0 : index
      %get3A_2215 = tpu.vector_load %arg13[%get3A_2213, %get3A_2214] {strides = array<i32>} : memref<256x16xf32, #tpu.memory_space<vmem>>, vector<1x16xf32>,
      %get3A_2216 = vector.shape_cast %get3A_2215 : vector<1x16xf32> to vector<16xf32>
      %sub3A_2217 = arith.subf %get3A_2210, %get3A_2216 : vector<16xf32>
      %swap3A_2218 = arith.constant 120 : i32
      %swap3A_2219 = arith.index_cast %swap3A_2218 : i32 to index
      %swap3A_2220 = arith.constant 0 : index
      %swap3A_2221 = tpu.vector_load %arg14[%swap3A_2219, %swap3A_2220] {strides = array<i32>} : memref<128x16xf32, #tpu.memory_space<vmem>>, vector<1x16xf32>,
      %swap3A_2222 = vector.shape_cast %swap3A_2221 : vector<1x16xf32> to vector<16xf32>
      %swap3A_2223 = vector.shape_cast %sub3A_2217 : vector<16xf32> to vector<1x16xf32>
      tpu.vector_store %arg14[%swap3A_2219, %swap3A_2220], %swap3A_2223 {strides = array<i32>} : memref<128x16xf32, #tpu.memory_space<vmem>>, vector<1x16xf32>,
      %get3A_2224 = arith.constant 121 : i32
      %get3A_2225 = arith.index_cast %get3A_2224 : i32 to index
      %get3A_2226 = arith.constant 0 : index
      %get3A_2227 = tpu.vector_load %arg11[%get3A_2225, %get3A_2226] {strides = array<i32>} : memref<128x128xf32, #tpu.memory_space<vmem>>, vector<1x16xf32>,
      %get3A_2228 = vector.shape_cast %get3A_2227 : vector<1x16xf32> to vector<16xf32>
      %add3A_2229 = arith.constant 7 : i32
      %add3A_2230 = arith.addi %mul3A_48, %add3A_2229 : i32
      %get3A_2231 = arith.index_cast %add3A_2230 : i32 to index
      %get3A_2232 = arith.constant 0 : index
      %get3A_2233 = tpu.vector_load %arg13[%get3A_2231, %get3A_2232] {strides = array<i32>} : memref<256x16xf32, #tpu.memory_space<vmem>>, vector<1x16xf32>,
      %get3A_2234 = vector.shape_cast %get3A_2233 : vector<1x16xf32> to vector<16xf32>
      %sub3A_2235 = arith.subf %get3A_2228, %get3A_2234 : vector<16xf32>
      %swap3A_2236 = arith.constant 121 : i32
      %swap3A_2237 = arith.index_cast %swap3A_2236 : i32 to index
      %swap3A_2238 = arith.constant 0 : index
      %swap3A_2239 = tpu.vector_load %arg14[%swap3A_2237, %swap3A_2238] {strides = array<i32>} : memref<128x16xf32, #tpu.memory_space<vmem>>, vector<1x16xf32>,
      %swap3A_2240 = vector.shape_cast %swap3A_2239 : vector<1x16xf32> to vector<16xf32>
      %swap3A_2241 = vector.shape_cast %sub3A_2235 : vector<16xf32> to vector<1x16xf32>
      tpu.vector_store %arg14[%swap3A_2237, %swap3A_2238], %swap3A_2241 {strides = array<i32>} : memref<128x16xf32, #tpu.memory_space<vmem>>, vector<1x16xf32>,
      %get3A_2242 = arith.constant 122 : i32
      %get3A_2243 = arith.index_cast %get3A_2242 : i32 to index
      %get3A_2244 = arith.constant 0 : index
      %get3A_2245 = tpu.vector_load %arg11[%get3A_2243, %get3A_2244] {strides = array<i32>} : memref<128x128xf32, #tpu.memory_space<vmem>>, vector<1x16xf32>,
      %get3A_2246 = vector.shape_cast %get3A_2245 : vector<1x16xf32> to vector<16xf32>
      %add3A_2247 = arith.constant 7 : i32
      %add3A_2248 = arith.addi %mul3A_48, %add3A_2247 : i32
      %get3A_2249 = arith.index_cast %add3A_2248 : i32 to index
      %get3A_2250 = arith.constant 0 : index
      %get3A_2251 = tpu.vector_load %arg13[%get3A_2249, %get3A_2250] {strides = array<i32>} : memref<256x16xf32, #tpu.memory_space<vmem>>, vector<1x16xf32>,
      %get3A_2252 = vector.shape_cast %get3A_2251 : vector<1x16xf32> to vector<16xf32>
      %sub3A_2253 = arith.subf %get3A_2246, %get3A_2252 : vector<16xf32>
      %swap3A_2254 = arith.constant 122 : i32
      %swap3A_2255 = arith.index_cast %swap3A_2254 : i32 to index
      %swap3A_2256 = arith.constant 0 : index
      %swap3A_2257 = tpu.vector_load %arg14[%swap3A_2255, %swap3A_2256] {strides = array<i32>} : memref<128x16xf32, #tpu.memory_space<vmem>>, vector<1x16xf32>,
      %swap3A_2258 = vector.shape_cast %swap3A_2257 : vector<1x16xf32> to vector<16xf32>
      %swap3A_2259 = vector.shape_cast %sub3A_2253 : vector<16xf32> to vector<1x16xf32>
      tpu.vector_store %arg14[%swap3A_2255, %swap3A_2256], %swap3A_2259 {strides = array<i32>} : memref<128x16xf32, #tpu.memory_space<vmem>>, vector<1x16xf32>,
      %get3A_2260 = arith.constant 123 : i32
      %get3A_2261 = arith.index_cast %get3A_2260 : i32 to index
      %get3A_2262 = arith.constant 0 : index
      %get3A_2263 = tpu.vector_load %arg11[%get3A_2261, %get3A_2262] {strides = array<i32>} : memref<128x128xf32, #tpu.memory_space<vmem>>, vector<1x16xf32>,
      %get3A_2264 = vector.shape_cast %get3A_2263 : vector<1x16xf32> to vector<16xf32>
      %add3A_2265 = arith.constant 7 : i32
      %add3A_2266 = arith.addi %mul3A_48, %add3A_2265 : i32
      %get3A_2267 = arith.index_cast %add3A_2266 : i32 to index
      %get3A_2268 = arith.constant 0 : index
      %get3A_2269 = tpu.vector_load %arg13[%get3A_2267, %get3A_2268] {strides = array<i32>} : memref<256x16xf32, #tpu.memory_space<vmem>>, vector<1x16xf32>,
      %get3A_2270 = vector.shape_cast %get3A_2269 : vector<1x16xf32> to vector<16xf32>
      %sub3A_2271 = arith.subf %get3A_2264, %get3A_2270 : vector<16xf32>
      %swap3A_2272 = arith.constant 123 : i32
      %swap3A_2273 = arith.index_cast %swap3A_2272 : i32 to index
      %swap3A_2274 = arith.constant 0 : index
      %swap3A_2275 = tpu.vector_load %arg14[%swap3A_2273, %swap3A_2274] {strides = array<i32>} : memref<128x16xf32, #tpu.memory_space<vmem>>, vector<1x16xf32>,
      %swap3A_2276 = vector.shape_cast %swap3A_2275 : vector<1x16xf32> to vector<16xf32>
      %swap3A_2277 = vector.shape_cast %sub3A_2271 : vector<16xf32> to vector<1x16xf32>
      tpu.vector_store %arg14[%swap3A_2273, %swap3A_2274], %swap3A_2277 {strides = array<i32>} : memref<128x16xf32, #tpu.memory_space<vmem>>, vector<1x16xf32>,
      %get3A_2278 = arith.constant 124 : i32
      %get3A_2279 = arith.index_cast %get3A_2278 : i32 to index
      %get3A_2280 = arith.constant 0 : index
      %get3A_2281 = tpu.vector_load %arg11[%get3A_2279, %get3A_2280] {strides = array<i32>} : memref<128x128xf32, #tpu.memory_space<vmem>>, vector<1x16xf32>,
      %get3A_2282 = vector.shape_cast %get3A_2281 : vector<1x16xf32> to vector<16xf32>
      %add3A_2283 = arith.constant 7 : i32
      %add3A_2284 = arith.addi %mul3A_48, %add3A_2283 : i32
      %get3A_2285 = arith.index_cast %add3A_2284 : i32 to index
      %get3A_2286 = arith.constant 0 : index
      %get3A_2287 = tpu.vector_load %arg13[%get3A_2285, %get3A_2286] {strides = array<i32>} : memref<256x16xf32, #tpu.memory_space<vmem>>, vector<1x16xf32>,
      %get3A_2288 = vector.shape_cast %get3A_2287 : vector<1x16xf32> to vector<16xf32>
      %sub3A_2289 = arith.subf %get3A_2282, %get3A_2288 : vector<16xf32>
      %swap3A_2290 = arith.constant 124 : i32
      %swap3A_2291 = arith.index_cast %swap3A_2290 : i32 to index
      %swap3A_2292 = arith.constant 0 : index
      %swap3A_2293 = tpu.vector_load %arg14[%swap3A_2291, %swap3A_2292] {strides = array<i32>} : memref<128x16xf32, #tpu.memory_space<vmem>>, vector<1x16xf32>,
      %swap3A_2294 = vector.shape_cast %swap3A_2293 : vector<1x16xf32> to vector<16xf32>
      %swap3A_2295 = vector.shape_cast %sub3A_2289 : vector<16xf32> to vector<1x16xf32>
      tpu.vector_store %arg14[%swap3A_2291, %swap3A_2292], %swap3A_2295 {strides = array<i32>} : memref<128x16xf32, #tpu.memory_space<vmem>>, vector<1x16xf32>,
      %get3A_2296 = arith.constant 125 : i32
      %get3A_2297 = arith.index_cast %get3A_2296 : i32 to index
      %get3A_2298 = arith.constant 0 : index
      %get3A_2299 = tpu.vector_load %arg11[%get3A_2297, %get3A_2298] {strides = array<i32>} : memref<128x128xf32, #tpu.memory_space<vmem>>, vector<1x16xf32>,
      %get3A_2300 = vector.shape_cast %get3A_2299 : vector<1x16xf32> to vector<16xf32>
      %add3A_2301 = arith.constant 7 : i32
      %add3A_2302 = arith.addi %mul3A_48, %add3A_2301 : i32
      %get3A_2303 = arith.index_cast %add3A_2302 : i32 to index
      %get3A_2304 = arith.constant 0 : index
      %get3A_2305 = tpu.vector_load %arg13[%get3A_2303, %get3A_2304] {strides = array<i32>} : memref<256x16xf32, #tpu.memory_space<vmem>>, vector<1x16xf32>,
      %get3A_2306 = vector.shape_cast %get3A_2305 : vector<1x16xf32> to vector<16xf32>
      %sub3A_2307 = arith.subf %get3A_2300, %get3A_2306 : vector<16xf32>
      %swap3A_2308 = arith.constant 125 : i32
      %swap3A_2309 = arith.index_cast %swap3A_2308 : i32 to index
      %swap3A_2310 = arith.constant 0 : index
      %swap3A_2311 = tpu.vector_load %arg14[%swap3A_2309, %swap3A_2310] {strides = array<i32>} : memref<128x16xf32, #tpu.memory_space<vmem>>, vector<1x16xf32>,
      %swap3A_2312 = vector.shape_cast %swap3A_2311 : vector<1x16xf32> to vector<16xf32>
      %swap3A_2313 = vector.shape_cast %sub3A_2307 : vector<16xf32> to vector<1x16xf32>
      tpu.vector_store %arg14[%swap3A_2309, %swap3A_2310], %swap3A_2313 {strides = array<i32>} : memref<128x16xf32, #tpu.memory_space<vmem>>, vector<1x16xf32>,
      %get3A_2314 = arith.constant 126 : i32
      %get3A_2315 = arith.index_cast %get3A_2314 : i32 to index
      %get3A_2316 = arith.constant 0 : index
      %get3A_2317 = tpu.vector_load %arg11[%get3A_2315, %get3A_2316] {strides = array<i32>} : memref<128x128xf32, #tpu.memory_space<vmem>>, vector<1x16xf32>,
      %get3A_2318 = vector.shape_cast %get3A_2317 : vector<1x16xf32> to vector<16xf32>
      %add3A_2319 = arith.constant 7 : i32
      %add3A_2320 = arith.addi %mul3A_48, %add3A_2319 : i32
      %get3A_2321 = arith.index_cast %add3A_2320 : i32 to index
      %get3A_2322 = arith.constant 0 : index
      %get3A_2323 = tpu.vector_load %arg13[%get3A_2321, %get3A_2322] {strides = array<i32>} : memref<256x16xf32, #tpu.memory_space<vmem>>, vector<1x16xf32>,
      %get3A_2324 = vector.shape_cast %get3A_2323 : vector<1x16xf32> to vector<16xf32>
      %sub3A_2325 = arith.subf %get3A_2318, %get3A_2324 : vector<16xf32>
      %swap3A_2326 = arith.constant 126 : i32
      %swap3A_2327 = arith.index_cast %swap3A_2326 : i32 to index
      %swap3A_2328 = arith.constant 0 : index
      %swap3A_2329 = tpu.vector_load %arg14[%swap3A_2327, %swap3A_2328] {strides = array<i32>} : memref<128x16xf32, #tpu.memory_space<vmem>>, vector<1x16xf32>,
      %swap3A_2330 = vector.shape_cast %swap3A_2329 : vector<1x16xf32> to vector<16xf32>
      %swap3A_2331 = vector.shape_cast %sub3A_2325 : vector<16xf32> to vector<1x16xf32>
      tpu.vector_store %arg14[%swap3A_2327, %swap3A_2328], %swap3A_2331 {strides = array<i32>} : memref<128x16xf32, #tpu.memory_space<vmem>>, vector<1x16xf32>,
      %get3A_2332 = arith.constant 127 : i32
      %get3A_2333 = arith.index_cast %get3A_2332 : i32 to index
      %get3A_2334 = arith.constant 0 : index
      %get3A_2335 = tpu.vector_load %arg11[%get3A_2333, %get3A_2334] {strides = array<i32>} : memref<128x128xf32, #tpu.memory_space<vmem>>, vector<1x16xf32>,
      %get3A_2336 = vector.shape_cast %get3A_2335 : vector<1x16xf32> to vector<16xf32>
      %add3A_2337 = arith.constant 7 : i32
      %add3A_2338 = arith.addi %mul3A_48, %add3A_2337 : i32
      %get3A_2339 = arith.index_cast %add3A_2338 : i32 to index
      %get3A_2340 = arith.constant 0 : index
      %get3A_2341 = tpu.vector_load %arg13[%get3A_2339, %get3A_2340] {strides = array<i32>} : memref<256x16xf32, #tpu.memory_space<vmem>>, vector<1x16xf32>,
      %get3A_2342 = vector.shape_cast %get3A_2341 : vector<1x16xf32> to vector<16xf32>
      %sub3A_2343 = arith.subf %get3A_2336, %get3A_2342 : vector<16xf32>
      %swap3A_2344 = arith.constant 127 : i32
      %swap3A_2345 = arith.index_cast %swap3A_2344 : i32 to index
      %swap3A_2346 = arith.constant 0 : index
      %swap3A_2347 = tpu.vector_load %arg14[%swap3A_2345, %swap3A_2346] {strides = array<i32>} : memref<128x16xf32, #tpu.memory_space<vmem>>, vector<1x16xf32>,
      %swap3A_2348 = vector.shape_cast %swap3A_2347 : vector<1x16xf32> to vector<16xf32>
      %swap3A_2349 = vector.shape_cast %sub3A_2343 : vector<16xf32> to vector<1x16xf32>
      tpu.vector_store %arg14[%swap3A_2345, %swap3A_2346], %swap3A_2349 {strides = array<i32>} : memref<128x16xf32, #tpu.memory_space<vmem>>, vector<1x16xf32>,
      %add3A_2350 = arith.addi %mul3A_2, %mul3A_35 : i32
      "tpu.region"() ({
        %run_scoped3A = tpu.sem_alloc : memref<!tpu.dma_semaphore, #tpu.memory_space<semaphore_mem>>
        %dma_start3A_4689 = arith.constant 0 : i32
        %dma_start3A_4690 = tpu.memref_slice %arg6[%add3A_2350, %dma_start3A_4689] : memref<131072x128xf32, #tpu.memory_space<hbm>> -> memref<128x128xf32, #tpu.memory_space<hbm>>
        %dma_start3A_4691 = arith.constant 0 : i32
        %dma_start3A_4692 = tpu.memref_slice %arg6[%add3A_2350, %dma_start3A_4691] : memref<131072x128xf32, #tpu.memory_space<hbm>> -> memref<128x128xf32, #tpu.memory_space<hbm>>
        tpu.enqueue_dma source(%arg9 : memref<128x128xf32, #tpu.memory_space<vmem>>) target(%dma_start3A_4692 : memref<128x128xf32, #tpu.memory_space<hbm>>) target_semaphore(%run_scoped3A : memref<!tpu.dma_semaphore, #tpu.memory_space<semaphore_mem>>)
        %dma_wait3A_4693 = arith.constant 0 : i32
        %dma_wait3A_4694 = tpu.memref_slice %arg6[%add3A_2350, %dma_wait3A_4693] : memref<131072x128xf32, #tpu.memory_space<hbm>> -> memref<128x128xf32, #tpu.memory_space<hbm>>
        %dma_wait3A_4695 = arith.constant 0 : i32
        %dma_wait3A_4696 = tpu.memref_slice %arg6[%add3A_2350, %dma_wait3A_4695] : memref<131072x128xf32, #tpu.memory_space<hbm>> -> memref<128x128xf32, #tpu.memory_space<hbm>>
        tpu.wait_dma2 semaphore(%run_scoped3A : memref<!tpu.dma_semaphore, #tpu.memory_space<semaphore_mem>>) src(%arg9 : memref<128x128xf32, #tpu.memory_space<vmem>>) dst(%dma_wait3A_4696 : memref<128x128xf32, #tpu.memory_space<hbm>>)
        tpu.yield
      }) : () -> ()
      %add3A_2351 = arith.addi %mul3A_2, %mul3A_35 : i32
      "tpu.region"() ({
        %run_scoped3A = tpu.sem_alloc : memref<!tpu.dma_semaphore, #tpu.memory_space<semaphore_mem>>
        %dma_start3A_4689 = arith.constant 0 : i32
        %dma_start3A_4690 = tpu.memref_slice %arg7[%add3A_2351, %dma_start3A_4689] : memref<131072x16xf32, #tpu.memory_space<hbm>> -> memref<128x16xf32, #tpu.memory_space<hbm>>
        %dma_start3A_4691 = arith.constant 0 : i32
        %dma_start3A_4692 = tpu.memref_slice %arg7[%add3A_2351, %dma_start3A_4691] : memref<131072x16xf32, #tpu.memory_space<hbm>> -> memref<128x16xf32, #tpu.memory_space<hbm>>
        tpu.enqueue_dma source(%arg14 : memref<128x16xf32, #tpu.memory_space<vmem>>) target(%dma_start3A_4692 : memref<128x16xf32, #tpu.memory_space<hbm>>) target_semaphore(%run_scoped3A : memref<!tpu.dma_semaphore, #tpu.memory_space<semaphore_mem>>)
        %dma_wait3A_4693 = arith.constant 0 : i32
        %dma_wait3A_4694 = tpu.memref_slice %arg7[%add3A_2351, %dma_wait3A_4693] : memref<131072x16xf32, #tpu.memory_space<hbm>> -> memref<128x16xf32, #tpu.memory_space<hbm>>
        %dma_wait3A_4695 = arith.constant 0 : i32
        %dma_wait3A_4696 = tpu.memref_slice %arg7[%add3A_2351, %dma_wait3A_4695] : memref<131072x16xf32, #tpu.memory_space<hbm>> -> memref<128x16xf32, #tpu.memory_space<hbm>>
        tpu.wait_dma2 semaphore(%run_scoped3A : memref<!tpu.dma_semaphore, #tpu.memory_space<semaphore_mem>>) src(%arg14 : memref<128x16xf32, #tpu.memory_space<vmem>>) dst(%dma_wait3A_4696 : memref<128x16xf32, #tpu.memory_space<hbm>>)
        tpu.yield
      }) : () -> ()
      %add3A_2352 = arith.constant 2 : i32
      %add3A_2353 = arith.addi %add3A_33, %add3A_2352 : i32
      %lt3A = arith.constant 32 : i32
      %lt3A_2354 = arith.cmpi slt, %add3A_2353, %lt3A : i32
      %convert_element_type3A = arith.extui %lt3A_2354 : i1 to i32
      %cond3A = arith.constant 0 : i32
      %cond3A_2355 = arith.cmpi ne, %convert_element_type3A, %cond3A : i32
      scf.if %cond3A_2355 {
        %add3A_4689 = arith.constant 2 : i32
        %add3A_4690 = arith.addi %add3A_33, %add3A_4689 : i32
        %mul3A_4691 = arith.constant 128 : i32
        %mul3A_4692 = arith.muli %add3A_4690, %mul3A_4691 : i32
        %dma_start3A_4693 = tpu.memref_slice %arg8[%mul3A_4692] : memref<4096xi32, #tpu.memory_space<vmem>> -> memref<128xi32, #tpu.memory_space<vmem>>
        %dma_start3A_4694 = arith.constant 0 : i32
        %dma_start3A_4695 = arith.constant 0 : i32
        %dma_start3A_4696 = tpu.memref_slice %arg2[%dma_start3A_4694, %dma_start3A_4695] : memref<16384x128xf32, #tpu.memory_space<hbm>> -> memref<16384x128xf32, #tpu.memory_space<hbm>>
        tpu.enqueue_indirect_dma source(%dma_start3A_4696 : memref<16384x128xf32, #tpu.memory_space<hbm>>) target(%arg9 : memref<128x128xf32, #tpu.memory_space<vmem>>) offsets(%dma_start3A_4693 : memref<128xi32, #tpu.memory_space<vmem>>) semaphore(%arg15 : memref<!tpu.dma_semaphore, #tpu.memory_space<semaphore_mem>>)
        %dma_start3A_4697 = tpu.memref_slice %arg8[%mul3A_4692] : memref<4096xi32, #tpu.memory_space<vmem>> -> memref<128xi32, #tpu.memory_space<vmem>>
        %dma_start3A_4698 = arith.constant 0 : i32
        %dma_start3A_4699 = arith.constant 0 : i32
        %dma_start3A_4700 = tpu.memref_slice %arg3[%dma_start3A_4698, %dma_start3A_4699] : memref<16384x128xf32, #tpu.memory_space<hbm>> -> memref<16384x128xf32, #tpu.memory_space<hbm>>
        tpu.enqueue_indirect_dma source(%dma_start3A_4700 : memref<16384x128xf32, #tpu.memory_space<hbm>>) target(%arg11 : memref<128x128xf32, #tpu.memory_space<vmem>>) offsets(%dma_start3A_4697 : memref<128xi32, #tpu.memory_space<vmem>>) semaphore(%arg17 : memref<!tpu.dma_semaphore, #tpu.memory_space<semaphore_mem>>)
      } else {
      }
      %mul3A_2356 = arith.constant 2 : i32
      %mul3A_2357 = arith.muli %scan3A_29, %mul3A_2356 : i32
      %add3A_2358 = arith.constant 1 : i32
      %add3A_2359 = arith.addi %mul3A_2357, %add3A_2358 : i32
      %mul3A_2360 = arith.constant 128 : i32
      %mul3A_2361 = arith.muli %add3A_2359, %mul3A_2360 : i32
      %dma_wait3A_2362 = arith.constant 0 : i32
      %dma_wait3A_2363 = arith.constant 0 : i32
      %dma_wait3A_2364 = tpu.memref_slice %arg2[%dma_wait3A_2362, %dma_wait3A_2363] : memref<16384x128xf32, #tpu.memory_space<hbm>> -> memref<128x128xf32, #tpu.memory_space<hbm>>
      %dma_wait3A_2365 = arith.constant 0 : i32
      %dma_wait3A_2366 = arith.constant 0 : i32
      %dma_wait3A_2367 = tpu.memref_slice %arg2[%dma_wait3A_2365, %dma_wait3A_2366] : memref<16384x128xf32, #tpu.memory_space<hbm>> -> memref<128x128xf32, #tpu.memory_space<hbm>>
      tpu.wait_dma2 semaphore(%arg16 : memref<!tpu.dma_semaphore, #tpu.memory_space<semaphore_mem>>) src(%dma_wait3A_2367 : memref<128x128xf32, #tpu.memory_space<hbm>>) dst(%arg10 : memref<128x128xf32, #tpu.memory_space<vmem>>)
      %dma_wait3A_2368 = arith.constant 0 : i32
      %dma_wait3A_2369 = arith.constant 0 : i32
      %dma_wait3A_2370 = tpu.memref_slice %arg3[%dma_wait3A_2368, %dma_wait3A_2369] : memref<16384x128xf32, #tpu.memory_space<hbm>> -> memref<128x128xf32, #tpu.memory_space<hbm>>
      %dma_wait3A_2371 = arith.constant 0 : i32
      %dma_wait3A_2372 = arith.constant 0 : i32
      %dma_wait3A_2373 = tpu.memref_slice %arg3[%dma_wait3A_2371, %dma_wait3A_2372] : memref<16384x128xf32, #tpu.memory_space<hbm>> -> memref<128x128xf32, #tpu.memory_space<hbm>>
      tpu.wait_dma2 semaphore(%arg18 : memref<!tpu.dma_semaphore, #tpu.memory_space<semaphore_mem>>) src(%dma_wait3A_2373 : memref<128x128xf32, #tpu.memory_space<hbm>>) dst(%arg12 : memref<128x128xf32, #tpu.memory_space<vmem>>)
      %mul3A_2374 = arith.constant 8 : i32
      %mul3A_2375 = arith.muli %add3A_2359, %mul3A_2374 : i32
      %get3A_2376 = arith.constant 0 : i32
      %get3A_2377 = arith.index_cast %get3A_2376 : i32 to index
      %get3A_2378 = arith.constant 0 : index
      %get3A_2379 = tpu.vector_load %arg12[%get3A_2377, %get3A_2378] {strides = array<i32>} : memref<128x128xf32, #tpu.memory_space<vmem>>, vector<1x16xf32>,
      %get3A_2380 = vector.shape_cast %get3A_2379 : vector<1x16xf32> to vector<16xf32>
      %add3A_2381 = arith.constant 0 : i32
      %add3A_2382 = arith.addi %mul3A_2375, %add3A_2381 : i32
      %get3A_2383 = arith.index_cast %add3A_2382 : i32 to index
      %get3A_2384 = arith.constant 0 : index
      %get3A_2385 = tpu.vector_load %arg13[%get3A_2383, %get3A_2384] {strides = array<i32>} : memref<256x16xf32, #tpu.memory_space<vmem>>, vector<1x16xf32>,
      %get3A_2386 = vector.shape_cast %get3A_2385 : vector<1x16xf32> to vector<16xf32>
      %sub3A_2387 = arith.subf %get3A_2380, %get3A_2386 : vector<16xf32>
      %swap3A_2388 = arith.constant 0 : i32
      %swap3A_2389 = arith.index_cast %swap3A_2388 : i32 to index
      %swap3A_2390 = arith.constant 0 : index
      %swap3A_2391 = tpu.vector_load %arg14[%swap3A_2389, %swap3A_2390] {strides = array<i32>} : memref<128x16xf32, #tpu.memory_space<vmem>>, vector<1x16xf32>,
      %swap3A_2392 = vector.shape_cast %swap3A_2391 : vector<1x16xf32> to vector<16xf32>
      %swap3A_2393 = vector.shape_cast %sub3A_2387 : vector<16xf32> to vector<1x16xf32>
      tpu.vector_store %arg14[%swap3A_2389, %swap3A_2390], %swap3A_2393 {strides = array<i32>} : memref<128x16xf32, #tpu.memory_space<vmem>>, vector<1x16xf32>,
      %get3A_2394 = arith.constant 1 : i32
      %get3A_2395 = arith.index_cast %get3A_2394 : i32 to index
      %get3A_2396 = arith.constant 0 : index
      %get3A_2397 = tpu.vector_load %arg12[%get3A_2395, %get3A_2396] {strides = array<i32>} : memref<128x128xf32, #tpu.memory_space<vmem>>, vector<1x16xf32>,
      %get3A_2398 = vector.shape_cast %get3A_2397 : vector<1x16xf32> to vector<16xf32>
      %add3A_2399 = arith.constant 0 : i32
      %add3A_2400 = arith.addi %mul3A_2375, %add3A_2399 : i32
      %get3A_2401 = arith.index_cast %add3A_2400 : i32 to index
      %get3A_2402 = arith.constant 0 : index
      %get3A_2403 = tpu.vector_load %arg13[%get3A_2401, %get3A_2402] {strides = array<i32>} : memref<256x16xf32, #tpu.memory_space<vmem>>, vector<1x16xf32>,
      %get3A_2404 = vector.shape_cast %get3A_2403 : vector<1x16xf32> to vector<16xf32>
      %sub3A_2405 = arith.subf %get3A_2398, %get3A_2404 : vector<16xf32>
      %swap3A_2406 = arith.constant 1 : i32
      %swap3A_2407 = arith.index_cast %swap3A_2406 : i32 to index
      %swap3A_2408 = arith.constant 0 : index
      %swap3A_2409 = tpu.vector_load %arg14[%swap3A_2407, %swap3A_2408] {strides = array<i32>} : memref<128x16xf32, #tpu.memory_space<vmem>>, vector<1x16xf32>,
      %swap3A_2410 = vector.shape_cast %swap3A_2409 : vector<1x16xf32> to vector<16xf32>
      %swap3A_2411 = vector.shape_cast %sub3A_2405 : vector<16xf32> to vector<1x16xf32>
      tpu.vector_store %arg14[%swap3A_2407, %swap3A_2408], %swap3A_2411 {strides = array<i32>} : memref<128x16xf32, #tpu.memory_space<vmem>>, vector<1x16xf32>,
      %get3A_2412 = arith.constant 2 : i32
      %get3A_2413 = arith.index_cast %get3A_2412 : i32 to index
      %get3A_2414 = arith.constant 0 : index
      %get3A_2415 = tpu.vector_load %arg12[%get3A_2413, %get3A_2414] {strides = array<i32>} : memref<128x128xf32, #tpu.memory_space<vmem>>, vector<1x16xf32>,
      %get3A_2416 = vector.shape_cast %get3A_2415 : vector<1x16xf32> to vector<16xf32>
      %add3A_2417 = arith.constant 0 : i32
      %add3A_2418 = arith.addi %mul3A_2375, %add3A_2417 : i32
      %get3A_2419 = arith.index_cast %add3A_2418 : i32 to index
      %get3A_2420 = arith.constant 0 : index
      %get3A_2421 = tpu.vector_load %arg13[%get3A_2419, %get3A_2420] {strides = array<i32>} : memref<256x16xf32, #tpu.memory_space<vmem>>, vector<1x16xf32>,
      %get3A_2422 = vector.shape_cast %get3A_2421 : vector<1x16xf32> to vector<16xf32>
      %sub3A_2423 = arith.subf %get3A_2416, %get3A_2422 : vector<16xf32>
      %swap3A_2424 = arith.constant 2 : i32
      %swap3A_2425 = arith.index_cast %swap3A_2424 : i32 to index
      %swap3A_2426 = arith.constant 0 : index
      %swap3A_2427 = tpu.vector_load %arg14[%swap3A_2425, %swap3A_2426] {strides = array<i32>} : memref<128x16xf32, #tpu.memory_space<vmem>>, vector<1x16xf32>,
      %swap3A_2428 = vector.shape_cast %swap3A_2427 : vector<1x16xf32> to vector<16xf32>
      %swap3A_2429 = vector.shape_cast %sub3A_2423 : vector<16xf32> to vector<1x16xf32>
      tpu.vector_store %arg14[%swap3A_2425, %swap3A_2426], %swap3A_2429 {strides = array<i32>} : memref<128x16xf32, #tpu.memory_space<vmem>>, vector<1x16xf32>,
      %get3A_2430 = arith.constant 3 : i32
      %get3A_2431 = arith.index_cast %get3A_2430 : i32 to index
      %get3A_2432 = arith.constant 0 : index
      %get3A_2433 = tpu.vector_load %arg12[%get3A_2431, %get3A_2432] {strides = array<i32>} : memref<128x128xf32, #tpu.memory_space<vmem>>, vector<1x16xf32>,
      %get3A_2434 = vector.shape_cast %get3A_2433 : vector<1x16xf32> to vector<16xf32>
      %add3A_2435 = arith.constant 0 : i32
      %add3A_2436 = arith.addi %mul3A_2375, %add3A_2435 : i32
      %get3A_2437 = arith.index_cast %add3A_2436 : i32 to index
      %get3A_2438 = arith.constant 0 : index
      %get3A_2439 = tpu.vector_load %arg13[%get3A_2437, %get3A_2438] {strides = array<i32>} : memref<256x16xf32, #tpu.memory_space<vmem>>, vector<1x16xf32>,
      %get3A_2440 = vector.shape_cast %get3A_2439 : vector<1x16xf32> to vector<16xf32>
      %sub3A_2441 = arith.subf %get3A_2434, %get3A_2440 : vector<16xf32>
      %swap3A_2442 = arith.constant 3 : i32
      %swap3A_2443 = arith.index_cast %swap3A_2442 : i32 to index
      %swap3A_2444 = arith.constant 0 : index
      %swap3A_2445 = tpu.vector_load %arg14[%swap3A_2443, %swap3A_2444] {strides = array<i32>} : memref<128x16xf32, #tpu.memory_space<vmem>>, vector<1x16xf32>,
      %swap3A_2446 = vector.shape_cast %swap3A_2445 : vector<1x16xf32> to vector<16xf32>
      %swap3A_2447 = vector.shape_cast %sub3A_2441 : vector<16xf32> to vector<1x16xf32>
      tpu.vector_store %arg14[%swap3A_2443, %swap3A_2444], %swap3A_2447 {strides = array<i32>} : memref<128x16xf32, #tpu.memory_space<vmem>>, vector<1x16xf32>,
      %get3A_2448 = arith.constant 4 : i32
      %get3A_2449 = arith.index_cast %get3A_2448 : i32 to index
      %get3A_2450 = arith.constant 0 : index
      %get3A_2451 = tpu.vector_load %arg12[%get3A_2449, %get3A_2450] {strides = array<i32>} : memref<128x128xf32, #tpu.memory_space<vmem>>, vector<1x16xf32>,
      %get3A_2452 = vector.shape_cast %get3A_2451 : vector<1x16xf32> to vector<16xf32>
      %add3A_2453 = arith.constant 0 : i32
      %add3A_2454 = arith.addi %mul3A_2375, %add3A_2453 : i32
      %get3A_2455 = arith.index_cast %add3A_2454 : i32 to index
      %get3A_2456 = arith.constant 0 : index
      %get3A_2457 = tpu.vector_load %arg13[%get3A_2455, %get3A_2456] {strides = array<i32>} : memref<256x16xf32, #tpu.memory_space<vmem>>, vector<1x16xf32>,
      %get3A_2458 = vector.shape_cast %get3A_2457 : vector<1x16xf32> to vector<16xf32>
      %sub3A_2459 = arith.subf %get3A_2452, %get3A_2458 : vector<16xf32>
      %swap3A_2460 = arith.constant 4 : i32
      %swap3A_2461 = arith.index_cast %swap3A_2460 : i32 to index
      %swap3A_2462 = arith.constant 0 : index
      %swap3A_2463 = tpu.vector_load %arg14[%swap3A_2461, %swap3A_2462] {strides = array<i32>} : memref<128x16xf32, #tpu.memory_space<vmem>>, vector<1x16xf32>,
      %swap3A_2464 = vector.shape_cast %swap3A_2463 : vector<1x16xf32> to vector<16xf32>
      %swap3A_2465 = vector.shape_cast %sub3A_2459 : vector<16xf32> to vector<1x16xf32>
      tpu.vector_store %arg14[%swap3A_2461, %swap3A_2462], %swap3A_2465 {strides = array<i32>} : memref<128x16xf32, #tpu.memory_space<vmem>>, vector<1x16xf32>,
      %get3A_2466 = arith.constant 5 : i32
      %get3A_2467 = arith.index_cast %get3A_2466 : i32 to index
      %get3A_2468 = arith.constant 0 : index
      %get3A_2469 = tpu.vector_load %arg12[%get3A_2467, %get3A_2468] {strides = array<i32>} : memref<128x128xf32, #tpu.memory_space<vmem>>, vector<1x16xf32>,
      %get3A_2470 = vector.shape_cast %get3A_2469 : vector<1x16xf32> to vector<16xf32>
      %add3A_2471 = arith.constant 0 : i32
      %add3A_2472 = arith.addi %mul3A_2375, %add3A_2471 : i32
      %get3A_2473 = arith.index_cast %add3A_2472 : i32 to index
      %get3A_2474 = arith.constant 0 : index
      %get3A_2475 = tpu.vector_load %arg13[%get3A_2473, %get3A_2474] {strides = array<i32>} : memref<256x16xf32, #tpu.memory_space<vmem>>, vector<1x16xf32>,
      %get3A_2476 = vector.shape_cast %get3A_2475 : vector<1x16xf32> to vector<16xf32>
      %sub3A_2477 = arith.subf %get3A_2470, %get3A_2476 : vector<16xf32>
      %swap3A_2478 = arith.constant 5 : i32
      %swap3A_2479 = arith.index_cast %swap3A_2478 : i32 to index
      %swap3A_2480 = arith.constant 0 : index
      %swap3A_2481 = tpu.vector_load %arg14[%swap3A_2479, %swap3A_2480] {strides = array<i32>} : memref<128x16xf32, #tpu.memory_space<vmem>>, vector<1x16xf32>,
      %swap3A_2482 = vector.shape_cast %swap3A_2481 : vector<1x16xf32> to vector<16xf32>
      %swap3A_2483 = vector.shape_cast %sub3A_2477 : vector<16xf32> to vector<1x16xf32>
      tpu.vector_store %arg14[%swap3A_2479, %swap3A_2480], %swap3A_2483 {strides = array<i32>} : memref<128x16xf32, #tpu.memory_space<vmem>>, vector<1x16xf32>,
      %get3A_2484 = arith.constant 6 : i32
      %get3A_2485 = arith.index_cast %get3A_2484 : i32 to index
      %get3A_2486 = arith.constant 0 : index
      %get3A_2487 = tpu.vector_load %arg12[%get3A_2485, %get3A_2486] {strides = array<i32>} : memref<128x128xf32, #tpu.memory_space<vmem>>, vector<1x16xf32>,
      %get3A_2488 = vector.shape_cast %get3A_2487 : vector<1x16xf32> to vector<16xf32>
      %add3A_2489 = arith.constant 0 : i32
      %add3A_2490 = arith.addi %mul3A_2375, %add3A_2489 : i32
      %get3A_2491 = arith.index_cast %add3A_2490 : i32 to index
      %get3A_2492 = arith.constant 0 : index
      %get3A_2493 = tpu.vector_load %arg13[%get3A_2491, %get3A_2492] {strides = array<i32>} : memref<256x16xf32, #tpu.memory_space<vmem>>, vector<1x16xf32>,
      %get3A_2494 = vector.shape_cast %get3A_2493 : vector<1x16xf32> to vector<16xf32>
      %sub3A_2495 = arith.subf %get3A_2488, %get3A_2494 : vector<16xf32>
      %swap3A_2496 = arith.constant 6 : i32
      %swap3A_2497 = arith.index_cast %swap3A_2496 : i32 to index
      %swap3A_2498 = arith.constant 0 : index
      %swap3A_2499 = tpu.vector_load %arg14[%swap3A_2497, %swap3A_2498] {strides = array<i32>} : memref<128x16xf32, #tpu.memory_space<vmem>>, vector<1x16xf32>,
      %swap3A_2500 = vector.shape_cast %swap3A_2499 : vector<1x16xf32> to vector<16xf32>
      %swap3A_2501 = vector.shape_cast %sub3A_2495 : vector<16xf32> to vector<1x16xf32>
      tpu.vector_store %arg14[%swap3A_2497, %swap3A_2498], %swap3A_2501 {strides = array<i32>} : memref<128x16xf32, #tpu.memory_space<vmem>>, vector<1x16xf32>,
      %get3A_2502 = arith.constant 7 : i32
      %get3A_2503 = arith.index_cast %get3A_2502 : i32 to index
      %get3A_2504 = arith.constant 0 : index
      %get3A_2505 = tpu.vector_load %arg12[%get3A_2503, %get3A_2504] {strides = array<i32>} : memref<128x128xf32, #tpu.memory_space<vmem>>, vector<1x16xf32>,
      %get3A_2506 = vector.shape_cast %get3A_2505 : vector<1x16xf32> to vector<16xf32>
      %add3A_2507 = arith.constant 0 : i32
      %add3A_2508 = arith.addi %mul3A_2375, %add3A_2507 : i32
      %get3A_2509 = arith.index_cast %add3A_2508 : i32 to index
      %get3A_2510 = arith.constant 0 : index
      %get3A_2511 = tpu.vector_load %arg13[%get3A_2509, %get3A_2510] {strides = array<i32>} : memref<256x16xf32, #tpu.memory_space<vmem>>, vector<1x16xf32>,
      %get3A_2512 = vector.shape_cast %get3A_2511 : vector<1x16xf32> to vector<16xf32>
      %sub3A_2513 = arith.subf %get3A_2506, %get3A_2512 : vector<16xf32>
      %swap3A_2514 = arith.constant 7 : i32
      %swap3A_2515 = arith.index_cast %swap3A_2514 : i32 to index
      %swap3A_2516 = arith.constant 0 : index
      %swap3A_2517 = tpu.vector_load %arg14[%swap3A_2515, %swap3A_2516] {strides = array<i32>} : memref<128x16xf32, #tpu.memory_space<vmem>>, vector<1x16xf32>,
      %swap3A_2518 = vector.shape_cast %swap3A_2517 : vector<1x16xf32> to vector<16xf32>
      %swap3A_2519 = vector.shape_cast %sub3A_2513 : vector<16xf32> to vector<1x16xf32>
      tpu.vector_store %arg14[%swap3A_2515, %swap3A_2516], %swap3A_2519 {strides = array<i32>} : memref<128x16xf32, #tpu.memory_space<vmem>>, vector<1x16xf32>,
      %get3A_2520 = arith.constant 8 : i32
      %get3A_2521 = arith.index_cast %get3A_2520 : i32 to index
      %get3A_2522 = arith.constant 0 : index
      %get3A_2523 = tpu.vector_load %arg12[%get3A_2521, %get3A_2522] {strides = array<i32>} : memref<128x128xf32, #tpu.memory_space<vmem>>, vector<1x16xf32>,
      %get3A_2524 = vector.shape_cast %get3A_2523 : vector<1x16xf32> to vector<16xf32>
      %add3A_2525 = arith.constant 0 : i32
      %add3A_2526 = arith.addi %mul3A_2375, %add3A_2525 : i32
      %get3A_2527 = arith.index_cast %add3A_2526 : i32 to index
      %get3A_2528 = arith.constant 0 : index
      %get3A_2529 = tpu.vector_load %arg13[%get3A_2527, %get3A_2528] {strides = array<i32>} : memref<256x16xf32, #tpu.memory_space<vmem>>, vector<1x16xf32>,
      %get3A_2530 = vector.shape_cast %get3A_2529 : vector<1x16xf32> to vector<16xf32>
      %sub3A_2531 = arith.subf %get3A_2524, %get3A_2530 : vector<16xf32>
      %swap3A_2532 = arith.constant 8 : i32
      %swap3A_2533 = arith.index_cast %swap3A_2532 : i32 to index
      %swap3A_2534 = arith.constant 0 : index
      %swap3A_2535 = tpu.vector_load %arg14[%swap3A_2533, %swap3A_2534] {strides = array<i32>} : memref<128x16xf32, #tpu.memory_space<vmem>>, vector<1x16xf32>,
      %swap3A_2536 = vector.shape_cast %swap3A_2535 : vector<1x16xf32> to vector<16xf32>
      %swap3A_2537 = vector.shape_cast %sub3A_2531 : vector<16xf32> to vector<1x16xf32>
      tpu.vector_store %arg14[%swap3A_2533, %swap3A_2534], %swap3A_2537 {strides = array<i32>} : memref<128x16xf32, #tpu.memory_space<vmem>>, vector<1x16xf32>,
      %get3A_2538 = arith.constant 9 : i32
      %get3A_2539 = arith.index_cast %get3A_2538 : i32 to index
      %get3A_2540 = arith.constant 0 : index
      %get3A_2541 = tpu.vector_load %arg12[%get3A_2539, %get3A_2540] {strides = array<i32>} : memref<128x128xf32, #tpu.memory_space<vmem>>, vector<1x16xf32>,
      %get3A_2542 = vector.shape_cast %get3A_2541 : vector<1x16xf32> to vector<16xf32>
      %add3A_2543 = arith.constant 0 : i32
      %add3A_2544 = arith.addi %mul3A_2375, %add3A_2543 : i32
      %get3A_2545 = arith.index_cast %add3A_2544 : i32 to index
      %get3A_2546 = arith.constant 0 : index
      %get3A_2547 = tpu.vector_load %arg13[%get3A_2545, %get3A_2546] {strides = array<i32>} : memref<256x16xf32, #tpu.memory_space<vmem>>, vector<1x16xf32>,
      %get3A_2548 = vector.shape_cast %get3A_2547 : vector<1x16xf32> to vector<16xf32>
      %sub3A_2549 = arith.subf %get3A_2542, %get3A_2548 : vector<16xf32>
      %swap3A_2550 = arith.constant 9 : i32
      %swap3A_2551 = arith.index_cast %swap3A_2550 : i32 to index
      %swap3A_2552 = arith.constant 0 : index
      %swap3A_2553 = tpu.vector_load %arg14[%swap3A_2551, %swap3A_2552] {strides = array<i32>} : memref<128x16xf32, #tpu.memory_space<vmem>>, vector<1x16xf32>,
      %swap3A_2554 = vector.shape_cast %swap3A_2553 : vector<1x16xf32> to vector<16xf32>
      %swap3A_2555 = vector.shape_cast %sub3A_2549 : vector<16xf32> to vector<1x16xf32>
      tpu.vector_store %arg14[%swap3A_2551, %swap3A_2552], %swap3A_2555 {strides = array<i32>} : memref<128x16xf32, #tpu.memory_space<vmem>>, vector<1x16xf32>,
      %get3A_2556 = arith.constant 10 : i32
      %get3A_2557 = arith.index_cast %get3A_2556 : i32 to index
      %get3A_2558 = arith.constant 0 : index
      %get3A_2559 = tpu.vector_load %arg12[%get3A_2557, %get3A_2558] {strides = array<i32>} : memref<128x128xf32, #tpu.memory_space<vmem>>, vector<1x16xf32>,
      %get3A_2560 = vector.shape_cast %get3A_2559 : vector<1x16xf32> to vector<16xf32>
      %add3A_2561 = arith.constant 0 : i32
      %add3A_2562 = arith.addi %mul3A_2375, %add3A_2561 : i32
      %get3A_2563 = arith.index_cast %add3A_2562 : i32 to index
      %get3A_2564 = arith.constant 0 : index
      %get3A_2565 = tpu.vector_load %arg13[%get3A_2563, %get3A_2564] {strides = array<i32>} : memref<256x16xf32, #tpu.memory_space<vmem>>, vector<1x16xf32>,
      %get3A_2566 = vector.shape_cast %get3A_2565 : vector<1x16xf32> to vector<16xf32>
      %sub3A_2567 = arith.subf %get3A_2560, %get3A_2566 : vector<16xf32>
      %swap3A_2568 = arith.constant 10 : i32
      %swap3A_2569 = arith.index_cast %swap3A_2568 : i32 to index
      %swap3A_2570 = arith.constant 0 : index
      %swap3A_2571 = tpu.vector_load %arg14[%swap3A_2569, %swap3A_2570] {strides = array<i32>} : memref<128x16xf32, #tpu.memory_space<vmem>>, vector<1x16xf32>,
      %swap3A_2572 = vector.shape_cast %swap3A_2571 : vector<1x16xf32> to vector<16xf32>
      %swap3A_2573 = vector.shape_cast %sub3A_2567 : vector<16xf32> to vector<1x16xf32>
      tpu.vector_store %arg14[%swap3A_2569, %swap3A_2570], %swap3A_2573 {strides = array<i32>} : memref<128x16xf32, #tpu.memory_space<vmem>>, vector<1x16xf32>,
      %get3A_2574 = arith.constant 11 : i32
      %get3A_2575 = arith.index_cast %get3A_2574 : i32 to index
      %get3A_2576 = arith.constant 0 : index
      %get3A_2577 = tpu.vector_load %arg12[%get3A_2575, %get3A_2576] {strides = array<i32>} : memref<128x128xf32, #tpu.memory_space<vmem>>, vector<1x16xf32>,
      %get3A_2578 = vector.shape_cast %get3A_2577 : vector<1x16xf32> to vector<16xf32>
      %add3A_2579 = arith.constant 0 : i32
      %add3A_2580 = arith.addi %mul3A_2375, %add3A_2579 : i32
      %get3A_2581 = arith.index_cast %add3A_2580 : i32 to index
      %get3A_2582 = arith.constant 0 : index
      %get3A_2583 = tpu.vector_load %arg13[%get3A_2581, %get3A_2582] {strides = array<i32>} : memref<256x16xf32, #tpu.memory_space<vmem>>, vector<1x16xf32>,
      %get3A_2584 = vector.shape_cast %get3A_2583 : vector<1x16xf32> to vector<16xf32>
      %sub3A_2585 = arith.subf %get3A_2578, %get3A_2584 : vector<16xf32>
      %swap3A_2586 = arith.constant 11 : i32
      %swap3A_2587 = arith.index_cast %swap3A_2586 : i32 to index
      %swap3A_2588 = arith.constant 0 : index
      %swap3A_2589 = tpu.vector_load %arg14[%swap3A_2587, %swap3A_2588] {strides = array<i32>} : memref<128x16xf32, #tpu.memory_space<vmem>>, vector<1x16xf32>,
      %swap3A_2590 = vector.shape_cast %swap3A_2589 : vector<1x16xf32> to vector<16xf32>
      %swap3A_2591 = vector.shape_cast %sub3A_2585 : vector<16xf32> to vector<1x16xf32>
      tpu.vector_store %arg14[%swap3A_2587, %swap3A_2588], %swap3A_2591 {strides = array<i32>} : memref<128x16xf32, #tpu.memory_space<vmem>>, vector<1x16xf32>,
      %get3A_2592 = arith.constant 12 : i32
      %get3A_2593 = arith.index_cast %get3A_2592 : i32 to index
      %get3A_2594 = arith.constant 0 : index
      %get3A_2595 = tpu.vector_load %arg12[%get3A_2593, %get3A_2594] {strides = array<i32>} : memref<128x128xf32, #tpu.memory_space<vmem>>, vector<1x16xf32>,
      %get3A_2596 = vector.shape_cast %get3A_2595 : vector<1x16xf32> to vector<16xf32>
      %add3A_2597 = arith.constant 0 : i32
      %add3A_2598 = arith.addi %mul3A_2375, %add3A_2597 : i32
      %get3A_2599 = arith.index_cast %add3A_2598 : i32 to index
      %get3A_2600 = arith.constant 0 : index
      %get3A_2601 = tpu.vector_load %arg13[%get3A_2599, %get3A_2600] {strides = array<i32>} : memref<256x16xf32, #tpu.memory_space<vmem>>, vector<1x16xf32>,
      %get3A_2602 = vector.shape_cast %get3A_2601 : vector<1x16xf32> to vector<16xf32>
      %sub3A_2603 = arith.subf %get3A_2596, %get3A_2602 : vector<16xf32>
      %swap3A_2604 = arith.constant 12 : i32
      %swap3A_2605 = arith.index_cast %swap3A_2604 : i32 to index
      %swap3A_2606 = arith.constant 0 : index
      %swap3A_2607 = tpu.vector_load %arg14[%swap3A_2605, %swap3A_2606] {strides = array<i32>} : memref<128x16xf32, #tpu.memory_space<vmem>>, vector<1x16xf32>,
      %swap3A_2608 = vector.shape_cast %swap3A_2607 : vector<1x16xf32> to vector<16xf32>
      %swap3A_2609 = vector.shape_cast %sub3A_2603 : vector<16xf32> to vector<1x16xf32>
      tpu.vector_store %arg14[%swap3A_2605, %swap3A_2606], %swap3A_2609 {strides = array<i32>} : memref<128x16xf32, #tpu.memory_space<vmem>>, vector<1x16xf32>,
      %get3A_2610 = arith.constant 13 : i32
      %get3A_2611 = arith.index_cast %get3A_2610 : i32 to index
      %get3A_2612 = arith.constant 0 : index
      %get3A_2613 = tpu.vector_load %arg12[%get3A_2611, %get3A_2612] {strides = array<i32>} : memref<128x128xf32, #tpu.memory_space<vmem>>, vector<1x16xf32>,
      %get3A_2614 = vector.shape_cast %get3A_2613 : vector<1x16xf32> to vector<16xf32>
      %add3A_2615 = arith.constant 0 : i32
      %add3A_2616 = arith.addi %mul3A_2375, %add3A_2615 : i32
      %get3A_2617 = arith.index_cast %add3A_2616 : i32 to index
      %get3A_2618 = arith.constant 0 : index
      %get3A_2619 = tpu.vector_load %arg13[%get3A_2617, %get3A_2618] {strides = array<i32>} : memref<256x16xf32, #tpu.memory_space<vmem>>, vector<1x16xf32>,
      %get3A_2620 = vector.shape_cast %get3A_2619 : vector<1x16xf32> to vector<16xf32>
      %sub3A_2621 = arith.subf %get3A_2614, %get3A_2620 : vector<16xf32>
      %swap3A_2622 = arith.constant 13 : i32
      %swap3A_2623 = arith.index_cast %swap3A_2622 : i32 to index
      %swap3A_2624 = arith.constant 0 : index
      %swap3A_2625 = tpu.vector_load %arg14[%swap3A_2623, %swap3A_2624] {strides = array<i32>} : memref<128x16xf32, #tpu.memory_space<vmem>>, vector<1x16xf32>,
      %swap3A_2626 = vector.shape_cast %swap3A_2625 : vector<1x16xf32> to vector<16xf32>
      %swap3A_2627 = vector.shape_cast %sub3A_2621 : vector<16xf32> to vector<1x16xf32>
      tpu.vector_store %arg14[%swap3A_2623, %swap3A_2624], %swap3A_2627 {strides = array<i32>} : memref<128x16xf32, #tpu.memory_space<vmem>>, vector<1x16xf32>,
      %get3A_2628 = arith.constant 14 : i32
      %get3A_2629 = arith.index_cast %get3A_2628 : i32 to index
      %get3A_2630 = arith.constant 0 : index
      %get3A_2631 = tpu.vector_load %arg12[%get3A_2629, %get3A_2630] {strides = array<i32>} : memref<128x128xf32, #tpu.memory_space<vmem>>, vector<1x16xf32>,
      %get3A_2632 = vector.shape_cast %get3A_2631 : vector<1x16xf32> to vector<16xf32>
      %add3A_2633 = arith.constant 0 : i32
      %add3A_2634 = arith.addi %mul3A_2375, %add3A_2633 : i32
      %get3A_2635 = arith.index_cast %add3A_2634 : i32 to index
      %get3A_2636 = arith.constant 0 : index
      %get3A_2637 = tpu.vector_load %arg13[%get3A_2635, %get3A_2636] {strides = array<i32>} : memref<256x16xf32, #tpu.memory_space<vmem>>, vector<1x16xf32>,
      %get3A_2638 = vector.shape_cast %get3A_2637 : vector<1x16xf32> to vector<16xf32>
      %sub3A_2639 = arith.subf %get3A_2632, %get3A_2638 : vector<16xf32>
      %swap3A_2640 = arith.constant 14 : i32
      %swap3A_2641 = arith.index_cast %swap3A_2640 : i32 to index
      %swap3A_2642 = arith.constant 0 : index
      %swap3A_2643 = tpu.vector_load %arg14[%swap3A_2641, %swap3A_2642] {strides = array<i32>} : memref<128x16xf32, #tpu.memory_space<vmem>>, vector<1x16xf32>,
      %swap3A_2644 = vector.shape_cast %swap3A_2643 : vector<1x16xf32> to vector<16xf32>
      %swap3A_2645 = vector.shape_cast %sub3A_2639 : vector<16xf32> to vector<1x16xf32>
      tpu.vector_store %arg14[%swap3A_2641, %swap3A_2642], %swap3A_2645 {strides = array<i32>} : memref<128x16xf32, #tpu.memory_space<vmem>>, vector<1x16xf32>,
      %get3A_2646 = arith.constant 15 : i32
      %get3A_2647 = arith.index_cast %get3A_2646 : i32 to index
      %get3A_2648 = arith.constant 0 : index
      %get3A_2649 = tpu.vector_load %arg12[%get3A_2647, %get3A_2648] {strides = array<i32>} : memref<128x128xf32, #tpu.memory_space<vmem>>, vector<1x16xf32>,
      %get3A_2650 = vector.shape_cast %get3A_2649 : vector<1x16xf32> to vector<16xf32>
      %add3A_2651 = arith.constant 0 : i32
      %add3A_2652 = arith.addi %mul3A_2375, %add3A_2651 : i32
      %get3A_2653 = arith.index_cast %add3A_2652 : i32 to index
      %get3A_2654 = arith.constant 0 : index
      %get3A_2655 = tpu.vector_load %arg13[%get3A_2653, %get3A_2654] {strides = array<i32>} : memref<256x16xf32, #tpu.memory_space<vmem>>, vector<1x16xf32>,
      %get3A_2656 = vector.shape_cast %get3A_2655 : vector<1x16xf32> to vector<16xf32>
      %sub3A_2657 = arith.subf %get3A_2650, %get3A_2656 : vector<16xf32>
      %swap3A_2658 = arith.constant 15 : i32
      %swap3A_2659 = arith.index_cast %swap3A_2658 : i32 to index
      %swap3A_2660 = arith.constant 0 : index
      %swap3A_2661 = tpu.vector_load %arg14[%swap3A_2659, %swap3A_2660] {strides = array<i32>} : memref<128x16xf32, #tpu.memory_space<vmem>>, vector<1x16xf32>,
      %swap3A_2662 = vector.shape_cast %swap3A_2661 : vector<1x16xf32> to vector<16xf32>
      %swap3A_2663 = vector.shape_cast %sub3A_2657 : vector<16xf32> to vector<1x16xf32>
      tpu.vector_store %arg14[%swap3A_2659, %swap3A_2660], %swap3A_2663 {strides = array<i32>} : memref<128x16xf32, #tpu.memory_space<vmem>>, vector<1x16xf32>,
      %get3A_2664 = arith.constant 16 : i32
      %get3A_2665 = arith.index_cast %get3A_2664 : i32 to index
      %get3A_2666 = arith.constant 0 : index
      %get3A_2667 = tpu.vector_load %arg12[%get3A_2665, %get3A_2666] {strides = array<i32>} : memref<128x128xf32, #tpu.memory_space<vmem>>, vector<1x16xf32>,
      %get3A_2668 = vector.shape_cast %get3A_2667 : vector<1x16xf32> to vector<16xf32>
      %add3A_2669 = arith.constant 1 : i32
      %add3A_2670 = arith.addi %mul3A_2375, %add3A_2669 : i32
      %get3A_2671 = arith.index_cast %add3A_2670 : i32 to index
      %get3A_2672 = arith.constant 0 : index
      %get3A_2673 = tpu.vector_load %arg13[%get3A_2671, %get3A_2672] {strides = array<i32>} : memref<256x16xf32, #tpu.memory_space<vmem>>, vector<1x16xf32>,
      %get3A_2674 = vector.shape_cast %get3A_2673 : vector<1x16xf32> to vector<16xf32>
      %sub3A_2675 = arith.subf %get3A_2668, %get3A_2674 : vector<16xf32>
      %swap3A_2676 = arith.constant 16 : i32
      %swap3A_2677 = arith.index_cast %swap3A_2676 : i32 to index
      %swap3A_2678 = arith.constant 0 : index
      %swap3A_2679 = tpu.vector_load %arg14[%swap3A_2677, %swap3A_2678] {strides = array<i32>} : memref<128x16xf32, #tpu.memory_space<vmem>>, vector<1x16xf32>,
      %swap3A_2680 = vector.shape_cast %swap3A_2679 : vector<1x16xf32> to vector<16xf32>
      %swap3A_2681 = vector.shape_cast %sub3A_2675 : vector<16xf32> to vector<1x16xf32>
      tpu.vector_store %arg14[%swap3A_2677, %swap3A_2678], %swap3A_2681 {strides = array<i32>} : memref<128x16xf32, #tpu.memory_space<vmem>>, vector<1x16xf32>,
      %get3A_2682 = arith.constant 17 : i32
      %get3A_2683 = arith.index_cast %get3A_2682 : i32 to index
      %get3A_2684 = arith.constant 0 : index
      %get3A_2685 = tpu.vector_load %arg12[%get3A_2683, %get3A_2684] {strides = array<i32>} : memref<128x128xf32, #tpu.memory_space<vmem>>, vector<1x16xf32>,
      %get3A_2686 = vector.shape_cast %get3A_2685 : vector<1x16xf32> to vector<16xf32>
      %add3A_2687 = arith.constant 1 : i32
      %add3A_2688 = arith.addi %mul3A_2375, %add3A_2687 : i32
      %get3A_2689 = arith.index_cast %add3A_2688 : i32 to index
      %get3A_2690 = arith.constant 0 : index
      %get3A_2691 = tpu.vector_load %arg13[%get3A_2689, %get3A_2690] {strides = array<i32>} : memref<256x16xf32, #tpu.memory_space<vmem>>, vector<1x16xf32>,
      %get3A_2692 = vector.shape_cast %get3A_2691 : vector<1x16xf32> to vector<16xf32>
      %sub3A_2693 = arith.subf %get3A_2686, %get3A_2692 : vector<16xf32>
      %swap3A_2694 = arith.constant 17 : i32
      %swap3A_2695 = arith.index_cast %swap3A_2694 : i32 to index
      %swap3A_2696 = arith.constant 0 : index
      %swap3A_2697 = tpu.vector_load %arg14[%swap3A_2695, %swap3A_2696] {strides = array<i32>} : memref<128x16xf32, #tpu.memory_space<vmem>>, vector<1x16xf32>,
      %swap3A_2698 = vector.shape_cast %swap3A_2697 : vector<1x16xf32> to vector<16xf32>
      %swap3A_2699 = vector.shape_cast %sub3A_2693 : vector<16xf32> to vector<1x16xf32>
      tpu.vector_store %arg14[%swap3A_2695, %swap3A_2696], %swap3A_2699 {strides = array<i32>} : memref<128x16xf32, #tpu.memory_space<vmem>>, vector<1x16xf32>,
      %get3A_2700 = arith.constant 18 : i32
      %get3A_2701 = arith.index_cast %get3A_2700 : i32 to index
      %get3A_2702 = arith.constant 0 : index
      %get3A_2703 = tpu.vector_load %arg12[%get3A_2701, %get3A_2702] {strides = array<i32>} : memref<128x128xf32, #tpu.memory_space<vmem>>, vector<1x16xf32>,
      %get3A_2704 = vector.shape_cast %get3A_2703 : vector<1x16xf32> to vector<16xf32>
      %add3A_2705 = arith.constant 1 : i32
      %add3A_2706 = arith.addi %mul3A_2375, %add3A_2705 : i32
      %get3A_2707 = arith.index_cast %add3A_2706 : i32 to index
      %get3A_2708 = arith.constant 0 : index
      %get3A_2709 = tpu.vector_load %arg13[%get3A_2707, %get3A_2708] {strides = array<i32>} : memref<256x16xf32, #tpu.memory_space<vmem>>, vector<1x16xf32>,
      %get3A_2710 = vector.shape_cast %get3A_2709 : vector<1x16xf32> to vector<16xf32>
      %sub3A_2711 = arith.subf %get3A_2704, %get3A_2710 : vector<16xf32>
      %swap3A_2712 = arith.constant 18 : i32
      %swap3A_2713 = arith.index_cast %swap3A_2712 : i32 to index
      %swap3A_2714 = arith.constant 0 : index
      %swap3A_2715 = tpu.vector_load %arg14[%swap3A_2713, %swap3A_2714] {strides = array<i32>} : memref<128x16xf32, #tpu.memory_space<vmem>>, vector<1x16xf32>,
      %swap3A_2716 = vector.shape_cast %swap3A_2715 : vector<1x16xf32> to vector<16xf32>
      %swap3A_2717 = vector.shape_cast %sub3A_2711 : vector<16xf32> to vector<1x16xf32>
      tpu.vector_store %arg14[%swap3A_2713, %swap3A_2714], %swap3A_2717 {strides = array<i32>} : memref<128x16xf32, #tpu.memory_space<vmem>>, vector<1x16xf32>,
      %get3A_2718 = arith.constant 19 : i32
      %get3A_2719 = arith.index_cast %get3A_2718 : i32 to index
      %get3A_2720 = arith.constant 0 : index
      %get3A_2721 = tpu.vector_load %arg12[%get3A_2719, %get3A_2720] {strides = array<i32>} : memref<128x128xf32, #tpu.memory_space<vmem>>, vector<1x16xf32>,
      %get3A_2722 = vector.shape_cast %get3A_2721 : vector<1x16xf32> to vector<16xf32>
      %add3A_2723 = arith.constant 1 : i32
      %add3A_2724 = arith.addi %mul3A_2375, %add3A_2723 : i32
      %get3A_2725 = arith.index_cast %add3A_2724 : i32 to index
      %get3A_2726 = arith.constant 0 : index
      %get3A_2727 = tpu.vector_load %arg13[%get3A_2725, %get3A_2726] {strides = array<i32>} : memref<256x16xf32, #tpu.memory_space<vmem>>, vector<1x16xf32>,
      %get3A_2728 = vector.shape_cast %get3A_2727 : vector<1x16xf32> to vector<16xf32>
      %sub3A_2729 = arith.subf %get3A_2722, %get3A_2728 : vector<16xf32>
      %swap3A_2730 = arith.constant 19 : i32
      %swap3A_2731 = arith.index_cast %swap3A_2730 : i32 to index
      %swap3A_2732 = arith.constant 0 : index
      %swap3A_2733 = tpu.vector_load %arg14[%swap3A_2731, %swap3A_2732] {strides = array<i32>} : memref<128x16xf32, #tpu.memory_space<vmem>>, vector<1x16xf32>,
      %swap3A_2734 = vector.shape_cast %swap3A_2733 : vector<1x16xf32> to vector<16xf32>
      %swap3A_2735 = vector.shape_cast %sub3A_2729 : vector<16xf32> to vector<1x16xf32>
      tpu.vector_store %arg14[%swap3A_2731, %swap3A_2732], %swap3A_2735 {strides = array<i32>} : memref<128x16xf32, #tpu.memory_space<vmem>>, vector<1x16xf32>,
      %get3A_2736 = arith.constant 20 : i32
      %get3A_2737 = arith.index_cast %get3A_2736 : i32 to index
      %get3A_2738 = arith.constant 0 : index
      %get3A_2739 = tpu.vector_load %arg12[%get3A_2737, %get3A_2738] {strides = array<i32>} : memref<128x128xf32, #tpu.memory_space<vmem>>, vector<1x16xf32>,
      %get3A_2740 = vector.shape_cast %get3A_2739 : vector<1x16xf32> to vector<16xf32>
      %add3A_2741 = arith.constant 1 : i32
      %add3A_2742 = arith.addi %mul3A_2375, %add3A_2741 : i32
      %get3A_2743 = arith.index_cast %add3A_2742 : i32 to index
      %get3A_2744 = arith.constant 0 : index
      %get3A_2745 = tpu.vector_load %arg13[%get3A_2743, %get3A_2744] {strides = array<i32>} : memref<256x16xf32, #tpu.memory_space<vmem>>, vector<1x16xf32>,
      %get3A_2746 = vector.shape_cast %get3A_2745 : vector<1x16xf32> to vector<16xf32>
      %sub3A_2747 = arith.subf %get3A_2740, %get3A_2746 : vector<16xf32>
      %swap3A_2748 = arith.constant 20 : i32
      %swap3A_2749 = arith.index_cast %swap3A_2748 : i32 to index
      %swap3A_2750 = arith.constant 0 : index
      %swap3A_2751 = tpu.vector_load %arg14[%swap3A_2749, %swap3A_2750] {strides = array<i32>} : memref<128x16xf32, #tpu.memory_space<vmem>>, vector<1x16xf32>,
      %swap3A_2752 = vector.shape_cast %swap3A_2751 : vector<1x16xf32> to vector<16xf32>
      %swap3A_2753 = vector.shape_cast %sub3A_2747 : vector<16xf32> to vector<1x16xf32>
      tpu.vector_store %arg14[%swap3A_2749, %swap3A_2750], %swap3A_2753 {strides = array<i32>} : memref<128x16xf32, #tpu.memory_space<vmem>>, vector<1x16xf32>,
      %get3A_2754 = arith.constant 21 : i32
      %get3A_2755 = arith.index_cast %get3A_2754 : i32 to index
      %get3A_2756 = arith.constant 0 : index
      %get3A_2757 = tpu.vector_load %arg12[%get3A_2755, %get3A_2756] {strides = array<i32>} : memref<128x128xf32, #tpu.memory_space<vmem>>, vector<1x16xf32>,
      %get3A_2758 = vector.shape_cast %get3A_2757 : vector<1x16xf32> to vector<16xf32>
      %add3A_2759 = arith.constant 1 : i32
      %add3A_2760 = arith.addi %mul3A_2375, %add3A_2759 : i32
      %get3A_2761 = arith.index_cast %add3A_2760 : i32 to index
      %get3A_2762 = arith.constant 0 : index
      %get3A_2763 = tpu.vector_load %arg13[%get3A_2761, %get3A_2762] {strides = array<i32>} : memref<256x16xf32, #tpu.memory_space<vmem>>, vector<1x16xf32>,
      %get3A_2764 = vector.shape_cast %get3A_2763 : vector<1x16xf32> to vector<16xf32>
      %sub3A_2765 = arith.subf %get3A_2758, %get3A_2764 : vector<16xf32>
      %swap3A_2766 = arith.constant 21 : i32
      %swap3A_2767 = arith.index_cast %swap3A_2766 : i32 to index
      %swap3A_2768 = arith.constant 0 : index
      %swap3A_2769 = tpu.vector_load %arg14[%swap3A_2767, %swap3A_2768] {strides = array<i32>} : memref<128x16xf32, #tpu.memory_space<vmem>>, vector<1x16xf32>,
      %swap3A_2770 = vector.shape_cast %swap3A_2769 : vector<1x16xf32> to vector<16xf32>
      %swap3A_2771 = vector.shape_cast %sub3A_2765 : vector<16xf32> to vector<1x16xf32>
      tpu.vector_store %arg14[%swap3A_2767, %swap3A_2768], %swap3A_2771 {strides = array<i32>} : memref<128x16xf32, #tpu.memory_space<vmem>>, vector<1x16xf32>,
      %get3A_2772 = arith.constant 22 : i32
      %get3A_2773 = arith.index_cast %get3A_2772 : i32 to index
      %get3A_2774 = arith.constant 0 : index
      %get3A_2775 = tpu.vector_load %arg12[%get3A_2773, %get3A_2774] {strides = array<i32>} : memref<128x128xf32, #tpu.memory_space<vmem>>, vector<1x16xf32>,
      %get3A_2776 = vector.shape_cast %get3A_2775 : vector<1x16xf32> to vector<16xf32>
      %add3A_2777 = arith.constant 1 : i32
      %add3A_2778 = arith.addi %mul3A_2375, %add3A_2777 : i32
      %get3A_2779 = arith.index_cast %add3A_2778 : i32 to index
      %get3A_2780 = arith.constant 0 : index
      %get3A_2781 = tpu.vector_load %arg13[%get3A_2779, %get3A_2780] {strides = array<i32>} : memref<256x16xf32, #tpu.memory_space<vmem>>, vector<1x16xf32>,
      %get3A_2782 = vector.shape_cast %get3A_2781 : vector<1x16xf32> to vector<16xf32>
      %sub3A_2783 = arith.subf %get3A_2776, %get3A_2782 : vector<16xf32>
      %swap3A_2784 = arith.constant 22 : i32
      %swap3A_2785 = arith.index_cast %swap3A_2784 : i32 to index
      %swap3A_2786 = arith.constant 0 : index
      %swap3A_2787 = tpu.vector_load %arg14[%swap3A_2785, %swap3A_2786] {strides = array<i32>} : memref<128x16xf32, #tpu.memory_space<vmem>>, vector<1x16xf32>,
      %swap3A_2788 = vector.shape_cast %swap3A_2787 : vector<1x16xf32> to vector<16xf32>
      %swap3A_2789 = vector.shape_cast %sub3A_2783 : vector<16xf32> to vector<1x16xf32>
      tpu.vector_store %arg14[%swap3A_2785, %swap3A_2786], %swap3A_2789 {strides = array<i32>} : memref<128x16xf32, #tpu.memory_space<vmem>>, vector<1x16xf32>,
      %get3A_2790 = arith.constant 23 : i32
      %get3A_2791 = arith.index_cast %get3A_2790 : i32 to index
      %get3A_2792 = arith.constant 0 : index
      %get3A_2793 = tpu.vector_load %arg12[%get3A_2791, %get3A_2792] {strides = array<i32>} : memref<128x128xf32, #tpu.memory_space<vmem>>, vector<1x16xf32>,
      %get3A_2794 = vector.shape_cast %get3A_2793 : vector<1x16xf32> to vector<16xf32>
      %add3A_2795 = arith.constant 1 : i32
      %add3A_2796 = arith.addi %mul3A_2375, %add3A_2795 : i32
      %get3A_2797 = arith.index_cast %add3A_2796 : i32 to index
      %get3A_2798 = arith.constant 0 : index
      %get3A_2799 = tpu.vector_load %arg13[%get3A_2797, %get3A_2798] {strides = array<i32>} : memref<256x16xf32, #tpu.memory_space<vmem>>, vector<1x16xf32>,
      %get3A_2800 = vector.shape_cast %get3A_2799 : vector<1x16xf32> to vector<16xf32>
      %sub3A_2801 = arith.subf %get3A_2794, %get3A_2800 : vector<16xf32>
      %swap3A_2802 = arith.constant 23 : i32
      %swap3A_2803 = arith.index_cast %swap3A_2802 : i32 to index
      %swap3A_2804 = arith.constant 0 : index
      %swap3A_2805 = tpu.vector_load %arg14[%swap3A_2803, %swap3A_2804] {strides = array<i32>} : memref<128x16xf32, #tpu.memory_space<vmem>>, vector<1x16xf32>,
      %swap3A_2806 = vector.shape_cast %swap3A_2805 : vector<1x16xf32> to vector<16xf32>
      %swap3A_2807 = vector.shape_cast %sub3A_2801 : vector<16xf32> to vector<1x16xf32>
      tpu.vector_store %arg14[%swap3A_2803, %swap3A_2804], %swap3A_2807 {strides = array<i32>} : memref<128x16xf32, #tpu.memory_space<vmem>>, vector<1x16xf32>,
      %get3A_2808 = arith.constant 24 : i32
      %get3A_2809 = arith.index_cast %get3A_2808 : i32 to index
      %get3A_2810 = arith.constant 0 : index
      %get3A_2811 = tpu.vector_load %arg12[%get3A_2809, %get3A_2810] {strides = array<i32>} : memref<128x128xf32, #tpu.memory_space<vmem>>, vector<1x16xf32>,
      %get3A_2812 = vector.shape_cast %get3A_2811 : vector<1x16xf32> to vector<16xf32>
      %add3A_2813 = arith.constant 1 : i32
      %add3A_2814 = arith.addi %mul3A_2375, %add3A_2813 : i32
      %get3A_2815 = arith.index_cast %add3A_2814 : i32 to index
      %get3A_2816 = arith.constant 0 : index
      %get3A_2817 = tpu.vector_load %arg13[%get3A_2815, %get3A_2816] {strides = array<i32>} : memref<256x16xf32, #tpu.memory_space<vmem>>, vector<1x16xf32>,
      %get3A_2818 = vector.shape_cast %get3A_2817 : vector<1x16xf32> to vector<16xf32>
      %sub3A_2819 = arith.subf %get3A_2812, %get3A_2818 : vector<16xf32>
      %swap3A_2820 = arith.constant 24 : i32
      %swap3A_2821 = arith.index_cast %swap3A_2820 : i32 to index
      %swap3A_2822 = arith.constant 0 : index
      %swap3A_2823 = tpu.vector_load %arg14[%swap3A_2821, %swap3A_2822] {strides = array<i32>} : memref<128x16xf32, #tpu.memory_space<vmem>>, vector<1x16xf32>,
      %swap3A_2824 = vector.shape_cast %swap3A_2823 : vector<1x16xf32> to vector<16xf32>
      %swap3A_2825 = vector.shape_cast %sub3A_2819 : vector<16xf32> to vector<1x16xf32>
      tpu.vector_store %arg14[%swap3A_2821, %swap3A_2822], %swap3A_2825 {strides = array<i32>} : memref<128x16xf32, #tpu.memory_space<vmem>>, vector<1x16xf32>,
      %get3A_2826 = arith.constant 25 : i32
      %get3A_2827 = arith.index_cast %get3A_2826 : i32 to index
      %get3A_2828 = arith.constant 0 : index
      %get3A_2829 = tpu.vector_load %arg12[%get3A_2827, %get3A_2828] {strides = array<i32>} : memref<128x128xf32, #tpu.memory_space<vmem>>, vector<1x16xf32>,
      %get3A_2830 = vector.shape_cast %get3A_2829 : vector<1x16xf32> to vector<16xf32>
      %add3A_2831 = arith.constant 1 : i32
      %add3A_2832 = arith.addi %mul3A_2375, %add3A_2831 : i32
      %get3A_2833 = arith.index_cast %add3A_2832 : i32 to index
      %get3A_2834 = arith.constant 0 : index
      %get3A_2835 = tpu.vector_load %arg13[%get3A_2833, %get3A_2834] {strides = array<i32>} : memref<256x16xf32, #tpu.memory_space<vmem>>, vector<1x16xf32>,
      %get3A_2836 = vector.shape_cast %get3A_2835 : vector<1x16xf32> to vector<16xf32>
      %sub3A_2837 = arith.subf %get3A_2830, %get3A_2836 : vector<16xf32>
      %swap3A_2838 = arith.constant 25 : i32
      %swap3A_2839 = arith.index_cast %swap3A_2838 : i32 to index
      %swap3A_2840 = arith.constant 0 : index
      %swap3A_2841 = tpu.vector_load %arg14[%swap3A_2839, %swap3A_2840] {strides = array<i32>} : memref<128x16xf32, #tpu.memory_space<vmem>>, vector<1x16xf32>,
      %swap3A_2842 = vector.shape_cast %swap3A_2841 : vector<1x16xf32> to vector<16xf32>
      %swap3A_2843 = vector.shape_cast %sub3A_2837 : vector<16xf32> to vector<1x16xf32>
      tpu.vector_store %arg14[%swap3A_2839, %swap3A_2840], %swap3A_2843 {strides = array<i32>} : memref<128x16xf32, #tpu.memory_space<vmem>>, vector<1x16xf32>,
      %get3A_2844 = arith.constant 26 : i32
      %get3A_2845 = arith.index_cast %get3A_2844 : i32 to index
      %get3A_2846 = arith.constant 0 : index
      %get3A_2847 = tpu.vector_load %arg12[%get3A_2845, %get3A_2846] {strides = array<i32>} : memref<128x128xf32, #tpu.memory_space<vmem>>, vector<1x16xf32>,
      %get3A_2848 = vector.shape_cast %get3A_2847 : vector<1x16xf32> to vector<16xf32>
      %add3A_2849 = arith.constant 1 : i32
      %add3A_2850 = arith.addi %mul3A_2375, %add3A_2849 : i32
      %get3A_2851 = arith.index_cast %add3A_2850 : i32 to index
      %get3A_2852 = arith.constant 0 : index
      %get3A_2853 = tpu.vector_load %arg13[%get3A_2851, %get3A_2852] {strides = array<i32>} : memref<256x16xf32, #tpu.memory_space<vmem>>, vector<1x16xf32>,
      %get3A_2854 = vector.shape_cast %get3A_2853 : vector<1x16xf32> to vector<16xf32>
      %sub3A_2855 = arith.subf %get3A_2848, %get3A_2854 : vector<16xf32>
      %swap3A_2856 = arith.constant 26 : i32
      %swap3A_2857 = arith.index_cast %swap3A_2856 : i32 to index
      %swap3A_2858 = arith.constant 0 : index
      %swap3A_2859 = tpu.vector_load %arg14[%swap3A_2857, %swap3A_2858] {strides = array<i32>} : memref<128x16xf32, #tpu.memory_space<vmem>>, vector<1x16xf32>,
      %swap3A_2860 = vector.shape_cast %swap3A_2859 : vector<1x16xf32> to vector<16xf32>
      %swap3A_2861 = vector.shape_cast %sub3A_2855 : vector<16xf32> to vector<1x16xf32>
      tpu.vector_store %arg14[%swap3A_2857, %swap3A_2858], %swap3A_2861 {strides = array<i32>} : memref<128x16xf32, #tpu.memory_space<vmem>>, vector<1x16xf32>,
      %get3A_2862 = arith.constant 27 : i32
      %get3A_2863 = arith.index_cast %get3A_2862 : i32 to index
      %get3A_2864 = arith.constant 0 : index
      %get3A_2865 = tpu.vector_load %arg12[%get3A_2863, %get3A_2864] {strides = array<i32>} : memref<128x128xf32, #tpu.memory_space<vmem>>, vector<1x16xf32>,
      %get3A_2866 = vector.shape_cast %get3A_2865 : vector<1x16xf32> to vector<16xf32>
      %add3A_2867 = arith.constant 1 : i32
      %add3A_2868 = arith.addi %mul3A_2375, %add3A_2867 : i32
      %get3A_2869 = arith.index_cast %add3A_2868 : i32 to index
      %get3A_2870 = arith.constant 0 : index
      %get3A_2871 = tpu.vector_load %arg13[%get3A_2869, %get3A_2870] {strides = array<i32>} : memref<256x16xf32, #tpu.memory_space<vmem>>, vector<1x16xf32>,
      %get3A_2872 = vector.shape_cast %get3A_2871 : vector<1x16xf32> to vector<16xf32>
      %sub3A_2873 = arith.subf %get3A_2866, %get3A_2872 : vector<16xf32>
      %swap3A_2874 = arith.constant 27 : i32
      %swap3A_2875 = arith.index_cast %swap3A_2874 : i32 to index
      %swap3A_2876 = arith.constant 0 : index
      %swap3A_2877 = tpu.vector_load %arg14[%swap3A_2875, %swap3A_2876] {strides = array<i32>} : memref<128x16xf32, #tpu.memory_space<vmem>>, vector<1x16xf32>,
      %swap3A_2878 = vector.shape_cast %swap3A_2877 : vector<1x16xf32> to vector<16xf32>
      %swap3A_2879 = vector.shape_cast %sub3A_2873 : vector<16xf32> to vector<1x16xf32>
      tpu.vector_store %arg14[%swap3A_2875, %swap3A_2876], %swap3A_2879 {strides = array<i32>} : memref<128x16xf32, #tpu.memory_space<vmem>>, vector<1x16xf32>,
      %get3A_2880 = arith.constant 28 : i32
      %get3A_2881 = arith.index_cast %get3A_2880 : i32 to index
      %get3A_2882 = arith.constant 0 : index
      %get3A_2883 = tpu.vector_load %arg12[%get3A_2881, %get3A_2882] {strides = array<i32>} : memref<128x128xf32, #tpu.memory_space<vmem>>, vector<1x16xf32>,
      %get3A_2884 = vector.shape_cast %get3A_2883 : vector<1x16xf32> to vector<16xf32>
      %add3A_2885 = arith.constant 1 : i32
      %add3A_2886 = arith.addi %mul3A_2375, %add3A_2885 : i32
      %get3A_2887 = arith.index_cast %add3A_2886 : i32 to index
      %get3A_2888 = arith.constant 0 : index
      %get3A_2889 = tpu.vector_load %arg13[%get3A_2887, %get3A_2888] {strides = array<i32>} : memref<256x16xf32, #tpu.memory_space<vmem>>, vector<1x16xf32>,
      %get3A_2890 = vector.shape_cast %get3A_2889 : vector<1x16xf32> to vector<16xf32>
      %sub3A_2891 = arith.subf %get3A_2884, %get3A_2890 : vector<16xf32>
      %swap3A_2892 = arith.constant 28 : i32
      %swap3A_2893 = arith.index_cast %swap3A_2892 : i32 to index
      %swap3A_2894 = arith.constant 0 : index
      %swap3A_2895 = tpu.vector_load %arg14[%swap3A_2893, %swap3A_2894] {strides = array<i32>} : memref<128x16xf32, #tpu.memory_space<vmem>>, vector<1x16xf32>,
      %swap3A_2896 = vector.shape_cast %swap3A_2895 : vector<1x16xf32> to vector<16xf32>
      %swap3A_2897 = vector.shape_cast %sub3A_2891 : vector<16xf32> to vector<1x16xf32>
      tpu.vector_store %arg14[%swap3A_2893, %swap3A_2894], %swap3A_2897 {strides = array<i32>} : memref<128x16xf32, #tpu.memory_space<vmem>>, vector<1x16xf32>,
      %get3A_2898 = arith.constant 29 : i32
      %get3A_2899 = arith.index_cast %get3A_2898 : i32 to index
      %get3A_2900 = arith.constant 0 : index
      %get3A_2901 = tpu.vector_load %arg12[%get3A_2899, %get3A_2900] {strides = array<i32>} : memref<128x128xf32, #tpu.memory_space<vmem>>, vector<1x16xf32>,
      %get3A_2902 = vector.shape_cast %get3A_2901 : vector<1x16xf32> to vector<16xf32>
      %add3A_2903 = arith.constant 1 : i32
      %add3A_2904 = arith.addi %mul3A_2375, %add3A_2903 : i32
      %get3A_2905 = arith.index_cast %add3A_2904 : i32 to index
      %get3A_2906 = arith.constant 0 : index
      %get3A_2907 = tpu.vector_load %arg13[%get3A_2905, %get3A_2906] {strides = array<i32>} : memref<256x16xf32, #tpu.memory_space<vmem>>, vector<1x16xf32>,
      %get3A_2908 = vector.shape_cast %get3A_2907 : vector<1x16xf32> to vector<16xf32>
      %sub3A_2909 = arith.subf %get3A_2902, %get3A_2908 : vector<16xf32>
      %swap3A_2910 = arith.constant 29 : i32
      %swap3A_2911 = arith.index_cast %swap3A_2910 : i32 to index
      %swap3A_2912 = arith.constant 0 : index
      %swap3A_2913 = tpu.vector_load %arg14[%swap3A_2911, %swap3A_2912] {strides = array<i32>} : memref<128x16xf32, #tpu.memory_space<vmem>>, vector<1x16xf32>,
      %swap3A_2914 = vector.shape_cast %swap3A_2913 : vector<1x16xf32> to vector<16xf32>
      %swap3A_2915 = vector.shape_cast %sub3A_2909 : vector<16xf32> to vector<1x16xf32>
      tpu.vector_store %arg14[%swap3A_2911, %swap3A_2912], %swap3A_2915 {strides = array<i32>} : memref<128x16xf32, #tpu.memory_space<vmem>>, vector<1x16xf32>,
      %get3A_2916 = arith.constant 30 : i32
      %get3A_2917 = arith.index_cast %get3A_2916 : i32 to index
      %get3A_2918 = arith.constant 0 : index
      %get3A_2919 = tpu.vector_load %arg12[%get3A_2917, %get3A_2918] {strides = array<i32>} : memref<128x128xf32, #tpu.memory_space<vmem>>, vector<1x16xf32>,
      %get3A_2920 = vector.shape_cast %get3A_2919 : vector<1x16xf32> to vector<16xf32>
      %add3A_2921 = arith.constant 1 : i32
      %add3A_2922 = arith.addi %mul3A_2375, %add3A_2921 : i32
      %get3A_2923 = arith.index_cast %add3A_2922 : i32 to index
      %get3A_2924 = arith.constant 0 : index
      %get3A_2925 = tpu.vector_load %arg13[%get3A_2923, %get3A_2924] {strides = array<i32>} : memref<256x16xf32, #tpu.memory_space<vmem>>, vector<1x16xf32>,
      %get3A_2926 = vector.shape_cast %get3A_2925 : vector<1x16xf32> to vector<16xf32>
      %sub3A_2927 = arith.subf %get3A_2920, %get3A_2926 : vector<16xf32>
      %swap3A_2928 = arith.constant 30 : i32
      %swap3A_2929 = arith.index_cast %swap3A_2928 : i32 to index
      %swap3A_2930 = arith.constant 0 : index
      %swap3A_2931 = tpu.vector_load %arg14[%swap3A_2929, %swap3A_2930] {strides = array<i32>} : memref<128x16xf32, #tpu.memory_space<vmem>>, vector<1x16xf32>,
      %swap3A_2932 = vector.shape_cast %swap3A_2931 : vector<1x16xf32> to vector<16xf32>
      %swap3A_2933 = vector.shape_cast %sub3A_2927 : vector<16xf32> to vector<1x16xf32>
      tpu.vector_store %arg14[%swap3A_2929, %swap3A_2930], %swap3A_2933 {strides = array<i32>} : memref<128x16xf32, #tpu.memory_space<vmem>>, vector<1x16xf32>,
      %get3A_2934 = arith.constant 31 : i32
      %get3A_2935 = arith.index_cast %get3A_2934 : i32 to index
      %get3A_2936 = arith.constant 0 : index
      %get3A_2937 = tpu.vector_load %arg12[%get3A_2935, %get3A_2936] {strides = array<i32>} : memref<128x128xf32, #tpu.memory_space<vmem>>, vector<1x16xf32>,
      %get3A_2938 = vector.shape_cast %get3A_2937 : vector<1x16xf32> to vector<16xf32>
      %add3A_2939 = arith.constant 1 : i32
      %add3A_2940 = arith.addi %mul3A_2375, %add3A_2939 : i32
      %get3A_2941 = arith.index_cast %add3A_2940 : i32 to index
      %get3A_2942 = arith.constant 0 : index
      %get3A_2943 = tpu.vector_load %arg13[%get3A_2941, %get3A_2942] {strides = array<i32>} : memref<256x16xf32, #tpu.memory_space<vmem>>, vector<1x16xf32>,
      %get3A_2944 = vector.shape_cast %get3A_2943 : vector<1x16xf32> to vector<16xf32>
      %sub3A_2945 = arith.subf %get3A_2938, %get3A_2944 : vector<16xf32>
      %swap3A_2946 = arith.constant 31 : i32
      %swap3A_2947 = arith.index_cast %swap3A_2946 : i32 to index
      %swap3A_2948 = arith.constant 0 : index
      %swap3A_2949 = tpu.vector_load %arg14[%swap3A_2947, %swap3A_2948] {strides = array<i32>} : memref<128x16xf32, #tpu.memory_space<vmem>>, vector<1x16xf32>,
      %swap3A_2950 = vector.shape_cast %swap3A_2949 : vector<1x16xf32> to vector<16xf32>
      %swap3A_2951 = vector.shape_cast %sub3A_2945 : vector<16xf32> to vector<1x16xf32>
      tpu.vector_store %arg14[%swap3A_2947, %swap3A_2948], %swap3A_2951 {strides = array<i32>} : memref<128x16xf32, #tpu.memory_space<vmem>>, vector<1x16xf32>,
      %get3A_2952 = arith.constant 32 : i32
      %get3A_2953 = arith.index_cast %get3A_2952 : i32 to index
      %get3A_2954 = arith.constant 0 : index
      %get3A_2955 = tpu.vector_load %arg12[%get3A_2953, %get3A_2954] {strides = array<i32>} : memref<128x128xf32, #tpu.memory_space<vmem>>, vector<1x16xf32>,
      %get3A_2956 = vector.shape_cast %get3A_2955 : vector<1x16xf32> to vector<16xf32>
      %add3A_2957 = arith.constant 2 : i32
      %add3A_2958 = arith.addi %mul3A_2375, %add3A_2957 : i32
      %get3A_2959 = arith.index_cast %add3A_2958 : i32 to index
      %get3A_2960 = arith.constant 0 : index
      %get3A_2961 = tpu.vector_load %arg13[%get3A_2959, %get3A_2960] {strides = array<i32>} : memref<256x16xf32, #tpu.memory_space<vmem>>, vector<1x16xf32>,
      %get3A_2962 = vector.shape_cast %get3A_2961 : vector<1x16xf32> to vector<16xf32>
      %sub3A_2963 = arith.subf %get3A_2956, %get3A_2962 : vector<16xf32>
      %swap3A_2964 = arith.constant 32 : i32
      %swap3A_2965 = arith.index_cast %swap3A_2964 : i32 to index
      %swap3A_2966 = arith.constant 0 : index
      %swap3A_2967 = tpu.vector_load %arg14[%swap3A_2965, %swap3A_2966] {strides = array<i32>} : memref<128x16xf32, #tpu.memory_space<vmem>>, vector<1x16xf32>,
      %swap3A_2968 = vector.shape_cast %swap3A_2967 : vector<1x16xf32> to vector<16xf32>
      %swap3A_2969 = vector.shape_cast %sub3A_2963 : vector<16xf32> to vector<1x16xf32>
      tpu.vector_store %arg14[%swap3A_2965, %swap3A_2966], %swap3A_2969 {strides = array<i32>} : memref<128x16xf32, #tpu.memory_space<vmem>>, vector<1x16xf32>,
      %get3A_2970 = arith.constant 33 : i32
      %get3A_2971 = arith.index_cast %get3A_2970 : i32 to index
      %get3A_2972 = arith.constant 0 : index
      %get3A_2973 = tpu.vector_load %arg12[%get3A_2971, %get3A_2972] {strides = array<i32>} : memref<128x128xf32, #tpu.memory_space<vmem>>, vector<1x16xf32>,
      %get3A_2974 = vector.shape_cast %get3A_2973 : vector<1x16xf32> to vector<16xf32>
      %add3A_2975 = arith.constant 2 : i32
      %add3A_2976 = arith.addi %mul3A_2375, %add3A_2975 : i32
      %get3A_2977 = arith.index_cast %add3A_2976 : i32 to index
      %get3A_2978 = arith.constant 0 : index
      %get3A_2979 = tpu.vector_load %arg13[%get3A_2977, %get3A_2978] {strides = array<i32>} : memref<256x16xf32, #tpu.memory_space<vmem>>, vector<1x16xf32>,
      %get3A_2980 = vector.shape_cast %get3A_2979 : vector<1x16xf32> to vector<16xf32>
      %sub3A_2981 = arith.subf %get3A_2974, %get3A_2980 : vector<16xf32>
      %swap3A_2982 = arith.constant 33 : i32
      %swap3A_2983 = arith.index_cast %swap3A_2982 : i32 to index
      %swap3A_2984 = arith.constant 0 : index
      %swap3A_2985 = tpu.vector_load %arg14[%swap3A_2983, %swap3A_2984] {strides = array<i32>} : memref<128x16xf32, #tpu.memory_space<vmem>>, vector<1x16xf32>,
      %swap3A_2986 = vector.shape_cast %swap3A_2985 : vector<1x16xf32> to vector<16xf32>
      %swap3A_2987 = vector.shape_cast %sub3A_2981 : vector<16xf32> to vector<1x16xf32>
      tpu.vector_store %arg14[%swap3A_2983, %swap3A_2984], %swap3A_2987 {strides = array<i32>} : memref<128x16xf32, #tpu.memory_space<vmem>>, vector<1x16xf32>,
      %get3A_2988 = arith.constant 34 : i32
      %get3A_2989 = arith.index_cast %get3A_2988 : i32 to index
      %get3A_2990 = arith.constant 0 : index
      %get3A_2991 = tpu.vector_load %arg12[%get3A_2989, %get3A_2990] {strides = array<i32>} : memref<128x128xf32, #tpu.memory_space<vmem>>, vector<1x16xf32>,
      %get3A_2992 = vector.shape_cast %get3A_2991 : vector<1x16xf32> to vector<16xf32>
      %add3A_2993 = arith.constant 2 : i32
      %add3A_2994 = arith.addi %mul3A_2375, %add3A_2993 : i32
      %get3A_2995 = arith.index_cast %add3A_2994 : i32 to index
      %get3A_2996 = arith.constant 0 : index
      %get3A_2997 = tpu.vector_load %arg13[%get3A_2995, %get3A_2996] {strides = array<i32>} : memref<256x16xf32, #tpu.memory_space<vmem>>, vector<1x16xf32>,
      %get3A_2998 = vector.shape_cast %get3A_2997 : vector<1x16xf32> to vector<16xf32>
      %sub3A_2999 = arith.subf %get3A_2992, %get3A_2998 : vector<16xf32>
      %swap3A_3000 = arith.constant 34 : i32
      %swap3A_3001 = arith.index_cast %swap3A_3000 : i32 to index
      %swap3A_3002 = arith.constant 0 : index
      %swap3A_3003 = tpu.vector_load %arg14[%swap3A_3001, %swap3A_3002] {strides = array<i32>} : memref<128x16xf32, #tpu.memory_space<vmem>>, vector<1x16xf32>,
      %swap3A_3004 = vector.shape_cast %swap3A_3003 : vector<1x16xf32> to vector<16xf32>
      %swap3A_3005 = vector.shape_cast %sub3A_2999 : vector<16xf32> to vector<1x16xf32>
      tpu.vector_store %arg14[%swap3A_3001, %swap3A_3002], %swap3A_3005 {strides = array<i32>} : memref<128x16xf32, #tpu.memory_space<vmem>>, vector<1x16xf32>,
      %get3A_3006 = arith.constant 35 : i32
      %get3A_3007 = arith.index_cast %get3A_3006 : i32 to index
      %get3A_3008 = arith.constant 0 : index
      %get3A_3009 = tpu.vector_load %arg12[%get3A_3007, %get3A_3008] {strides = array<i32>} : memref<128x128xf32, #tpu.memory_space<vmem>>, vector<1x16xf32>,
      %get3A_3010 = vector.shape_cast %get3A_3009 : vector<1x16xf32> to vector<16xf32>
      %add3A_3011 = arith.constant 2 : i32
      %add3A_3012 = arith.addi %mul3A_2375, %add3A_3011 : i32
      %get3A_3013 = arith.index_cast %add3A_3012 : i32 to index
      %get3A_3014 = arith.constant 0 : index
      %get3A_3015 = tpu.vector_load %arg13[%get3A_3013, %get3A_3014] {strides = array<i32>} : memref<256x16xf32, #tpu.memory_space<vmem>>, vector<1x16xf32>,
      %get3A_3016 = vector.shape_cast %get3A_3015 : vector<1x16xf32> to vector<16xf32>
      %sub3A_3017 = arith.subf %get3A_3010, %get3A_3016 : vector<16xf32>
      %swap3A_3018 = arith.constant 35 : i32
      %swap3A_3019 = arith.index_cast %swap3A_3018 : i32 to index
      %swap3A_3020 = arith.constant 0 : index
      %swap3A_3021 = tpu.vector_load %arg14[%swap3A_3019, %swap3A_3020] {strides = array<i32>} : memref<128x16xf32, #tpu.memory_space<vmem>>, vector<1x16xf32>,
      %swap3A_3022 = vector.shape_cast %swap3A_3021 : vector<1x16xf32> to vector<16xf32>
      %swap3A_3023 = vector.shape_cast %sub3A_3017 : vector<16xf32> to vector<1x16xf32>
      tpu.vector_store %arg14[%swap3A_3019, %swap3A_3020], %swap3A_3023 {strides = array<i32>} : memref<128x16xf32, #tpu.memory_space<vmem>>, vector<1x16xf32>,
      %get3A_3024 = arith.constant 36 : i32
      %get3A_3025 = arith.index_cast %get3A_3024 : i32 to index
      %get3A_3026 = arith.constant 0 : index
      %get3A_3027 = tpu.vector_load %arg12[%get3A_3025, %get3A_3026] {strides = array<i32>} : memref<128x128xf32, #tpu.memory_space<vmem>>, vector<1x16xf32>,
      %get3A_3028 = vector.shape_cast %get3A_3027 : vector<1x16xf32> to vector<16xf32>
      %add3A_3029 = arith.constant 2 : i32
      %add3A_3030 = arith.addi %mul3A_2375, %add3A_3029 : i32
      %get3A_3031 = arith.index_cast %add3A_3030 : i32 to index
      %get3A_3032 = arith.constant 0 : index
      %get3A_3033 = tpu.vector_load %arg13[%get3A_3031, %get3A_3032] {strides = array<i32>} : memref<256x16xf32, #tpu.memory_space<vmem>>, vector<1x16xf32>,
      %get3A_3034 = vector.shape_cast %get3A_3033 : vector<1x16xf32> to vector<16xf32>
      %sub3A_3035 = arith.subf %get3A_3028, %get3A_3034 : vector<16xf32>
      %swap3A_3036 = arith.constant 36 : i32
      %swap3A_3037 = arith.index_cast %swap3A_3036 : i32 to index
      %swap3A_3038 = arith.constant 0 : index
      %swap3A_3039 = tpu.vector_load %arg14[%swap3A_3037, %swap3A_3038] {strides = array<i32>} : memref<128x16xf32, #tpu.memory_space<vmem>>, vector<1x16xf32>,
      %swap3A_3040 = vector.shape_cast %swap3A_3039 : vector<1x16xf32> to vector<16xf32>
      %swap3A_3041 = vector.shape_cast %sub3A_3035 : vector<16xf32> to vector<1x16xf32>
      tpu.vector_store %arg14[%swap3A_3037, %swap3A_3038], %swap3A_3041 {strides = array<i32>} : memref<128x16xf32, #tpu.memory_space<vmem>>, vector<1x16xf32>,
      %get3A_3042 = arith.constant 37 : i32
      %get3A_3043 = arith.index_cast %get3A_3042 : i32 to index
      %get3A_3044 = arith.constant 0 : index
      %get3A_3045 = tpu.vector_load %arg12[%get3A_3043, %get3A_3044] {strides = array<i32>} : memref<128x128xf32, #tpu.memory_space<vmem>>, vector<1x16xf32>,
      %get3A_3046 = vector.shape_cast %get3A_3045 : vector<1x16xf32> to vector<16xf32>
      %add3A_3047 = arith.constant 2 : i32
      %add3A_3048 = arith.addi %mul3A_2375, %add3A_3047 : i32
      %get3A_3049 = arith.index_cast %add3A_3048 : i32 to index
      %get3A_3050 = arith.constant 0 : index
      %get3A_3051 = tpu.vector_load %arg13[%get3A_3049, %get3A_3050] {strides = array<i32>} : memref<256x16xf32, #tpu.memory_space<vmem>>, vector<1x16xf32>,
      %get3A_3052 = vector.shape_cast %get3A_3051 : vector<1x16xf32> to vector<16xf32>
      %sub3A_3053 = arith.subf %get3A_3046, %get3A_3052 : vector<16xf32>
      %swap3A_3054 = arith.constant 37 : i32
      %swap3A_3055 = arith.index_cast %swap3A_3054 : i32 to index
      %swap3A_3056 = arith.constant 0 : index
      %swap3A_3057 = tpu.vector_load %arg14[%swap3A_3055, %swap3A_3056] {strides = array<i32>} : memref<128x16xf32, #tpu.memory_space<vmem>>, vector<1x16xf32>,
      %swap3A_3058 = vector.shape_cast %swap3A_3057 : vector<1x16xf32> to vector<16xf32>
      %swap3A_3059 = vector.shape_cast %sub3A_3053 : vector<16xf32> to vector<1x16xf32>
      tpu.vector_store %arg14[%swap3A_3055, %swap3A_3056], %swap3A_3059 {strides = array<i32>} : memref<128x16xf32, #tpu.memory_space<vmem>>, vector<1x16xf32>,
      %get3A_3060 = arith.constant 38 : i32
      %get3A_3061 = arith.index_cast %get3A_3060 : i32 to index
      %get3A_3062 = arith.constant 0 : index
      %get3A_3063 = tpu.vector_load %arg12[%get3A_3061, %get3A_3062] {strides = array<i32>} : memref<128x128xf32, #tpu.memory_space<vmem>>, vector<1x16xf32>,
      %get3A_3064 = vector.shape_cast %get3A_3063 : vector<1x16xf32> to vector<16xf32>
      %add3A_3065 = arith.constant 2 : i32
      %add3A_3066 = arith.addi %mul3A_2375, %add3A_3065 : i32
      %get3A_3067 = arith.index_cast %add3A_3066 : i32 to index
      %get3A_3068 = arith.constant 0 : index
      %get3A_3069 = tpu.vector_load %arg13[%get3A_3067, %get3A_3068] {strides = array<i32>} : memref<256x16xf32, #tpu.memory_space<vmem>>, vector<1x16xf32>,
      %get3A_3070 = vector.shape_cast %get3A_3069 : vector<1x16xf32> to vector<16xf32>
      %sub3A_3071 = arith.subf %get3A_3064, %get3A_3070 : vector<16xf32>
      %swap3A_3072 = arith.constant 38 : i32
      %swap3A_3073 = arith.index_cast %swap3A_3072 : i32 to index
      %swap3A_3074 = arith.constant 0 : index
      %swap3A_3075 = tpu.vector_load %arg14[%swap3A_3073, %swap3A_3074] {strides = array<i32>} : memref<128x16xf32, #tpu.memory_space<vmem>>, vector<1x16xf32>,
      %swap3A_3076 = vector.shape_cast %swap3A_3075 : vector<1x16xf32> to vector<16xf32>
      %swap3A_3077 = vector.shape_cast %sub3A_3071 : vector<16xf32> to vector<1x16xf32>
      tpu.vector_store %arg14[%swap3A_3073, %swap3A_3074], %swap3A_3077 {strides = array<i32>} : memref<128x16xf32, #tpu.memory_space<vmem>>, vector<1x16xf32>,
      %get3A_3078 = arith.constant 39 : i32
      %get3A_3079 = arith.index_cast %get3A_3078 : i32 to index
      %get3A_3080 = arith.constant 0 : index
      %get3A_3081 = tpu.vector_load %arg12[%get3A_3079, %get3A_3080] {strides = array<i32>} : memref<128x128xf32, #tpu.memory_space<vmem>>, vector<1x16xf32>,
      %get3A_3082 = vector.shape_cast %get3A_3081 : vector<1x16xf32> to vector<16xf32>
      %add3A_3083 = arith.constant 2 : i32
      %add3A_3084 = arith.addi %mul3A_2375, %add3A_3083 : i32
      %get3A_3085 = arith.index_cast %add3A_3084 : i32 to index
      %get3A_3086 = arith.constant 0 : index
      %get3A_3087 = tpu.vector_load %arg13[%get3A_3085, %get3A_3086] {strides = array<i32>} : memref<256x16xf32, #tpu.memory_space<vmem>>, vector<1x16xf32>,
      %get3A_3088 = vector.shape_cast %get3A_3087 : vector<1x16xf32> to vector<16xf32>
      %sub3A_3089 = arith.subf %get3A_3082, %get3A_3088 : vector<16xf32>
      %swap3A_3090 = arith.constant 39 : i32
      %swap3A_3091 = arith.index_cast %swap3A_3090 : i32 to index
      %swap3A_3092 = arith.constant 0 : index
      %swap3A_3093 = tpu.vector_load %arg14[%swap3A_3091, %swap3A_3092] {strides = array<i32>} : memref<128x16xf32, #tpu.memory_space<vmem>>, vector<1x16xf32>,
      %swap3A_3094 = vector.shape_cast %swap3A_3093 : vector<1x16xf32> to vector<16xf32>
      %swap3A_3095 = vector.shape_cast %sub3A_3089 : vector<16xf32> to vector<1x16xf32>
      tpu.vector_store %arg14[%swap3A_3091, %swap3A_3092], %swap3A_3095 {strides = array<i32>} : memref<128x16xf32, #tpu.memory_space<vmem>>, vector<1x16xf32>,
      %get3A_3096 = arith.constant 40 : i32
      %get3A_3097 = arith.index_cast %get3A_3096 : i32 to index
      %get3A_3098 = arith.constant 0 : index
      %get3A_3099 = tpu.vector_load %arg12[%get3A_3097, %get3A_3098] {strides = array<i32>} : memref<128x128xf32, #tpu.memory_space<vmem>>, vector<1x16xf32>,
      %get3A_3100 = vector.shape_cast %get3A_3099 : vector<1x16xf32> to vector<16xf32>
      %add3A_3101 = arith.constant 2 : i32
      %add3A_3102 = arith.addi %mul3A_2375, %add3A_3101 : i32
      %get3A_3103 = arith.index_cast %add3A_3102 : i32 to index
      %get3A_3104 = arith.constant 0 : index
      %get3A_3105 = tpu.vector_load %arg13[%get3A_3103, %get3A_3104] {strides = array<i32>} : memref<256x16xf32, #tpu.memory_space<vmem>>, vector<1x16xf32>,
      %get3A_3106 = vector.shape_cast %get3A_3105 : vector<1x16xf32> to vector<16xf32>
      %sub3A_3107 = arith.subf %get3A_3100, %get3A_3106 : vector<16xf32>
      %swap3A_3108 = arith.constant 40 : i32
      %swap3A_3109 = arith.index_cast %swap3A_3108 : i32 to index
      %swap3A_3110 = arith.constant 0 : index
      %swap3A_3111 = tpu.vector_load %arg14[%swap3A_3109, %swap3A_3110] {strides = array<i32>} : memref<128x16xf32, #tpu.memory_space<vmem>>, vector<1x16xf32>,
      %swap3A_3112 = vector.shape_cast %swap3A_3111 : vector<1x16xf32> to vector<16xf32>
      %swap3A_3113 = vector.shape_cast %sub3A_3107 : vector<16xf32> to vector<1x16xf32>
      tpu.vector_store %arg14[%swap3A_3109, %swap3A_3110], %swap3A_3113 {strides = array<i32>} : memref<128x16xf32, #tpu.memory_space<vmem>>, vector<1x16xf32>,
      %get3A_3114 = arith.constant 41 : i32
      %get3A_3115 = arith.index_cast %get3A_3114 : i32 to index
      %get3A_3116 = arith.constant 0 : index
      %get3A_3117 = tpu.vector_load %arg12[%get3A_3115, %get3A_3116] {strides = array<i32>} : memref<128x128xf32, #tpu.memory_space<vmem>>, vector<1x16xf32>,
      %get3A_3118 = vector.shape_cast %get3A_3117 : vector<1x16xf32> to vector<16xf32>
      %add3A_3119 = arith.constant 2 : i32
      %add3A_3120 = arith.addi %mul3A_2375, %add3A_3119 : i32
      %get3A_3121 = arith.index_cast %add3A_3120 : i32 to index
      %get3A_3122 = arith.constant 0 : index
      %get3A_3123 = tpu.vector_load %arg13[%get3A_3121, %get3A_3122] {strides = array<i32>} : memref<256x16xf32, #tpu.memory_space<vmem>>, vector<1x16xf32>,
      %get3A_3124 = vector.shape_cast %get3A_3123 : vector<1x16xf32> to vector<16xf32>
      %sub3A_3125 = arith.subf %get3A_3118, %get3A_3124 : vector<16xf32>
      %swap3A_3126 = arith.constant 41 : i32
      %swap3A_3127 = arith.index_cast %swap3A_3126 : i32 to index
      %swap3A_3128 = arith.constant 0 : index
      %swap3A_3129 = tpu.vector_load %arg14[%swap3A_3127, %swap3A_3128] {strides = array<i32>} : memref<128x16xf32, #tpu.memory_space<vmem>>, vector<1x16xf32>,
      %swap3A_3130 = vector.shape_cast %swap3A_3129 : vector<1x16xf32> to vector<16xf32>
      %swap3A_3131 = vector.shape_cast %sub3A_3125 : vector<16xf32> to vector<1x16xf32>
      tpu.vector_store %arg14[%swap3A_3127, %swap3A_3128], %swap3A_3131 {strides = array<i32>} : memref<128x16xf32, #tpu.memory_space<vmem>>, vector<1x16xf32>,
      %get3A_3132 = arith.constant 42 : i32
      %get3A_3133 = arith.index_cast %get3A_3132 : i32 to index
      %get3A_3134 = arith.constant 0 : index
      %get3A_3135 = tpu.vector_load %arg12[%get3A_3133, %get3A_3134] {strides = array<i32>} : memref<128x128xf32, #tpu.memory_space<vmem>>, vector<1x16xf32>,
      %get3A_3136 = vector.shape_cast %get3A_3135 : vector<1x16xf32> to vector<16xf32>
      %add3A_3137 = arith.constant 2 : i32
      %add3A_3138 = arith.addi %mul3A_2375, %add3A_3137 : i32
      %get3A_3139 = arith.index_cast %add3A_3138 : i32 to index
      %get3A_3140 = arith.constant 0 : index
      %get3A_3141 = tpu.vector_load %arg13[%get3A_3139, %get3A_3140] {strides = array<i32>} : memref<256x16xf32, #tpu.memory_space<vmem>>, vector<1x16xf32>,
      %get3A_3142 = vector.shape_cast %get3A_3141 : vector<1x16xf32> to vector<16xf32>
      %sub3A_3143 = arith.subf %get3A_3136, %get3A_3142 : vector<16xf32>
      %swap3A_3144 = arith.constant 42 : i32
      %swap3A_3145 = arith.index_cast %swap3A_3144 : i32 to index
      %swap3A_3146 = arith.constant 0 : index
      %swap3A_3147 = tpu.vector_load %arg14[%swap3A_3145, %swap3A_3146] {strides = array<i32>} : memref<128x16xf32, #tpu.memory_space<vmem>>, vector<1x16xf32>,
      %swap3A_3148 = vector.shape_cast %swap3A_3147 : vector<1x16xf32> to vector<16xf32>
      %swap3A_3149 = vector.shape_cast %sub3A_3143 : vector<16xf32> to vector<1x16xf32>
      tpu.vector_store %arg14[%swap3A_3145, %swap3A_3146], %swap3A_3149 {strides = array<i32>} : memref<128x16xf32, #tpu.memory_space<vmem>>, vector<1x16xf32>,
      %get3A_3150 = arith.constant 43 : i32
      %get3A_3151 = arith.index_cast %get3A_3150 : i32 to index
      %get3A_3152 = arith.constant 0 : index
      %get3A_3153 = tpu.vector_load %arg12[%get3A_3151, %get3A_3152] {strides = array<i32>} : memref<128x128xf32, #tpu.memory_space<vmem>>, vector<1x16xf32>,
      %get3A_3154 = vector.shape_cast %get3A_3153 : vector<1x16xf32> to vector<16xf32>
      %add3A_3155 = arith.constant 2 : i32
      %add3A_3156 = arith.addi %mul3A_2375, %add3A_3155 : i32
      %get3A_3157 = arith.index_cast %add3A_3156 : i32 to index
      %get3A_3158 = arith.constant 0 : index
      %get3A_3159 = tpu.vector_load %arg13[%get3A_3157, %get3A_3158] {strides = array<i32>} : memref<256x16xf32, #tpu.memory_space<vmem>>, vector<1x16xf32>,
      %get3A_3160 = vector.shape_cast %get3A_3159 : vector<1x16xf32> to vector<16xf32>
      %sub3A_3161 = arith.subf %get3A_3154, %get3A_3160 : vector<16xf32>
      %swap3A_3162 = arith.constant 43 : i32
      %swap3A_3163 = arith.index_cast %swap3A_3162 : i32 to index
      %swap3A_3164 = arith.constant 0 : index
      %swap3A_3165 = tpu.vector_load %arg14[%swap3A_3163, %swap3A_3164] {strides = array<i32>} : memref<128x16xf32, #tpu.memory_space<vmem>>, vector<1x16xf32>,
      %swap3A_3166 = vector.shape_cast %swap3A_3165 : vector<1x16xf32> to vector<16xf32>
      %swap3A_3167 = vector.shape_cast %sub3A_3161 : vector<16xf32> to vector<1x16xf32>
      tpu.vector_store %arg14[%swap3A_3163, %swap3A_3164], %swap3A_3167 {strides = array<i32>} : memref<128x16xf32, #tpu.memory_space<vmem>>, vector<1x16xf32>,
      %get3A_3168 = arith.constant 44 : i32
      %get3A_3169 = arith.index_cast %get3A_3168 : i32 to index
      %get3A_3170 = arith.constant 0 : index
      %get3A_3171 = tpu.vector_load %arg12[%get3A_3169, %get3A_3170] {strides = array<i32>} : memref<128x128xf32, #tpu.memory_space<vmem>>, vector<1x16xf32>,
      %get3A_3172 = vector.shape_cast %get3A_3171 : vector<1x16xf32> to vector<16xf32>
      %add3A_3173 = arith.constant 2 : i32
      %add3A_3174 = arith.addi %mul3A_2375, %add3A_3173 : i32
      %get3A_3175 = arith.index_cast %add3A_3174 : i32 to index
      %get3A_3176 = arith.constant 0 : index
      %get3A_3177 = tpu.vector_load %arg13[%get3A_3175, %get3A_3176] {strides = array<i32>} : memref<256x16xf32, #tpu.memory_space<vmem>>, vector<1x16xf32>,
      %get3A_3178 = vector.shape_cast %get3A_3177 : vector<1x16xf32> to vector<16xf32>
      %sub3A_3179 = arith.subf %get3A_3172, %get3A_3178 : vector<16xf32>
      %swap3A_3180 = arith.constant 44 : i32
      %swap3A_3181 = arith.index_cast %swap3A_3180 : i32 to index
      %swap3A_3182 = arith.constant 0 : index
      %swap3A_3183 = tpu.vector_load %arg14[%swap3A_3181, %swap3A_3182] {strides = array<i32>} : memref<128x16xf32, #tpu.memory_space<vmem>>, vector<1x16xf32>,
      %swap3A_3184 = vector.shape_cast %swap3A_3183 : vector<1x16xf32> to vector<16xf32>
      %swap3A_3185 = vector.shape_cast %sub3A_3179 : vector<16xf32> to vector<1x16xf32>
      tpu.vector_store %arg14[%swap3A_3181, %swap3A_3182], %swap3A_3185 {strides = array<i32>} : memref<128x16xf32, #tpu.memory_space<vmem>>, vector<1x16xf32>,
      %get3A_3186 = arith.constant 45 : i32
      %get3A_3187 = arith.index_cast %get3A_3186 : i32 to index
      %get3A_3188 = arith.constant 0 : index
      %get3A_3189 = tpu.vector_load %arg12[%get3A_3187, %get3A_3188] {strides = array<i32>} : memref<128x128xf32, #tpu.memory_space<vmem>>, vector<1x16xf32>,
      %get3A_3190 = vector.shape_cast %get3A_3189 : vector<1x16xf32> to vector<16xf32>
      %add3A_3191 = arith.constant 2 : i32
      %add3A_3192 = arith.addi %mul3A_2375, %add3A_3191 : i32
      %get3A_3193 = arith.index_cast %add3A_3192 : i32 to index
      %get3A_3194 = arith.constant 0 : index
      %get3A_3195 = tpu.vector_load %arg13[%get3A_3193, %get3A_3194] {strides = array<i32>} : memref<256x16xf32, #tpu.memory_space<vmem>>, vector<1x16xf32>,
      %get3A_3196 = vector.shape_cast %get3A_3195 : vector<1x16xf32> to vector<16xf32>
      %sub3A_3197 = arith.subf %get3A_3190, %get3A_3196 : vector<16xf32>
      %swap3A_3198 = arith.constant 45 : i32
      %swap3A_3199 = arith.index_cast %swap3A_3198 : i32 to index
      %swap3A_3200 = arith.constant 0 : index
      %swap3A_3201 = tpu.vector_load %arg14[%swap3A_3199, %swap3A_3200] {strides = array<i32>} : memref<128x16xf32, #tpu.memory_space<vmem>>, vector<1x16xf32>,
      %swap3A_3202 = vector.shape_cast %swap3A_3201 : vector<1x16xf32> to vector<16xf32>
      %swap3A_3203 = vector.shape_cast %sub3A_3197 : vector<16xf32> to vector<1x16xf32>
      tpu.vector_store %arg14[%swap3A_3199, %swap3A_3200], %swap3A_3203 {strides = array<i32>} : memref<128x16xf32, #tpu.memory_space<vmem>>, vector<1x16xf32>,
      %get3A_3204 = arith.constant 46 : i32
      %get3A_3205 = arith.index_cast %get3A_3204 : i32 to index
      %get3A_3206 = arith.constant 0 : index
      %get3A_3207 = tpu.vector_load %arg12[%get3A_3205, %get3A_3206] {strides = array<i32>} : memref<128x128xf32, #tpu.memory_space<vmem>>, vector<1x16xf32>,
      %get3A_3208 = vector.shape_cast %get3A_3207 : vector<1x16xf32> to vector<16xf32>
      %add3A_3209 = arith.constant 2 : i32
      %add3A_3210 = arith.addi %mul3A_2375, %add3A_3209 : i32
      %get3A_3211 = arith.index_cast %add3A_3210 : i32 to index
      %get3A_3212 = arith.constant 0 : index
      %get3A_3213 = tpu.vector_load %arg13[%get3A_3211, %get3A_3212] {strides = array<i32>} : memref<256x16xf32, #tpu.memory_space<vmem>>, vector<1x16xf32>,
      %get3A_3214 = vector.shape_cast %get3A_3213 : vector<1x16xf32> to vector<16xf32>
      %sub3A_3215 = arith.subf %get3A_3208, %get3A_3214 : vector<16xf32>
      %swap3A_3216 = arith.constant 46 : i32
      %swap3A_3217 = arith.index_cast %swap3A_3216 : i32 to index
      %swap3A_3218 = arith.constant 0 : index
      %swap3A_3219 = tpu.vector_load %arg14[%swap3A_3217, %swap3A_3218] {strides = array<i32>} : memref<128x16xf32, #tpu.memory_space<vmem>>, vector<1x16xf32>,
      %swap3A_3220 = vector.shape_cast %swap3A_3219 : vector<1x16xf32> to vector<16xf32>
      %swap3A_3221 = vector.shape_cast %sub3A_3215 : vector<16xf32> to vector<1x16xf32>
      tpu.vector_store %arg14[%swap3A_3217, %swap3A_3218], %swap3A_3221 {strides = array<i32>} : memref<128x16xf32, #tpu.memory_space<vmem>>, vector<1x16xf32>,
      %get3A_3222 = arith.constant 47 : i32
      %get3A_3223 = arith.index_cast %get3A_3222 : i32 to index
      %get3A_3224 = arith.constant 0 : index
      %get3A_3225 = tpu.vector_load %arg12[%get3A_3223, %get3A_3224] {strides = array<i32>} : memref<128x128xf32, #tpu.memory_space<vmem>>, vector<1x16xf32>,
      %get3A_3226 = vector.shape_cast %get3A_3225 : vector<1x16xf32> to vector<16xf32>
      %add3A_3227 = arith.constant 2 : i32
      %add3A_3228 = arith.addi %mul3A_2375, %add3A_3227 : i32
      %get3A_3229 = arith.index_cast %add3A_3228 : i32 to index
      %get3A_3230 = arith.constant 0 : index
      %get3A_3231 = tpu.vector_load %arg13[%get3A_3229, %get3A_3230] {strides = array<i32>} : memref<256x16xf32, #tpu.memory_space<vmem>>, vector<1x16xf32>,
      %get3A_3232 = vector.shape_cast %get3A_3231 : vector<1x16xf32> to vector<16xf32>
      %sub3A_3233 = arith.subf %get3A_3226, %get3A_3232 : vector<16xf32>
      %swap3A_3234 = arith.constant 47 : i32
      %swap3A_3235 = arith.index_cast %swap3A_3234 : i32 to index
      %swap3A_3236 = arith.constant 0 : index
      %swap3A_3237 = tpu.vector_load %arg14[%swap3A_3235, %swap3A_3236] {strides = array<i32>} : memref<128x16xf32, #tpu.memory_space<vmem>>, vector<1x16xf32>,
      %swap3A_3238 = vector.shape_cast %swap3A_3237 : vector<1x16xf32> to vector<16xf32>
      %swap3A_3239 = vector.shape_cast %sub3A_3233 : vector<16xf32> to vector<1x16xf32>
      tpu.vector_store %arg14[%swap3A_3235, %swap3A_3236], %swap3A_3239 {strides = array<i32>} : memref<128x16xf32, #tpu.memory_space<vmem>>, vector<1x16xf32>,
      %get3A_3240 = arith.constant 48 : i32
      %get3A_3241 = arith.index_cast %get3A_3240 : i32 to index
      %get3A_3242 = arith.constant 0 : index
      %get3A_3243 = tpu.vector_load %arg12[%get3A_3241, %get3A_3242] {strides = array<i32>} : memref<128x128xf32, #tpu.memory_space<vmem>>, vector<1x16xf32>,
      %get3A_3244 = vector.shape_cast %get3A_3243 : vector<1x16xf32> to vector<16xf32>
      %add3A_3245 = arith.constant 3 : i32
      %add3A_3246 = arith.addi %mul3A_2375, %add3A_3245 : i32
      %get3A_3247 = arith.index_cast %add3A_3246 : i32 to index
      %get3A_3248 = arith.constant 0 : index
      %get3A_3249 = tpu.vector_load %arg13[%get3A_3247, %get3A_3248] {strides = array<i32>} : memref<256x16xf32, #tpu.memory_space<vmem>>, vector<1x16xf32>,
      %get3A_3250 = vector.shape_cast %get3A_3249 : vector<1x16xf32> to vector<16xf32>
      %sub3A_3251 = arith.subf %get3A_3244, %get3A_3250 : vector<16xf32>
      %swap3A_3252 = arith.constant 48 : i32
      %swap3A_3253 = arith.index_cast %swap3A_3252 : i32 to index
      %swap3A_3254 = arith.constant 0 : index
      %swap3A_3255 = tpu.vector_load %arg14[%swap3A_3253, %swap3A_3254] {strides = array<i32>} : memref<128x16xf32, #tpu.memory_space<vmem>>, vector<1x16xf32>,
      %swap3A_3256 = vector.shape_cast %swap3A_3255 : vector<1x16xf32> to vector<16xf32>
      %swap3A_3257 = vector.shape_cast %sub3A_3251 : vector<16xf32> to vector<1x16xf32>
      tpu.vector_store %arg14[%swap3A_3253, %swap3A_3254], %swap3A_3257 {strides = array<i32>} : memref<128x16xf32, #tpu.memory_space<vmem>>, vector<1x16xf32>,
      %get3A_3258 = arith.constant 49 : i32
      %get3A_3259 = arith.index_cast %get3A_3258 : i32 to index
      %get3A_3260 = arith.constant 0 : index
      %get3A_3261 = tpu.vector_load %arg12[%get3A_3259, %get3A_3260] {strides = array<i32>} : memref<128x128xf32, #tpu.memory_space<vmem>>, vector<1x16xf32>,
      %get3A_3262 = vector.shape_cast %get3A_3261 : vector<1x16xf32> to vector<16xf32>
      %add3A_3263 = arith.constant 3 : i32
      %add3A_3264 = arith.addi %mul3A_2375, %add3A_3263 : i32
      %get3A_3265 = arith.index_cast %add3A_3264 : i32 to index
      %get3A_3266 = arith.constant 0 : index
      %get3A_3267 = tpu.vector_load %arg13[%get3A_3265, %get3A_3266] {strides = array<i32>} : memref<256x16xf32, #tpu.memory_space<vmem>>, vector<1x16xf32>,
      %get3A_3268 = vector.shape_cast %get3A_3267 : vector<1x16xf32> to vector<16xf32>
      %sub3A_3269 = arith.subf %get3A_3262, %get3A_3268 : vector<16xf32>
      %swap3A_3270 = arith.constant 49 : i32
      %swap3A_3271 = arith.index_cast %swap3A_3270 : i32 to index
      %swap3A_3272 = arith.constant 0 : index
      %swap3A_3273 = tpu.vector_load %arg14[%swap3A_3271, %swap3A_3272] {strides = array<i32>} : memref<128x16xf32, #tpu.memory_space<vmem>>, vector<1x16xf32>,
      %swap3A_3274 = vector.shape_cast %swap3A_3273 : vector<1x16xf32> to vector<16xf32>
      %swap3A_3275 = vector.shape_cast %sub3A_3269 : vector<16xf32> to vector<1x16xf32>
      tpu.vector_store %arg14[%swap3A_3271, %swap3A_3272], %swap3A_3275 {strides = array<i32>} : memref<128x16xf32, #tpu.memory_space<vmem>>, vector<1x16xf32>,
      %get3A_3276 = arith.constant 50 : i32
      %get3A_3277 = arith.index_cast %get3A_3276 : i32 to index
      %get3A_3278 = arith.constant 0 : index
      %get3A_3279 = tpu.vector_load %arg12[%get3A_3277, %get3A_3278] {strides = array<i32>} : memref<128x128xf32, #tpu.memory_space<vmem>>, vector<1x16xf32>,
      %get3A_3280 = vector.shape_cast %get3A_3279 : vector<1x16xf32> to vector<16xf32>
      %add3A_3281 = arith.constant 3 : i32
      %add3A_3282 = arith.addi %mul3A_2375, %add3A_3281 : i32
      %get3A_3283 = arith.index_cast %add3A_3282 : i32 to index
      %get3A_3284 = arith.constant 0 : index
      %get3A_3285 = tpu.vector_load %arg13[%get3A_3283, %get3A_3284] {strides = array<i32>} : memref<256x16xf32, #tpu.memory_space<vmem>>, vector<1x16xf32>,
      %get3A_3286 = vector.shape_cast %get3A_3285 : vector<1x16xf32> to vector<16xf32>
      %sub3A_3287 = arith.subf %get3A_3280, %get3A_3286 : vector<16xf32>
      %swap3A_3288 = arith.constant 50 : i32
      %swap3A_3289 = arith.index_cast %swap3A_3288 : i32 to index
      %swap3A_3290 = arith.constant 0 : index
      %swap3A_3291 = tpu.vector_load %arg14[%swap3A_3289, %swap3A_3290] {strides = array<i32>} : memref<128x16xf32, #tpu.memory_space<vmem>>, vector<1x16xf32>,
      %swap3A_3292 = vector.shape_cast %swap3A_3291 : vector<1x16xf32> to vector<16xf32>
      %swap3A_3293 = vector.shape_cast %sub3A_3287 : vector<16xf32> to vector<1x16xf32>
      tpu.vector_store %arg14[%swap3A_3289, %swap3A_3290], %swap3A_3293 {strides = array<i32>} : memref<128x16xf32, #tpu.memory_space<vmem>>, vector<1x16xf32>,
      %get3A_3294 = arith.constant 51 : i32
      %get3A_3295 = arith.index_cast %get3A_3294 : i32 to index
      %get3A_3296 = arith.constant 0 : index
      %get3A_3297 = tpu.vector_load %arg12[%get3A_3295, %get3A_3296] {strides = array<i32>} : memref<128x128xf32, #tpu.memory_space<vmem>>, vector<1x16xf32>,
      %get3A_3298 = vector.shape_cast %get3A_3297 : vector<1x16xf32> to vector<16xf32>
      %add3A_3299 = arith.constant 3 : i32
      %add3A_3300 = arith.addi %mul3A_2375, %add3A_3299 : i32
      %get3A_3301 = arith.index_cast %add3A_3300 : i32 to index
      %get3A_3302 = arith.constant 0 : index
      %get3A_3303 = tpu.vector_load %arg13[%get3A_3301, %get3A_3302] {strides = array<i32>} : memref<256x16xf32, #tpu.memory_space<vmem>>, vector<1x16xf32>,
      %get3A_3304 = vector.shape_cast %get3A_3303 : vector<1x16xf32> to vector<16xf32>
      %sub3A_3305 = arith.subf %get3A_3298, %get3A_3304 : vector<16xf32>
      %swap3A_3306 = arith.constant 51 : i32
      %swap3A_3307 = arith.index_cast %swap3A_3306 : i32 to index
      %swap3A_3308 = arith.constant 0 : index
      %swap3A_3309 = tpu.vector_load %arg14[%swap3A_3307, %swap3A_3308] {strides = array<i32>} : memref<128x16xf32, #tpu.memory_space<vmem>>, vector<1x16xf32>,
      %swap3A_3310 = vector.shape_cast %swap3A_3309 : vector<1x16xf32> to vector<16xf32>
      %swap3A_3311 = vector.shape_cast %sub3A_3305 : vector<16xf32> to vector<1x16xf32>
      tpu.vector_store %arg14[%swap3A_3307, %swap3A_3308], %swap3A_3311 {strides = array<i32>} : memref<128x16xf32, #tpu.memory_space<vmem>>, vector<1x16xf32>,
      %get3A_3312 = arith.constant 52 : i32
      %get3A_3313 = arith.index_cast %get3A_3312 : i32 to index
      %get3A_3314 = arith.constant 0 : index
      %get3A_3315 = tpu.vector_load %arg12[%get3A_3313, %get3A_3314] {strides = array<i32>} : memref<128x128xf32, #tpu.memory_space<vmem>>, vector<1x16xf32>,
      %get3A_3316 = vector.shape_cast %get3A_3315 : vector<1x16xf32> to vector<16xf32>
      %add3A_3317 = arith.constant 3 : i32
      %add3A_3318 = arith.addi %mul3A_2375, %add3A_3317 : i32
      %get3A_3319 = arith.index_cast %add3A_3318 : i32 to index
      %get3A_3320 = arith.constant 0 : index
      %get3A_3321 = tpu.vector_load %arg13[%get3A_3319, %get3A_3320] {strides = array<i32>} : memref<256x16xf32, #tpu.memory_space<vmem>>, vector<1x16xf32>,
      %get3A_3322 = vector.shape_cast %get3A_3321 : vector<1x16xf32> to vector<16xf32>
      %sub3A_3323 = arith.subf %get3A_3316, %get3A_3322 : vector<16xf32>
      %swap3A_3324 = arith.constant 52 : i32
      %swap3A_3325 = arith.index_cast %swap3A_3324 : i32 to index
      %swap3A_3326 = arith.constant 0 : index
      %swap3A_3327 = tpu.vector_load %arg14[%swap3A_3325, %swap3A_3326] {strides = array<i32>} : memref<128x16xf32, #tpu.memory_space<vmem>>, vector<1x16xf32>,
      %swap3A_3328 = vector.shape_cast %swap3A_3327 : vector<1x16xf32> to vector<16xf32>
      %swap3A_3329 = vector.shape_cast %sub3A_3323 : vector<16xf32> to vector<1x16xf32>
      tpu.vector_store %arg14[%swap3A_3325, %swap3A_3326], %swap3A_3329 {strides = array<i32>} : memref<128x16xf32, #tpu.memory_space<vmem>>, vector<1x16xf32>,
      %get3A_3330 = arith.constant 53 : i32
      %get3A_3331 = arith.index_cast %get3A_3330 : i32 to index
      %get3A_3332 = arith.constant 0 : index
      %get3A_3333 = tpu.vector_load %arg12[%get3A_3331, %get3A_3332] {strides = array<i32>} : memref<128x128xf32, #tpu.memory_space<vmem>>, vector<1x16xf32>,
      %get3A_3334 = vector.shape_cast %get3A_3333 : vector<1x16xf32> to vector<16xf32>
      %add3A_3335 = arith.constant 3 : i32
      %add3A_3336 = arith.addi %mul3A_2375, %add3A_3335 : i32
      %get3A_3337 = arith.index_cast %add3A_3336 : i32 to index
      %get3A_3338 = arith.constant 0 : index
      %get3A_3339 = tpu.vector_load %arg13[%get3A_3337, %get3A_3338] {strides = array<i32>} : memref<256x16xf32, #tpu.memory_space<vmem>>, vector<1x16xf32>,
      %get3A_3340 = vector.shape_cast %get3A_3339 : vector<1x16xf32> to vector<16xf32>
      %sub3A_3341 = arith.subf %get3A_3334, %get3A_3340 : vector<16xf32>
      %swap3A_3342 = arith.constant 53 : i32
      %swap3A_3343 = arith.index_cast %swap3A_3342 : i32 to index
      %swap3A_3344 = arith.constant 0 : index
      %swap3A_3345 = tpu.vector_load %arg14[%swap3A_3343, %swap3A_3344] {strides = array<i32>} : memref<128x16xf32, #tpu.memory_space<vmem>>, vector<1x16xf32>,
      %swap3A_3346 = vector.shape_cast %swap3A_3345 : vector<1x16xf32> to vector<16xf32>
      %swap3A_3347 = vector.shape_cast %sub3A_3341 : vector<16xf32> to vector<1x16xf32>
      tpu.vector_store %arg14[%swap3A_3343, %swap3A_3344], %swap3A_3347 {strides = array<i32>} : memref<128x16xf32, #tpu.memory_space<vmem>>, vector<1x16xf32>,
      %get3A_3348 = arith.constant 54 : i32
      %get3A_3349 = arith.index_cast %get3A_3348 : i32 to index
      %get3A_3350 = arith.constant 0 : index
      %get3A_3351 = tpu.vector_load %arg12[%get3A_3349, %get3A_3350] {strides = array<i32>} : memref<128x128xf32, #tpu.memory_space<vmem>>, vector<1x16xf32>,
      %get3A_3352 = vector.shape_cast %get3A_3351 : vector<1x16xf32> to vector<16xf32>
      %add3A_3353 = arith.constant 3 : i32
      %add3A_3354 = arith.addi %mul3A_2375, %add3A_3353 : i32
      %get3A_3355 = arith.index_cast %add3A_3354 : i32 to index
      %get3A_3356 = arith.constant 0 : index
      %get3A_3357 = tpu.vector_load %arg13[%get3A_3355, %get3A_3356] {strides = array<i32>} : memref<256x16xf32, #tpu.memory_space<vmem>>, vector<1x16xf32>,
      %get3A_3358 = vector.shape_cast %get3A_3357 : vector<1x16xf32> to vector<16xf32>
      %sub3A_3359 = arith.subf %get3A_3352, %get3A_3358 : vector<16xf32>
      %swap3A_3360 = arith.constant 54 : i32
      %swap3A_3361 = arith.index_cast %swap3A_3360 : i32 to index
      %swap3A_3362 = arith.constant 0 : index
      %swap3A_3363 = tpu.vector_load %arg14[%swap3A_3361, %swap3A_3362] {strides = array<i32>} : memref<128x16xf32, #tpu.memory_space<vmem>>, vector<1x16xf32>,
      %swap3A_3364 = vector.shape_cast %swap3A_3363 : vector<1x16xf32> to vector<16xf32>
      %swap3A_3365 = vector.shape_cast %sub3A_3359 : vector<16xf32> to vector<1x16xf32>
      tpu.vector_store %arg14[%swap3A_3361, %swap3A_3362], %swap3A_3365 {strides = array<i32>} : memref<128x16xf32, #tpu.memory_space<vmem>>, vector<1x16xf32>,
      %get3A_3366 = arith.constant 55 : i32
      %get3A_3367 = arith.index_cast %get3A_3366 : i32 to index
      %get3A_3368 = arith.constant 0 : index
      %get3A_3369 = tpu.vector_load %arg12[%get3A_3367, %get3A_3368] {strides = array<i32>} : memref<128x128xf32, #tpu.memory_space<vmem>>, vector<1x16xf32>,
      %get3A_3370 = vector.shape_cast %get3A_3369 : vector<1x16xf32> to vector<16xf32>
      %add3A_3371 = arith.constant 3 : i32
      %add3A_3372 = arith.addi %mul3A_2375, %add3A_3371 : i32
      %get3A_3373 = arith.index_cast %add3A_3372 : i32 to index
      %get3A_3374 = arith.constant 0 : index
      %get3A_3375 = tpu.vector_load %arg13[%get3A_3373, %get3A_3374] {strides = array<i32>} : memref<256x16xf32, #tpu.memory_space<vmem>>, vector<1x16xf32>,
      %get3A_3376 = vector.shape_cast %get3A_3375 : vector<1x16xf32> to vector<16xf32>
      %sub3A_3377 = arith.subf %get3A_3370, %get3A_3376 : vector<16xf32>
      %swap3A_3378 = arith.constant 55 : i32
      %swap3A_3379 = arith.index_cast %swap3A_3378 : i32 to index
      %swap3A_3380 = arith.constant 0 : index
      %swap3A_3381 = tpu.vector_load %arg14[%swap3A_3379, %swap3A_3380] {strides = array<i32>} : memref<128x16xf32, #tpu.memory_space<vmem>>, vector<1x16xf32>,
      %swap3A_3382 = vector.shape_cast %swap3A_3381 : vector<1x16xf32> to vector<16xf32>
      %swap3A_3383 = vector.shape_cast %sub3A_3377 : vector<16xf32> to vector<1x16xf32>
      tpu.vector_store %arg14[%swap3A_3379, %swap3A_3380], %swap3A_3383 {strides = array<i32>} : memref<128x16xf32, #tpu.memory_space<vmem>>, vector<1x16xf32>,
      %get3A_3384 = arith.constant 56 : i32
      %get3A_3385 = arith.index_cast %get3A_3384 : i32 to index
      %get3A_3386 = arith.constant 0 : index
      %get3A_3387 = tpu.vector_load %arg12[%get3A_3385, %get3A_3386] {strides = array<i32>} : memref<128x128xf32, #tpu.memory_space<vmem>>, vector<1x16xf32>,
      %get3A_3388 = vector.shape_cast %get3A_3387 : vector<1x16xf32> to vector<16xf32>
      %add3A_3389 = arith.constant 3 : i32
      %add3A_3390 = arith.addi %mul3A_2375, %add3A_3389 : i32
      %get3A_3391 = arith.index_cast %add3A_3390 : i32 to index
      %get3A_3392 = arith.constant 0 : index
      %get3A_3393 = tpu.vector_load %arg13[%get3A_3391, %get3A_3392] {strides = array<i32>} : memref<256x16xf32, #tpu.memory_space<vmem>>, vector<1x16xf32>,
      %get3A_3394 = vector.shape_cast %get3A_3393 : vector<1x16xf32> to vector<16xf32>
      %sub3A_3395 = arith.subf %get3A_3388, %get3A_3394 : vector<16xf32>
      %swap3A_3396 = arith.constant 56 : i32
      %swap3A_3397 = arith.index_cast %swap3A_3396 : i32 to index
      %swap3A_3398 = arith.constant 0 : index
      %swap3A_3399 = tpu.vector_load %arg14[%swap3A_3397, %swap3A_3398] {strides = array<i32>} : memref<128x16xf32, #tpu.memory_space<vmem>>, vector<1x16xf32>,
      %swap3A_3400 = vector.shape_cast %swap3A_3399 : vector<1x16xf32> to vector<16xf32>
      %swap3A_3401 = vector.shape_cast %sub3A_3395 : vector<16xf32> to vector<1x16xf32>
      tpu.vector_store %arg14[%swap3A_3397, %swap3A_3398], %swap3A_3401 {strides = array<i32>} : memref<128x16xf32, #tpu.memory_space<vmem>>, vector<1x16xf32>,
      %get3A_3402 = arith.constant 57 : i32
      %get3A_3403 = arith.index_cast %get3A_3402 : i32 to index
      %get3A_3404 = arith.constant 0 : index
      %get3A_3405 = tpu.vector_load %arg12[%get3A_3403, %get3A_3404] {strides = array<i32>} : memref<128x128xf32, #tpu.memory_space<vmem>>, vector<1x16xf32>,
      %get3A_3406 = vector.shape_cast %get3A_3405 : vector<1x16xf32> to vector<16xf32>
      %add3A_3407 = arith.constant 3 : i32
      %add3A_3408 = arith.addi %mul3A_2375, %add3A_3407 : i32
      %get3A_3409 = arith.index_cast %add3A_3408 : i32 to index
      %get3A_3410 = arith.constant 0 : index
      %get3A_3411 = tpu.vector_load %arg13[%get3A_3409, %get3A_3410] {strides = array<i32>} : memref<256x16xf32, #tpu.memory_space<vmem>>, vector<1x16xf32>,
      %get3A_3412 = vector.shape_cast %get3A_3411 : vector<1x16xf32> to vector<16xf32>
      %sub3A_3413 = arith.subf %get3A_3406, %get3A_3412 : vector<16xf32>
      %swap3A_3414 = arith.constant 57 : i32
      %swap3A_3415 = arith.index_cast %swap3A_3414 : i32 to index
      %swap3A_3416 = arith.constant 0 : index
      %swap3A_3417 = tpu.vector_load %arg14[%swap3A_3415, %swap3A_3416] {strides = array<i32>} : memref<128x16xf32, #tpu.memory_space<vmem>>, vector<1x16xf32>,
      %swap3A_3418 = vector.shape_cast %swap3A_3417 : vector<1x16xf32> to vector<16xf32>
      %swap3A_3419 = vector.shape_cast %sub3A_3413 : vector<16xf32> to vector<1x16xf32>
      tpu.vector_store %arg14[%swap3A_3415, %swap3A_3416], %swap3A_3419 {strides = array<i32>} : memref<128x16xf32, #tpu.memory_space<vmem>>, vector<1x16xf32>,
      %get3A_3420 = arith.constant 58 : i32
      %get3A_3421 = arith.index_cast %get3A_3420 : i32 to index
      %get3A_3422 = arith.constant 0 : index
      %get3A_3423 = tpu.vector_load %arg12[%get3A_3421, %get3A_3422] {strides = array<i32>} : memref<128x128xf32, #tpu.memory_space<vmem>>, vector<1x16xf32>,
      %get3A_3424 = vector.shape_cast %get3A_3423 : vector<1x16xf32> to vector<16xf32>
      %add3A_3425 = arith.constant 3 : i32
      %add3A_3426 = arith.addi %mul3A_2375, %add3A_3425 : i32
      %get3A_3427 = arith.index_cast %add3A_3426 : i32 to index
      %get3A_3428 = arith.constant 0 : index
      %get3A_3429 = tpu.vector_load %arg13[%get3A_3427, %get3A_3428] {strides = array<i32>} : memref<256x16xf32, #tpu.memory_space<vmem>>, vector<1x16xf32>,
      %get3A_3430 = vector.shape_cast %get3A_3429 : vector<1x16xf32> to vector<16xf32>
      %sub3A_3431 = arith.subf %get3A_3424, %get3A_3430 : vector<16xf32>
      %swap3A_3432 = arith.constant 58 : i32
      %swap3A_3433 = arith.index_cast %swap3A_3432 : i32 to index
      %swap3A_3434 = arith.constant 0 : index
      %swap3A_3435 = tpu.vector_load %arg14[%swap3A_3433, %swap3A_3434] {strides = array<i32>} : memref<128x16xf32, #tpu.memory_space<vmem>>, vector<1x16xf32>,
      %swap3A_3436 = vector.shape_cast %swap3A_3435 : vector<1x16xf32> to vector<16xf32>
      %swap3A_3437 = vector.shape_cast %sub3A_3431 : vector<16xf32> to vector<1x16xf32>
      tpu.vector_store %arg14[%swap3A_3433, %swap3A_3434], %swap3A_3437 {strides = array<i32>} : memref<128x16xf32, #tpu.memory_space<vmem>>, vector<1x16xf32>,
      %get3A_3438 = arith.constant 59 : i32
      %get3A_3439 = arith.index_cast %get3A_3438 : i32 to index
      %get3A_3440 = arith.constant 0 : index
      %get3A_3441 = tpu.vector_load %arg12[%get3A_3439, %get3A_3440] {strides = array<i32>} : memref<128x128xf32, #tpu.memory_space<vmem>>, vector<1x16xf32>,
      %get3A_3442 = vector.shape_cast %get3A_3441 : vector<1x16xf32> to vector<16xf32>
      %add3A_3443 = arith.constant 3 : i32
      %add3A_3444 = arith.addi %mul3A_2375, %add3A_3443 : i32
      %get3A_3445 = arith.index_cast %add3A_3444 : i32 to index
      %get3A_3446 = arith.constant 0 : index
      %get3A_3447 = tpu.vector_load %arg13[%get3A_3445, %get3A_3446] {strides = array<i32>} : memref<256x16xf32, #tpu.memory_space<vmem>>, vector<1x16xf32>,
      %get3A_3448 = vector.shape_cast %get3A_3447 : vector<1x16xf32> to vector<16xf32>
      %sub3A_3449 = arith.subf %get3A_3442, %get3A_3448 : vector<16xf32>
      %swap3A_3450 = arith.constant 59 : i32
      %swap3A_3451 = arith.index_cast %swap3A_3450 : i32 to index
      %swap3A_3452 = arith.constant 0 : index
      %swap3A_3453 = tpu.vector_load %arg14[%swap3A_3451, %swap3A_3452] {strides = array<i32>} : memref<128x16xf32, #tpu.memory_space<vmem>>, vector<1x16xf32>,
      %swap3A_3454 = vector.shape_cast %swap3A_3453 : vector<1x16xf32> to vector<16xf32>
      %swap3A_3455 = vector.shape_cast %sub3A_3449 : vector<16xf32> to vector<1x16xf32>
      tpu.vector_store %arg14[%swap3A_3451, %swap3A_3452], %swap3A_3455 {strides = array<i32>} : memref<128x16xf32, #tpu.memory_space<vmem>>, vector<1x16xf32>,
      %get3A_3456 = arith.constant 60 : i32
      %get3A_3457 = arith.index_cast %get3A_3456 : i32 to index
      %get3A_3458 = arith.constant 0 : index
      %get3A_3459 = tpu.vector_load %arg12[%get3A_3457, %get3A_3458] {strides = array<i32>} : memref<128x128xf32, #tpu.memory_space<vmem>>, vector<1x16xf32>,
      %get3A_3460 = vector.shape_cast %get3A_3459 : vector<1x16xf32> to vector<16xf32>
      %add3A_3461 = arith.constant 3 : i32
      %add3A_3462 = arith.addi %mul3A_2375, %add3A_3461 : i32
      %get3A_3463 = arith.index_cast %add3A_3462 : i32 to index
      %get3A_3464 = arith.constant 0 : index
      %get3A_3465 = tpu.vector_load %arg13[%get3A_3463, %get3A_3464] {strides = array<i32>} : memref<256x16xf32, #tpu.memory_space<vmem>>, vector<1x16xf32>,
      %get3A_3466 = vector.shape_cast %get3A_3465 : vector<1x16xf32> to vector<16xf32>
      %sub3A_3467 = arith.subf %get3A_3460, %get3A_3466 : vector<16xf32>
      %swap3A_3468 = arith.constant 60 : i32
      %swap3A_3469 = arith.index_cast %swap3A_3468 : i32 to index
      %swap3A_3470 = arith.constant 0 : index
      %swap3A_3471 = tpu.vector_load %arg14[%swap3A_3469, %swap3A_3470] {strides = array<i32>} : memref<128x16xf32, #tpu.memory_space<vmem>>, vector<1x16xf32>,
      %swap3A_3472 = vector.shape_cast %swap3A_3471 : vector<1x16xf32> to vector<16xf32>
      %swap3A_3473 = vector.shape_cast %sub3A_3467 : vector<16xf32> to vector<1x16xf32>
      tpu.vector_store %arg14[%swap3A_3469, %swap3A_3470], %swap3A_3473 {strides = array<i32>} : memref<128x16xf32, #tpu.memory_space<vmem>>, vector<1x16xf32>,
      %get3A_3474 = arith.constant 61 : i32
      %get3A_3475 = arith.index_cast %get3A_3474 : i32 to index
      %get3A_3476 = arith.constant 0 : index
      %get3A_3477 = tpu.vector_load %arg12[%get3A_3475, %get3A_3476] {strides = array<i32>} : memref<128x128xf32, #tpu.memory_space<vmem>>, vector<1x16xf32>,
      %get3A_3478 = vector.shape_cast %get3A_3477 : vector<1x16xf32> to vector<16xf32>
      %add3A_3479 = arith.constant 3 : i32
      %add3A_3480 = arith.addi %mul3A_2375, %add3A_3479 : i32
      %get3A_3481 = arith.index_cast %add3A_3480 : i32 to index
      %get3A_3482 = arith.constant 0 : index
      %get3A_3483 = tpu.vector_load %arg13[%get3A_3481, %get3A_3482] {strides = array<i32>} : memref<256x16xf32, #tpu.memory_space<vmem>>, vector<1x16xf32>,
      %get3A_3484 = vector.shape_cast %get3A_3483 : vector<1x16xf32> to vector<16xf32>
      %sub3A_3485 = arith.subf %get3A_3478, %get3A_3484 : vector<16xf32>
      %swap3A_3486 = arith.constant 61 : i32
      %swap3A_3487 = arith.index_cast %swap3A_3486 : i32 to index
      %swap3A_3488 = arith.constant 0 : index
      %swap3A_3489 = tpu.vector_load %arg14[%swap3A_3487, %swap3A_3488] {strides = array<i32>} : memref<128x16xf32, #tpu.memory_space<vmem>>, vector<1x16xf32>,
      %swap3A_3490 = vector.shape_cast %swap3A_3489 : vector<1x16xf32> to vector<16xf32>
      %swap3A_3491 = vector.shape_cast %sub3A_3485 : vector<16xf32> to vector<1x16xf32>
      tpu.vector_store %arg14[%swap3A_3487, %swap3A_3488], %swap3A_3491 {strides = array<i32>} : memref<128x16xf32, #tpu.memory_space<vmem>>, vector<1x16xf32>,
      %get3A_3492 = arith.constant 62 : i32
      %get3A_3493 = arith.index_cast %get3A_3492 : i32 to index
      %get3A_3494 = arith.constant 0 : index
      %get3A_3495 = tpu.vector_load %arg12[%get3A_3493, %get3A_3494] {strides = array<i32>} : memref<128x128xf32, #tpu.memory_space<vmem>>, vector<1x16xf32>,
      %get3A_3496 = vector.shape_cast %get3A_3495 : vector<1x16xf32> to vector<16xf32>
      %add3A_3497 = arith.constant 3 : i32
      %add3A_3498 = arith.addi %mul3A_2375, %add3A_3497 : i32
      %get3A_3499 = arith.index_cast %add3A_3498 : i32 to index
      %get3A_3500 = arith.constant 0 : index
      %get3A_3501 = tpu.vector_load %arg13[%get3A_3499, %get3A_3500] {strides = array<i32>} : memref<256x16xf32, #tpu.memory_space<vmem>>, vector<1x16xf32>,
      %get3A_3502 = vector.shape_cast %get3A_3501 : vector<1x16xf32> to vector<16xf32>
      %sub3A_3503 = arith.subf %get3A_3496, %get3A_3502 : vector<16xf32>
      %swap3A_3504 = arith.constant 62 : i32
      %swap3A_3505 = arith.index_cast %swap3A_3504 : i32 to index
      %swap3A_3506 = arith.constant 0 : index
      %swap3A_3507 = tpu.vector_load %arg14[%swap3A_3505, %swap3A_3506] {strides = array<i32>} : memref<128x16xf32, #tpu.memory_space<vmem>>, vector<1x16xf32>,
      %swap3A_3508 = vector.shape_cast %swap3A_3507 : vector<1x16xf32> to vector<16xf32>
      %swap3A_3509 = vector.shape_cast %sub3A_3503 : vector<16xf32> to vector<1x16xf32>
      tpu.vector_store %arg14[%swap3A_3505, %swap3A_3506], %swap3A_3509 {strides = array<i32>} : memref<128x16xf32, #tpu.memory_space<vmem>>, vector<1x16xf32>,
      %get3A_3510 = arith.constant 63 : i32
      %get3A_3511 = arith.index_cast %get3A_3510 : i32 to index
      %get3A_3512 = arith.constant 0 : index
      %get3A_3513 = tpu.vector_load %arg12[%get3A_3511, %get3A_3512] {strides = array<i32>} : memref<128x128xf32, #tpu.memory_space<vmem>>, vector<1x16xf32>,
      %get3A_3514 = vector.shape_cast %get3A_3513 : vector<1x16xf32> to vector<16xf32>
      %add3A_3515 = arith.constant 3 : i32
      %add3A_3516 = arith.addi %mul3A_2375, %add3A_3515 : i32
      %get3A_3517 = arith.index_cast %add3A_3516 : i32 to index
      %get3A_3518 = arith.constant 0 : index
      %get3A_3519 = tpu.vector_load %arg13[%get3A_3517, %get3A_3518] {strides = array<i32>} : memref<256x16xf32, #tpu.memory_space<vmem>>, vector<1x16xf32>,
      %get3A_3520 = vector.shape_cast %get3A_3519 : vector<1x16xf32> to vector<16xf32>
      %sub3A_3521 = arith.subf %get3A_3514, %get3A_3520 : vector<16xf32>
      %swap3A_3522 = arith.constant 63 : i32
      %swap3A_3523 = arith.index_cast %swap3A_3522 : i32 to index
      %swap3A_3524 = arith.constant 0 : index
      %swap3A_3525 = tpu.vector_load %arg14[%swap3A_3523, %swap3A_3524] {strides = array<i32>} : memref<128x16xf32, #tpu.memory_space<vmem>>, vector<1x16xf32>,
      %swap3A_3526 = vector.shape_cast %swap3A_3525 : vector<1x16xf32> to vector<16xf32>
      %swap3A_3527 = vector.shape_cast %sub3A_3521 : vector<16xf32> to vector<1x16xf32>
      tpu.vector_store %arg14[%swap3A_3523, %swap3A_3524], %swap3A_3527 {strides = array<i32>} : memref<128x16xf32, #tpu.memory_space<vmem>>, vector<1x16xf32>,
      %get3A_3528 = arith.constant 64 : i32
      %get3A_3529 = arith.index_cast %get3A_3528 : i32 to index
      %get3A_3530 = arith.constant 0 : index
      %get3A_3531 = tpu.vector_load %arg12[%get3A_3529, %get3A_3530] {strides = array<i32>} : memref<128x128xf32, #tpu.memory_space<vmem>>, vector<1x16xf32>,
      %get3A_3532 = vector.shape_cast %get3A_3531 : vector<1x16xf32> to vector<16xf32>
      %add3A_3533 = arith.constant 4 : i32
      %add3A_3534 = arith.addi %mul3A_2375, %add3A_3533 : i32
      %get3A_3535 = arith.index_cast %add3A_3534 : i32 to index
      %get3A_3536 = arith.constant 0 : index
      %get3A_3537 = tpu.vector_load %arg13[%get3A_3535, %get3A_3536] {strides = array<i32>} : memref<256x16xf32, #tpu.memory_space<vmem>>, vector<1x16xf32>,
      %get3A_3538 = vector.shape_cast %get3A_3537 : vector<1x16xf32> to vector<16xf32>
      %sub3A_3539 = arith.subf %get3A_3532, %get3A_3538 : vector<16xf32>
      %swap3A_3540 = arith.constant 64 : i32
      %swap3A_3541 = arith.index_cast %swap3A_3540 : i32 to index
      %swap3A_3542 = arith.constant 0 : index
      %swap3A_3543 = tpu.vector_load %arg14[%swap3A_3541, %swap3A_3542] {strides = array<i32>} : memref<128x16xf32, #tpu.memory_space<vmem>>, vector<1x16xf32>,
      %swap3A_3544 = vector.shape_cast %swap3A_3543 : vector<1x16xf32> to vector<16xf32>
      %swap3A_3545 = vector.shape_cast %sub3A_3539 : vector<16xf32> to vector<1x16xf32>
      tpu.vector_store %arg14[%swap3A_3541, %swap3A_3542], %swap3A_3545 {strides = array<i32>} : memref<128x16xf32, #tpu.memory_space<vmem>>, vector<1x16xf32>,
      %get3A_3546 = arith.constant 65 : i32
      %get3A_3547 = arith.index_cast %get3A_3546 : i32 to index
      %get3A_3548 = arith.constant 0 : index
      %get3A_3549 = tpu.vector_load %arg12[%get3A_3547, %get3A_3548] {strides = array<i32>} : memref<128x128xf32, #tpu.memory_space<vmem>>, vector<1x16xf32>,
      %get3A_3550 = vector.shape_cast %get3A_3549 : vector<1x16xf32> to vector<16xf32>
      %add3A_3551 = arith.constant 4 : i32
      %add3A_3552 = arith.addi %mul3A_2375, %add3A_3551 : i32
      %get3A_3553 = arith.index_cast %add3A_3552 : i32 to index
      %get3A_3554 = arith.constant 0 : index
      %get3A_3555 = tpu.vector_load %arg13[%get3A_3553, %get3A_3554] {strides = array<i32>} : memref<256x16xf32, #tpu.memory_space<vmem>>, vector<1x16xf32>,
      %get3A_3556 = vector.shape_cast %get3A_3555 : vector<1x16xf32> to vector<16xf32>
      %sub3A_3557 = arith.subf %get3A_3550, %get3A_3556 : vector<16xf32>
      %swap3A_3558 = arith.constant 65 : i32
      %swap3A_3559 = arith.index_cast %swap3A_3558 : i32 to index
      %swap3A_3560 = arith.constant 0 : index
      %swap3A_3561 = tpu.vector_load %arg14[%swap3A_3559, %swap3A_3560] {strides = array<i32>} : memref<128x16xf32, #tpu.memory_space<vmem>>, vector<1x16xf32>,
      %swap3A_3562 = vector.shape_cast %swap3A_3561 : vector<1x16xf32> to vector<16xf32>
      %swap3A_3563 = vector.shape_cast %sub3A_3557 : vector<16xf32> to vector<1x16xf32>
      tpu.vector_store %arg14[%swap3A_3559, %swap3A_3560], %swap3A_3563 {strides = array<i32>} : memref<128x16xf32, #tpu.memory_space<vmem>>, vector<1x16xf32>,
      %get3A_3564 = arith.constant 66 : i32
      %get3A_3565 = arith.index_cast %get3A_3564 : i32 to index
      %get3A_3566 = arith.constant 0 : index
      %get3A_3567 = tpu.vector_load %arg12[%get3A_3565, %get3A_3566] {strides = array<i32>} : memref<128x128xf32, #tpu.memory_space<vmem>>, vector<1x16xf32>,
      %get3A_3568 = vector.shape_cast %get3A_3567 : vector<1x16xf32> to vector<16xf32>
      %add3A_3569 = arith.constant 4 : i32
      %add3A_3570 = arith.addi %mul3A_2375, %add3A_3569 : i32
      %get3A_3571 = arith.index_cast %add3A_3570 : i32 to index
      %get3A_3572 = arith.constant 0 : index
      %get3A_3573 = tpu.vector_load %arg13[%get3A_3571, %get3A_3572] {strides = array<i32>} : memref<256x16xf32, #tpu.memory_space<vmem>>, vector<1x16xf32>,
      %get3A_3574 = vector.shape_cast %get3A_3573 : vector<1x16xf32> to vector<16xf32>
      %sub3A_3575 = arith.subf %get3A_3568, %get3A_3574 : vector<16xf32>
      %swap3A_3576 = arith.constant 66 : i32
      %swap3A_3577 = arith.index_cast %swap3A_3576 : i32 to index
      %swap3A_3578 = arith.constant 0 : index
      %swap3A_3579 = tpu.vector_load %arg14[%swap3A_3577, %swap3A_3578] {strides = array<i32>} : memref<128x16xf32, #tpu.memory_space<vmem>>, vector<1x16xf32>,
      %swap3A_3580 = vector.shape_cast %swap3A_3579 : vector<1x16xf32> to vector<16xf32>
      %swap3A_3581 = vector.shape_cast %sub3A_3575 : vector<16xf32> to vector<1x16xf32>
      tpu.vector_store %arg14[%swap3A_3577, %swap3A_3578], %swap3A_3581 {strides = array<i32>} : memref<128x16xf32, #tpu.memory_space<vmem>>, vector<1x16xf32>,
      %get3A_3582 = arith.constant 67 : i32
      %get3A_3583 = arith.index_cast %get3A_3582 : i32 to index
      %get3A_3584 = arith.constant 0 : index
      %get3A_3585 = tpu.vector_load %arg12[%get3A_3583, %get3A_3584] {strides = array<i32>} : memref<128x128xf32, #tpu.memory_space<vmem>>, vector<1x16xf32>,
      %get3A_3586 = vector.shape_cast %get3A_3585 : vector<1x16xf32> to vector<16xf32>
      %add3A_3587 = arith.constant 4 : i32
      %add3A_3588 = arith.addi %mul3A_2375, %add3A_3587 : i32
      %get3A_3589 = arith.index_cast %add3A_3588 : i32 to index
      %get3A_3590 = arith.constant 0 : index
      %get3A_3591 = tpu.vector_load %arg13[%get3A_3589, %get3A_3590] {strides = array<i32>} : memref<256x16xf32, #tpu.memory_space<vmem>>, vector<1x16xf32>,
      %get3A_3592 = vector.shape_cast %get3A_3591 : vector<1x16xf32> to vector<16xf32>
      %sub3A_3593 = arith.subf %get3A_3586, %get3A_3592 : vector<16xf32>
      %swap3A_3594 = arith.constant 67 : i32
      %swap3A_3595 = arith.index_cast %swap3A_3594 : i32 to index
      %swap3A_3596 = arith.constant 0 : index
      %swap3A_3597 = tpu.vector_load %arg14[%swap3A_3595, %swap3A_3596] {strides = array<i32>} : memref<128x16xf32, #tpu.memory_space<vmem>>, vector<1x16xf32>,
      %swap3A_3598 = vector.shape_cast %swap3A_3597 : vector<1x16xf32> to vector<16xf32>
      %swap3A_3599 = vector.shape_cast %sub3A_3593 : vector<16xf32> to vector<1x16xf32>
      tpu.vector_store %arg14[%swap3A_3595, %swap3A_3596], %swap3A_3599 {strides = array<i32>} : memref<128x16xf32, #tpu.memory_space<vmem>>, vector<1x16xf32>,
      %get3A_3600 = arith.constant 68 : i32
      %get3A_3601 = arith.index_cast %get3A_3600 : i32 to index
      %get3A_3602 = arith.constant 0 : index
      %get3A_3603 = tpu.vector_load %arg12[%get3A_3601, %get3A_3602] {strides = array<i32>} : memref<128x128xf32, #tpu.memory_space<vmem>>, vector<1x16xf32>,
      %get3A_3604 = vector.shape_cast %get3A_3603 : vector<1x16xf32> to vector<16xf32>
      %add3A_3605 = arith.constant 4 : i32
      %add3A_3606 = arith.addi %mul3A_2375, %add3A_3605 : i32
      %get3A_3607 = arith.index_cast %add3A_3606 : i32 to index
      %get3A_3608 = arith.constant 0 : index
      %get3A_3609 = tpu.vector_load %arg13[%get3A_3607, %get3A_3608] {strides = array<i32>} : memref<256x16xf32, #tpu.memory_space<vmem>>, vector<1x16xf32>,
      %get3A_3610 = vector.shape_cast %get3A_3609 : vector<1x16xf32> to vector<16xf32>
      %sub3A_3611 = arith.subf %get3A_3604, %get3A_3610 : vector<16xf32>
      %swap3A_3612 = arith.constant 68 : i32
      %swap3A_3613 = arith.index_cast %swap3A_3612 : i32 to index
      %swap3A_3614 = arith.constant 0 : index
      %swap3A_3615 = tpu.vector_load %arg14[%swap3A_3613, %swap3A_3614] {strides = array<i32>} : memref<128x16xf32, #tpu.memory_space<vmem>>, vector<1x16xf32>,
      %swap3A_3616 = vector.shape_cast %swap3A_3615 : vector<1x16xf32> to vector<16xf32>
      %swap3A_3617 = vector.shape_cast %sub3A_3611 : vector<16xf32> to vector<1x16xf32>
      tpu.vector_store %arg14[%swap3A_3613, %swap3A_3614], %swap3A_3617 {strides = array<i32>} : memref<128x16xf32, #tpu.memory_space<vmem>>, vector<1x16xf32>,
      %get3A_3618 = arith.constant 69 : i32
      %get3A_3619 = arith.index_cast %get3A_3618 : i32 to index
      %get3A_3620 = arith.constant 0 : index
      %get3A_3621 = tpu.vector_load %arg12[%get3A_3619, %get3A_3620] {strides = array<i32>} : memref<128x128xf32, #tpu.memory_space<vmem>>, vector<1x16xf32>,
      %get3A_3622 = vector.shape_cast %get3A_3621 : vector<1x16xf32> to vector<16xf32>
      %add3A_3623 = arith.constant 4 : i32
      %add3A_3624 = arith.addi %mul3A_2375, %add3A_3623 : i32
      %get3A_3625 = arith.index_cast %add3A_3624 : i32 to index
      %get3A_3626 = arith.constant 0 : index
      %get3A_3627 = tpu.vector_load %arg13[%get3A_3625, %get3A_3626] {strides = array<i32>} : memref<256x16xf32, #tpu.memory_space<vmem>>, vector<1x16xf32>,
      %get3A_3628 = vector.shape_cast %get3A_3627 : vector<1x16xf32> to vector<16xf32>
      %sub3A_3629 = arith.subf %get3A_3622, %get3A_3628 : vector<16xf32>
      %swap3A_3630 = arith.constant 69 : i32
      %swap3A_3631 = arith.index_cast %swap3A_3630 : i32 to index
      %swap3A_3632 = arith.constant 0 : index
      %swap3A_3633 = tpu.vector_load %arg14[%swap3A_3631, %swap3A_3632] {strides = array<i32>} : memref<128x16xf32, #tpu.memory_space<vmem>>, vector<1x16xf32>,
      %swap3A_3634 = vector.shape_cast %swap3A_3633 : vector<1x16xf32> to vector<16xf32>
      %swap3A_3635 = vector.shape_cast %sub3A_3629 : vector<16xf32> to vector<1x16xf32>
      tpu.vector_store %arg14[%swap3A_3631, %swap3A_3632], %swap3A_3635 {strides = array<i32>} : memref<128x16xf32, #tpu.memory_space<vmem>>, vector<1x16xf32>,
      %get3A_3636 = arith.constant 70 : i32
      %get3A_3637 = arith.index_cast %get3A_3636 : i32 to index
      %get3A_3638 = arith.constant 0 : index
      %get3A_3639 = tpu.vector_load %arg12[%get3A_3637, %get3A_3638] {strides = array<i32>} : memref<128x128xf32, #tpu.memory_space<vmem>>, vector<1x16xf32>,
      %get3A_3640 = vector.shape_cast %get3A_3639 : vector<1x16xf32> to vector<16xf32>
      %add3A_3641 = arith.constant 4 : i32
      %add3A_3642 = arith.addi %mul3A_2375, %add3A_3641 : i32
      %get3A_3643 = arith.index_cast %add3A_3642 : i32 to index
      %get3A_3644 = arith.constant 0 : index
      %get3A_3645 = tpu.vector_load %arg13[%get3A_3643, %get3A_3644] {strides = array<i32>} : memref<256x16xf32, #tpu.memory_space<vmem>>, vector<1x16xf32>,
      %get3A_3646 = vector.shape_cast %get3A_3645 : vector<1x16xf32> to vector<16xf32>
      %sub3A_3647 = arith.subf %get3A_3640, %get3A_3646 : vector<16xf32>
      %swap3A_3648 = arith.constant 70 : i32
      %swap3A_3649 = arith.index_cast %swap3A_3648 : i32 to index
      %swap3A_3650 = arith.constant 0 : index
      %swap3A_3651 = tpu.vector_load %arg14[%swap3A_3649, %swap3A_3650] {strides = array<i32>} : memref<128x16xf32, #tpu.memory_space<vmem>>, vector<1x16xf32>,
      %swap3A_3652 = vector.shape_cast %swap3A_3651 : vector<1x16xf32> to vector<16xf32>
      %swap3A_3653 = vector.shape_cast %sub3A_3647 : vector<16xf32> to vector<1x16xf32>
      tpu.vector_store %arg14[%swap3A_3649, %swap3A_3650], %swap3A_3653 {strides = array<i32>} : memref<128x16xf32, #tpu.memory_space<vmem>>, vector<1x16xf32>,
      %get3A_3654 = arith.constant 71 : i32
      %get3A_3655 = arith.index_cast %get3A_3654 : i32 to index
      %get3A_3656 = arith.constant 0 : index
      %get3A_3657 = tpu.vector_load %arg12[%get3A_3655, %get3A_3656] {strides = array<i32>} : memref<128x128xf32, #tpu.memory_space<vmem>>, vector<1x16xf32>,
      %get3A_3658 = vector.shape_cast %get3A_3657 : vector<1x16xf32> to vector<16xf32>
      %add3A_3659 = arith.constant 4 : i32
      %add3A_3660 = arith.addi %mul3A_2375, %add3A_3659 : i32
      %get3A_3661 = arith.index_cast %add3A_3660 : i32 to index
      %get3A_3662 = arith.constant 0 : index
      %get3A_3663 = tpu.vector_load %arg13[%get3A_3661, %get3A_3662] {strides = array<i32>} : memref<256x16xf32, #tpu.memory_space<vmem>>, vector<1x16xf32>,
      %get3A_3664 = vector.shape_cast %get3A_3663 : vector<1x16xf32> to vector<16xf32>
      %sub3A_3665 = arith.subf %get3A_3658, %get3A_3664 : vector<16xf32>
      %swap3A_3666 = arith.constant 71 : i32
      %swap3A_3667 = arith.index_cast %swap3A_3666 : i32 to index
      %swap3A_3668 = arith.constant 0 : index
      %swap3A_3669 = tpu.vector_load %arg14[%swap3A_3667, %swap3A_3668] {strides = array<i32>} : memref<128x16xf32, #tpu.memory_space<vmem>>, vector<1x16xf32>,
      %swap3A_3670 = vector.shape_cast %swap3A_3669 : vector<1x16xf32> to vector<16xf32>
      %swap3A_3671 = vector.shape_cast %sub3A_3665 : vector<16xf32> to vector<1x16xf32>
      tpu.vector_store %arg14[%swap3A_3667, %swap3A_3668], %swap3A_3671 {strides = array<i32>} : memref<128x16xf32, #tpu.memory_space<vmem>>, vector<1x16xf32>,
      %get3A_3672 = arith.constant 72 : i32
      %get3A_3673 = arith.index_cast %get3A_3672 : i32 to index
      %get3A_3674 = arith.constant 0 : index
      %get3A_3675 = tpu.vector_load %arg12[%get3A_3673, %get3A_3674] {strides = array<i32>} : memref<128x128xf32, #tpu.memory_space<vmem>>, vector<1x16xf32>,
      %get3A_3676 = vector.shape_cast %get3A_3675 : vector<1x16xf32> to vector<16xf32>
      %add3A_3677 = arith.constant 4 : i32
      %add3A_3678 = arith.addi %mul3A_2375, %add3A_3677 : i32
      %get3A_3679 = arith.index_cast %add3A_3678 : i32 to index
      %get3A_3680 = arith.constant 0 : index
      %get3A_3681 = tpu.vector_load %arg13[%get3A_3679, %get3A_3680] {strides = array<i32>} : memref<256x16xf32, #tpu.memory_space<vmem>>, vector<1x16xf32>,
      %get3A_3682 = vector.shape_cast %get3A_3681 : vector<1x16xf32> to vector<16xf32>
      %sub3A_3683 = arith.subf %get3A_3676, %get3A_3682 : vector<16xf32>
      %swap3A_3684 = arith.constant 72 : i32
      %swap3A_3685 = arith.index_cast %swap3A_3684 : i32 to index
      %swap3A_3686 = arith.constant 0 : index
      %swap3A_3687 = tpu.vector_load %arg14[%swap3A_3685, %swap3A_3686] {strides = array<i32>} : memref<128x16xf32, #tpu.memory_space<vmem>>, vector<1x16xf32>,
      %swap3A_3688 = vector.shape_cast %swap3A_3687 : vector<1x16xf32> to vector<16xf32>
      %swap3A_3689 = vector.shape_cast %sub3A_3683 : vector<16xf32> to vector<1x16xf32>
      tpu.vector_store %arg14[%swap3A_3685, %swap3A_3686], %swap3A_3689 {strides = array<i32>} : memref<128x16xf32, #tpu.memory_space<vmem>>, vector<1x16xf32>,
      %get3A_3690 = arith.constant 73 : i32
      %get3A_3691 = arith.index_cast %get3A_3690 : i32 to index
      %get3A_3692 = arith.constant 0 : index
      %get3A_3693 = tpu.vector_load %arg12[%get3A_3691, %get3A_3692] {strides = array<i32>} : memref<128x128xf32, #tpu.memory_space<vmem>>, vector<1x16xf32>,
      %get3A_3694 = vector.shape_cast %get3A_3693 : vector<1x16xf32> to vector<16xf32>
      %add3A_3695 = arith.constant 4 : i32
      %add3A_3696 = arith.addi %mul3A_2375, %add3A_3695 : i32
      %get3A_3697 = arith.index_cast %add3A_3696 : i32 to index
      %get3A_3698 = arith.constant 0 : index
      %get3A_3699 = tpu.vector_load %arg13[%get3A_3697, %get3A_3698] {strides = array<i32>} : memref<256x16xf32, #tpu.memory_space<vmem>>, vector<1x16xf32>,
      %get3A_3700 = vector.shape_cast %get3A_3699 : vector<1x16xf32> to vector<16xf32>
      %sub3A_3701 = arith.subf %get3A_3694, %get3A_3700 : vector<16xf32>
      %swap3A_3702 = arith.constant 73 : i32
      %swap3A_3703 = arith.index_cast %swap3A_3702 : i32 to index
      %swap3A_3704 = arith.constant 0 : index
      %swap3A_3705 = tpu.vector_load %arg14[%swap3A_3703, %swap3A_3704] {strides = array<i32>} : memref<128x16xf32, #tpu.memory_space<vmem>>, vector<1x16xf32>,
      %swap3A_3706 = vector.shape_cast %swap3A_3705 : vector<1x16xf32> to vector<16xf32>
      %swap3A_3707 = vector.shape_cast %sub3A_3701 : vector<16xf32> to vector<1x16xf32>
      tpu.vector_store %arg14[%swap3A_3703, %swap3A_3704], %swap3A_3707 {strides = array<i32>} : memref<128x16xf32, #tpu.memory_space<vmem>>, vector<1x16xf32>,
      %get3A_3708 = arith.constant 74 : i32
      %get3A_3709 = arith.index_cast %get3A_3708 : i32 to index
      %get3A_3710 = arith.constant 0 : index
      %get3A_3711 = tpu.vector_load %arg12[%get3A_3709, %get3A_3710] {strides = array<i32>} : memref<128x128xf32, #tpu.memory_space<vmem>>, vector<1x16xf32>,
      %get3A_3712 = vector.shape_cast %get3A_3711 : vector<1x16xf32> to vector<16xf32>
      %add3A_3713 = arith.constant 4 : i32
      %add3A_3714 = arith.addi %mul3A_2375, %add3A_3713 : i32
      %get3A_3715 = arith.index_cast %add3A_3714 : i32 to index
      %get3A_3716 = arith.constant 0 : index
      %get3A_3717 = tpu.vector_load %arg13[%get3A_3715, %get3A_3716] {strides = array<i32>} : memref<256x16xf32, #tpu.memory_space<vmem>>, vector<1x16xf32>,
      %get3A_3718 = vector.shape_cast %get3A_3717 : vector<1x16xf32> to vector<16xf32>
      %sub3A_3719 = arith.subf %get3A_3712, %get3A_3718 : vector<16xf32>
      %swap3A_3720 = arith.constant 74 : i32
      %swap3A_3721 = arith.index_cast %swap3A_3720 : i32 to index
      %swap3A_3722 = arith.constant 0 : index
      %swap3A_3723 = tpu.vector_load %arg14[%swap3A_3721, %swap3A_3722] {strides = array<i32>} : memref<128x16xf32, #tpu.memory_space<vmem>>, vector<1x16xf32>,
      %swap3A_3724 = vector.shape_cast %swap3A_3723 : vector<1x16xf32> to vector<16xf32>
      %swap3A_3725 = vector.shape_cast %sub3A_3719 : vector<16xf32> to vector<1x16xf32>
      tpu.vector_store %arg14[%swap3A_3721, %swap3A_3722], %swap3A_3725 {strides = array<i32>} : memref<128x16xf32, #tpu.memory_space<vmem>>, vector<1x16xf32>,
      %get3A_3726 = arith.constant 75 : i32
      %get3A_3727 = arith.index_cast %get3A_3726 : i32 to index
      %get3A_3728 = arith.constant 0 : index
      %get3A_3729 = tpu.vector_load %arg12[%get3A_3727, %get3A_3728] {strides = array<i32>} : memref<128x128xf32, #tpu.memory_space<vmem>>, vector<1x16xf32>,
      %get3A_3730 = vector.shape_cast %get3A_3729 : vector<1x16xf32> to vector<16xf32>
      %add3A_3731 = arith.constant 4 : i32
      %add3A_3732 = arith.addi %mul3A_2375, %add3A_3731 : i32
      %get3A_3733 = arith.index_cast %add3A_3732 : i32 to index
      %get3A_3734 = arith.constant 0 : index
      %get3A_3735 = tpu.vector_load %arg13[%get3A_3733, %get3A_3734] {strides = array<i32>} : memref<256x16xf32, #tpu.memory_space<vmem>>, vector<1x16xf32>,
      %get3A_3736 = vector.shape_cast %get3A_3735 : vector<1x16xf32> to vector<16xf32>
      %sub3A_3737 = arith.subf %get3A_3730, %get3A_3736 : vector<16xf32>
      %swap3A_3738 = arith.constant 75 : i32
      %swap3A_3739 = arith.index_cast %swap3A_3738 : i32 to index
      %swap3A_3740 = arith.constant 0 : index
      %swap3A_3741 = tpu.vector_load %arg14[%swap3A_3739, %swap3A_3740] {strides = array<i32>} : memref<128x16xf32, #tpu.memory_space<vmem>>, vector<1x16xf32>,
      %swap3A_3742 = vector.shape_cast %swap3A_3741 : vector<1x16xf32> to vector<16xf32>
      %swap3A_3743 = vector.shape_cast %sub3A_3737 : vector<16xf32> to vector<1x16xf32>
      tpu.vector_store %arg14[%swap3A_3739, %swap3A_3740], %swap3A_3743 {strides = array<i32>} : memref<128x16xf32, #tpu.memory_space<vmem>>, vector<1x16xf32>,
      %get3A_3744 = arith.constant 76 : i32
      %get3A_3745 = arith.index_cast %get3A_3744 : i32 to index
      %get3A_3746 = arith.constant 0 : index
      %get3A_3747 = tpu.vector_load %arg12[%get3A_3745, %get3A_3746] {strides = array<i32>} : memref<128x128xf32, #tpu.memory_space<vmem>>, vector<1x16xf32>,
      %get3A_3748 = vector.shape_cast %get3A_3747 : vector<1x16xf32> to vector<16xf32>
      %add3A_3749 = arith.constant 4 : i32
      %add3A_3750 = arith.addi %mul3A_2375, %add3A_3749 : i32
      %get3A_3751 = arith.index_cast %add3A_3750 : i32 to index
      %get3A_3752 = arith.constant 0 : index
      %get3A_3753 = tpu.vector_load %arg13[%get3A_3751, %get3A_3752] {strides = array<i32>} : memref<256x16xf32, #tpu.memory_space<vmem>>, vector<1x16xf32>,
      %get3A_3754 = vector.shape_cast %get3A_3753 : vector<1x16xf32> to vector<16xf32>
      %sub3A_3755 = arith.subf %get3A_3748, %get3A_3754 : vector<16xf32>
      %swap3A_3756 = arith.constant 76 : i32
      %swap3A_3757 = arith.index_cast %swap3A_3756 : i32 to index
      %swap3A_3758 = arith.constant 0 : index
      %swap3A_3759 = tpu.vector_load %arg14[%swap3A_3757, %swap3A_3758] {strides = array<i32>} : memref<128x16xf32, #tpu.memory_space<vmem>>, vector<1x16xf32>,
      %swap3A_3760 = vector.shape_cast %swap3A_3759 : vector<1x16xf32> to vector<16xf32>
      %swap3A_3761 = vector.shape_cast %sub3A_3755 : vector<16xf32> to vector<1x16xf32>
      tpu.vector_store %arg14[%swap3A_3757, %swap3A_3758], %swap3A_3761 {strides = array<i32>} : memref<128x16xf32, #tpu.memory_space<vmem>>, vector<1x16xf32>,
      %get3A_3762 = arith.constant 77 : i32
      %get3A_3763 = arith.index_cast %get3A_3762 : i32 to index
      %get3A_3764 = arith.constant 0 : index
      %get3A_3765 = tpu.vector_load %arg12[%get3A_3763, %get3A_3764] {strides = array<i32>} : memref<128x128xf32, #tpu.memory_space<vmem>>, vector<1x16xf32>,
      %get3A_3766 = vector.shape_cast %get3A_3765 : vector<1x16xf32> to vector<16xf32>
      %add3A_3767 = arith.constant 4 : i32
      %add3A_3768 = arith.addi %mul3A_2375, %add3A_3767 : i32
      %get3A_3769 = arith.index_cast %add3A_3768 : i32 to index
      %get3A_3770 = arith.constant 0 : index
      %get3A_3771 = tpu.vector_load %arg13[%get3A_3769, %get3A_3770] {strides = array<i32>} : memref<256x16xf32, #tpu.memory_space<vmem>>, vector<1x16xf32>,
      %get3A_3772 = vector.shape_cast %get3A_3771 : vector<1x16xf32> to vector<16xf32>
      %sub3A_3773 = arith.subf %get3A_3766, %get3A_3772 : vector<16xf32>
      %swap3A_3774 = arith.constant 77 : i32
      %swap3A_3775 = arith.index_cast %swap3A_3774 : i32 to index
      %swap3A_3776 = arith.constant 0 : index
      %swap3A_3777 = tpu.vector_load %arg14[%swap3A_3775, %swap3A_3776] {strides = array<i32>} : memref<128x16xf32, #tpu.memory_space<vmem>>, vector<1x16xf32>,
      %swap3A_3778 = vector.shape_cast %swap3A_3777 : vector<1x16xf32> to vector<16xf32>
      %swap3A_3779 = vector.shape_cast %sub3A_3773 : vector<16xf32> to vector<1x16xf32>
      tpu.vector_store %arg14[%swap3A_3775, %swap3A_3776], %swap3A_3779 {strides = array<i32>} : memref<128x16xf32, #tpu.memory_space<vmem>>, vector<1x16xf32>,
      %get3A_3780 = arith.constant 78 : i32
      %get3A_3781 = arith.index_cast %get3A_3780 : i32 to index
      %get3A_3782 = arith.constant 0 : index
      %get3A_3783 = tpu.vector_load %arg12[%get3A_3781, %get3A_3782] {strides = array<i32>} : memref<128x128xf32, #tpu.memory_space<vmem>>, vector<1x16xf32>,
      %get3A_3784 = vector.shape_cast %get3A_3783 : vector<1x16xf32> to vector<16xf32>
      %add3A_3785 = arith.constant 4 : i32
      %add3A_3786 = arith.addi %mul3A_2375, %add3A_3785 : i32
      %get3A_3787 = arith.index_cast %add3A_3786 : i32 to index
      %get3A_3788 = arith.constant 0 : index
      %get3A_3789 = tpu.vector_load %arg13[%get3A_3787, %get3A_3788] {strides = array<i32>} : memref<256x16xf32, #tpu.memory_space<vmem>>, vector<1x16xf32>,
      %get3A_3790 = vector.shape_cast %get3A_3789 : vector<1x16xf32> to vector<16xf32>
      %sub3A_3791 = arith.subf %get3A_3784, %get3A_3790 : vector<16xf32>
      %swap3A_3792 = arith.constant 78 : i32
      %swap3A_3793 = arith.index_cast %swap3A_3792 : i32 to index
      %swap3A_3794 = arith.constant 0 : index
      %swap3A_3795 = tpu.vector_load %arg14[%swap3A_3793, %swap3A_3794] {strides = array<i32>} : memref<128x16xf32, #tpu.memory_space<vmem>>, vector<1x16xf32>,
      %swap3A_3796 = vector.shape_cast %swap3A_3795 : vector<1x16xf32> to vector<16xf32>
      %swap3A_3797 = vector.shape_cast %sub3A_3791 : vector<16xf32> to vector<1x16xf32>
      tpu.vector_store %arg14[%swap3A_3793, %swap3A_3794], %swap3A_3797 {strides = array<i32>} : memref<128x16xf32, #tpu.memory_space<vmem>>, vector<1x16xf32>,
      %get3A_3798 = arith.constant 79 : i32
      %get3A_3799 = arith.index_cast %get3A_3798 : i32 to index
      %get3A_3800 = arith.constant 0 : index
      %get3A_3801 = tpu.vector_load %arg12[%get3A_3799, %get3A_3800] {strides = array<i32>} : memref<128x128xf32, #tpu.memory_space<vmem>>, vector<1x16xf32>,
      %get3A_3802 = vector.shape_cast %get3A_3801 : vector<1x16xf32> to vector<16xf32>
      %add3A_3803 = arith.constant 4 : i32
      %add3A_3804 = arith.addi %mul3A_2375, %add3A_3803 : i32
      %get3A_3805 = arith.index_cast %add3A_3804 : i32 to index
      %get3A_3806 = arith.constant 0 : index
      %get3A_3807 = tpu.vector_load %arg13[%get3A_3805, %get3A_3806] {strides = array<i32>} : memref<256x16xf32, #tpu.memory_space<vmem>>, vector<1x16xf32>,
      %get3A_3808 = vector.shape_cast %get3A_3807 : vector<1x16xf32> to vector<16xf32>
      %sub3A_3809 = arith.subf %get3A_3802, %get3A_3808 : vector<16xf32>
      %swap3A_3810 = arith.constant 79 : i32
      %swap3A_3811 = arith.index_cast %swap3A_3810 : i32 to index
      %swap3A_3812 = arith.constant 0 : index
      %swap3A_3813 = tpu.vector_load %arg14[%swap3A_3811, %swap3A_3812] {strides = array<i32>} : memref<128x16xf32, #tpu.memory_space<vmem>>, vector<1x16xf32>,
      %swap3A_3814 = vector.shape_cast %swap3A_3813 : vector<1x16xf32> to vector<16xf32>
      %swap3A_3815 = vector.shape_cast %sub3A_3809 : vector<16xf32> to vector<1x16xf32>
      tpu.vector_store %arg14[%swap3A_3811, %swap3A_3812], %swap3A_3815 {strides = array<i32>} : memref<128x16xf32, #tpu.memory_space<vmem>>, vector<1x16xf32>,
      %get3A_3816 = arith.constant 80 : i32
      %get3A_3817 = arith.index_cast %get3A_3816 : i32 to index
      %get3A_3818 = arith.constant 0 : index
      %get3A_3819 = tpu.vector_load %arg12[%get3A_3817, %get3A_3818] {strides = array<i32>} : memref<128x128xf32, #tpu.memory_space<vmem>>, vector<1x16xf32>,
      %get3A_3820 = vector.shape_cast %get3A_3819 : vector<1x16xf32> to vector<16xf32>
      %add3A_3821 = arith.constant 5 : i32
      %add3A_3822 = arith.addi %mul3A_2375, %add3A_3821 : i32
      %get3A_3823 = arith.index_cast %add3A_3822 : i32 to index
      %get3A_3824 = arith.constant 0 : index
      %get3A_3825 = tpu.vector_load %arg13[%get3A_3823, %get3A_3824] {strides = array<i32>} : memref<256x16xf32, #tpu.memory_space<vmem>>, vector<1x16xf32>,
      %get3A_3826 = vector.shape_cast %get3A_3825 : vector<1x16xf32> to vector<16xf32>
      %sub3A_3827 = arith.subf %get3A_3820, %get3A_3826 : vector<16xf32>
      %swap3A_3828 = arith.constant 80 : i32
      %swap3A_3829 = arith.index_cast %swap3A_3828 : i32 to index
      %swap3A_3830 = arith.constant 0 : index
      %swap3A_3831 = tpu.vector_load %arg14[%swap3A_3829, %swap3A_3830] {strides = array<i32>} : memref<128x16xf32, #tpu.memory_space<vmem>>, vector<1x16xf32>,
      %swap3A_3832 = vector.shape_cast %swap3A_3831 : vector<1x16xf32> to vector<16xf32>
      %swap3A_3833 = vector.shape_cast %sub3A_3827 : vector<16xf32> to vector<1x16xf32>
      tpu.vector_store %arg14[%swap3A_3829, %swap3A_3830], %swap3A_3833 {strides = array<i32>} : memref<128x16xf32, #tpu.memory_space<vmem>>, vector<1x16xf32>,
      %get3A_3834 = arith.constant 81 : i32
      %get3A_3835 = arith.index_cast %get3A_3834 : i32 to index
      %get3A_3836 = arith.constant 0 : index
      %get3A_3837 = tpu.vector_load %arg12[%get3A_3835, %get3A_3836] {strides = array<i32>} : memref<128x128xf32, #tpu.memory_space<vmem>>, vector<1x16xf32>,
      %get3A_3838 = vector.shape_cast %get3A_3837 : vector<1x16xf32> to vector<16xf32>
      %add3A_3839 = arith.constant 5 : i32
      %add3A_3840 = arith.addi %mul3A_2375, %add3A_3839 : i32
      %get3A_3841 = arith.index_cast %add3A_3840 : i32 to index
      %get3A_3842 = arith.constant 0 : index
      %get3A_3843 = tpu.vector_load %arg13[%get3A_3841, %get3A_3842] {strides = array<i32>} : memref<256x16xf32, #tpu.memory_space<vmem>>, vector<1x16xf32>,
      %get3A_3844 = vector.shape_cast %get3A_3843 : vector<1x16xf32> to vector<16xf32>
      %sub3A_3845 = arith.subf %get3A_3838, %get3A_3844 : vector<16xf32>
      %swap3A_3846 = arith.constant 81 : i32
      %swap3A_3847 = arith.index_cast %swap3A_3846 : i32 to index
      %swap3A_3848 = arith.constant 0 : index
      %swap3A_3849 = tpu.vector_load %arg14[%swap3A_3847, %swap3A_3848] {strides = array<i32>} : memref<128x16xf32, #tpu.memory_space<vmem>>, vector<1x16xf32>,
      %swap3A_3850 = vector.shape_cast %swap3A_3849 : vector<1x16xf32> to vector<16xf32>
      %swap3A_3851 = vector.shape_cast %sub3A_3845 : vector<16xf32> to vector<1x16xf32>
      tpu.vector_store %arg14[%swap3A_3847, %swap3A_3848], %swap3A_3851 {strides = array<i32>} : memref<128x16xf32, #tpu.memory_space<vmem>>, vector<1x16xf32>,
      %get3A_3852 = arith.constant 82 : i32
      %get3A_3853 = arith.index_cast %get3A_3852 : i32 to index
      %get3A_3854 = arith.constant 0 : index
      %get3A_3855 = tpu.vector_load %arg12[%get3A_3853, %get3A_3854] {strides = array<i32>} : memref<128x128xf32, #tpu.memory_space<vmem>>, vector<1x16xf32>,
      %get3A_3856 = vector.shape_cast %get3A_3855 : vector<1x16xf32> to vector<16xf32>
      %add3A_3857 = arith.constant 5 : i32
      %add3A_3858 = arith.addi %mul3A_2375, %add3A_3857 : i32
      %get3A_3859 = arith.index_cast %add3A_3858 : i32 to index
      %get3A_3860 = arith.constant 0 : index
      %get3A_3861 = tpu.vector_load %arg13[%get3A_3859, %get3A_3860] {strides = array<i32>} : memref<256x16xf32, #tpu.memory_space<vmem>>, vector<1x16xf32>,
      %get3A_3862 = vector.shape_cast %get3A_3861 : vector<1x16xf32> to vector<16xf32>
      %sub3A_3863 = arith.subf %get3A_3856, %get3A_3862 : vector<16xf32>
      %swap3A_3864 = arith.constant 82 : i32
      %swap3A_3865 = arith.index_cast %swap3A_3864 : i32 to index
      %swap3A_3866 = arith.constant 0 : index
      %swap3A_3867 = tpu.vector_load %arg14[%swap3A_3865, %swap3A_3866] {strides = array<i32>} : memref<128x16xf32, #tpu.memory_space<vmem>>, vector<1x16xf32>,
      %swap3A_3868 = vector.shape_cast %swap3A_3867 : vector<1x16xf32> to vector<16xf32>
      %swap3A_3869 = vector.shape_cast %sub3A_3863 : vector<16xf32> to vector<1x16xf32>
      tpu.vector_store %arg14[%swap3A_3865, %swap3A_3866], %swap3A_3869 {strides = array<i32>} : memref<128x16xf32, #tpu.memory_space<vmem>>, vector<1x16xf32>,
      %get3A_3870 = arith.constant 83 : i32
      %get3A_3871 = arith.index_cast %get3A_3870 : i32 to index
      %get3A_3872 = arith.constant 0 : index
      %get3A_3873 = tpu.vector_load %arg12[%get3A_3871, %get3A_3872] {strides = array<i32>} : memref<128x128xf32, #tpu.memory_space<vmem>>, vector<1x16xf32>,
      %get3A_3874 = vector.shape_cast %get3A_3873 : vector<1x16xf32> to vector<16xf32>
      %add3A_3875 = arith.constant 5 : i32
      %add3A_3876 = arith.addi %mul3A_2375, %add3A_3875 : i32
      %get3A_3877 = arith.index_cast %add3A_3876 : i32 to index
      %get3A_3878 = arith.constant 0 : index
      %get3A_3879 = tpu.vector_load %arg13[%get3A_3877, %get3A_3878] {strides = array<i32>} : memref<256x16xf32, #tpu.memory_space<vmem>>, vector<1x16xf32>,
      %get3A_3880 = vector.shape_cast %get3A_3879 : vector<1x16xf32> to vector<16xf32>
      %sub3A_3881 = arith.subf %get3A_3874, %get3A_3880 : vector<16xf32>
      %swap3A_3882 = arith.constant 83 : i32
      %swap3A_3883 = arith.index_cast %swap3A_3882 : i32 to index
      %swap3A_3884 = arith.constant 0 : index
      %swap3A_3885 = tpu.vector_load %arg14[%swap3A_3883, %swap3A_3884] {strides = array<i32>} : memref<128x16xf32, #tpu.memory_space<vmem>>, vector<1x16xf32>,
      %swap3A_3886 = vector.shape_cast %swap3A_3885 : vector<1x16xf32> to vector<16xf32>
      %swap3A_3887 = vector.shape_cast %sub3A_3881 : vector<16xf32> to vector<1x16xf32>
      tpu.vector_store %arg14[%swap3A_3883, %swap3A_3884], %swap3A_3887 {strides = array<i32>} : memref<128x16xf32, #tpu.memory_space<vmem>>, vector<1x16xf32>,
      %get3A_3888 = arith.constant 84 : i32
      %get3A_3889 = arith.index_cast %get3A_3888 : i32 to index
      %get3A_3890 = arith.constant 0 : index
      %get3A_3891 = tpu.vector_load %arg12[%get3A_3889, %get3A_3890] {strides = array<i32>} : memref<128x128xf32, #tpu.memory_space<vmem>>, vector<1x16xf32>,
      %get3A_3892 = vector.shape_cast %get3A_3891 : vector<1x16xf32> to vector<16xf32>
      %add3A_3893 = arith.constant 5 : i32
      %add3A_3894 = arith.addi %mul3A_2375, %add3A_3893 : i32
      %get3A_3895 = arith.index_cast %add3A_3894 : i32 to index
      %get3A_3896 = arith.constant 0 : index
      %get3A_3897 = tpu.vector_load %arg13[%get3A_3895, %get3A_3896] {strides = array<i32>} : memref<256x16xf32, #tpu.memory_space<vmem>>, vector<1x16xf32>,
      %get3A_3898 = vector.shape_cast %get3A_3897 : vector<1x16xf32> to vector<16xf32>
      %sub3A_3899 = arith.subf %get3A_3892, %get3A_3898 : vector<16xf32>
      %swap3A_3900 = arith.constant 84 : i32
      %swap3A_3901 = arith.index_cast %swap3A_3900 : i32 to index
      %swap3A_3902 = arith.constant 0 : index
      %swap3A_3903 = tpu.vector_load %arg14[%swap3A_3901, %swap3A_3902] {strides = array<i32>} : memref<128x16xf32, #tpu.memory_space<vmem>>, vector<1x16xf32>,
      %swap3A_3904 = vector.shape_cast %swap3A_3903 : vector<1x16xf32> to vector<16xf32>
      %swap3A_3905 = vector.shape_cast %sub3A_3899 : vector<16xf32> to vector<1x16xf32>
      tpu.vector_store %arg14[%swap3A_3901, %swap3A_3902], %swap3A_3905 {strides = array<i32>} : memref<128x16xf32, #tpu.memory_space<vmem>>, vector<1x16xf32>,
      %get3A_3906 = arith.constant 85 : i32
      %get3A_3907 = arith.index_cast %get3A_3906 : i32 to index
      %get3A_3908 = arith.constant 0 : index
      %get3A_3909 = tpu.vector_load %arg12[%get3A_3907, %get3A_3908] {strides = array<i32>} : memref<128x128xf32, #tpu.memory_space<vmem>>, vector<1x16xf32>,
      %get3A_3910 = vector.shape_cast %get3A_3909 : vector<1x16xf32> to vector<16xf32>
      %add3A_3911 = arith.constant 5 : i32
      %add3A_3912 = arith.addi %mul3A_2375, %add3A_3911 : i32
      %get3A_3913 = arith.index_cast %add3A_3912 : i32 to index
      %get3A_3914 = arith.constant 0 : index
      %get3A_3915 = tpu.vector_load %arg13[%get3A_3913, %get3A_3914] {strides = array<i32>} : memref<256x16xf32, #tpu.memory_space<vmem>>, vector<1x16xf32>,
      %get3A_3916 = vector.shape_cast %get3A_3915 : vector<1x16xf32> to vector<16xf32>
      %sub3A_3917 = arith.subf %get3A_3910, %get3A_3916 : vector<16xf32>
      %swap3A_3918 = arith.constant 85 : i32
      %swap3A_3919 = arith.index_cast %swap3A_3918 : i32 to index
      %swap3A_3920 = arith.constant 0 : index
      %swap3A_3921 = tpu.vector_load %arg14[%swap3A_3919, %swap3A_3920] {strides = array<i32>} : memref<128x16xf32, #tpu.memory_space<vmem>>, vector<1x16xf32>,
      %swap3A_3922 = vector.shape_cast %swap3A_3921 : vector<1x16xf32> to vector<16xf32>
      %swap3A_3923 = vector.shape_cast %sub3A_3917 : vector<16xf32> to vector<1x16xf32>
      tpu.vector_store %arg14[%swap3A_3919, %swap3A_3920], %swap3A_3923 {strides = array<i32>} : memref<128x16xf32, #tpu.memory_space<vmem>>, vector<1x16xf32>,
      %get3A_3924 = arith.constant 86 : i32
      %get3A_3925 = arith.index_cast %get3A_3924 : i32 to index
      %get3A_3926 = arith.constant 0 : index
      %get3A_3927 = tpu.vector_load %arg12[%get3A_3925, %get3A_3926] {strides = array<i32>} : memref<128x128xf32, #tpu.memory_space<vmem>>, vector<1x16xf32>,
      %get3A_3928 = vector.shape_cast %get3A_3927 : vector<1x16xf32> to vector<16xf32>
      %add3A_3929 = arith.constant 5 : i32
      %add3A_3930 = arith.addi %mul3A_2375, %add3A_3929 : i32
      %get3A_3931 = arith.index_cast %add3A_3930 : i32 to index
      %get3A_3932 = arith.constant 0 : index
      %get3A_3933 = tpu.vector_load %arg13[%get3A_3931, %get3A_3932] {strides = array<i32>} : memref<256x16xf32, #tpu.memory_space<vmem>>, vector<1x16xf32>,
      %get3A_3934 = vector.shape_cast %get3A_3933 : vector<1x16xf32> to vector<16xf32>
      %sub3A_3935 = arith.subf %get3A_3928, %get3A_3934 : vector<16xf32>
      %swap3A_3936 = arith.constant 86 : i32
      %swap3A_3937 = arith.index_cast %swap3A_3936 : i32 to index
      %swap3A_3938 = arith.constant 0 : index
      %swap3A_3939 = tpu.vector_load %arg14[%swap3A_3937, %swap3A_3938] {strides = array<i32>} : memref<128x16xf32, #tpu.memory_space<vmem>>, vector<1x16xf32>,
      %swap3A_3940 = vector.shape_cast %swap3A_3939 : vector<1x16xf32> to vector<16xf32>
      %swap3A_3941 = vector.shape_cast %sub3A_3935 : vector<16xf32> to vector<1x16xf32>
      tpu.vector_store %arg14[%swap3A_3937, %swap3A_3938], %swap3A_3941 {strides = array<i32>} : memref<128x16xf32, #tpu.memory_space<vmem>>, vector<1x16xf32>,
      %get3A_3942 = arith.constant 87 : i32
      %get3A_3943 = arith.index_cast %get3A_3942 : i32 to index
      %get3A_3944 = arith.constant 0 : index
      %get3A_3945 = tpu.vector_load %arg12[%get3A_3943, %get3A_3944] {strides = array<i32>} : memref<128x128xf32, #tpu.memory_space<vmem>>, vector<1x16xf32>,
      %get3A_3946 = vector.shape_cast %get3A_3945 : vector<1x16xf32> to vector<16xf32>
      %add3A_3947 = arith.constant 5 : i32
      %add3A_3948 = arith.addi %mul3A_2375, %add3A_3947 : i32
      %get3A_3949 = arith.index_cast %add3A_3948 : i32 to index
      %get3A_3950 = arith.constant 0 : index
      %get3A_3951 = tpu.vector_load %arg13[%get3A_3949, %get3A_3950] {strides = array<i32>} : memref<256x16xf32, #tpu.memory_space<vmem>>, vector<1x16xf32>,
      %get3A_3952 = vector.shape_cast %get3A_3951 : vector<1x16xf32> to vector<16xf32>
      %sub3A_3953 = arith.subf %get3A_3946, %get3A_3952 : vector<16xf32>
      %swap3A_3954 = arith.constant 87 : i32
      %swap3A_3955 = arith.index_cast %swap3A_3954 : i32 to index
      %swap3A_3956 = arith.constant 0 : index
      %swap3A_3957 = tpu.vector_load %arg14[%swap3A_3955, %swap3A_3956] {strides = array<i32>} : memref<128x16xf32, #tpu.memory_space<vmem>>, vector<1x16xf32>,
      %swap3A_3958 = vector.shape_cast %swap3A_3957 : vector<1x16xf32> to vector<16xf32>
      %swap3A_3959 = vector.shape_cast %sub3A_3953 : vector<16xf32> to vector<1x16xf32>
      tpu.vector_store %arg14[%swap3A_3955, %swap3A_3956], %swap3A_3959 {strides = array<i32>} : memref<128x16xf32, #tpu.memory_space<vmem>>, vector<1x16xf32>,
      %get3A_3960 = arith.constant 88 : i32
      %get3A_3961 = arith.index_cast %get3A_3960 : i32 to index
      %get3A_3962 = arith.constant 0 : index
      %get3A_3963 = tpu.vector_load %arg12[%get3A_3961, %get3A_3962] {strides = array<i32>} : memref<128x128xf32, #tpu.memory_space<vmem>>, vector<1x16xf32>,
      %get3A_3964 = vector.shape_cast %get3A_3963 : vector<1x16xf32> to vector<16xf32>
      %add3A_3965 = arith.constant 5 : i32
      %add3A_3966 = arith.addi %mul3A_2375, %add3A_3965 : i32
      %get3A_3967 = arith.index_cast %add3A_3966 : i32 to index
      %get3A_3968 = arith.constant 0 : index
      %get3A_3969 = tpu.vector_load %arg13[%get3A_3967, %get3A_3968] {strides = array<i32>} : memref<256x16xf32, #tpu.memory_space<vmem>>, vector<1x16xf32>,
      %get3A_3970 = vector.shape_cast %get3A_3969 : vector<1x16xf32> to vector<16xf32>
      %sub3A_3971 = arith.subf %get3A_3964, %get3A_3970 : vector<16xf32>
      %swap3A_3972 = arith.constant 88 : i32
      %swap3A_3973 = arith.index_cast %swap3A_3972 : i32 to index
      %swap3A_3974 = arith.constant 0 : index
      %swap3A_3975 = tpu.vector_load %arg14[%swap3A_3973, %swap3A_3974] {strides = array<i32>} : memref<128x16xf32, #tpu.memory_space<vmem>>, vector<1x16xf32>,
      %swap3A_3976 = vector.shape_cast %swap3A_3975 : vector<1x16xf32> to vector<16xf32>
      %swap3A_3977 = vector.shape_cast %sub3A_3971 : vector<16xf32> to vector<1x16xf32>
      tpu.vector_store %arg14[%swap3A_3973, %swap3A_3974], %swap3A_3977 {strides = array<i32>} : memref<128x16xf32, #tpu.memory_space<vmem>>, vector<1x16xf32>,
      %get3A_3978 = arith.constant 89 : i32
      %get3A_3979 = arith.index_cast %get3A_3978 : i32 to index
      %get3A_3980 = arith.constant 0 : index
      %get3A_3981 = tpu.vector_load %arg12[%get3A_3979, %get3A_3980] {strides = array<i32>} : memref<128x128xf32, #tpu.memory_space<vmem>>, vector<1x16xf32>,
      %get3A_3982 = vector.shape_cast %get3A_3981 : vector<1x16xf32> to vector<16xf32>
      %add3A_3983 = arith.constant 5 : i32
      %add3A_3984 = arith.addi %mul3A_2375, %add3A_3983 : i32
      %get3A_3985 = arith.index_cast %add3A_3984 : i32 to index
      %get3A_3986 = arith.constant 0 : index
      %get3A_3987 = tpu.vector_load %arg13[%get3A_3985, %get3A_3986] {strides = array<i32>} : memref<256x16xf32, #tpu.memory_space<vmem>>, vector<1x16xf32>,
      %get3A_3988 = vector.shape_cast %get3A_3987 : vector<1x16xf32> to vector<16xf32>
      %sub3A_3989 = arith.subf %get3A_3982, %get3A_3988 : vector<16xf32>
      %swap3A_3990 = arith.constant 89 : i32
      %swap3A_3991 = arith.index_cast %swap3A_3990 : i32 to index
      %swap3A_3992 = arith.constant 0 : index
      %swap3A_3993 = tpu.vector_load %arg14[%swap3A_3991, %swap3A_3992] {strides = array<i32>} : memref<128x16xf32, #tpu.memory_space<vmem>>, vector<1x16xf32>,
      %swap3A_3994 = vector.shape_cast %swap3A_3993 : vector<1x16xf32> to vector<16xf32>
      %swap3A_3995 = vector.shape_cast %sub3A_3989 : vector<16xf32> to vector<1x16xf32>
      tpu.vector_store %arg14[%swap3A_3991, %swap3A_3992], %swap3A_3995 {strides = array<i32>} : memref<128x16xf32, #tpu.memory_space<vmem>>, vector<1x16xf32>,
      %get3A_3996 = arith.constant 90 : i32
      %get3A_3997 = arith.index_cast %get3A_3996 : i32 to index
      %get3A_3998 = arith.constant 0 : index
      %get3A_3999 = tpu.vector_load %arg12[%get3A_3997, %get3A_3998] {strides = array<i32>} : memref<128x128xf32, #tpu.memory_space<vmem>>, vector<1x16xf32>,
      %get3A_4000 = vector.shape_cast %get3A_3999 : vector<1x16xf32> to vector<16xf32>
      %add3A_4001 = arith.constant 5 : i32
      %add3A_4002 = arith.addi %mul3A_2375, %add3A_4001 : i32
      %get3A_4003 = arith.index_cast %add3A_4002 : i32 to index
      %get3A_4004 = arith.constant 0 : index
      %get3A_4005 = tpu.vector_load %arg13[%get3A_4003, %get3A_4004] {strides = array<i32>} : memref<256x16xf32, #tpu.memory_space<vmem>>, vector<1x16xf32>,
      %get3A_4006 = vector.shape_cast %get3A_4005 : vector<1x16xf32> to vector<16xf32>
      %sub3A_4007 = arith.subf %get3A_4000, %get3A_4006 : vector<16xf32>
      %swap3A_4008 = arith.constant 90 : i32
      %swap3A_4009 = arith.index_cast %swap3A_4008 : i32 to index
      %swap3A_4010 = arith.constant 0 : index
      %swap3A_4011 = tpu.vector_load %arg14[%swap3A_4009, %swap3A_4010] {strides = array<i32>} : memref<128x16xf32, #tpu.memory_space<vmem>>, vector<1x16xf32>,
      %swap3A_4012 = vector.shape_cast %swap3A_4011 : vector<1x16xf32> to vector<16xf32>
      %swap3A_4013 = vector.shape_cast %sub3A_4007 : vector<16xf32> to vector<1x16xf32>
      tpu.vector_store %arg14[%swap3A_4009, %swap3A_4010], %swap3A_4013 {strides = array<i32>} : memref<128x16xf32, #tpu.memory_space<vmem>>, vector<1x16xf32>,
      %get3A_4014 = arith.constant 91 : i32
      %get3A_4015 = arith.index_cast %get3A_4014 : i32 to index
      %get3A_4016 = arith.constant 0 : index
      %get3A_4017 = tpu.vector_load %arg12[%get3A_4015, %get3A_4016] {strides = array<i32>} : memref<128x128xf32, #tpu.memory_space<vmem>>, vector<1x16xf32>,
      %get3A_4018 = vector.shape_cast %get3A_4017 : vector<1x16xf32> to vector<16xf32>
      %add3A_4019 = arith.constant 5 : i32
      %add3A_4020 = arith.addi %mul3A_2375, %add3A_4019 : i32
      %get3A_4021 = arith.index_cast %add3A_4020 : i32 to index
      %get3A_4022 = arith.constant 0 : index
      %get3A_4023 = tpu.vector_load %arg13[%get3A_4021, %get3A_4022] {strides = array<i32>} : memref<256x16xf32, #tpu.memory_space<vmem>>, vector<1x16xf32>,
      %get3A_4024 = vector.shape_cast %get3A_4023 : vector<1x16xf32> to vector<16xf32>
      %sub3A_4025 = arith.subf %get3A_4018, %get3A_4024 : vector<16xf32>
      %swap3A_4026 = arith.constant 91 : i32
      %swap3A_4027 = arith.index_cast %swap3A_4026 : i32 to index
      %swap3A_4028 = arith.constant 0 : index
      %swap3A_4029 = tpu.vector_load %arg14[%swap3A_4027, %swap3A_4028] {strides = array<i32>} : memref<128x16xf32, #tpu.memory_space<vmem>>, vector<1x16xf32>,
      %swap3A_4030 = vector.shape_cast %swap3A_4029 : vector<1x16xf32> to vector<16xf32>
      %swap3A_4031 = vector.shape_cast %sub3A_4025 : vector<16xf32> to vector<1x16xf32>
      tpu.vector_store %arg14[%swap3A_4027, %swap3A_4028], %swap3A_4031 {strides = array<i32>} : memref<128x16xf32, #tpu.memory_space<vmem>>, vector<1x16xf32>,
      %get3A_4032 = arith.constant 92 : i32
      %get3A_4033 = arith.index_cast %get3A_4032 : i32 to index
      %get3A_4034 = arith.constant 0 : index
      %get3A_4035 = tpu.vector_load %arg12[%get3A_4033, %get3A_4034] {strides = array<i32>} : memref<128x128xf32, #tpu.memory_space<vmem>>, vector<1x16xf32>,
      %get3A_4036 = vector.shape_cast %get3A_4035 : vector<1x16xf32> to vector<16xf32>
      %add3A_4037 = arith.constant 5 : i32
      %add3A_4038 = arith.addi %mul3A_2375, %add3A_4037 : i32
      %get3A_4039 = arith.index_cast %add3A_4038 : i32 to index
      %get3A_4040 = arith.constant 0 : index
      %get3A_4041 = tpu.vector_load %arg13[%get3A_4039, %get3A_4040] {strides = array<i32>} : memref<256x16xf32, #tpu.memory_space<vmem>>, vector<1x16xf32>,
      %get3A_4042 = vector.shape_cast %get3A_4041 : vector<1x16xf32> to vector<16xf32>
      %sub3A_4043 = arith.subf %get3A_4036, %get3A_4042 : vector<16xf32>
      %swap3A_4044 = arith.constant 92 : i32
      %swap3A_4045 = arith.index_cast %swap3A_4044 : i32 to index
      %swap3A_4046 = arith.constant 0 : index
      %swap3A_4047 = tpu.vector_load %arg14[%swap3A_4045, %swap3A_4046] {strides = array<i32>} : memref<128x16xf32, #tpu.memory_space<vmem>>, vector<1x16xf32>,
      %swap3A_4048 = vector.shape_cast %swap3A_4047 : vector<1x16xf32> to vector<16xf32>
      %swap3A_4049 = vector.shape_cast %sub3A_4043 : vector<16xf32> to vector<1x16xf32>
      tpu.vector_store %arg14[%swap3A_4045, %swap3A_4046], %swap3A_4049 {strides = array<i32>} : memref<128x16xf32, #tpu.memory_space<vmem>>, vector<1x16xf32>,
      %get3A_4050 = arith.constant 93 : i32
      %get3A_4051 = arith.index_cast %get3A_4050 : i32 to index
      %get3A_4052 = arith.constant 0 : index
      %get3A_4053 = tpu.vector_load %arg12[%get3A_4051, %get3A_4052] {strides = array<i32>} : memref<128x128xf32, #tpu.memory_space<vmem>>, vector<1x16xf32>,
      %get3A_4054 = vector.shape_cast %get3A_4053 : vector<1x16xf32> to vector<16xf32>
      %add3A_4055 = arith.constant 5 : i32
      %add3A_4056 = arith.addi %mul3A_2375, %add3A_4055 : i32
      %get3A_4057 = arith.index_cast %add3A_4056 : i32 to index
      %get3A_4058 = arith.constant 0 : index
      %get3A_4059 = tpu.vector_load %arg13[%get3A_4057, %get3A_4058] {strides = array<i32>} : memref<256x16xf32, #tpu.memory_space<vmem>>, vector<1x16xf32>,
      %get3A_4060 = vector.shape_cast %get3A_4059 : vector<1x16xf32> to vector<16xf32>
      %sub3A_4061 = arith.subf %get3A_4054, %get3A_4060 : vector<16xf32>
      %swap3A_4062 = arith.constant 93 : i32
      %swap3A_4063 = arith.index_cast %swap3A_4062 : i32 to index
      %swap3A_4064 = arith.constant 0 : index
      %swap3A_4065 = tpu.vector_load %arg14[%swap3A_4063, %swap3A_4064] {strides = array<i32>} : memref<128x16xf32, #tpu.memory_space<vmem>>, vector<1x16xf32>,
      %swap3A_4066 = vector.shape_cast %swap3A_4065 : vector<1x16xf32> to vector<16xf32>
      %swap3A_4067 = vector.shape_cast %sub3A_4061 : vector<16xf32> to vector<1x16xf32>
      tpu.vector_store %arg14[%swap3A_4063, %swap3A_4064], %swap3A_4067 {strides = array<i32>} : memref<128x16xf32, #tpu.memory_space<vmem>>, vector<1x16xf32>,
      %get3A_4068 = arith.constant 94 : i32
      %get3A_4069 = arith.index_cast %get3A_4068 : i32 to index
      %get3A_4070 = arith.constant 0 : index
      %get3A_4071 = tpu.vector_load %arg12[%get3A_4069, %get3A_4070] {strides = array<i32>} : memref<128x128xf32, #tpu.memory_space<vmem>>, vector<1x16xf32>,
      %get3A_4072 = vector.shape_cast %get3A_4071 : vector<1x16xf32> to vector<16xf32>
      %add3A_4073 = arith.constant 5 : i32
      %add3A_4074 = arith.addi %mul3A_2375, %add3A_4073 : i32
      %get3A_4075 = arith.index_cast %add3A_4074 : i32 to index
      %get3A_4076 = arith.constant 0 : index
      %get3A_4077 = tpu.vector_load %arg13[%get3A_4075, %get3A_4076] {strides = array<i32>} : memref<256x16xf32, #tpu.memory_space<vmem>>, vector<1x16xf32>,
      %get3A_4078 = vector.shape_cast %get3A_4077 : vector<1x16xf32> to vector<16xf32>
      %sub3A_4079 = arith.subf %get3A_4072, %get3A_4078 : vector<16xf32>
      %swap3A_4080 = arith.constant 94 : i32
      %swap3A_4081 = arith.index_cast %swap3A_4080 : i32 to index
      %swap3A_4082 = arith.constant 0 : index
      %swap3A_4083 = tpu.vector_load %arg14[%swap3A_4081, %swap3A_4082] {strides = array<i32>} : memref<128x16xf32, #tpu.memory_space<vmem>>, vector<1x16xf32>,
      %swap3A_4084 = vector.shape_cast %swap3A_4083 : vector<1x16xf32> to vector<16xf32>
      %swap3A_4085 = vector.shape_cast %sub3A_4079 : vector<16xf32> to vector<1x16xf32>
      tpu.vector_store %arg14[%swap3A_4081, %swap3A_4082], %swap3A_4085 {strides = array<i32>} : memref<128x16xf32, #tpu.memory_space<vmem>>, vector<1x16xf32>,
      %get3A_4086 = arith.constant 95 : i32
      %get3A_4087 = arith.index_cast %get3A_4086 : i32 to index
      %get3A_4088 = arith.constant 0 : index
      %get3A_4089 = tpu.vector_load %arg12[%get3A_4087, %get3A_4088] {strides = array<i32>} : memref<128x128xf32, #tpu.memory_space<vmem>>, vector<1x16xf32>,
      %get3A_4090 = vector.shape_cast %get3A_4089 : vector<1x16xf32> to vector<16xf32>
      %add3A_4091 = arith.constant 5 : i32
      %add3A_4092 = arith.addi %mul3A_2375, %add3A_4091 : i32
      %get3A_4093 = arith.index_cast %add3A_4092 : i32 to index
      %get3A_4094 = arith.constant 0 : index
      %get3A_4095 = tpu.vector_load %arg13[%get3A_4093, %get3A_4094] {strides = array<i32>} : memref<256x16xf32, #tpu.memory_space<vmem>>, vector<1x16xf32>,
      %get3A_4096 = vector.shape_cast %get3A_4095 : vector<1x16xf32> to vector<16xf32>
      %sub3A_4097 = arith.subf %get3A_4090, %get3A_4096 : vector<16xf32>
      %swap3A_4098 = arith.constant 95 : i32
      %swap3A_4099 = arith.index_cast %swap3A_4098 : i32 to index
      %swap3A_4100 = arith.constant 0 : index
      %swap3A_4101 = tpu.vector_load %arg14[%swap3A_4099, %swap3A_4100] {strides = array<i32>} : memref<128x16xf32, #tpu.memory_space<vmem>>, vector<1x16xf32>,
      %swap3A_4102 = vector.shape_cast %swap3A_4101 : vector<1x16xf32> to vector<16xf32>
      %swap3A_4103 = vector.shape_cast %sub3A_4097 : vector<16xf32> to vector<1x16xf32>
      tpu.vector_store %arg14[%swap3A_4099, %swap3A_4100], %swap3A_4103 {strides = array<i32>} : memref<128x16xf32, #tpu.memory_space<vmem>>, vector<1x16xf32>,
      %get3A_4104 = arith.constant 96 : i32
      %get3A_4105 = arith.index_cast %get3A_4104 : i32 to index
      %get3A_4106 = arith.constant 0 : index
      %get3A_4107 = tpu.vector_load %arg12[%get3A_4105, %get3A_4106] {strides = array<i32>} : memref<128x128xf32, #tpu.memory_space<vmem>>, vector<1x16xf32>,
      %get3A_4108 = vector.shape_cast %get3A_4107 : vector<1x16xf32> to vector<16xf32>
      %add3A_4109 = arith.constant 6 : i32
      %add3A_4110 = arith.addi %mul3A_2375, %add3A_4109 : i32
      %get3A_4111 = arith.index_cast %add3A_4110 : i32 to index
      %get3A_4112 = arith.constant 0 : index
      %get3A_4113 = tpu.vector_load %arg13[%get3A_4111, %get3A_4112] {strides = array<i32>} : memref<256x16xf32, #tpu.memory_space<vmem>>, vector<1x16xf32>,
      %get3A_4114 = vector.shape_cast %get3A_4113 : vector<1x16xf32> to vector<16xf32>
      %sub3A_4115 = arith.subf %get3A_4108, %get3A_4114 : vector<16xf32>
      %swap3A_4116 = arith.constant 96 : i32
      %swap3A_4117 = arith.index_cast %swap3A_4116 : i32 to index
      %swap3A_4118 = arith.constant 0 : index
      %swap3A_4119 = tpu.vector_load %arg14[%swap3A_4117, %swap3A_4118] {strides = array<i32>} : memref<128x16xf32, #tpu.memory_space<vmem>>, vector<1x16xf32>,
      %swap3A_4120 = vector.shape_cast %swap3A_4119 : vector<1x16xf32> to vector<16xf32>
      %swap3A_4121 = vector.shape_cast %sub3A_4115 : vector<16xf32> to vector<1x16xf32>
      tpu.vector_store %arg14[%swap3A_4117, %swap3A_4118], %swap3A_4121 {strides = array<i32>} : memref<128x16xf32, #tpu.memory_space<vmem>>, vector<1x16xf32>,
      %get3A_4122 = arith.constant 97 : i32
      %get3A_4123 = arith.index_cast %get3A_4122 : i32 to index
      %get3A_4124 = arith.constant 0 : index
      %get3A_4125 = tpu.vector_load %arg12[%get3A_4123, %get3A_4124] {strides = array<i32>} : memref<128x128xf32, #tpu.memory_space<vmem>>, vector<1x16xf32>,
      %get3A_4126 = vector.shape_cast %get3A_4125 : vector<1x16xf32> to vector<16xf32>
      %add3A_4127 = arith.constant 6 : i32
      %add3A_4128 = arith.addi %mul3A_2375, %add3A_4127 : i32
      %get3A_4129 = arith.index_cast %add3A_4128 : i32 to index
      %get3A_4130 = arith.constant 0 : index
      %get3A_4131 = tpu.vector_load %arg13[%get3A_4129, %get3A_4130] {strides = array<i32>} : memref<256x16xf32, #tpu.memory_space<vmem>>, vector<1x16xf32>,
      %get3A_4132 = vector.shape_cast %get3A_4131 : vector<1x16xf32> to vector<16xf32>
      %sub3A_4133 = arith.subf %get3A_4126, %get3A_4132 : vector<16xf32>
      %swap3A_4134 = arith.constant 97 : i32
      %swap3A_4135 = arith.index_cast %swap3A_4134 : i32 to index
      %swap3A_4136 = arith.constant 0 : index
      %swap3A_4137 = tpu.vector_load %arg14[%swap3A_4135, %swap3A_4136] {strides = array<i32>} : memref<128x16xf32, #tpu.memory_space<vmem>>, vector<1x16xf32>,
      %swap3A_4138 = vector.shape_cast %swap3A_4137 : vector<1x16xf32> to vector<16xf32>
      %swap3A_4139 = vector.shape_cast %sub3A_4133 : vector<16xf32> to vector<1x16xf32>
      tpu.vector_store %arg14[%swap3A_4135, %swap3A_4136], %swap3A_4139 {strides = array<i32>} : memref<128x16xf32, #tpu.memory_space<vmem>>, vector<1x16xf32>,
      %get3A_4140 = arith.constant 98 : i32
      %get3A_4141 = arith.index_cast %get3A_4140 : i32 to index
      %get3A_4142 = arith.constant 0 : index
      %get3A_4143 = tpu.vector_load %arg12[%get3A_4141, %get3A_4142] {strides = array<i32>} : memref<128x128xf32, #tpu.memory_space<vmem>>, vector<1x16xf32>,
      %get3A_4144 = vector.shape_cast %get3A_4143 : vector<1x16xf32> to vector<16xf32>
      %add3A_4145 = arith.constant 6 : i32
      %add3A_4146 = arith.addi %mul3A_2375, %add3A_4145 : i32
      %get3A_4147 = arith.index_cast %add3A_4146 : i32 to index
      %get3A_4148 = arith.constant 0 : index
      %get3A_4149 = tpu.vector_load %arg13[%get3A_4147, %get3A_4148] {strides = array<i32>} : memref<256x16xf32, #tpu.memory_space<vmem>>, vector<1x16xf32>,
      %get3A_4150 = vector.shape_cast %get3A_4149 : vector<1x16xf32> to vector<16xf32>
      %sub3A_4151 = arith.subf %get3A_4144, %get3A_4150 : vector<16xf32>
      %swap3A_4152 = arith.constant 98 : i32
      %swap3A_4153 = arith.index_cast %swap3A_4152 : i32 to index
      %swap3A_4154 = arith.constant 0 : index
      %swap3A_4155 = tpu.vector_load %arg14[%swap3A_4153, %swap3A_4154] {strides = array<i32>} : memref<128x16xf32, #tpu.memory_space<vmem>>, vector<1x16xf32>,
      %swap3A_4156 = vector.shape_cast %swap3A_4155 : vector<1x16xf32> to vector<16xf32>
      %swap3A_4157 = vector.shape_cast %sub3A_4151 : vector<16xf32> to vector<1x16xf32>
      tpu.vector_store %arg14[%swap3A_4153, %swap3A_4154], %swap3A_4157 {strides = array<i32>} : memref<128x16xf32, #tpu.memory_space<vmem>>, vector<1x16xf32>,
      %get3A_4158 = arith.constant 99 : i32
      %get3A_4159 = arith.index_cast %get3A_4158 : i32 to index
      %get3A_4160 = arith.constant 0 : index
      %get3A_4161 = tpu.vector_load %arg12[%get3A_4159, %get3A_4160] {strides = array<i32>} : memref<128x128xf32, #tpu.memory_space<vmem>>, vector<1x16xf32>,
      %get3A_4162 = vector.shape_cast %get3A_4161 : vector<1x16xf32> to vector<16xf32>
      %add3A_4163 = arith.constant 6 : i32
      %add3A_4164 = arith.addi %mul3A_2375, %add3A_4163 : i32
      %get3A_4165 = arith.index_cast %add3A_4164 : i32 to index
      %get3A_4166 = arith.constant 0 : index
      %get3A_4167 = tpu.vector_load %arg13[%get3A_4165, %get3A_4166] {strides = array<i32>} : memref<256x16xf32, #tpu.memory_space<vmem>>, vector<1x16xf32>,
      %get3A_4168 = vector.shape_cast %get3A_4167 : vector<1x16xf32> to vector<16xf32>
      %sub3A_4169 = arith.subf %get3A_4162, %get3A_4168 : vector<16xf32>
      %swap3A_4170 = arith.constant 99 : i32
      %swap3A_4171 = arith.index_cast %swap3A_4170 : i32 to index
      %swap3A_4172 = arith.constant 0 : index
      %swap3A_4173 = tpu.vector_load %arg14[%swap3A_4171, %swap3A_4172] {strides = array<i32>} : memref<128x16xf32, #tpu.memory_space<vmem>>, vector<1x16xf32>,
      %swap3A_4174 = vector.shape_cast %swap3A_4173 : vector<1x16xf32> to vector<16xf32>
      %swap3A_4175 = vector.shape_cast %sub3A_4169 : vector<16xf32> to vector<1x16xf32>
      tpu.vector_store %arg14[%swap3A_4171, %swap3A_4172], %swap3A_4175 {strides = array<i32>} : memref<128x16xf32, #tpu.memory_space<vmem>>, vector<1x16xf32>,
      %get3A_4176 = arith.constant 100 : i32
      %get3A_4177 = arith.index_cast %get3A_4176 : i32 to index
      %get3A_4178 = arith.constant 0 : index
      %get3A_4179 = tpu.vector_load %arg12[%get3A_4177, %get3A_4178] {strides = array<i32>} : memref<128x128xf32, #tpu.memory_space<vmem>>, vector<1x16xf32>,
      %get3A_4180 = vector.shape_cast %get3A_4179 : vector<1x16xf32> to vector<16xf32>
      %add3A_4181 = arith.constant 6 : i32
      %add3A_4182 = arith.addi %mul3A_2375, %add3A_4181 : i32
      %get3A_4183 = arith.index_cast %add3A_4182 : i32 to index
      %get3A_4184 = arith.constant 0 : index
      %get3A_4185 = tpu.vector_load %arg13[%get3A_4183, %get3A_4184] {strides = array<i32>} : memref<256x16xf32, #tpu.memory_space<vmem>>, vector<1x16xf32>,
      %get3A_4186 = vector.shape_cast %get3A_4185 : vector<1x16xf32> to vector<16xf32>
      %sub3A_4187 = arith.subf %get3A_4180, %get3A_4186 : vector<16xf32>
      %swap3A_4188 = arith.constant 100 : i32
      %swap3A_4189 = arith.index_cast %swap3A_4188 : i32 to index
      %swap3A_4190 = arith.constant 0 : index
      %swap3A_4191 = tpu.vector_load %arg14[%swap3A_4189, %swap3A_4190] {strides = array<i32>} : memref<128x16xf32, #tpu.memory_space<vmem>>, vector<1x16xf32>,
      %swap3A_4192 = vector.shape_cast %swap3A_4191 : vector<1x16xf32> to vector<16xf32>
      %swap3A_4193 = vector.shape_cast %sub3A_4187 : vector<16xf32> to vector<1x16xf32>
      tpu.vector_store %arg14[%swap3A_4189, %swap3A_4190], %swap3A_4193 {strides = array<i32>} : memref<128x16xf32, #tpu.memory_space<vmem>>, vector<1x16xf32>,
      %get3A_4194 = arith.constant 101 : i32
      %get3A_4195 = arith.index_cast %get3A_4194 : i32 to index
      %get3A_4196 = arith.constant 0 : index
      %get3A_4197 = tpu.vector_load %arg12[%get3A_4195, %get3A_4196] {strides = array<i32>} : memref<128x128xf32, #tpu.memory_space<vmem>>, vector<1x16xf32>,
      %get3A_4198 = vector.shape_cast %get3A_4197 : vector<1x16xf32> to vector<16xf32>
      %add3A_4199 = arith.constant 6 : i32
      %add3A_4200 = arith.addi %mul3A_2375, %add3A_4199 : i32
      %get3A_4201 = arith.index_cast %add3A_4200 : i32 to index
      %get3A_4202 = arith.constant 0 : index
      %get3A_4203 = tpu.vector_load %arg13[%get3A_4201, %get3A_4202] {strides = array<i32>} : memref<256x16xf32, #tpu.memory_space<vmem>>, vector<1x16xf32>,
      %get3A_4204 = vector.shape_cast %get3A_4203 : vector<1x16xf32> to vector<16xf32>
      %sub3A_4205 = arith.subf %get3A_4198, %get3A_4204 : vector<16xf32>
      %swap3A_4206 = arith.constant 101 : i32
      %swap3A_4207 = arith.index_cast %swap3A_4206 : i32 to index
      %swap3A_4208 = arith.constant 0 : index
      %swap3A_4209 = tpu.vector_load %arg14[%swap3A_4207, %swap3A_4208] {strides = array<i32>} : memref<128x16xf32, #tpu.memory_space<vmem>>, vector<1x16xf32>,
      %swap3A_4210 = vector.shape_cast %swap3A_4209 : vector<1x16xf32> to vector<16xf32>
      %swap3A_4211 = vector.shape_cast %sub3A_4205 : vector<16xf32> to vector<1x16xf32>
      tpu.vector_store %arg14[%swap3A_4207, %swap3A_4208], %swap3A_4211 {strides = array<i32>} : memref<128x16xf32, #tpu.memory_space<vmem>>, vector<1x16xf32>,
      %get3A_4212 = arith.constant 102 : i32
      %get3A_4213 = arith.index_cast %get3A_4212 : i32 to index
      %get3A_4214 = arith.constant 0 : index
      %get3A_4215 = tpu.vector_load %arg12[%get3A_4213, %get3A_4214] {strides = array<i32>} : memref<128x128xf32, #tpu.memory_space<vmem>>, vector<1x16xf32>,
      %get3A_4216 = vector.shape_cast %get3A_4215 : vector<1x16xf32> to vector<16xf32>
      %add3A_4217 = arith.constant 6 : i32
      %add3A_4218 = arith.addi %mul3A_2375, %add3A_4217 : i32
      %get3A_4219 = arith.index_cast %add3A_4218 : i32 to index
      %get3A_4220 = arith.constant 0 : index
      %get3A_4221 = tpu.vector_load %arg13[%get3A_4219, %get3A_4220] {strides = array<i32>} : memref<256x16xf32, #tpu.memory_space<vmem>>, vector<1x16xf32>,
      %get3A_4222 = vector.shape_cast %get3A_4221 : vector<1x16xf32> to vector<16xf32>
      %sub3A_4223 = arith.subf %get3A_4216, %get3A_4222 : vector<16xf32>
      %swap3A_4224 = arith.constant 102 : i32
      %swap3A_4225 = arith.index_cast %swap3A_4224 : i32 to index
      %swap3A_4226 = arith.constant 0 : index
      %swap3A_4227 = tpu.vector_load %arg14[%swap3A_4225, %swap3A_4226] {strides = array<i32>} : memref<128x16xf32, #tpu.memory_space<vmem>>, vector<1x16xf32>,
      %swap3A_4228 = vector.shape_cast %swap3A_4227 : vector<1x16xf32> to vector<16xf32>
      %swap3A_4229 = vector.shape_cast %sub3A_4223 : vector<16xf32> to vector<1x16xf32>
      tpu.vector_store %arg14[%swap3A_4225, %swap3A_4226], %swap3A_4229 {strides = array<i32>} : memref<128x16xf32, #tpu.memory_space<vmem>>, vector<1x16xf32>,
      %get3A_4230 = arith.constant 103 : i32
      %get3A_4231 = arith.index_cast %get3A_4230 : i32 to index
      %get3A_4232 = arith.constant 0 : index
      %get3A_4233 = tpu.vector_load %arg12[%get3A_4231, %get3A_4232] {strides = array<i32>} : memref<128x128xf32, #tpu.memory_space<vmem>>, vector<1x16xf32>,
      %get3A_4234 = vector.shape_cast %get3A_4233 : vector<1x16xf32> to vector<16xf32>
      %add3A_4235 = arith.constant 6 : i32
      %add3A_4236 = arith.addi %mul3A_2375, %add3A_4235 : i32
      %get3A_4237 = arith.index_cast %add3A_4236 : i32 to index
      %get3A_4238 = arith.constant 0 : index
      %get3A_4239 = tpu.vector_load %arg13[%get3A_4237, %get3A_4238] {strides = array<i32>} : memref<256x16xf32, #tpu.memory_space<vmem>>, vector<1x16xf32>,
      %get3A_4240 = vector.shape_cast %get3A_4239 : vector<1x16xf32> to vector<16xf32>
      %sub3A_4241 = arith.subf %get3A_4234, %get3A_4240 : vector<16xf32>
      %swap3A_4242 = arith.constant 103 : i32
      %swap3A_4243 = arith.index_cast %swap3A_4242 : i32 to index
      %swap3A_4244 = arith.constant 0 : index
      %swap3A_4245 = tpu.vector_load %arg14[%swap3A_4243, %swap3A_4244] {strides = array<i32>} : memref<128x16xf32, #tpu.memory_space<vmem>>, vector<1x16xf32>,
      %swap3A_4246 = vector.shape_cast %swap3A_4245 : vector<1x16xf32> to vector<16xf32>
      %swap3A_4247 = vector.shape_cast %sub3A_4241 : vector<16xf32> to vector<1x16xf32>
      tpu.vector_store %arg14[%swap3A_4243, %swap3A_4244], %swap3A_4247 {strides = array<i32>} : memref<128x16xf32, #tpu.memory_space<vmem>>, vector<1x16xf32>,
      %get3A_4248 = arith.constant 104 : i32
      %get3A_4249 = arith.index_cast %get3A_4248 : i32 to index
      %get3A_4250 = arith.constant 0 : index
      %get3A_4251 = tpu.vector_load %arg12[%get3A_4249, %get3A_4250] {strides = array<i32>} : memref<128x128xf32, #tpu.memory_space<vmem>>, vector<1x16xf32>,
      %get3A_4252 = vector.shape_cast %get3A_4251 : vector<1x16xf32> to vector<16xf32>
      %add3A_4253 = arith.constant 6 : i32
      %add3A_4254 = arith.addi %mul3A_2375, %add3A_4253 : i32
      %get3A_4255 = arith.index_cast %add3A_4254 : i32 to index
      %get3A_4256 = arith.constant 0 : index
      %get3A_4257 = tpu.vector_load %arg13[%get3A_4255, %get3A_4256] {strides = array<i32>} : memref<256x16xf32, #tpu.memory_space<vmem>>, vector<1x16xf32>,
      %get3A_4258 = vector.shape_cast %get3A_4257 : vector<1x16xf32> to vector<16xf32>
      %sub3A_4259 = arith.subf %get3A_4252, %get3A_4258 : vector<16xf32>
      %swap3A_4260 = arith.constant 104 : i32
      %swap3A_4261 = arith.index_cast %swap3A_4260 : i32 to index
      %swap3A_4262 = arith.constant 0 : index
      %swap3A_4263 = tpu.vector_load %arg14[%swap3A_4261, %swap3A_4262] {strides = array<i32>} : memref<128x16xf32, #tpu.memory_space<vmem>>, vector<1x16xf32>,
      %swap3A_4264 = vector.shape_cast %swap3A_4263 : vector<1x16xf32> to vector<16xf32>
      %swap3A_4265 = vector.shape_cast %sub3A_4259 : vector<16xf32> to vector<1x16xf32>
      tpu.vector_store %arg14[%swap3A_4261, %swap3A_4262], %swap3A_4265 {strides = array<i32>} : memref<128x16xf32, #tpu.memory_space<vmem>>, vector<1x16xf32>,
      %get3A_4266 = arith.constant 105 : i32
      %get3A_4267 = arith.index_cast %get3A_4266 : i32 to index
      %get3A_4268 = arith.constant 0 : index
      %get3A_4269 = tpu.vector_load %arg12[%get3A_4267, %get3A_4268] {strides = array<i32>} : memref<128x128xf32, #tpu.memory_space<vmem>>, vector<1x16xf32>,
      %get3A_4270 = vector.shape_cast %get3A_4269 : vector<1x16xf32> to vector<16xf32>
      %add3A_4271 = arith.constant 6 : i32
      %add3A_4272 = arith.addi %mul3A_2375, %add3A_4271 : i32
      %get3A_4273 = arith.index_cast %add3A_4272 : i32 to index
      %get3A_4274 = arith.constant 0 : index
      %get3A_4275 = tpu.vector_load %arg13[%get3A_4273, %get3A_4274] {strides = array<i32>} : memref<256x16xf32, #tpu.memory_space<vmem>>, vector<1x16xf32>,
      %get3A_4276 = vector.shape_cast %get3A_4275 : vector<1x16xf32> to vector<16xf32>
      %sub3A_4277 = arith.subf %get3A_4270, %get3A_4276 : vector<16xf32>
      %swap3A_4278 = arith.constant 105 : i32
      %swap3A_4279 = arith.index_cast %swap3A_4278 : i32 to index
      %swap3A_4280 = arith.constant 0 : index
      %swap3A_4281 = tpu.vector_load %arg14[%swap3A_4279, %swap3A_4280] {strides = array<i32>} : memref<128x16xf32, #tpu.memory_space<vmem>>, vector<1x16xf32>,
      %swap3A_4282 = vector.shape_cast %swap3A_4281 : vector<1x16xf32> to vector<16xf32>
      %swap3A_4283 = vector.shape_cast %sub3A_4277 : vector<16xf32> to vector<1x16xf32>
      tpu.vector_store %arg14[%swap3A_4279, %swap3A_4280], %swap3A_4283 {strides = array<i32>} : memref<128x16xf32, #tpu.memory_space<vmem>>, vector<1x16xf32>,
      %get3A_4284 = arith.constant 106 : i32
      %get3A_4285 = arith.index_cast %get3A_4284 : i32 to index
      %get3A_4286 = arith.constant 0 : index
      %get3A_4287 = tpu.vector_load %arg12[%get3A_4285, %get3A_4286] {strides = array<i32>} : memref<128x128xf32, #tpu.memory_space<vmem>>, vector<1x16xf32>,
      %get3A_4288 = vector.shape_cast %get3A_4287 : vector<1x16xf32> to vector<16xf32>
      %add3A_4289 = arith.constant 6 : i32
      %add3A_4290 = arith.addi %mul3A_2375, %add3A_4289 : i32
      %get3A_4291 = arith.index_cast %add3A_4290 : i32 to index
      %get3A_4292 = arith.constant 0 : index
      %get3A_4293 = tpu.vector_load %arg13[%get3A_4291, %get3A_4292] {strides = array<i32>} : memref<256x16xf32, #tpu.memory_space<vmem>>, vector<1x16xf32>,
      %get3A_4294 = vector.shape_cast %get3A_4293 : vector<1x16xf32> to vector<16xf32>
      %sub3A_4295 = arith.subf %get3A_4288, %get3A_4294 : vector<16xf32>
      %swap3A_4296 = arith.constant 106 : i32
      %swap3A_4297 = arith.index_cast %swap3A_4296 : i32 to index
      %swap3A_4298 = arith.constant 0 : index
      %swap3A_4299 = tpu.vector_load %arg14[%swap3A_4297, %swap3A_4298] {strides = array<i32>} : memref<128x16xf32, #tpu.memory_space<vmem>>, vector<1x16xf32>,
      %swap3A_4300 = vector.shape_cast %swap3A_4299 : vector<1x16xf32> to vector<16xf32>
      %swap3A_4301 = vector.shape_cast %sub3A_4295 : vector<16xf32> to vector<1x16xf32>
      tpu.vector_store %arg14[%swap3A_4297, %swap3A_4298], %swap3A_4301 {strides = array<i32>} : memref<128x16xf32, #tpu.memory_space<vmem>>, vector<1x16xf32>,
      %get3A_4302 = arith.constant 107 : i32
      %get3A_4303 = arith.index_cast %get3A_4302 : i32 to index
      %get3A_4304 = arith.constant 0 : index
      %get3A_4305 = tpu.vector_load %arg12[%get3A_4303, %get3A_4304] {strides = array<i32>} : memref<128x128xf32, #tpu.memory_space<vmem>>, vector<1x16xf32>,
      %get3A_4306 = vector.shape_cast %get3A_4305 : vector<1x16xf32> to vector<16xf32>
      %add3A_4307 = arith.constant 6 : i32
      %add3A_4308 = arith.addi %mul3A_2375, %add3A_4307 : i32
      %get3A_4309 = arith.index_cast %add3A_4308 : i32 to index
      %get3A_4310 = arith.constant 0 : index
      %get3A_4311 = tpu.vector_load %arg13[%get3A_4309, %get3A_4310] {strides = array<i32>} : memref<256x16xf32, #tpu.memory_space<vmem>>, vector<1x16xf32>,
      %get3A_4312 = vector.shape_cast %get3A_4311 : vector<1x16xf32> to vector<16xf32>
      %sub3A_4313 = arith.subf %get3A_4306, %get3A_4312 : vector<16xf32>
      %swap3A_4314 = arith.constant 107 : i32
      %swap3A_4315 = arith.index_cast %swap3A_4314 : i32 to index
      %swap3A_4316 = arith.constant 0 : index
      %swap3A_4317 = tpu.vector_load %arg14[%swap3A_4315, %swap3A_4316] {strides = array<i32>} : memref<128x16xf32, #tpu.memory_space<vmem>>, vector<1x16xf32>,
      %swap3A_4318 = vector.shape_cast %swap3A_4317 : vector<1x16xf32> to vector<16xf32>
      %swap3A_4319 = vector.shape_cast %sub3A_4313 : vector<16xf32> to vector<1x16xf32>
      tpu.vector_store %arg14[%swap3A_4315, %swap3A_4316], %swap3A_4319 {strides = array<i32>} : memref<128x16xf32, #tpu.memory_space<vmem>>, vector<1x16xf32>,
      %get3A_4320 = arith.constant 108 : i32
      %get3A_4321 = arith.index_cast %get3A_4320 : i32 to index
      %get3A_4322 = arith.constant 0 : index
      %get3A_4323 = tpu.vector_load %arg12[%get3A_4321, %get3A_4322] {strides = array<i32>} : memref<128x128xf32, #tpu.memory_space<vmem>>, vector<1x16xf32>,
      %get3A_4324 = vector.shape_cast %get3A_4323 : vector<1x16xf32> to vector<16xf32>
      %add3A_4325 = arith.constant 6 : i32
      %add3A_4326 = arith.addi %mul3A_2375, %add3A_4325 : i32
      %get3A_4327 = arith.index_cast %add3A_4326 : i32 to index
      %get3A_4328 = arith.constant 0 : index
      %get3A_4329 = tpu.vector_load %arg13[%get3A_4327, %get3A_4328] {strides = array<i32>} : memref<256x16xf32, #tpu.memory_space<vmem>>, vector<1x16xf32>,
      %get3A_4330 = vector.shape_cast %get3A_4329 : vector<1x16xf32> to vector<16xf32>
      %sub3A_4331 = arith.subf %get3A_4324, %get3A_4330 : vector<16xf32>
      %swap3A_4332 = arith.constant 108 : i32
      %swap3A_4333 = arith.index_cast %swap3A_4332 : i32 to index
      %swap3A_4334 = arith.constant 0 : index
      %swap3A_4335 = tpu.vector_load %arg14[%swap3A_4333, %swap3A_4334] {strides = array<i32>} : memref<128x16xf32, #tpu.memory_space<vmem>>, vector<1x16xf32>,
      %swap3A_4336 = vector.shape_cast %swap3A_4335 : vector<1x16xf32> to vector<16xf32>
      %swap3A_4337 = vector.shape_cast %sub3A_4331 : vector<16xf32> to vector<1x16xf32>
      tpu.vector_store %arg14[%swap3A_4333, %swap3A_4334], %swap3A_4337 {strides = array<i32>} : memref<128x16xf32, #tpu.memory_space<vmem>>, vector<1x16xf32>,
      %get3A_4338 = arith.constant 109 : i32
      %get3A_4339 = arith.index_cast %get3A_4338 : i32 to index
      %get3A_4340 = arith.constant 0 : index
      %get3A_4341 = tpu.vector_load %arg12[%get3A_4339, %get3A_4340] {strides = array<i32>} : memref<128x128xf32, #tpu.memory_space<vmem>>, vector<1x16xf32>,
      %get3A_4342 = vector.shape_cast %get3A_4341 : vector<1x16xf32> to vector<16xf32>
      %add3A_4343 = arith.constant 6 : i32
      %add3A_4344 = arith.addi %mul3A_2375, %add3A_4343 : i32
      %get3A_4345 = arith.index_cast %add3A_4344 : i32 to index
      %get3A_4346 = arith.constant 0 : index
      %get3A_4347 = tpu.vector_load %arg13[%get3A_4345, %get3A_4346] {strides = array<i32>} : memref<256x16xf32, #tpu.memory_space<vmem>>, vector<1x16xf32>,
      %get3A_4348 = vector.shape_cast %get3A_4347 : vector<1x16xf32> to vector<16xf32>
      %sub3A_4349 = arith.subf %get3A_4342, %get3A_4348 : vector<16xf32>
      %swap3A_4350 = arith.constant 109 : i32
      %swap3A_4351 = arith.index_cast %swap3A_4350 : i32 to index
      %swap3A_4352 = arith.constant 0 : index
      %swap3A_4353 = tpu.vector_load %arg14[%swap3A_4351, %swap3A_4352] {strides = array<i32>} : memref<128x16xf32, #tpu.memory_space<vmem>>, vector<1x16xf32>,
      %swap3A_4354 = vector.shape_cast %swap3A_4353 : vector<1x16xf32> to vector<16xf32>
      %swap3A_4355 = vector.shape_cast %sub3A_4349 : vector<16xf32> to vector<1x16xf32>
      tpu.vector_store %arg14[%swap3A_4351, %swap3A_4352], %swap3A_4355 {strides = array<i32>} : memref<128x16xf32, #tpu.memory_space<vmem>>, vector<1x16xf32>,
      %get3A_4356 = arith.constant 110 : i32
      %get3A_4357 = arith.index_cast %get3A_4356 : i32 to index
      %get3A_4358 = arith.constant 0 : index
      %get3A_4359 = tpu.vector_load %arg12[%get3A_4357, %get3A_4358] {strides = array<i32>} : memref<128x128xf32, #tpu.memory_space<vmem>>, vector<1x16xf32>,
      %get3A_4360 = vector.shape_cast %get3A_4359 : vector<1x16xf32> to vector<16xf32>
      %add3A_4361 = arith.constant 6 : i32
      %add3A_4362 = arith.addi %mul3A_2375, %add3A_4361 : i32
      %get3A_4363 = arith.index_cast %add3A_4362 : i32 to index
      %get3A_4364 = arith.constant 0 : index
      %get3A_4365 = tpu.vector_load %arg13[%get3A_4363, %get3A_4364] {strides = array<i32>} : memref<256x16xf32, #tpu.memory_space<vmem>>, vector<1x16xf32>,
      %get3A_4366 = vector.shape_cast %get3A_4365 : vector<1x16xf32> to vector<16xf32>
      %sub3A_4367 = arith.subf %get3A_4360, %get3A_4366 : vector<16xf32>
      %swap3A_4368 = arith.constant 110 : i32
      %swap3A_4369 = arith.index_cast %swap3A_4368 : i32 to index
      %swap3A_4370 = arith.constant 0 : index
      %swap3A_4371 = tpu.vector_load %arg14[%swap3A_4369, %swap3A_4370] {strides = array<i32>} : memref<128x16xf32, #tpu.memory_space<vmem>>, vector<1x16xf32>,
      %swap3A_4372 = vector.shape_cast %swap3A_4371 : vector<1x16xf32> to vector<16xf32>
      %swap3A_4373 = vector.shape_cast %sub3A_4367 : vector<16xf32> to vector<1x16xf32>
      tpu.vector_store %arg14[%swap3A_4369, %swap3A_4370], %swap3A_4373 {strides = array<i32>} : memref<128x16xf32, #tpu.memory_space<vmem>>, vector<1x16xf32>,
      %get3A_4374 = arith.constant 111 : i32
      %get3A_4375 = arith.index_cast %get3A_4374 : i32 to index
      %get3A_4376 = arith.constant 0 : index
      %get3A_4377 = tpu.vector_load %arg12[%get3A_4375, %get3A_4376] {strides = array<i32>} : memref<128x128xf32, #tpu.memory_space<vmem>>, vector<1x16xf32>,
      %get3A_4378 = vector.shape_cast %get3A_4377 : vector<1x16xf32> to vector<16xf32>
      %add3A_4379 = arith.constant 6 : i32
      %add3A_4380 = arith.addi %mul3A_2375, %add3A_4379 : i32
      %get3A_4381 = arith.index_cast %add3A_4380 : i32 to index
      %get3A_4382 = arith.constant 0 : index
      %get3A_4383 = tpu.vector_load %arg13[%get3A_4381, %get3A_4382] {strides = array<i32>} : memref<256x16xf32, #tpu.memory_space<vmem>>, vector<1x16xf32>,
      %get3A_4384 = vector.shape_cast %get3A_4383 : vector<1x16xf32> to vector<16xf32>
      %sub3A_4385 = arith.subf %get3A_4378, %get3A_4384 : vector<16xf32>
      %swap3A_4386 = arith.constant 111 : i32
      %swap3A_4387 = arith.index_cast %swap3A_4386 : i32 to index
      %swap3A_4388 = arith.constant 0 : index
      %swap3A_4389 = tpu.vector_load %arg14[%swap3A_4387, %swap3A_4388] {strides = array<i32>} : memref<128x16xf32, #tpu.memory_space<vmem>>, vector<1x16xf32>,
      %swap3A_4390 = vector.shape_cast %swap3A_4389 : vector<1x16xf32> to vector<16xf32>
      %swap3A_4391 = vector.shape_cast %sub3A_4385 : vector<16xf32> to vector<1x16xf32>
      tpu.vector_store %arg14[%swap3A_4387, %swap3A_4388], %swap3A_4391 {strides = array<i32>} : memref<128x16xf32, #tpu.memory_space<vmem>>, vector<1x16xf32>,
      %get3A_4392 = arith.constant 112 : i32
      %get3A_4393 = arith.index_cast %get3A_4392 : i32 to index
      %get3A_4394 = arith.constant 0 : index
      %get3A_4395 = tpu.vector_load %arg12[%get3A_4393, %get3A_4394] {strides = array<i32>} : memref<128x128xf32, #tpu.memory_space<vmem>>, vector<1x16xf32>,
      %get3A_4396 = vector.shape_cast %get3A_4395 : vector<1x16xf32> to vector<16xf32>
      %add3A_4397 = arith.constant 7 : i32
      %add3A_4398 = arith.addi %mul3A_2375, %add3A_4397 : i32
      %get3A_4399 = arith.index_cast %add3A_4398 : i32 to index
      %get3A_4400 = arith.constant 0 : index
      %get3A_4401 = tpu.vector_load %arg13[%get3A_4399, %get3A_4400] {strides = array<i32>} : memref<256x16xf32, #tpu.memory_space<vmem>>, vector<1x16xf32>,
      %get3A_4402 = vector.shape_cast %get3A_4401 : vector<1x16xf32> to vector<16xf32>
      %sub3A_4403 = arith.subf %get3A_4396, %get3A_4402 : vector<16xf32>
      %swap3A_4404 = arith.constant 112 : i32
      %swap3A_4405 = arith.index_cast %swap3A_4404 : i32 to index
      %swap3A_4406 = arith.constant 0 : index
      %swap3A_4407 = tpu.vector_load %arg14[%swap3A_4405, %swap3A_4406] {strides = array<i32>} : memref<128x16xf32, #tpu.memory_space<vmem>>, vector<1x16xf32>,
      %swap3A_4408 = vector.shape_cast %swap3A_4407 : vector<1x16xf32> to vector<16xf32>
      %swap3A_4409 = vector.shape_cast %sub3A_4403 : vector<16xf32> to vector<1x16xf32>
      tpu.vector_store %arg14[%swap3A_4405, %swap3A_4406], %swap3A_4409 {strides = array<i32>} : memref<128x16xf32, #tpu.memory_space<vmem>>, vector<1x16xf32>,
      %get3A_4410 = arith.constant 113 : i32
      %get3A_4411 = arith.index_cast %get3A_4410 : i32 to index
      %get3A_4412 = arith.constant 0 : index
      %get3A_4413 = tpu.vector_load %arg12[%get3A_4411, %get3A_4412] {strides = array<i32>} : memref<128x128xf32, #tpu.memory_space<vmem>>, vector<1x16xf32>,
      %get3A_4414 = vector.shape_cast %get3A_4413 : vector<1x16xf32> to vector<16xf32>
      %add3A_4415 = arith.constant 7 : i32
      %add3A_4416 = arith.addi %mul3A_2375, %add3A_4415 : i32
      %get3A_4417 = arith.index_cast %add3A_4416 : i32 to index
      %get3A_4418 = arith.constant 0 : index
      %get3A_4419 = tpu.vector_load %arg13[%get3A_4417, %get3A_4418] {strides = array<i32>} : memref<256x16xf32, #tpu.memory_space<vmem>>, vector<1x16xf32>,
      %get3A_4420 = vector.shape_cast %get3A_4419 : vector<1x16xf32> to vector<16xf32>
      %sub3A_4421 = arith.subf %get3A_4414, %get3A_4420 : vector<16xf32>
      %swap3A_4422 = arith.constant 113 : i32
      %swap3A_4423 = arith.index_cast %swap3A_4422 : i32 to index
      %swap3A_4424 = arith.constant 0 : index
      %swap3A_4425 = tpu.vector_load %arg14[%swap3A_4423, %swap3A_4424] {strides = array<i32>} : memref<128x16xf32, #tpu.memory_space<vmem>>, vector<1x16xf32>,
      %swap3A_4426 = vector.shape_cast %swap3A_4425 : vector<1x16xf32> to vector<16xf32>
      %swap3A_4427 = vector.shape_cast %sub3A_4421 : vector<16xf32> to vector<1x16xf32>
      tpu.vector_store %arg14[%swap3A_4423, %swap3A_4424], %swap3A_4427 {strides = array<i32>} : memref<128x16xf32, #tpu.memory_space<vmem>>, vector<1x16xf32>,
      %get3A_4428 = arith.constant 114 : i32
      %get3A_4429 = arith.index_cast %get3A_4428 : i32 to index
      %get3A_4430 = arith.constant 0 : index
      %get3A_4431 = tpu.vector_load %arg12[%get3A_4429, %get3A_4430] {strides = array<i32>} : memref<128x128xf32, #tpu.memory_space<vmem>>, vector<1x16xf32>,
      %get3A_4432 = vector.shape_cast %get3A_4431 : vector<1x16xf32> to vector<16xf32>
      %add3A_4433 = arith.constant 7 : i32
      %add3A_4434 = arith.addi %mul3A_2375, %add3A_4433 : i32
      %get3A_4435 = arith.index_cast %add3A_4434 : i32 to index
      %get3A_4436 = arith.constant 0 : index
      %get3A_4437 = tpu.vector_load %arg13[%get3A_4435, %get3A_4436] {strides = array<i32>} : memref<256x16xf32, #tpu.memory_space<vmem>>, vector<1x16xf32>,
      %get3A_4438 = vector.shape_cast %get3A_4437 : vector<1x16xf32> to vector<16xf32>
      %sub3A_4439 = arith.subf %get3A_4432, %get3A_4438 : vector<16xf32>
      %swap3A_4440 = arith.constant 114 : i32
      %swap3A_4441 = arith.index_cast %swap3A_4440 : i32 to index
      %swap3A_4442 = arith.constant 0 : index
      %swap3A_4443 = tpu.vector_load %arg14[%swap3A_4441, %swap3A_4442] {strides = array<i32>} : memref<128x16xf32, #tpu.memory_space<vmem>>, vector<1x16xf32>,
      %swap3A_4444 = vector.shape_cast %swap3A_4443 : vector<1x16xf32> to vector<16xf32>
      %swap3A_4445 = vector.shape_cast %sub3A_4439 : vector<16xf32> to vector<1x16xf32>
      tpu.vector_store %arg14[%swap3A_4441, %swap3A_4442], %swap3A_4445 {strides = array<i32>} : memref<128x16xf32, #tpu.memory_space<vmem>>, vector<1x16xf32>,
      %get3A_4446 = arith.constant 115 : i32
      %get3A_4447 = arith.index_cast %get3A_4446 : i32 to index
      %get3A_4448 = arith.constant 0 : index
      %get3A_4449 = tpu.vector_load %arg12[%get3A_4447, %get3A_4448] {strides = array<i32>} : memref<128x128xf32, #tpu.memory_space<vmem>>, vector<1x16xf32>,
      %get3A_4450 = vector.shape_cast %get3A_4449 : vector<1x16xf32> to vector<16xf32>
      %add3A_4451 = arith.constant 7 : i32
      %add3A_4452 = arith.addi %mul3A_2375, %add3A_4451 : i32
      %get3A_4453 = arith.index_cast %add3A_4452 : i32 to index
      %get3A_4454 = arith.constant 0 : index
      %get3A_4455 = tpu.vector_load %arg13[%get3A_4453, %get3A_4454] {strides = array<i32>} : memref<256x16xf32, #tpu.memory_space<vmem>>, vector<1x16xf32>,
      %get3A_4456 = vector.shape_cast %get3A_4455 : vector<1x16xf32> to vector<16xf32>
      %sub3A_4457 = arith.subf %get3A_4450, %get3A_4456 : vector<16xf32>
      %swap3A_4458 = arith.constant 115 : i32
      %swap3A_4459 = arith.index_cast %swap3A_4458 : i32 to index
      %swap3A_4460 = arith.constant 0 : index
      %swap3A_4461 = tpu.vector_load %arg14[%swap3A_4459, %swap3A_4460] {strides = array<i32>} : memref<128x16xf32, #tpu.memory_space<vmem>>, vector<1x16xf32>,
      %swap3A_4462 = vector.shape_cast %swap3A_4461 : vector<1x16xf32> to vector<16xf32>
      %swap3A_4463 = vector.shape_cast %sub3A_4457 : vector<16xf32> to vector<1x16xf32>
      tpu.vector_store %arg14[%swap3A_4459, %swap3A_4460], %swap3A_4463 {strides = array<i32>} : memref<128x16xf32, #tpu.memory_space<vmem>>, vector<1x16xf32>,
      %get3A_4464 = arith.constant 116 : i32
      %get3A_4465 = arith.index_cast %get3A_4464 : i32 to index
      %get3A_4466 = arith.constant 0 : index
      %get3A_4467 = tpu.vector_load %arg12[%get3A_4465, %get3A_4466] {strides = array<i32>} : memref<128x128xf32, #tpu.memory_space<vmem>>, vector<1x16xf32>,
      %get3A_4468 = vector.shape_cast %get3A_4467 : vector<1x16xf32> to vector<16xf32>
      %add3A_4469 = arith.constant 7 : i32
      %add3A_4470 = arith.addi %mul3A_2375, %add3A_4469 : i32
      %get3A_4471 = arith.index_cast %add3A_4470 : i32 to index
      %get3A_4472 = arith.constant 0 : index
      %get3A_4473 = tpu.vector_load %arg13[%get3A_4471, %get3A_4472] {strides = array<i32>} : memref<256x16xf32, #tpu.memory_space<vmem>>, vector<1x16xf32>,
      %get3A_4474 = vector.shape_cast %get3A_4473 : vector<1x16xf32> to vector<16xf32>
      %sub3A_4475 = arith.subf %get3A_4468, %get3A_4474 : vector<16xf32>
      %swap3A_4476 = arith.constant 116 : i32
      %swap3A_4477 = arith.index_cast %swap3A_4476 : i32 to index
      %swap3A_4478 = arith.constant 0 : index
      %swap3A_4479 = tpu.vector_load %arg14[%swap3A_4477, %swap3A_4478] {strides = array<i32>} : memref<128x16xf32, #tpu.memory_space<vmem>>, vector<1x16xf32>,
      %swap3A_4480 = vector.shape_cast %swap3A_4479 : vector<1x16xf32> to vector<16xf32>
      %swap3A_4481 = vector.shape_cast %sub3A_4475 : vector<16xf32> to vector<1x16xf32>
      tpu.vector_store %arg14[%swap3A_4477, %swap3A_4478], %swap3A_4481 {strides = array<i32>} : memref<128x16xf32, #tpu.memory_space<vmem>>, vector<1x16xf32>,
      %get3A_4482 = arith.constant 117 : i32
      %get3A_4483 = arith.index_cast %get3A_4482 : i32 to index
      %get3A_4484 = arith.constant 0 : index
      %get3A_4485 = tpu.vector_load %arg12[%get3A_4483, %get3A_4484] {strides = array<i32>} : memref<128x128xf32, #tpu.memory_space<vmem>>, vector<1x16xf32>,
      %get3A_4486 = vector.shape_cast %get3A_4485 : vector<1x16xf32> to vector<16xf32>
      %add3A_4487 = arith.constant 7 : i32
      %add3A_4488 = arith.addi %mul3A_2375, %add3A_4487 : i32
      %get3A_4489 = arith.index_cast %add3A_4488 : i32 to index
      %get3A_4490 = arith.constant 0 : index
      %get3A_4491 = tpu.vector_load %arg13[%get3A_4489, %get3A_4490] {strides = array<i32>} : memref<256x16xf32, #tpu.memory_space<vmem>>, vector<1x16xf32>,
      %get3A_4492 = vector.shape_cast %get3A_4491 : vector<1x16xf32> to vector<16xf32>
      %sub3A_4493 = arith.subf %get3A_4486, %get3A_4492 : vector<16xf32>
      %swap3A_4494 = arith.constant 117 : i32
      %swap3A_4495 = arith.index_cast %swap3A_4494 : i32 to index
      %swap3A_4496 = arith.constant 0 : index
      %swap3A_4497 = tpu.vector_load %arg14[%swap3A_4495, %swap3A_4496] {strides = array<i32>} : memref<128x16xf32, #tpu.memory_space<vmem>>, vector<1x16xf32>,
      %swap3A_4498 = vector.shape_cast %swap3A_4497 : vector<1x16xf32> to vector<16xf32>
      %swap3A_4499 = vector.shape_cast %sub3A_4493 : vector<16xf32> to vector<1x16xf32>
      tpu.vector_store %arg14[%swap3A_4495, %swap3A_4496], %swap3A_4499 {strides = array<i32>} : memref<128x16xf32, #tpu.memory_space<vmem>>, vector<1x16xf32>,
      %get3A_4500 = arith.constant 118 : i32
      %get3A_4501 = arith.index_cast %get3A_4500 : i32 to index
      %get3A_4502 = arith.constant 0 : index
      %get3A_4503 = tpu.vector_load %arg12[%get3A_4501, %get3A_4502] {strides = array<i32>} : memref<128x128xf32, #tpu.memory_space<vmem>>, vector<1x16xf32>,
      %get3A_4504 = vector.shape_cast %get3A_4503 : vector<1x16xf32> to vector<16xf32>
      %add3A_4505 = arith.constant 7 : i32
      %add3A_4506 = arith.addi %mul3A_2375, %add3A_4505 : i32
      %get3A_4507 = arith.index_cast %add3A_4506 : i32 to index
      %get3A_4508 = arith.constant 0 : index
      %get3A_4509 = tpu.vector_load %arg13[%get3A_4507, %get3A_4508] {strides = array<i32>} : memref<256x16xf32, #tpu.memory_space<vmem>>, vector<1x16xf32>,
      %get3A_4510 = vector.shape_cast %get3A_4509 : vector<1x16xf32> to vector<16xf32>
      %sub3A_4511 = arith.subf %get3A_4504, %get3A_4510 : vector<16xf32>
      %swap3A_4512 = arith.constant 118 : i32
      %swap3A_4513 = arith.index_cast %swap3A_4512 : i32 to index
      %swap3A_4514 = arith.constant 0 : index
      %swap3A_4515 = tpu.vector_load %arg14[%swap3A_4513, %swap3A_4514] {strides = array<i32>} : memref<128x16xf32, #tpu.memory_space<vmem>>, vector<1x16xf32>,
      %swap3A_4516 = vector.shape_cast %swap3A_4515 : vector<1x16xf32> to vector<16xf32>
      %swap3A_4517 = vector.shape_cast %sub3A_4511 : vector<16xf32> to vector<1x16xf32>
      tpu.vector_store %arg14[%swap3A_4513, %swap3A_4514], %swap3A_4517 {strides = array<i32>} : memref<128x16xf32, #tpu.memory_space<vmem>>, vector<1x16xf32>,
      %get3A_4518 = arith.constant 119 : i32
      %get3A_4519 = arith.index_cast %get3A_4518 : i32 to index
      %get3A_4520 = arith.constant 0 : index
      %get3A_4521 = tpu.vector_load %arg12[%get3A_4519, %get3A_4520] {strides = array<i32>} : memref<128x128xf32, #tpu.memory_space<vmem>>, vector<1x16xf32>,
      %get3A_4522 = vector.shape_cast %get3A_4521 : vector<1x16xf32> to vector<16xf32>
      %add3A_4523 = arith.constant 7 : i32
      %add3A_4524 = arith.addi %mul3A_2375, %add3A_4523 : i32
      %get3A_4525 = arith.index_cast %add3A_4524 : i32 to index
      %get3A_4526 = arith.constant 0 : index
      %get3A_4527 = tpu.vector_load %arg13[%get3A_4525, %get3A_4526] {strides = array<i32>} : memref<256x16xf32, #tpu.memory_space<vmem>>, vector<1x16xf32>,
      %get3A_4528 = vector.shape_cast %get3A_4527 : vector<1x16xf32> to vector<16xf32>
      %sub3A_4529 = arith.subf %get3A_4522, %get3A_4528 : vector<16xf32>
      %swap3A_4530 = arith.constant 119 : i32
      %swap3A_4531 = arith.index_cast %swap3A_4530 : i32 to index
      %swap3A_4532 = arith.constant 0 : index
      %swap3A_4533 = tpu.vector_load %arg14[%swap3A_4531, %swap3A_4532] {strides = array<i32>} : memref<128x16xf32, #tpu.memory_space<vmem>>, vector<1x16xf32>,
      %swap3A_4534 = vector.shape_cast %swap3A_4533 : vector<1x16xf32> to vector<16xf32>
      %swap3A_4535 = vector.shape_cast %sub3A_4529 : vector<16xf32> to vector<1x16xf32>
      tpu.vector_store %arg14[%swap3A_4531, %swap3A_4532], %swap3A_4535 {strides = array<i32>} : memref<128x16xf32, #tpu.memory_space<vmem>>, vector<1x16xf32>,
      %get3A_4536 = arith.constant 120 : i32
      %get3A_4537 = arith.index_cast %get3A_4536 : i32 to index
      %get3A_4538 = arith.constant 0 : index
      %get3A_4539 = tpu.vector_load %arg12[%get3A_4537, %get3A_4538] {strides = array<i32>} : memref<128x128xf32, #tpu.memory_space<vmem>>, vector<1x16xf32>,
      %get3A_4540 = vector.shape_cast %get3A_4539 : vector<1x16xf32> to vector<16xf32>
      %add3A_4541 = arith.constant 7 : i32
      %add3A_4542 = arith.addi %mul3A_2375, %add3A_4541 : i32
      %get3A_4543 = arith.index_cast %add3A_4542 : i32 to index
      %get3A_4544 = arith.constant 0 : index
      %get3A_4545 = tpu.vector_load %arg13[%get3A_4543, %get3A_4544] {strides = array<i32>} : memref<256x16xf32, #tpu.memory_space<vmem>>, vector<1x16xf32>,
      %get3A_4546 = vector.shape_cast %get3A_4545 : vector<1x16xf32> to vector<16xf32>
      %sub3A_4547 = arith.subf %get3A_4540, %get3A_4546 : vector<16xf32>
      %swap3A_4548 = arith.constant 120 : i32
      %swap3A_4549 = arith.index_cast %swap3A_4548 : i32 to index
      %swap3A_4550 = arith.constant 0 : index
      %swap3A_4551 = tpu.vector_load %arg14[%swap3A_4549, %swap3A_4550] {strides = array<i32>} : memref<128x16xf32, #tpu.memory_space<vmem>>, vector<1x16xf32>,
      %swap3A_4552 = vector.shape_cast %swap3A_4551 : vector<1x16xf32> to vector<16xf32>
      %swap3A_4553 = vector.shape_cast %sub3A_4547 : vector<16xf32> to vector<1x16xf32>
      tpu.vector_store %arg14[%swap3A_4549, %swap3A_4550], %swap3A_4553 {strides = array<i32>} : memref<128x16xf32, #tpu.memory_space<vmem>>, vector<1x16xf32>,
      %get3A_4554 = arith.constant 121 : i32
      %get3A_4555 = arith.index_cast %get3A_4554 : i32 to index
      %get3A_4556 = arith.constant 0 : index
      %get3A_4557 = tpu.vector_load %arg12[%get3A_4555, %get3A_4556] {strides = array<i32>} : memref<128x128xf32, #tpu.memory_space<vmem>>, vector<1x16xf32>,
      %get3A_4558 = vector.shape_cast %get3A_4557 : vector<1x16xf32> to vector<16xf32>
      %add3A_4559 = arith.constant 7 : i32
      %add3A_4560 = arith.addi %mul3A_2375, %add3A_4559 : i32
      %get3A_4561 = arith.index_cast %add3A_4560 : i32 to index
      %get3A_4562 = arith.constant 0 : index
      %get3A_4563 = tpu.vector_load %arg13[%get3A_4561, %get3A_4562] {strides = array<i32>} : memref<256x16xf32, #tpu.memory_space<vmem>>, vector<1x16xf32>,
      %get3A_4564 = vector.shape_cast %get3A_4563 : vector<1x16xf32> to vector<16xf32>
      %sub3A_4565 = arith.subf %get3A_4558, %get3A_4564 : vector<16xf32>
      %swap3A_4566 = arith.constant 121 : i32
      %swap3A_4567 = arith.index_cast %swap3A_4566 : i32 to index
      %swap3A_4568 = arith.constant 0 : index
      %swap3A_4569 = tpu.vector_load %arg14[%swap3A_4567, %swap3A_4568] {strides = array<i32>} : memref<128x16xf32, #tpu.memory_space<vmem>>, vector<1x16xf32>,
      %swap3A_4570 = vector.shape_cast %swap3A_4569 : vector<1x16xf32> to vector<16xf32>
      %swap3A_4571 = vector.shape_cast %sub3A_4565 : vector<16xf32> to vector<1x16xf32>
      tpu.vector_store %arg14[%swap3A_4567, %swap3A_4568], %swap3A_4571 {strides = array<i32>} : memref<128x16xf32, #tpu.memory_space<vmem>>, vector<1x16xf32>,
      %get3A_4572 = arith.constant 122 : i32
      %get3A_4573 = arith.index_cast %get3A_4572 : i32 to index
      %get3A_4574 = arith.constant 0 : index
      %get3A_4575 = tpu.vector_load %arg12[%get3A_4573, %get3A_4574] {strides = array<i32>} : memref<128x128xf32, #tpu.memory_space<vmem>>, vector<1x16xf32>,
      %get3A_4576 = vector.shape_cast %get3A_4575 : vector<1x16xf32> to vector<16xf32>
      %add3A_4577 = arith.constant 7 : i32
      %add3A_4578 = arith.addi %mul3A_2375, %add3A_4577 : i32
      %get3A_4579 = arith.index_cast %add3A_4578 : i32 to index
      %get3A_4580 = arith.constant 0 : index
      %get3A_4581 = tpu.vector_load %arg13[%get3A_4579, %get3A_4580] {strides = array<i32>} : memref<256x16xf32, #tpu.memory_space<vmem>>, vector<1x16xf32>,
      %get3A_4582 = vector.shape_cast %get3A_4581 : vector<1x16xf32> to vector<16xf32>
      %sub3A_4583 = arith.subf %get3A_4576, %get3A_4582 : vector<16xf32>
      %swap3A_4584 = arith.constant 122 : i32
      %swap3A_4585 = arith.index_cast %swap3A_4584 : i32 to index
      %swap3A_4586 = arith.constant 0 : index
      %swap3A_4587 = tpu.vector_load %arg14[%swap3A_4585, %swap3A_4586] {strides = array<i32>} : memref<128x16xf32, #tpu.memory_space<vmem>>, vector<1x16xf32>,
      %swap3A_4588 = vector.shape_cast %swap3A_4587 : vector<1x16xf32> to vector<16xf32>
      %swap3A_4589 = vector.shape_cast %sub3A_4583 : vector<16xf32> to vector<1x16xf32>
      tpu.vector_store %arg14[%swap3A_4585, %swap3A_4586], %swap3A_4589 {strides = array<i32>} : memref<128x16xf32, #tpu.memory_space<vmem>>, vector<1x16xf32>,
      %get3A_4590 = arith.constant 123 : i32
      %get3A_4591 = arith.index_cast %get3A_4590 : i32 to index
      %get3A_4592 = arith.constant 0 : index
      %get3A_4593 = tpu.vector_load %arg12[%get3A_4591, %get3A_4592] {strides = array<i32>} : memref<128x128xf32, #tpu.memory_space<vmem>>, vector<1x16xf32>,
      %get3A_4594 = vector.shape_cast %get3A_4593 : vector<1x16xf32> to vector<16xf32>
      %add3A_4595 = arith.constant 7 : i32
      %add3A_4596 = arith.addi %mul3A_2375, %add3A_4595 : i32
      %get3A_4597 = arith.index_cast %add3A_4596 : i32 to index
      %get3A_4598 = arith.constant 0 : index
      %get3A_4599 = tpu.vector_load %arg13[%get3A_4597, %get3A_4598] {strides = array<i32>} : memref<256x16xf32, #tpu.memory_space<vmem>>, vector<1x16xf32>,
      %get3A_4600 = vector.shape_cast %get3A_4599 : vector<1x16xf32> to vector<16xf32>
      %sub3A_4601 = arith.subf %get3A_4594, %get3A_4600 : vector<16xf32>
      %swap3A_4602 = arith.constant 123 : i32
      %swap3A_4603 = arith.index_cast %swap3A_4602 : i32 to index
      %swap3A_4604 = arith.constant 0 : index
      %swap3A_4605 = tpu.vector_load %arg14[%swap3A_4603, %swap3A_4604] {strides = array<i32>} : memref<128x16xf32, #tpu.memory_space<vmem>>, vector<1x16xf32>,
      %swap3A_4606 = vector.shape_cast %swap3A_4605 : vector<1x16xf32> to vector<16xf32>
      %swap3A_4607 = vector.shape_cast %sub3A_4601 : vector<16xf32> to vector<1x16xf32>
      tpu.vector_store %arg14[%swap3A_4603, %swap3A_4604], %swap3A_4607 {strides = array<i32>} : memref<128x16xf32, #tpu.memory_space<vmem>>, vector<1x16xf32>,
      %get3A_4608 = arith.constant 124 : i32
      %get3A_4609 = arith.index_cast %get3A_4608 : i32 to index
      %get3A_4610 = arith.constant 0 : index
      %get3A_4611 = tpu.vector_load %arg12[%get3A_4609, %get3A_4610] {strides = array<i32>} : memref<128x128xf32, #tpu.memory_space<vmem>>, vector<1x16xf32>,
      %get3A_4612 = vector.shape_cast %get3A_4611 : vector<1x16xf32> to vector<16xf32>
      %add3A_4613 = arith.constant 7 : i32
      %add3A_4614 = arith.addi %mul3A_2375, %add3A_4613 : i32
      %get3A_4615 = arith.index_cast %add3A_4614 : i32 to index
      %get3A_4616 = arith.constant 0 : index
      %get3A_4617 = tpu.vector_load %arg13[%get3A_4615, %get3A_4616] {strides = array<i32>} : memref<256x16xf32, #tpu.memory_space<vmem>>, vector<1x16xf32>,
      %get3A_4618 = vector.shape_cast %get3A_4617 : vector<1x16xf32> to vector<16xf32>
      %sub3A_4619 = arith.subf %get3A_4612, %get3A_4618 : vector<16xf32>
      %swap3A_4620 = arith.constant 124 : i32
      %swap3A_4621 = arith.index_cast %swap3A_4620 : i32 to index
      %swap3A_4622 = arith.constant 0 : index
      %swap3A_4623 = tpu.vector_load %arg14[%swap3A_4621, %swap3A_4622] {strides = array<i32>} : memref<128x16xf32, #tpu.memory_space<vmem>>, vector<1x16xf32>,
      %swap3A_4624 = vector.shape_cast %swap3A_4623 : vector<1x16xf32> to vector<16xf32>
      %swap3A_4625 = vector.shape_cast %sub3A_4619 : vector<16xf32> to vector<1x16xf32>
      tpu.vector_store %arg14[%swap3A_4621, %swap3A_4622], %swap3A_4625 {strides = array<i32>} : memref<128x16xf32, #tpu.memory_space<vmem>>, vector<1x16xf32>,
      %get3A_4626 = arith.constant 125 : i32
      %get3A_4627 = arith.index_cast %get3A_4626 : i32 to index
      %get3A_4628 = arith.constant 0 : index
      %get3A_4629 = tpu.vector_load %arg12[%get3A_4627, %get3A_4628] {strides = array<i32>} : memref<128x128xf32, #tpu.memory_space<vmem>>, vector<1x16xf32>,
      %get3A_4630 = vector.shape_cast %get3A_4629 : vector<1x16xf32> to vector<16xf32>
      %add3A_4631 = arith.constant 7 : i32
      %add3A_4632 = arith.addi %mul3A_2375, %add3A_4631 : i32
      %get3A_4633 = arith.index_cast %add3A_4632 : i32 to index
      %get3A_4634 = arith.constant 0 : index
      %get3A_4635 = tpu.vector_load %arg13[%get3A_4633, %get3A_4634] {strides = array<i32>} : memref<256x16xf32, #tpu.memory_space<vmem>>, vector<1x16xf32>,
      %get3A_4636 = vector.shape_cast %get3A_4635 : vector<1x16xf32> to vector<16xf32>
      %sub3A_4637 = arith.subf %get3A_4630, %get3A_4636 : vector<16xf32>
      %swap3A_4638 = arith.constant 125 : i32
      %swap3A_4639 = arith.index_cast %swap3A_4638 : i32 to index
      %swap3A_4640 = arith.constant 0 : index
      %swap3A_4641 = tpu.vector_load %arg14[%swap3A_4639, %swap3A_4640] {strides = array<i32>} : memref<128x16xf32, #tpu.memory_space<vmem>>, vector<1x16xf32>,
      %swap3A_4642 = vector.shape_cast %swap3A_4641 : vector<1x16xf32> to vector<16xf32>
      %swap3A_4643 = vector.shape_cast %sub3A_4637 : vector<16xf32> to vector<1x16xf32>
      tpu.vector_store %arg14[%swap3A_4639, %swap3A_4640], %swap3A_4643 {strides = array<i32>} : memref<128x16xf32, #tpu.memory_space<vmem>>, vector<1x16xf32>,
      %get3A_4644 = arith.constant 126 : i32
      %get3A_4645 = arith.index_cast %get3A_4644 : i32 to index
      %get3A_4646 = arith.constant 0 : index
      %get3A_4647 = tpu.vector_load %arg12[%get3A_4645, %get3A_4646] {strides = array<i32>} : memref<128x128xf32, #tpu.memory_space<vmem>>, vector<1x16xf32>,
      %get3A_4648 = vector.shape_cast %get3A_4647 : vector<1x16xf32> to vector<16xf32>
      %add3A_4649 = arith.constant 7 : i32
      %add3A_4650 = arith.addi %mul3A_2375, %add3A_4649 : i32
      %get3A_4651 = arith.index_cast %add3A_4650 : i32 to index
      %get3A_4652 = arith.constant 0 : index
      %get3A_4653 = tpu.vector_load %arg13[%get3A_4651, %get3A_4652] {strides = array<i32>} : memref<256x16xf32, #tpu.memory_space<vmem>>, vector<1x16xf32>,
      %get3A_4654 = vector.shape_cast %get3A_4653 : vector<1x16xf32> to vector<16xf32>
      %sub3A_4655 = arith.subf %get3A_4648, %get3A_4654 : vector<16xf32>
      %swap3A_4656 = arith.constant 126 : i32
      %swap3A_4657 = arith.index_cast %swap3A_4656 : i32 to index
      %swap3A_4658 = arith.constant 0 : index
      %swap3A_4659 = tpu.vector_load %arg14[%swap3A_4657, %swap3A_4658] {strides = array<i32>} : memref<128x16xf32, #tpu.memory_space<vmem>>, vector<1x16xf32>,
      %swap3A_4660 = vector.shape_cast %swap3A_4659 : vector<1x16xf32> to vector<16xf32>
      %swap3A_4661 = vector.shape_cast %sub3A_4655 : vector<16xf32> to vector<1x16xf32>
      tpu.vector_store %arg14[%swap3A_4657, %swap3A_4658], %swap3A_4661 {strides = array<i32>} : memref<128x16xf32, #tpu.memory_space<vmem>>, vector<1x16xf32>,
      %get3A_4662 = arith.constant 127 : i32
      %get3A_4663 = arith.index_cast %get3A_4662 : i32 to index
      %get3A_4664 = arith.constant 0 : index
      %get3A_4665 = tpu.vector_load %arg12[%get3A_4663, %get3A_4664] {strides = array<i32>} : memref<128x128xf32, #tpu.memory_space<vmem>>, vector<1x16xf32>,
      %get3A_4666 = vector.shape_cast %get3A_4665 : vector<1x16xf32> to vector<16xf32>
      %add3A_4667 = arith.constant 7 : i32
      %add3A_4668 = arith.addi %mul3A_2375, %add3A_4667 : i32
      %get3A_4669 = arith.index_cast %add3A_4668 : i32 to index
      %get3A_4670 = arith.constant 0 : index
      %get3A_4671 = tpu.vector_load %arg13[%get3A_4669, %get3A_4670] {strides = array<i32>} : memref<256x16xf32, #tpu.memory_space<vmem>>, vector<1x16xf32>,
      %get3A_4672 = vector.shape_cast %get3A_4671 : vector<1x16xf32> to vector<16xf32>
      %sub3A_4673 = arith.subf %get3A_4666, %get3A_4672 : vector<16xf32>
      %swap3A_4674 = arith.constant 127 : i32
      %swap3A_4675 = arith.index_cast %swap3A_4674 : i32 to index
      %swap3A_4676 = arith.constant 0 : index
      %swap3A_4677 = tpu.vector_load %arg14[%swap3A_4675, %swap3A_4676] {strides = array<i32>} : memref<128x16xf32, #tpu.memory_space<vmem>>, vector<1x16xf32>,
      %swap3A_4678 = vector.shape_cast %swap3A_4677 : vector<1x16xf32> to vector<16xf32>
      %swap3A_4679 = vector.shape_cast %sub3A_4673 : vector<16xf32> to vector<1x16xf32>
      tpu.vector_store %arg14[%swap3A_4675, %swap3A_4676], %swap3A_4679 {strides = array<i32>} : memref<128x16xf32, #tpu.memory_space<vmem>>, vector<1x16xf32>,
      %add3A_4680 = arith.addi %mul3A_2, %mul3A_2361 : i32
      "tpu.region"() ({
        %run_scoped3A = tpu.sem_alloc : memref<!tpu.dma_semaphore, #tpu.memory_space<semaphore_mem>>
        %dma_start3A_4689 = arith.constant 0 : i32
        %dma_start3A_4690 = tpu.memref_slice %arg6[%add3A_4680, %dma_start3A_4689] : memref<131072x128xf32, #tpu.memory_space<hbm>> -> memref<128x128xf32, #tpu.memory_space<hbm>>
        %dma_start3A_4691 = arith.constant 0 : i32
        %dma_start3A_4692 = tpu.memref_slice %arg6[%add3A_4680, %dma_start3A_4691] : memref<131072x128xf32, #tpu.memory_space<hbm>> -> memref<128x128xf32, #tpu.memory_space<hbm>>
        tpu.enqueue_dma source(%arg10 : memref<128x128xf32, #tpu.memory_space<vmem>>) target(%dma_start3A_4692 : memref<128x128xf32, #tpu.memory_space<hbm>>) target_semaphore(%run_scoped3A : memref<!tpu.dma_semaphore, #tpu.memory_space<semaphore_mem>>)
        %dma_wait3A_4693 = arith.constant 0 : i32
        %dma_wait3A_4694 = tpu.memref_slice %arg6[%add3A_4680, %dma_wait3A_4693] : memref<131072x128xf32, #tpu.memory_space<hbm>> -> memref<128x128xf32, #tpu.memory_space<hbm>>
        %dma_wait3A_4695 = arith.constant 0 : i32
        %dma_wait3A_4696 = tpu.memref_slice %arg6[%add3A_4680, %dma_wait3A_4695] : memref<131072x128xf32, #tpu.memory_space<hbm>> -> memref<128x128xf32, #tpu.memory_space<hbm>>
        tpu.wait_dma2 semaphore(%run_scoped3A : memref<!tpu.dma_semaphore, #tpu.memory_space<semaphore_mem>>) src(%arg10 : memref<128x128xf32, #tpu.memory_space<vmem>>) dst(%dma_wait3A_4696 : memref<128x128xf32, #tpu.memory_space<hbm>>)
        tpu.yield
      }) : () -> ()
      %add3A_4681 = arith.addi %mul3A_2, %mul3A_2361 : i32
      "tpu.region"() ({
        %run_scoped3A = tpu.sem_alloc : memref<!tpu.dma_semaphore, #tpu.memory_space<semaphore_mem>>
        %dma_start3A_4689 = arith.constant 0 : i32
        %dma_start3A_4690 = tpu.memref_slice %arg7[%add3A_4681, %dma_start3A_4689] : memref<131072x16xf32, #tpu.memory_space<hbm>> -> memref<128x16xf32, #tpu.memory_space<hbm>>
        %dma_start3A_4691 = arith.constant 0 : i32
        %dma_start3A_4692 = tpu.memref_slice %arg7[%add3A_4681, %dma_start3A_4691] : memref<131072x16xf32, #tpu.memory_space<hbm>> -> memref<128x16xf32, #tpu.memory_space<hbm>>
        tpu.enqueue_dma source(%arg14 : memref<128x16xf32, #tpu.memory_space<vmem>>) target(%dma_start3A_4692 : memref<128x16xf32, #tpu.memory_space<hbm>>) target_semaphore(%run_scoped3A : memref<!tpu.dma_semaphore, #tpu.memory_space<semaphore_mem>>)
        %dma_wait3A_4693 = arith.constant 0 : i32
        %dma_wait3A_4694 = tpu.memref_slice %arg7[%add3A_4681, %dma_wait3A_4693] : memref<131072x16xf32, #tpu.memory_space<hbm>> -> memref<128x16xf32, #tpu.memory_space<hbm>>
        %dma_wait3A_4695 = arith.constant 0 : i32
        %dma_wait3A_4696 = tpu.memref_slice %arg7[%add3A_4681, %dma_wait3A_4695] : memref<131072x16xf32, #tpu.memory_space<hbm>> -> memref<128x16xf32, #tpu.memory_space<hbm>>
        tpu.wait_dma2 semaphore(%run_scoped3A : memref<!tpu.dma_semaphore, #tpu.memory_space<semaphore_mem>>) src(%arg14 : memref<128x16xf32, #tpu.memory_space<vmem>>) dst(%dma_wait3A_4696 : memref<128x16xf32, #tpu.memory_space<hbm>>)
        tpu.yield
      }) : () -> ()
      %add3A_4682 = arith.constant 2 : i32
      %add3A_4683 = arith.addi %add3A_2359, %add3A_4682 : i32
      %lt3A_4684 = arith.constant 32 : i32
      %lt3A_4685 = arith.cmpi slt, %add3A_4683, %lt3A_4684 : i32
      %convert_element_type3A_4686 = arith.extui %lt3A_4685 : i1 to i32
      %cond3A_4687 = arith.constant 0 : i32
      %cond3A_4688 = arith.cmpi ne, %convert_element_type3A_4686, %cond3A_4687 : i32
      scf.if %cond3A_4688 {
        %add3A_4689 = arith.constant 2 : i32
        %add3A_4690 = arith.addi %add3A_2359, %add3A_4689 : i32
        %mul3A_4691 = arith.constant 128 : i32
        %mul3A_4692 = arith.muli %add3A_4690, %mul3A_4691 : i32
        %dma_start3A_4693 = tpu.memref_slice %arg8[%mul3A_4692] : memref<4096xi32, #tpu.memory_space<vmem>> -> memref<128xi32, #tpu.memory_space<vmem>>
        %dma_start3A_4694 = arith.constant 0 : i32
        %dma_start3A_4695 = arith.constant 0 : i32
        %dma_start3A_4696 = tpu.memref_slice %arg2[%dma_start3A_4694, %dma_start3A_4695] : memref<16384x128xf32, #tpu.memory_space<hbm>> -> memref<16384x128xf32, #tpu.memory_space<hbm>>
        tpu.enqueue_indirect_dma source(%dma_start3A_4696 : memref<16384x128xf32, #tpu.memory_space<hbm>>) target(%arg10 : memref<128x128xf32, #tpu.memory_space<vmem>>) offsets(%dma_start3A_4693 : memref<128xi32, #tpu.memory_space<vmem>>) semaphore(%arg16 : memref<!tpu.dma_semaphore, #tpu.memory_space<semaphore_mem>>)
        %dma_start3A_4697 = tpu.memref_slice %arg8[%mul3A_4692] : memref<4096xi32, #tpu.memory_space<vmem>> -> memref<128xi32, #tpu.memory_space<vmem>>
        %dma_start3A_4698 = arith.constant 0 : i32
        %dma_start3A_4699 = arith.constant 0 : i32
        %dma_start3A_4700 = tpu.memref_slice %arg3[%dma_start3A_4698, %dma_start3A_4699] : memref<16384x128xf32, #tpu.memory_space<hbm>> -> memref<16384x128xf32, #tpu.memory_space<hbm>>
        tpu.enqueue_indirect_dma source(%dma_start3A_4700 : memref<16384x128xf32, #tpu.memory_space<hbm>>) target(%arg12 : memref<128x128xf32, #tpu.memory_space<vmem>>) offsets(%dma_start3A_4697 : memref<128xi32, #tpu.memory_space<vmem>>) semaphore(%arg18 : memref<!tpu.dma_semaphore, #tpu.memory_space<semaphore_mem>>)
      } else {
      }
    }
    %scan3A_28 = arith.constant 16 : i32
    return
  }
}

module attributes {stable_mosaic.version = 14 : i64} {
  func.func @_topk_tc_body(%arg0: i32, %arg1: i32, %arg2: memref<1x512x3xf32, #tpu.memory_space<vmem>>, %arg3: memref<1x8192x3xf32, #tpu.memory_space<vmem>>, %arg4: memref<1x3x8192xf32, #tpu.memory_space<vmem>>, %arg5: memref<1x512x16xi32, #tpu.memory_space<vmem>>) attributes {dimension_semantics = [#tpu.dimension_semantics<arbitrary>, #tpu.dimension_semantics<arbitrary>], iteration_bounds = array<i64: 2, 8>, scalar_prefetch = 0 : i64, scratch_operands = 0 : i64, tpu.core_type = #tpu.core_type<tc>, window_params = [{transform_indices = @transform_0, window_bounds = array<i64: 1, 512, 3>}, {transform_indices = @transform_1, window_bounds = array<i64: 1, 8192, 3>}, {transform_indices = @transform_2, window_bounds = array<i64: 1, 3, 8192>}, {transform_indices = @transform_3, window_bounds = array<i64: 1, 512, 16>}]} {
    %get3A = arith.constant 0 : index
    %get3A_0 = arith.constant 0 : index
    %get3A_1 = arith.constant 0 : index
    %get3A_2 = vector.load %arg2[%get3A, %get3A_0, %get3A_1] : memref<1x512x3xf32, #tpu.memory_space<vmem>>, vector<1x512x3xf32>
    %get3A_3 = vector.shape_cast %get3A_2 : vector<1x512x3xf32> to vector<512x3xf32>
    %get3A_4 = arith.constant 0 : index
    %get3A_5 = arith.constant 0 : index
    %get3A_6 = arith.constant 0 : index
    %get3A_7 = vector.load %arg3[%get3A_4, %get3A_5, %get3A_6] : memref<1x8192x3xf32, #tpu.memory_space<vmem>>, vector<1x8192x3xf32>
    %get3A_8 = vector.shape_cast %get3A_7 : vector<1x8192x3xf32> to vector<8192x3xf32>
    %get3A_9 = arith.constant 0 : index
    %get3A_10 = arith.constant 0 : index
    %get3A_11 = arith.constant 0 : index
    %get3A_12 = vector.load %arg4[%get3A_9, %get3A_10, %get3A_11] : memref<1x3x8192xf32, #tpu.memory_space<vmem>>, vector<1x3x8192xf32>
    %get3A_13 = vector.shape_cast %get3A_12 : vector<1x3x8192xf32> to vector<3x8192xf32>
    %dot_general3A = arith.constant dense<0.000000e+00> : vector<512x8192xf32>
    %dot_general3A_14 = tpu.matmul %get3A_3, %get3A_13, %dot_general3A {dimension_numbers = #tpu.dot_dimension_numbers<[1], [0], [0], [1], [0, 0, 1, 1], [], []>, transpose_lhs_hint = false} : vector<512x3xf32>, vector<3x8192xf32>, vector<512x8192xf32> -> vector<512x8192xf32>
    %mul3A = arith.mulf %get3A_3, %get3A_3 : vector<512x3xf32>
    %reduce_sum3A = arith.constant dense<0.000000e+00> : vector<512xf32>
    %reduce_sum3A_15 = vector.multi_reduction <add>, %mul3A, %reduce_sum3A [1] : vector<512x3xf32> to vector<512xf32>
    %broadcast_in_dim3A = vector.shape_cast %reduce_sum3A_15 : vector<512xf32> to vector<512x1xf32>
    %mul3A_16 = arith.mulf %get3A_8, %get3A_8 : vector<8192x3xf32>
    %reduce_sum3A_17 = arith.constant dense<0.000000e+00> : vector<8192xf32>
    %reduce_sum3A_18 = vector.multi_reduction <add>, %mul3A_16, %reduce_sum3A_17 [1] : vector<8192x3xf32> to vector<8192xf32>
    %reshape3A = vector.shape_cast %reduce_sum3A_18 : vector<8192xf32> to vector<1x8192xf32>
    %mul3A_19 = arith.constant 2.000000e+00 : f32
    %mul3A_20 = vector.broadcast %mul3A_19 : f32 to vector<512x8192xf32>
    %mul3A_21 = arith.mulf %mul3A_20, %dot_general3A_14 : vector<512x8192xf32>
    %sub3A = vector.broadcast %broadcast_in_dim3A : vector<512x1xf32> to vector<512x8192xf32>
    %sub3A_22 = arith.subf %mul3A_21, %sub3A : vector<512x8192xf32>
    %sub3A_23 = vector.broadcast %reshape3A : vector<1x8192xf32> to vector<512x8192xf32>
    %sub3A_24 = arith.subf %sub3A_22, %sub3A_23 : vector<512x8192xf32>
    %iota3A = tpu.iota {dimensions = array<i32: 1>} : vector<1x8192xi32>
    %convert_element_type3A = arith.sitofp %iota3A : vector<1x8192xi32> to vector<1x8192xf32>
    %iota3A_25 = tpu.iota {dimensions = array<i32: 1>} : vector<512x16xi32>
    %broadcast_in_dim3A_26 = arith.constant -1.000000e+00 : f32
    %broadcast_in_dim3A_27 = vector.broadcast %broadcast_in_dim3A_26 : f32 to vector<512xf32>
    %broadcast_in_dim3A_28 = arith.constant 0 : i32
    %broadcast_in_dim3A_29 = vector.broadcast %broadcast_in_dim3A_28 : i32 to vector<512x16xi32>
    %scan3A = arith.constant 8.192000e+03 : f32
    %scan3A_30 = arith.constant 0 : i32
    %scan3A_31 = arith.constant 16 : i32
    %scan3A_32 = arith.addi %scan3A_30, %scan3A_31 : i32
    %scan3A_33 = arith.constant 1 : i32
    %scan3A_34:3 = scf.for %scan3A_41 = %scan3A_30 to %scan3A_32 step %scan3A_33 iter_args(%scan3A_42 = %broadcast_in_dim3A_27, %scan3A_43 = %sub3A_24, %scan3A_44 = %broadcast_in_dim3A_29) -> (vector<512xf32>, vector<512x8192xf32>, vector<512x16xi32>)  : i32 {
      %broadcast_in_dim3A_45 = vector.shape_cast %scan3A_42 : vector<512xf32> to vector<512x1xf32>
      %eq3A = vector.broadcast %convert_element_type3A : vector<1x8192xf32> to vector<512x8192xf32>
      %eq3A_46 = vector.broadcast %broadcast_in_dim3A_45 : vector<512x1xf32> to vector<512x8192xf32>
      %eq3A_47 = arith.cmpf oeq, %eq3A, %eq3A_46 : vector<512x8192xf32>
      %jit3A = arith.constant 0xFF800000 : f32
      %broadcast_in_dim3A_48 = vector.broadcast %jit3A : f32 to vector<512x8192xf32>
      %select_n3A = arith.select %eq3A_47, %broadcast_in_dim3A_48, %scan3A_43 : vector<512x8192xi1>, vector<512x8192xf32>
      %reduce_max3A = arith.constant dense<0xFF800000> : vector<512xf32>
      %reduce_max3A_49 = vector.multi_reduction <maximumf>, %select_n3A, %reduce_max3A [1] : vector<512x8192xf32> to vector<512xf32>
      %broadcast_in_dim3A_50 = vector.shape_cast %reduce_max3A_49 : vector<512xf32> to vector<512x1xf32>
      %eq3A_51 = vector.broadcast %broadcast_in_dim3A_50 : vector<512x1xf32> to vector<512x8192xf32>
      %eq3A_52 = arith.cmpf oeq, %select_n3A, %eq3A_51 : vector<512x8192xf32>
      %broadcast_in_dim3A_53 = vector.shape_cast %convert_element_type3A : vector<1x8192xf32> to vector<1x8192xf32>
      %broadcast_in_dim3A_54 = vector.broadcast %broadcast_in_dim3A_53 : vector<1x8192xf32> to vector<512x8192xf32>
      %broadcast_in_dim3A_55 = vector.broadcast %scan3A : f32 to vector<512x8192xf32>
      %select_n3A_56 = arith.select %eq3A_52, %broadcast_in_dim3A_54, %broadcast_in_dim3A_55 : vector<512x8192xi1>, vector<512x8192xf32>
      %reduce_min3A = arith.constant dense<0x7F800000> : vector<512xf32>
      %reduce_min3A_57 = vector.multi_reduction <minimumf>, %select_n3A_56, %reduce_min3A [1] : vector<512x8192xf32> to vector<512xf32>
      %eq3A_58 = vector.broadcast %scan3A_41 : i32 to vector<512x16xi32>
      %eq3A_59 = arith.cmpi eq, %iota3A_25, %eq3A_58 : vector<512x16xi32>
      %convert_element_type3A_60 = arith.fptosi %reduce_min3A_57 : vector<512xf32> to vector<512xi32>
      %mul3A_61 = arith.constant 8192 : i32
      %mul3A_62 = arith.muli %arg0, %mul3A_61 : i32
      %add3A = vector.broadcast %mul3A_62 : i32 to vector<512xi32>
      %add3A_63 = arith.addi %convert_element_type3A_60, %add3A : vector<512xi32>
      %broadcast_in_dim3A_64 = vector.shape_cast %add3A_63 : vector<512xi32> to vector<512x1xi32>
      %broadcast_in_dim3A_65 = vector.shape_cast %broadcast_in_dim3A_64 : vector<512x1xi32> to vector<512x1xi32>
      %broadcast_in_dim3A_66 = vector.broadcast %broadcast_in_dim3A_65 : vector<512x1xi32> to vector<512x16xi32>
      %select_n3A_67 = arith.select %eq3A_59, %broadcast_in_dim3A_66, %scan3A_44 : vector<512x16xi1>, vector<512x16xi32>
      scf.yield %reduce_min3A_57, %select_n3A, %select_n3A_67 : vector<512xf32>, vector<512x8192xf32>, vector<512x16xi32>
    }
    %scan3A_35 = arith.constant 16 : i32
    %swap3A = arith.constant 0 : index
    %swap3A_36 = arith.constant 0 : index
    %swap3A_37 = arith.constant 0 : index
    %swap3A_38 = vector.load %arg5[%swap3A, %swap3A_36, %swap3A_37] : memref<1x512x16xi32, #tpu.memory_space<vmem>>, vector<1x512x16xi32>
    %swap3A_39 = vector.shape_cast %swap3A_38 : vector<1x512x16xi32> to vector<512x16xi32>
    %swap3A_40 = vector.shape_cast %scan3A_34#2 : vector<512x16xi32> to vector<1x512x16xi32>
    tpu.vector_store %arg5[%swap3A, %swap3A_36, %swap3A_37], %swap3A_40 {strides = array<i32>} : memref<1x512x16xi32, #tpu.memory_space<vmem>>, vector<1x512x16xi32>,
    return
  }
  func.func @transform_0(%arg0: i32, %arg1: i32) -> (i32, i32, i32) {
    %c0_i32 = arith.constant 0 : i32
    %c0_i32_0 = arith.constant 0 : i32
    return %arg0, %arg1, %c0_i32 : i32, i32, i32
  }
  func.func @transform_1(%arg0: i32, %arg1: i32) -> (i32, i32, i32) {
    %c0_i32 = arith.constant 0 : i32
    %c0_i32_0 = arith.constant 0 : i32
    %c0_i32_1 = arith.constant 0 : i32
    return %arg0, %c0_i32, %c0_i32_0 : i32, i32, i32
  }
  func.func @transform_2(%arg0: i32, %arg1: i32) -> (i32, i32, i32) {
    %c0_i32 = arith.constant 0 : i32
    %c0_i32_0 = arith.constant 0 : i32
    %c0_i32_1 = arith.constant 0 : i32
    return %arg0, %c0_i32, %c0_i32_0 : i32, i32, i32
  }
  func.func @transform_3(%arg0: i32, %arg1: i32) -> (i32, i32, i32) {
    %c0_i32 = arith.constant 0 : i32
    %c0_i32_0 = arith.constant 0 : i32
    return %arg0, %arg1, %c0_i32 : i32, i32, i32
  }
}

</mosaic_0001>

<sc_bundles>
// kernel: kernel.4.cloned.1.call-start
scs
__scs_entry_jumppad:
0x0: {  	(pc) =	sbr.rel $0x88, $3  }
0x1: {  	(tag) =	ssettag $0x0;
	lr =	simm.s32 $0x1  }
0x2: {  	[smem:$0x3F9E] =	sst lr;
	_ =	strace $0xD0000000  }
0x3: {  	_ = 	snop  }
0x4: {  	_ = 	snop  }
0x5: {  	_ = 	snop  }
0x6: {  	_ = 	snop  }
0x7: {  	_ = 	snop  }
__scs_overlays_trampoline_lowered:
0x8: {  	[smem:$0x3FAD] =	sst s0  }
0x9: {  	[smem:$0x3FAE] =	sst s1  }
0xa: {  	[smem:$0x3FAF] =	sst s2  }
0xb: {  	[smem:$0x3FB0] =	sst s3  }
0xc: {  	[smem:$0x3FB1] =	sst s4  }
0xd: {  	[smem:$0x3FB2] =	sst s5  }
0xe: {  	[smem:$0x3FB3] =	sst s6  }
0xf: {  	[smem:$0x3FB4] =	sst s7  }
0x10: {  	[smem:$0x3FB5] =	sst s8  }
0x11: {  	[smem:$0x3FB6] =	sst s9;
	s0 =	simm.s32 @!p0 $0x0  }
0x12: {  	s1 =	sld [smem:$0x3F9C];
	s0 =	simm.s32 @p0 $0x1  }
0x13: {  	[smem:$0x3FB7] =	sst s0;
	s0 =	simm.s32 @!p1 $0x0  }
0x14: {  	s2 =	sld [smem:$0x3F9B];
	s0 =	simm.s32 @p1 $0x1  }
0x15: {  	[smem:$0x3FB8] =	sst s0;
	s0 =	simm.s32 @!p2 $0x0  }
0x16: {  	s3 =	sld [smem:$0x3FDB];
	s0 =	simm.s32 @p2 $0x1  }
0x17: {  	s4 =	simm.s32 $0x1BF5;
	[smem:$0x3FBA] =	sst s0  }
0x18: {  	s0 =	sld [smem:$0x3F9D];
	_ =	swait.ge [sflag:s4], $0x0  }
0x19: {  	s7 =	sld [smem:$0x3F9E]  }
0x1a: {  	s8 =	sadd.s32 $0xFFFFE003, lr  }
0x1b: {  	s9 =	sadd.s32 $0xFFFFFEF7, lr;
	s5 =	simm.s32 $0xFFFFFFFF;
	p2 =	slt.u32 s8, $0xFFFFF086  }
0x1c: {  	p1 =	slt.u32 s9, $0xF7A;
	s5 =	simm.s32 @!p2 $0x0  }
0x1d: {  	s5 =	simm.s32 @p1 $0x1;
	p0 =	seq.s32 s7, s2  }
0x1e: {  	s7 =	smul.u32 @!p0 $0xF7A, s2;
	p2 =	seq.s32 @!p0 s5, $0x0  }
0x1f: {  	s9 =	smul.u32 $0xF7A, s1;
	s8 =	simm.s32 @!p0 $0x1BF5;
	p2 =	por !p2, p0  }
0x20: {  	[sflag:s8] =	ssyncset.s32 @!p0 $0xFFFFF086;
	s6 =	sadd.s32 @!p0 s3, s7;
	s7 =	simm.s32 @!p0 $0x108  }
0x21: {  	s3 =	sadd.s32 s3, s9;
	s6 =	sadd.s32 @!p0 $0x88, s6;
	s7 =	simm.s32 @p2 $0x1082  }
0x22: {  	[simem:s7], [sflag:s8] =	dma.local @!p0 [hbm:s6], $0xF7A  }
0x23: {  	s9 =	sor.u32 $0xD0000000, s2;
	s6 =	simm.s32 $0x108;
	_ =	swait.ge @!p0 [sflag:s8], $0x0  }
0x24: {  	s3 =	sadd.s32 $0x88, s3;
	s6 =	simm.s32 @!p1 $0x1082;
	[sflag:s4] =	ssyncset.s32 $0xFFFFF086  }
0x25: {  	[simem:s6], [sflag:s4] =	dma.local [hbm:s3], $0xF7A  }
0x26: {  	[smem:$0x3F9E] =	sst s1;
	(tag) =	ssettag s2;
	_ =	strace s9  }
0x27: {  	s1 =	sld [smem:$0x3FAE]  }
0x28: {  	s2 =	sld [smem:$0x3FAF]  }
0x29: {  	s4 =	sld [smem:$0x3FB1]  }
0x2a: {  	p0 =	seq.s32 s5, $0x0;
	s5 =	sld [smem:$0x3FB2]  }
0x2b: {  	s6 =	sld [smem:$0x3FB3]  }
0x2c: {  	s7 =	sld [smem:$0x3FB4]  }
0x2d: {  	s3 =	simm.s32 $0x108;
	s8 =	sld [smem:$0x3FB5]  }
0x2e: {  	s3 =	simm.s32 @!p0 $0x1082;
	s9 =	sld [smem:$0x3FB6]  }
0x2f: {  	lr =	sadd.s32 s0, s3;
	s0 =	sld [smem:$0x3FAD]  }
0x30: {  	s3 =	sld [smem:$0x3FB0]  }
0x31: {  	[smem:$0x3FB9] =	sst s10  }
0x32: {  	s10 =	sld [smem:$0x3FB7];
	_ =	sdelay $0x3  }
0x33: {  	p0 =	seq.s32 s10, $0x1;
	s10 =	sld [smem:$0x3FB9];
	_ =	sdelay $0x3  }
0x34: {  	[smem:$0x3FB9] =	sst s10  }
0x35: {  	s10 =	sld [smem:$0x3FB8];
	_ =	sdelay $0x3  }
0x36: {  	p1 =	seq.s32 s10, $0x1;
	s10 =	sld [smem:$0x3FB9];
	_ =	sdelay $0x3  }
0x37: {  	[smem:$0x3FB9] =	sst s10  }
0x38: {  	s10 =	sld [smem:$0x3FBA]  }
0x39: {  	_ = 	snop;
	(pc) =	sbr.ind lr, $3  }
0x3a: {  	_ = 	snop  }
0x3b: {  	_ = 	snop  }
0x3c: {  	p2 =	seq.s32 s10, $0x1;
	s10 =	sld [smem:$0x3FB9]  }
0x3d: {  	_ =	shalt  }
0x3e: {  	_ =	shalt  }
0x3f: {  	_ =	shalt  }
0x40: {  	_ =	shalt  }
0x41: {  	_ =	shalt  }
0x42: {  	_ =	shalt  }
0x43: {  	_ =	shalt  }
0x44: {  	_ =	shalt  }
0x45: {  	_ =	shalt  }
0x46: {  	_ =	shalt  }
0x47: {  	_ =	shalt  }
0x48: {  	_ =	shalt  }
0x49: {  	_ =	shalt  }
0x4a: {  	_ =	shalt  }
0x4b: {  	_ =	shalt  }
0x4c: {  	_ =	shalt  }
0x4d: {  	_ =	shalt  }
0x4e: {  	_ =	shalt  }
0x4f: {  	_ =	shalt  }
0x50: {  	_ =	shalt  }
0x51: {  	_ =	shalt  }
0x52: {  	_ =	shalt  }
0x53: {  	_ =	shalt  }
0x54: {  	_ =	shalt  }
0x55: {  	_ =	shalt  }
0x56: {  	_ =	shalt  }
0x57: {  	_ =	shalt  }
0x58: {  	_ =	shalt  }
0x59: {  	_ =	shalt  }
0x5a: {  	_ =	shalt  }
0x5b: {  	_ =	shalt  }
0x5c: {  	_ =	shalt  }
0x5d: {  	_ =	shalt  }
0x5e: {  	_ =	shalt  }
0x5f: {  	_ =	shalt  }
0x60: {  	_ =	shalt  }
0x61: {  	_ =	shalt  }
0x62: {  	_ =	shalt  }
0x63: {  	_ =	shalt  }
0x64: {  	_ =	shalt  }
0x65: {  	_ =	shalt  }
0x66: {  	_ =	shalt  }
0x67: {  	_ =	shalt  }
0x68: {  	_ =	shalt  }
0x69: {  	_ =	shalt  }
0x6a: {  	_ =	shalt  }
0x6b: {  	_ =	shalt  }
0x6c: {  	_ =	shalt  }
0x6d: {  	_ =	shalt  }
0x6e: {  	_ =	shalt  }
0x6f: {  	_ =	shalt  }
0x70: {  	_ =	shalt  }
0x71: {  	_ =	shalt  }
0x72: {  	_ =	shalt  }
0x73: {  	_ =	shalt  }
0x74: {  	_ =	shalt  }
0x75: {  	_ =	shalt  }
0x76: {  	_ =	shalt  }
0x77: {  	_ =	shalt  }
0x78: {  	_ =	shalt  }
0x79: {  	_ =	shalt  }
0x7a: {  	_ =	shalt  }
0x7b: {  	_ =	shalt  }
0x7c: {  	_ =	shalt  }
0x7d: {  	_ =	shalt  }
0x7e: {  	_ =	shalt  }
0x7f: {  	_ =	shalt  }
0x80: {  	_ =	shalt  }
0x81: {  	_ =	shalt  }
0x82: {  	_ =	shalt  }
0x83: {  	_ =	shalt  }
0x84: {  	_ =	shalt  }
0x85: {  	_ =	shalt  }
0x86: {  	_ =	shalt  }
0x87: {  	_ =	shalt  }
.Lfunc_end0:
.L_simem_size_0:
called_computation.1_lowered:
.L_overlay_start_0:
0x88: {  	s2 =	sld [smem:$0x3FD9]  }
0x89: {  	s3 =	sld [smem:$0x3FFE];
	_ =	sdelay $0x1  }
0x8a: {  	s1 =	srdreg.scid  }
0x8b: {  	s0 =	sand.u32 $0x1, s1  }
0x8c: {  	s14 =	sshll.u32 s0, $0xA;
	s2 =	sadd.s32 s3, s2  }
0x8d: {  	s2 =	sadd.s32 s2, s14  }
0x8e: {  	[smem:$0x3FC5] =	sst s2  }
0x8f: {  	_ = 	snop  }
0x90: {  	s2 =	sld [smem:$0x3FD0];
	_ =	sdelay $0x2  }
0x91: {  	s4 =	simm.s32 $0xA;
	s5 =	simm.s32 $0x10;
	s15 =	sld [smem:$0x3FC7]  }
0x92: {  	[smem:s5], [sflag:s4] =	dma.local [hbm:s2], $0x1  }
0x93: {  	_ =	swait.eq [sflag:s4], $0x1  }
0x94: {  	[sflag:s4] =	ssyncset.done $0x0  }
0x95: {  	s16 =	sld [smem:$0x10];
	[sflag:s4] =	ssyncadd.s32 $0xFFFFFFFF  }
0x96: {  	s17 =	sld [smem:$0x11];
	(tm) =	ssettm $0x1  }
0x97: {  	s18 =	sld [smem:$0x3FFB];
	_ =	sdelay $0x3  }
0x98: {  	_ =	strace s18  }
0x99: {  	s5 =	sld [smem:$0x3FFC];
	_ =	sdelay $0x3  }
0x9a: {  	_ =	strace s5  }
0x9b: {  	s5 =	sld [smem:$0x3FFD];
	_ =	sdelay $0x3  }
0x9c: {  	_ =	strace s5  }
0x9d: {  	_ =	strace $0x8FFFFFFF  }
0x9e: {  	s19 =	sld [smem:$0x3FDB];
	_ =	sdelay $0x1  }
0x9f: {  	s6 =	simm.s32 $_scs_section_size  }
0xa0: {  	s7 =	simm.s32 $_size__tile_overlayer_lowered;
	s8 =	simm.s32 $_tile_overlayer_lowered  }
0xa1: {  	s22 =	simm.s32 $0x1BFF;
	s21 =	sshll.u32 s8, $0x1;
	s5 =	sadd.s32 s6, s19  }
0xa2: {  	s9 =	simm.s32 $0x0;
	s20 =	sshll.u32 s7, $0x1;
	s7 =	sadd.s32 s21, s5  }
0xa3: {  	[timem:s9], [sflag:s22] =	dma.local [hbm:s7], s20  }
0xa4: {  	_ =	swait.ge [sflag:s22], s20  }
0xa5: {  	s6 =	ssub.s32 $0x0, s20;
	[sflag:s22] =	ssyncset.done $0x0  }
0xa6: {  	[sflag:s22] =	ssyncadd.s32 s6;
	_ =	sdelay $0x1  }
0xa7: {  	s23 =	simm.s32 $0x1B8B  }
0xa8: {  	_ =	swait.ge [sflag:s23], $0x1  }
0xa9: {  	[sflag:s23] =	ssyncset.done $0x0  }
0xaa: {  	s25 =	simm.s32 $0x1B8E;
	s24 =	sld [smem:$0x3FFE];
	[sflag:s23] =	ssyncadd.s32 $0xFFFFFFFF  }
0xab: {  	s26 =	simm.s32 $execute0_lowered;
	[smem:$0x3FD2] =	sst s25  }
0xac: {  	s7 =	sshll.u32 s26, $0x1;
	_ =	strace $0x80000046;
	[dreg:$0x1] =	wrdreg $0xFFFFFFFF  }
0xad: {  	s28 =	simm.s32 $_size_execute0_lowered;
	s5 =	sadd.s32 s5, s7;
	[dreg:$0x0] =	wrdreg $0x0  }
0xae: {  	s7 =	sshll.u32 s28, $0x1;
	[dreg:$0x2] =	wrdreg s5  }
0xaf: {  	[dreg:$0x3] =	wrdreg s7  }
0xb0: {  	[dreg:$0x4] =	wrdreg $0xC0  }
0xb1: {  	_ =	task [dreg:s9], $0x5FFFF  }
0xb2: {  	[dreg:$0x1] =	wrdreg $0xFFFFFFFF  }
0xb3: {  	[dreg:$0x0] =	wrdreg $0x60  }
0xb4: {  	[dreg:$0x2] =	wrdreg s15  }
0xb5: {  	[dreg:$0x3] =	wrdreg s24  }
0xb6: {  	[dreg:$0x4] =	wrdreg s17  }
0xb7: {  	[dreg:$0x5] =	wrdreg s16  }
0xb8: {  	[dreg:$0x6] =	wrdreg $0x9  }
0xb9: {  	_ =	task.clear_ibuf [dreg:s9], $0x7FFFF;
	_ =	strace $0x90000046  }
0xba: {  	s29 =	simm.s32 $0x9;
	_ =	strace $0x80000048  }
0xbb: {  	_ =	swait.ge [sflag:s29], $0x1  }
0xbc: {  	[sflag:s29] =	ssyncadd.s32 $0xFFFFFFFF  }
0xbd: {  	_ =	strace $0x90000048  }
0xbe: {  	_ =	sfence  }
0xbf: {  	s30 =	sld [smem:$0x0];
	_ =	sdelay $0x2  }
0xc0: {  	s31 =	sshll.u32 s1, $0xD;
	s1 =	sshrl.u32 s1, $0x2  }
0xc1: {  	s3 =	sand.u32 $0x4000, s31;
	s1 =	sadd.s32 s1, s30  }
0xc2: {  	s0 =	sor.u32 s3, s0;
	s1 =	sshll.u32 s1, $0x11  }
0xc3: {  	s0 =	sor.u32 s1, s0  }
0xc4: {  	s0 =	sadd.s32 $0x8F2B, s0  }
0xc5: {  	[sflag:s0] =	ssyncadd.remote.s32 $0x1  }
0xc6: {  	_ =	sfence.sel $0xFFFF  }
0xc7: {  	[dreg:$0x0] =	wrdreg $0xFFFFFFFF;
	(pc) =	sbr.abs _section_cstart, $3  }
0xc8: {  	[dreg:$0x1] =	wrdreg $0xFFFFFFFF  }
0xc9: {  	_ =	task.clear_ibuf [dreg:s9], $0x2FFFF;
	_ =	strace $0x9FFFFFFF  }
0xca: {  	(tm) =	ssettm $0x7FFFFFFF  }
0xcb: {  	_ =	shalt  }
tec
execute0_lowered:
.L_overlay_start_1:
0x0: {  	(tag) =	ssettag $0x1  }
0x1: {  	s1 =	rddreg [dreg:$0x0]  }
0x2: {  	s6 =	rddreg [dreg:$0x1]  }
0x3: {  	s7 =	rddreg [dreg:$0x2]  }
0x4: {  	s3 =	rddreg [dreg:$0x3]  }
0x5: {  	s0 =	rddreg [dreg:$0x4];
	s5 =	srdreg.scid  }
0x6: {  	s2 =	stileid.u32;
	s4 =	simm.s32 $0x0;
	s13 =	simm.s32 $0x80  }
0x7: {  	s14 =	simm.s32 $0x1000;
	s15 =	simm.s32 $0x9000;
	s16 =	simm.s32 $0x5000  }
0x8: {  	s17 =	simm.s32 $0xD000;
	s18 =	simm.s32 $0x1;
	s19 =	simm.s32 $0x3  }
0x9: {  	s20 =	simm.s32 $0x19000;
	s21 =	simm.s32 $0x2;
	s22 =	simm.s32 $0x4  }
0xa: {  	s23 =	simm.s32 $0x0;
	s8 =	sand.u32 $0x1, s5;
	s31 =	sshll.u32 s2, $0x1  }
0xb: {  	[smem:$0x7FF] =	sst s4;
	s5 =	sadd.s32 $0x20C00, s6;
	s9 =	sor.u32 s8, s31  }
.Ltmp0:
0xc: {  	_ =	strace $0x80000047;
	s8 =	ssub.s32 $0x2, s8;
	(pc) =	sbr.rel .LBB2_1-.Ltmp0, $4  }
0xd: {  	s10 =	sshll.u32 s9, $0xC;
	s11 =	sshrl.u32 s8, $0x1;
	s12 =	sshll.u32 s9, $0x9  }
0xe: {  	s9 =	sshll.u32 s9, $0x10;
	s10 =	sadd.s32 s10, s6;
	s6 =	sadd.s32 $0x60C00, s6  }
0xf: {  	s11 =	ssub.s32 s8, s11;
	s7 =	sadd.s32 s7, s12;
	s12 =	simm.s32 $0x11000  }
0x10: {  	s8 =	sadd.s32 $0xC00, s10;
	s10 =	smax.u32 s11, $0x1;
	s11 =	simm.s32 $0x5  }
.LBB2_4:
0x11: {  	s23 =	sadd.s32 $0x1, s23  }
0x12: {  	p0 =	sne.s32 s23, s10  }
.Ltmp1:
0x13: {  	_ = 	snop;
	(pc) =	sbr.rel @!p0 .LBB2_5-.Ltmp1, $1  }
0x14: {  	_ =	sdelay $0x3  }
.LBB2_1:
0x15: {  	[tilespmem:s4], [sflag:$0x5] =	stream.linear.gather [hbm4b:s7+s4], $0x1000, $0x38;
	[tilespmem:$0x1D000] =	vst v63  }
0x16: {  	_ =	swait.ge [sflag:s11], $0x1000  }
0x17: {  	[sflag:s11] =	ssyncset.done $0x0  }
0x18: {  	[sflag:s11] =	ssyncadd.s32 $0xFFFFF000  }
0x19: {  	[tilespmem:s12], [sflag:$0x5] =	stream.linear.gather [hbm4b:s8+s4], $0x8000, $0x38;
	[tilespmem:$0x1D000] =	vst v63  }
0x1a: {  	_ =	swait.ge [sflag:s11], $0x8000  }
0x1b: {  	[sflag:s11] =	ssyncset.done $0x0  }
0x1c: {  	[sflag:s11] =	ssyncadd.s32 $0xFFFF8000  }
0x1d: {  	[tilespmem:s14], [sflag:$0x1] =	stream.indirect.gather [hbm4b:s1+s13], $0x80, s4, s13, $0xb8;
	[tilespmem:$0x1D000] =	vst v63  }
0x1e: {  	_ = 	snop  }
0x1f: {  	[tilespmem:s15], [sflag:$0x3] =	stream.indirect.gather [hbm4b:s5+s13], $0x80, s4, s13, $0xb8;
	[tilespmem:$0x1D000] =	vst v63  }
0x20: {  	_ = 	snop  }
0x21: {  	[tilespmem:s16], [sflag:$0x2] =	stream.indirect.gather [hbm4b:s1+s13], $0x80, s13, s13, $0xb8;
	[tilespmem:$0x1D000] =	vst v63  }
0x22: {  	s24 =	simm.s32 $0x0  }
0x23: {  	[tilespmem:s17], [sflag:$0x4] =	stream.indirect.gather [hbm4b:s5+s13], $0x80, s13, s13, $0xb8;
	[tilespmem:$0x1D000] =	vst v63  }
.LBB2_2:
0x24: {  	_ =	swait.ge [sflag:s18], $0x4000  }
0x25: {  	[sflag:s18] =	ssyncset.done $0x0  }
0x26: {  	[sflag:s18] =	ssyncadd.s32 $0xFFFFC000  }
0x27: {  	_ =	swait.ge [sflag:s19], $0x4000  }
0x28: {  	[sflag:s19] =	ssyncset.done $0x0  }
0x29: {  	s25 =	sshll.u32 s24, $0xB;
	[sflag:s19] =	ssyncadd.s32 $0xFFFFC000  }
0x2a: {  	s25 =	sand.u32 $0x3FFFF800, s25;
	v0 =	vld [tilespmem:$0x9000]  }
0x2b: {  	v1 =	vld [tilespmem:s25+$0x11000];
	_ =	sdelay $0x4  }
0x2c: {  	v0 =	vsub.f32 v0, v1;
	_ =	sdelay $0x1  }
0x2d: {  	v34 =	vld [tilespmem:$0x9080];
	[tilespmem:$0x19000] =	vst v0  }
0x2e: {  	v35 =	vld [tilespmem:s25+$0x11000];
	_ =	sdelay $0x4  }
0x2f: {  	v0 =	vsub.f32 v34, v35;
	_ =	sdelay $0x1  }
0x30: {  	v36 =	vld [tilespmem:$0x9100];
	[tilespmem:$0x19080] =	vst v0  }
0x31: {  	v37 =	vld [tilespmem:s25+$0x11000];
	_ =	sdelay $0x4  }
0x32: {  	v0 =	vsub.f32 v36, v37;
	_ =	sdelay $0x1  }
0x33: {  	v38 =	vld [tilespmem:$0x9180];
	[tilespmem:$0x19100] =	vst v0  }
0x34: {  	v39 =	vld [tilespmem:s25+$0x11000];
	_ =	sdelay $0x4  }
0x35: {  	v0 =	vsub.f32 v38, v39;
	_ =	sdelay $0x1  }
0x36: {  	v40 =	vld [tilespmem:$0x9200];
	[tilespmem:$0x19180] =	vst v0  }
0x37: {  	v41 =	vld [tilespmem:s25+$0x11000];
	_ =	sdelay $0x4  }
0x38: {  	v0 =	vsub.f32 v40, v41;
	_ =	sdelay $0x1  }
0x39: {  	v42 =	vld [tilespmem:$0x9280];
	[tilespmem:$0x19200] =	vst v0  }
0x3a: {  	v43 =	vld [tilespmem:s25+$0x11000];
	_ =	sdelay $0x4  }
0x3b: {  	v0 =	vsub.f32 v42, v43;
	_ =	sdelay $0x1  }
0x3c: {  	v44 =	vld [tilespmem:$0x9300];
	[tilespmem:$0x19280] =	vst v0  }
0x3d: {  	v45 =	vld [tilespmem:s25+$0x11000];
	_ =	sdelay $0x4  }
0x3e: {  	v0 =	vsub.f32 v44, v45;
	_ =	sdelay $0x1  }
0x3f: {  	v46 =	vld [tilespmem:$0x9380];
	[tilespmem:$0x19300] =	vst v0  }
0x40: {  	v47 =	vld [tilespmem:s25+$0x11000];
	_ =	sdelay $0x4  }
0x41: {  	v0 =	vsub.f32 v46, v47;
	_ =	sdelay $0x1  }
0x42: {  	v48 =	vld [tilespmem:$0x9400];
	[tilespmem:$0x19380] =	vst v0  }
0x43: {  	v49 =	vld [tilespmem:s25+$0x11000];
	_ =	sdelay $0x4  }
0x44: {  	v0 =	vsub.f32 v48, v49;
	_ =	sdelay $0x1  }
0x45: {  	v50 =	vld [tilespmem:$0x9480];
	[tilespmem:$0x19400] =	vst v0  }
0x46: {  	v51 =	vld [tilespmem:s25+$0x11000];
	_ =	sdelay $0x4  }
0x47: {  	v0 =	vsub.f32 v50, v51;
	_ =	sdelay $0x1  }
0x48: {  	v52 =	vld [tilespmem:$0x9500];
	[tilespmem:$0x19480] =	vst v0  }
0x49: {  	v53 =	vld [tilespmem:s25+$0x11000];
	_ =	sdelay $0x4  }
0x4a: {  	v0 =	vsub.f32 v52, v53;
	_ =	sdelay $0x1  }
0x4b: {  	v54 =	vld [tilespmem:$0x9580];
	[tilespmem:$0x19500] =	vst v0  }
0x4c: {  	v55 =	vld [tilespmem:s25+$0x11000];
	_ =	sdelay $0x4  }
0x4d: {  	v0 =	vsub.f32 v54, v55;
	_ =	sdelay $0x1  }
0x4e: {  	v56 =	vld [tilespmem:$0x9600];
	[tilespmem:$0x19580] =	vst v0  }
0x4f: {  	v57 =	vld [tilespmem:s25+$0x11000];
	_ =	sdelay $0x4  }
0x50: {  	v0 =	vsub.f32 v56, v57;
	_ =	sdelay $0x1  }
0x51: {  	v58 =	vld [tilespmem:$0x9680];
	[tilespmem:$0x19600] =	vst v0  }
0x52: {  	v59 =	vld [tilespmem:s25+$0x11000];
	_ =	sdelay $0x4  }
0x53: {  	v0 =	vsub.f32 v58, v59;
	_ =	sdelay $0x1  }
0x54: {  	v60 =	vld [tilespmem:$0x9700];
	[tilespmem:$0x19680] =	vst v0  }
0x55: {  	v61 =	vld [tilespmem:s25+$0x11000];
	_ =	sdelay $0x4  }
0x56: {  	v0 =	vsub.f32 v60, v61;
	_ =	sdelay $0x1  }
0x57: {  	v62 =	vld [tilespmem:$0x9780];
	[tilespmem:$0x19700] =	vst v0  }
0x58: {  	v63 =	vld [tilespmem:s25+$0x11000];
	_ =	sdelay $0x4  }
0x59: {  	v0 =	vsub.f32 v62, v63;
	_ =	sdelay $0x1  }
0x5a: {  	v4 =	vld [tilespmem:$0x9800];
	[tilespmem:$0x19780] =	vst v0  }
0x5b: {  	v5 =	vld [tilespmem:s25+$0x11080];
	_ =	sdelay $0x4  }
0x5c: {  	v0 =	vsub.f32 v4, v5;
	_ =	sdelay $0x1  }
0x5d: {  	v6 =	vld [tilespmem:$0x9880];
	[tilespmem:$0x19800] =	vst v0  }
0x5e: {  	v7 =	vld [tilespmem:s25+$0x11080];
	_ =	sdelay $0x4  }
0x5f: {  	v0 =	vsub.f32 v6, v7;
	_ =	sdelay $0x1  }
0x60: {  	v8 =	vld [tilespmem:$0x9900];
	[tilespmem:$0x19880] =	vst v0  }
0x61: {  	v9 =	vld [tilespmem:s25+$0x11080];
	_ =	sdelay $0x4  }
0x62: {  	v0 =	vsub.f32 v8, v9;
	_ =	sdelay $0x1  }
0x63: {  	v10 =	vld [tilespmem:$0x9980];
	[tilespmem:$0x19900] =	vst v0  }
0x64: {  	v11 =	vld [tilespmem:s25+$0x11080];
	_ =	sdelay $0x4  }
0x65: {  	v0 =	vsub.f32 v10, v11;
	_ =	sdelay $0x1  }
0x66: {  	v12 =	vld [tilespmem:$0x9A00];
	[tilespmem:$0x19980] =	vst v0  }
0x67: {  	v13 =	vld [tilespmem:s25+$0x11080];
	_ =	sdelay $0x4  }
0x68: {  	v0 =	vsub.f32 v12, v13;
	_ =	sdelay $0x1  }
0x69: {  	v14 =	vld [tilespmem:$0x9A80];
	[tilespmem:$0x19A00] =	vst v0  }
0x6a: {  	v15 =	vld [tilespmem:s25+$0x11080];
	_ =	sdelay $0x4  }
0x6b: {  	v0 =	vsub.f32 v14, v15;
	_ =	sdelay $0x1  }
0x6c: {  	v16 =	vld [tilespmem:$0x9B00];
	[tilespmem:$0x19A80] =	vst v0  }
0x6d: {  	v17 =	vld [tilespmem:s25+$0x11080];
	_ =	sdelay $0x4  }
0x6e: {  	v0 =	vsub.f32 v16, v17;
	_ =	sdelay $0x1  }
0x6f: {  	v18 =	vld [tilespmem:$0x9B80];
	[tilespmem:$0x19B00] =	vst v0  }
0x70: {  	v19 =	vld [tilespmem:s25+$0x11080];
	_ =	sdelay $0x4  }
0x71: {  	v0 =	vsub.f32 v18, v19;
	_ =	sdelay $0x1  }
0x72: {  	v20 =	vld [tilespmem:$0x9C00];
	[tilespmem:$0x19B80] =	vst v0  }
0x73: {  	v21 =	vld [tilespmem:s25+$0x11080];
	_ =	sdelay $0x4  }
0x74: {  	v0 =	vsub.f32 v20, v21;
	_ =	sdelay $0x1  }
0x75: {  	v22 =	vld [tilespmem:$0x9C80];
	[tilespmem:$0x19C00] =	vst v0  }
0x76: {  	v23 =	vld [tilespmem:s25+$0x11080];
	_ =	sdelay $0x4  }
0x77: {  	v0 =	vsub.f32 v22, v23;
	_ =	sdelay $0x1  }
0x78: {  	v24 =	vld [tilespmem:$0x9D00];
	[tilespmem:$0x19C80] =	vst v0  }
0x79: {  	v25 =	vld [tilespmem:s25+$0x11080];
	_ =	sdelay $0x4  }
0x7a: {  	v0 =	vsub.f32 v24, v25;
	_ =	sdelay $0x1  }
0x7b: {  	v26 =	vld [tilespmem:$0x9D80];
	[tilespmem:$0x19D00] =	vst v0  }
0x7c: {  	v27 =	vld [tilespmem:s25+$0x11080];
	_ =	sdelay $0x4  }
0x7d: {  	v0 =	vsub.f32 v26, v27;
	_ =	sdelay $0x1  }
0x7e: {  	v28 =	vld [tilespmem:$0x9E00];
	[tilespmem:$0x19D80] =	vst v0  }
0x7f: {  	v29 =	vld [tilespmem:s25+$0x11080];
	_ =	sdelay $0x4  }
0x80: {  	v0 =	vsub.f32 v28, v29;
	_ =	sdelay $0x1  }
0x81: {  	v30 =	vld [tilespmem:$0x9E80];
	[tilespmem:$0x19E00] =	vst v0  }
0x82: {  	v31 =	vld [tilespmem:s25+$0x11080];
	_ =	sdelay $0x4  }
0x83: {  	v0 =	vsub.f32 v30, v31;
	_ =	sdelay $0x1  }
0x84: {  	v32 =	vld [tilespmem:$0x9F00];
	[tilespmem:$0x19E80] =	vst v0  }
0x85: {  	v33 =	vld [tilespmem:s25+$0x11080];
	_ =	sdelay $0x4  }
0x86: {  	v0 =	vsub.f32 v32, v33;
	_ =	sdelay $0x1  }
0x87: {  	v34 =	vld [tilespmem:$0x9F80];
	[tilespmem:$0x19F00] =	vst v0  }
0x88: {  	v35 =	vld [tilespmem:s25+$0x11080];
	_ =	sdelay $0x4  }
0x89: {  	v0 =	vsub.f32 v34, v35;
	_ =	sdelay $0x1  }
0x8a: {  	v36 =	vld [tilespmem:$0xA000];
	[tilespmem:$0x19F80] =	vst v0  }
0x8b: {  	v37 =	vld [tilespmem:s25+$0x11100];
	_ =	sdelay $0x4  }
0x8c: {  	v0 =	vsub.f32 v36, v37;
	_ =	sdelay $0x1  }
0x8d: {  	v38 =	vld [tilespmem:$0xA080];
	[tilespmem:$0x1A000] =	vst v0  }
0x8e: {  	v39 =	vld [tilespmem:s25+$0x11100];
	_ =	sdelay $0x4  }
0x8f: {  	v0 =	vsub.f32 v38, v39;
	_ =	sdelay $0x1  }
0x90: {  	v40 =	vld [tilespmem:$0xA100];
	[tilespmem:$0x1A080] =	vst v0  }
0x91: {  	v41 =	vld [tilespmem:s25+$0x11100];
	_ =	sdelay $0x4  }
0x92: {  	v0 =	vsub.f32 v40, v41;
	_ =	sdelay $0x1  }
0x93: {  	v42 =	vld [tilespmem:$0xA180];
	[tilespmem:$0x1A100] =	vst v0  }
0x94: {  	v43 =	vld [tilespmem:s25+$0x11100];
	_ =	sdelay $0x4  }
0x95: {  	v0 =	vsub.f32 v42, v43;
	_ =	sdelay $0x1  }
0x96: {  	v44 =	vld [tilespmem:$0xA200];
	[tilespmem:$0x1A180] =	vst v0  }
0x97: {  	v45 =	vld [tilespmem:s25+$0x11100];
	_ =	sdelay $0x4  }
0x98: {  	v0 =	vsub.f32 v44, v45;
	_ =	sdelay $0x1  }
0x99: {  	v46 =	vld [tilespmem:$0xA280];
	[tilespmem:$0x1A200] =	vst v0  }
0x9a: {  	v47 =	vld [tilespmem:s25+$0x11100];
	_ =	sdelay $0x4  }
0x9b: {  	v0 =	vsub.f32 v46, v47;
	_ =	sdelay $0x1  }
0x9c: {  	v48 =	vld [tilespmem:$0xA300];
	[tilespmem:$0x1A280] =	vst v0  }
0x9d: {  	v49 =	vld [tilespmem:s25+$0x11100];
	_ =	sdelay $0x4  }
0x9e: {  	v0 =	vsub.f32 v48, v49;
	_ =	sdelay $0x1  }
0x9f: {  	v50 =	vld [tilespmem:$0xA380];
	[tilespmem:$0x1A300] =	vst v0  }
0xa0: {  	v51 =	vld [tilespmem:s25+$0x11100];
	_ =	sdelay $0x4  }
0xa1: {  	v0 =	vsub.f32 v50, v51;
	_ =	sdelay $0x1  }
0xa2: {  	v52 =	vld [tilespmem:$0xA400];
	[tilespmem:$0x1A380] =	vst v0  }
0xa3: {  	v53 =	vld [tilespmem:s25+$0x11100];
	_ =	sdelay $0x4  }
0xa4: {  	v0 =	vsub.f32 v52, v53;
	_ =	sdelay $0x1  }
0xa5: {  	v54 =	vld [tilespmem:$0xA480];
	[tilespmem:$0x1A400] =	vst v0  }
0xa6: {  	v55 =	vld [tilespmem:s25+$0x11100];
	_ =	sdelay $0x4  }
0xa7: {  	v0 =	vsub.f32 v54, v55;
	_ =	sdelay $0x1  }
0xa8: {  	v56 =	vld [tilespmem:$0xA500];
	[tilespmem:$0x1A480] =	vst v0  }
0xa9: {  	v57 =	vld [tilespmem:s25+$0x11100];
	_ =	sdelay $0x4  }
0xaa: {  	v0 =	vsub.f32 v56, v57;
	_ =	sdelay $0x1  }
0xab: {  	v58 =	vld [tilespmem:$0xA580];
	[tilespmem:$0x1A500] =	vst v0  }
0xac: {  	v59 =	vld [tilespmem:s25+$0x11100];
	_ =	sdelay $0x4  }
0xad: {  	v0 =	vsub.f32 v58, v59;
	_ =	sdelay $0x1  }
0xae: {  	v60 =	vld [tilespmem:$0xA600];
	[tilespmem:$0x1A580] =	vst v0  }
0xaf: {  	v61 =	vld [tilespmem:s25+$0x11100];
	_ =	sdelay $0x4  }
0xb0: {  	v0 =	vsub.f32 v60, v61;
	_ =	sdelay $0x1  }
0xb1: {  	v62 =	vld [tilespmem:$0xA680];
	[tilespmem:$0x1A600] =	vst v0  }
0xb2: {  	v63 =	vld [tilespmem:s25+$0x11100];
	_ =	sdelay $0x4  }
0xb3: {  	v0 =	vsub.f32 v62, v63;
	_ =	sdelay $0x1  }
0xb4: {  	v4 =	vld [tilespmem:$0xA700];
	[tilespmem:$0x1A680] =	vst v0  }
0xb5: {  	v5 =	vld [tilespmem:s25+$0x11100];
	_ =	sdelay $0x4  }
0xb6: {  	v0 =	vsub.f32 v4, v5;
	_ =	sdelay $0x1  }
0xb7: {  	v6 =	vld [tilespmem:$0xA780];
	[tilespmem:$0x1A700] =	vst v0  }
0xb8: {  	v7 =	vld [tilespmem:s25+$0x11100];
	_ =	sdelay $0x4  }
0xb9: {  	v0 =	vsub.f32 v6, v7;
	_ =	sdelay $0x1  }
0xba: {  	v8 =	vld [tilespmem:$0xA800];
	[tilespmem:$0x1A780] =	vst v0  }
0xbb: {  	v9 =	vld [tilespmem:s25+$0x11180];
	_ =	sdelay $0x4  }
0xbc: {  	v0 =	vsub.f32 v8, v9;
	_ =	sdelay $0x1  }
0xbd: {  	v10 =	vld [tilespmem:$0xA880];
	[tilespmem:$0x1A800] =	vst v0  }
0xbe: {  	v11 =	vld [tilespmem:s25+$0x11180];
	_ =	sdelay $0x4  }
0xbf: {  	v0 =	vsub.f32 v10, v11;
	_ =	sdelay $0x1  }
0xc0: {  	v12 =	vld [tilespmem:$0xA900];
	[tilespmem:$0x1A880] =	vst v0  }
0xc1: {  	v13 =	vld [tilespmem:s25+$0x11180];
	_ =	sdelay $0x4  }
0xc2: {  	v0 =	vsub.f32 v12, v13;
	_ =	sdelay $0x1  }
0xc3: {  	v14 =	vld [tilespmem:$0xA980];
	[tilespmem:$0x1A900] =	vst v0  }
0xc4: {  	v15 =	vld [tilespmem:s25+$0x11180];
	_ =	sdelay $0x4  }
0xc5: {  	v0 =	vsub.f32 v14, v15;
	_ =	sdelay $0x1  }
0xc6: {  	v16 =	vld [tilespmem:$0xAA00];
	[tilespmem:$0x1A980] =	vst v0  }
0xc7: {  	v17 =	vld [tilespmem:s25+$0x11180];
	_ =	sdelay $0x4  }
0xc8: {  	v0 =	vsub.f32 v16, v17;
	_ =	sdelay $0x1  }
0xc9: {  	v18 =	vld [tilespmem:$0xAA80];
	[tilespmem:$0x1AA00] =	vst v0  }
0xca: {  	v19 =	vld [tilespmem:s25+$0x11180];
	_ =	sdelay $0x4  }
0xcb: {  	v0 =	vsub.f32 v18, v19;
	_ =	sdelay $0x1  }
0xcc: {  	v20 =	vld [tilespmem:$0xAB00];
	[tilespmem:$0x1AA80] =	vst v0  }
0xcd: {  	v21 =	vld [tilespmem:s25+$0x11180];
	_ =	sdelay $0x4  }
0xce: {  	v0 =	vsub.f32 v20, v21;
	_ =	sdelay $0x1  }
0xcf: {  	v22 =	vld [tilespmem:$0xAB80];
	[tilespmem:$0x1AB00] =	vst v0  }
0xd0: {  	v23 =	vld [tilespmem:s25+$0x11180];
	_ =	sdelay $0x4  }
0xd1: {  	v0 =	vsub.f32 v22, v23;
	_ =	sdelay $0x1  }
0xd2: {  	v24 =	vld [tilespmem:$0xAC00];
	[tilespmem:$0x1AB80] =	vst v0  }
0xd3: {  	v25 =	vld [tilespmem:s25+$0x11180];
	_ =	sdelay $0x4  }
0xd4: {  	v0 =	vsub.f32 v24, v25;
	_ =	sdelay $0x1  }
0xd5: {  	v26 =	vld [tilespmem:$0xAC80];
	[tilespmem:$0x1AC00] =	vst v0  }
0xd6: {  	v27 =	vld [tilespmem:s25+$0x11180];
	_ =	sdelay $0x4  }
0xd7: {  	v0 =	vsub.f32 v26, v27;
	_ =	sdelay $0x1  }
0xd8: {  	v28 =	vld [tilespmem:$0xAD00];
	[tilespmem:$0x1AC80] =	vst v0  }
0xd9: {  	v29 =	vld [tilespmem:s25+$0x11180];
	_ =	sdelay $0x4  }
0xda: {  	v0 =	vsub.f32 v28, v29;
	_ =	sdelay $0x1  }
0xdb: {  	v30 =	vld [tilespmem:$0xAD80];
	[tilespmem:$0x1AD00] =	vst v0  }
0xdc: {  	v31 =	vld [tilespmem:s25+$0x11180];
	_ =	sdelay $0x4  }
0xdd: {  	v0 =	vsub.f32 v30, v31;
	_ =	sdelay $0x1  }
0xde: {  	v32 =	vld [tilespmem:$0xAE00];
	[tilespmem:$0x1AD80] =	vst v0  }
0xdf: {  	v33 =	vld [tilespmem:s25+$0x11180];
	_ =	sdelay $0x4  }
0xe0: {  	v0 =	vsub.f32 v32, v33;
	_ =	sdelay $0x1  }
0xe1: {  	v34 =	vld [tilespmem:$0xAE80];
	[tilespmem:$0x1AE00] =	vst v0  }
0xe2: {  	v35 =	vld [tilespmem:s25+$0x11180];
	_ =	sdelay $0x4  }
0xe3: {  	v0 =	vsub.f32 v34, v35;
	_ =	sdelay $0x1  }
0xe4: {  	v36 =	vld [tilespmem:$0xAF00];
	[tilespmem:$0x1AE80] =	vst v0  }
0xe5: {  	v37 =	vld [tilespmem:s25+$0x11180];
	_ =	sdelay $0x4  }
0xe6: {  	v0 =	vsub.f32 v36, v37;
	_ =	sdelay $0x1  }
0xe7: {  	v38 =	vld [tilespmem:$0xAF80];
	[tilespmem:$0x1AF00] =	vst v0  }
0xe8: {  	v39 =	vld [tilespmem:s25+$0x11180];
	_ =	sdelay $0x4  }
0xe9: {  	v0 =	vsub.f32 v38, v39;
	_ =	sdelay $0x1  }
0xea: {  	v40 =	vld [tilespmem:$0xB000];
	[tilespmem:$0x1AF80] =	vst v0  }
0xeb: {  	v41 =	vld [tilespmem:s25+$0x11200];
	_ =	sdelay $0x4  }
0xec: {  	v0 =	vsub.f32 v40, v41;
	_ =	sdelay $0x1  }
0xed: {  	v42 =	vld [tilespmem:$0xB080];
	[tilespmem:$0x1B000] =	vst v0  }
0xee: {  	v43 =	vld [tilespmem:s25+$0x11200];
	_ =	sdelay $0x4  }
0xef: {  	v0 =	vsub.f32 v42, v43;
	_ =	sdelay $0x1  }
0xf0: {  	v44 =	vld [tilespmem:$0xB100];
	[tilespmem:$0x1B080] =	vst v0  }
0xf1: {  	v45 =	vld [tilespmem:s25+$0x11200];
	_ =	sdelay $0x4  }
0xf2: {  	v0 =	vsub.f32 v44, v45;
	_ =	sdelay $0x1  }
0xf3: {  	v46 =	vld [tilespmem:$0xB180];
	[tilespmem:$0x1B100] =	vst v0  }
0xf4: {  	v47 =	vld [tilespmem:s25+$0x11200];
	_ =	sdelay $0x4  }
0xf5: {  	v0 =	vsub.f32 v46, v47;
	_ =	sdelay $0x1  }
0xf6: {  	v48 =	vld [tilespmem:$0xB200];
	[tilespmem:$0x1B180] =	vst v0  }
0xf7: {  	v49 =	vld [tilespmem:s25+$0x11200];
	_ =	sdelay $0x4  }
0xf8: {  	v0 =	vsub.f32 v48, v49;
	_ =	sdelay $0x1  }
0xf9: {  	v50 =	vld [tilespmem:$0xB280];
	[tilespmem:$0x1B200] =	vst v0  }
0xfa: {  	v51 =	vld [tilespmem:s25+$0x11200];
	_ =	sdelay $0x4  }
0xfb: {  	v0 =	vsub.f32 v50, v51;
	_ =	sdelay $0x1  }
0xfc: {  	v52 =	vld [tilespmem:$0xB300];
	[tilespmem:$0x1B280] =	vst v0  }
0xfd: {  	v53 =	vld [tilespmem:s25+$0x11200];
	_ =	sdelay $0x4  }
0xfe: {  	v0 =	vsub.f32 v52, v53;
	_ =	sdelay $0x1  }
0xff: {  	v54 =	vld [tilespmem:$0xB380];
	[tilespmem:$0x1B300] =	vst v0  }
0x100: {  	v55 =	vld [tilespmem:s25+$0x11200];
	_ =	sdelay $0x4  }
0x101: {  	v0 =	vsub.f32 v54, v55;
	_ =	sdelay $0x1  }
0x102: {  	v56 =	vld [tilespmem:$0xB400];
	[tilespmem:$0x1B380] =	vst v0  }
0x103: {  	v57 =	vld [tilespmem:s25+$0x11200];
	_ =	sdelay $0x4  }
0x104: {  	v0 =	vsub.f32 v56, v57;
	_ =	sdelay $0x1  }
0x105: {  	v58 =	vld [tilespmem:$0xB480];
	[tilespmem:$0x1B400] =	vst v0  }
0x106: {  	v59 =	vld [tilespmem:s25+$0x11200];
	_ =	sdelay $0x4  }
0x107: {  	v0 =	vsub.f32 v58, v59;
	_ =	sdelay $0x1  }
0x108: {  	v60 =	vld [tilespmem:$0xB500];
	[tilespmem:$0x1B480] =	vst v0  }
0x109: {  	v61 =	vld [tilespmem:s25+$0x11200];
	_ =	sdelay $0x4  }
0x10a: {  	v0 =	vsub.f32 v60, v61;
	_ =	sdelay $0x1  }
0x10b: {  	v62 =	vld [tilespmem:$0xB580];
	[tilespmem:$0x1B500] =	vst v0  }
0x10c: {  	v63 =	vld [tilespmem:s25+$0x11200];
	_ =	sdelay $0x4  }
0x10d: {  	v0 =	vsub.f32 v62, v63;
	_ =	sdelay $0x1  }
0x10e: {  	v4 =	vld [tilespmem:$0xB600];
	[tilespmem:$0x1B580] =	vst v0  }
0x10f: {  	v5 =	vld [tilespmem:s25+$0x11200];
	_ =	sdelay $0x4  }
0x110: {  	v0 =	vsub.f32 v4, v5;
	_ =	sdelay $0x1  }
0x111: {  	v6 =	vld [tilespmem:$0xB680];
	[tilespmem:$0x1B600] =	vst v0  }
0x112: {  	v7 =	vld [tilespmem:s25+$0x11200];
	_ =	sdelay $0x4  }
0x113: {  	v0 =	vsub.f32 v6, v7;
	_ =	sdelay $0x1  }
0x114: {  	v8 =	vld [tilespmem:$0xB700];
	[tilespmem:$0x1B680] =	vst v0  }
0x115: {  	v9 =	vld [tilespmem:s25+$0x11200];
	_ =	sdelay $0x4  }
0x116: {  	v0 =	vsub.f32 v8, v9;
	_ =	sdelay $0x1  }
0x117: {  	v10 =	vld [tilespmem:$0xB780];
	[tilespmem:$0x1B700] =	vst v0  }
0x118: {  	v11 =	vld [tilespmem:s25+$0x11200];
	_ =	sdelay $0x4  }
0x119: {  	v0 =	vsub.f32 v10, v11;
	_ =	sdelay $0x1  }
0x11a: {  	v12 =	vld [tilespmem:$0xB800];
	[tilespmem:$0x1B780] =	vst v0  }
0x11b: {  	v13 =	vld [tilespmem:s25+$0x11280];
	_ =	sdelay $0x4  }
0x11c: {  	v0 =	vsub.f32 v12, v13;
	_ =	sdelay $0x1  }
0x11d: {  	v14 =	vld [tilespmem:$0xB880];
	[tilespmem:$0x1B800] =	vst v0  }
0x11e: {  	v15 =	vld [tilespmem:s25+$0x11280];
	_ =	sdelay $0x4  }
0x11f: {  	v0 =	vsub.f32 v14, v15;
	_ =	sdelay $0x1  }
0x120: {  	v16 =	vld [tilespmem:$0xB900];
	[tilespmem:$0x1B880] =	vst v0  }
0x121: {  	v17 =	vld [tilespmem:s25+$0x11280];
	_ =	sdelay $0x4  }
0x122: {  	v0 =	vsub.f32 v16, v17;
	_ =	sdelay $0x1  }
0x123: {  	v18 =	vld [tilespmem:$0xB980];
	[tilespmem:$0x1B900] =	vst v0  }
0x124: {  	v19 =	vld [tilespmem:s25+$0x11280];
	_ =	sdelay $0x4  }
0x125: {  	v0 =	vsub.f32 v18, v19;
	_ =	sdelay $0x1  }
0x126: {  	v20 =	vld [tilespmem:$0xBA00];
	[tilespmem:$0x1B980] =	vst v0  }
0x127: {  	v21 =	vld [tilespmem:s25+$0x11280];
	_ =	sdelay $0x4  }
0x128: {  	v0 =	vsub.f32 v20, v21;
	_ =	sdelay $0x1  }
0x129: {  	v22 =	vld [tilespmem:$0xBA80];
	[tilespmem:$0x1BA00] =	vst v0  }
0x12a: {  	v23 =	vld [tilespmem:s25+$0x11280];
	_ =	sdelay $0x4  }
0x12b: {  	v0 =	vsub.f32 v22, v23;
	_ =	sdelay $0x1  }
0x12c: {  	v24 =	vld [tilespmem:$0xBB00];
	[tilespmem:$0x1BA80] =	vst v0  }
0x12d: {  	v25 =	vld [tilespmem:s25+$0x11280];
	_ =	sdelay $0x4  }
0x12e: {  	v0 =	vsub.f32 v24, v25;
	_ =	sdelay $0x1  }
0x12f: {  	v26 =	vld [tilespmem:$0xBB80];
	[tilespmem:$0x1BB00] =	vst v0  }
0x130: {  	v27 =	vld [tilespmem:s25+$0x11280];
	_ =	sdelay $0x4  }
0x131: {  	v0 =	vsub.f32 v26, v27;
	_ =	sdelay $0x1  }
0x132: {  	v28 =	vld [tilespmem:$0xBC00];
	[tilespmem:$0x1BB80] =	vst v0  }
0x133: {  	v29 =	vld [tilespmem:s25+$0x11280];
	_ =	sdelay $0x4  }
0x134: {  	v0 =	vsub.f32 v28, v29;
	_ =	sdelay $0x1  }
0x135: {  	v30 =	vld [tilespmem:$0xBC80];
	[tilespmem:$0x1BC00] =	vst v0  }
0x136: {  	v31 =	vld [tilespmem:s25+$0x11280];
	_ =	sdelay $0x4  }
0x137: {  	v0 =	vsub.f32 v30, v31;
	_ =	sdelay $0x1  }
0x138: {  	v32 =	vld [tilespmem:$0xBD00];
	[tilespmem:$0x1BC80] =	vst v0  }
0x139: {  	v33 =	vld [tilespmem:s25+$0x11280];
	_ =	sdelay $0x4  }
0x13a: {  	v0 =	vsub.f32 v32, v33;
	_ =	sdelay $0x1  }
0x13b: {  	v34 =	vld [tilespmem:$0xBD80];
	[tilespmem:$0x1BD00] =	vst v0  }
0x13c: {  	v35 =	vld [tilespmem:s25+$0x11280];
	_ =	sdelay $0x4  }
0x13d: {  	v0 =	vsub.f32 v34, v35;
	_ =	sdelay $0x1  }
0x13e: {  	v36 =	vld [tilespmem:$0xBE00];
	[tilespmem:$0x1BD80] =	vst v0  }
0x13f: {  	v37 =	vld [tilespmem:s25+$0x11280];
	_ =	sdelay $0x4  }
0x140: {  	v0 =	vsub.f32 v36, v37;
	_ =	sdelay $0x1  }
0x141: {  	v38 =	vld [tilespmem:$0xBE80];
	[tilespmem:$0x1BE00] =	vst v0  }
0x142: {  	v39 =	vld [tilespmem:s25+$0x11280];
	_ =	sdelay $0x4  }
0x143: {  	v0 =	vsub.f32 v38, v39;
	_ =	sdelay $0x1  }
0x144: {  	v40 =	vld [tilespmem:$0xBF00];
	[tilespmem:$0x1BE80] =	vst v0  }
0x145: {  	v41 =	vld [tilespmem:s25+$0x11280];
	_ =	sdelay $0x4  }
0x146: {  	v0 =	vsub.f32 v40, v41;
	_ =	sdelay $0x1  }
0x147: {  	v42 =	vld [tilespmem:$0xBF80];
	[tilespmem:$0x1BF00] =	vst v0  }
0x148: {  	v43 =	vld [tilespmem:s25+$0x11280];
	_ =	sdelay $0x4  }
0x149: {  	v0 =	vsub.f32 v42, v43;
	_ =	sdelay $0x1  }
0x14a: {  	v44 =	vld [tilespmem:$0xC000];
	[tilespmem:$0x1BF80] =	vst v0  }
0x14b: {  	v45 =	vld [tilespmem:s25+$0x11300];
	_ =	sdelay $0x4  }
0x14c: {  	v0 =	vsub.f32 v44, v45;
	_ =	sdelay $0x1  }
0x14d: {  	v46 =	vld [tilespmem:$0xC080];
	[tilespmem:$0x1C000] =	vst v0  }
0x14e: {  	v47 =	vld [tilespmem:s25+$0x11300];
	_ =	sdelay $0x4  }
0x14f: {  	v0 =	vsub.f32 v46, v47;
	_ =	sdelay $0x1  }
0x150: {  	v48 =	vld [tilespmem:$0xC100];
	[tilespmem:$0x1C080] =	vst v0  }
0x151: {  	v49 =	vld [tilespmem:s25+$0x11300];
	_ =	sdelay $0x4  }
0x152: {  	v0 =	vsub.f32 v48, v49;
	_ =	sdelay $0x1  }
0x153: {  	v50 =	vld [tilespmem:$0xC180];
	[tilespmem:$0x1C100] =	vst v0  }
0x154: {  	v51 =	vld [tilespmem:s25+$0x11300];
	_ =	sdelay $0x4  }
0x155: {  	v0 =	vsub.f32 v50, v51;
	_ =	sdelay $0x1  }
0x156: {  	v52 =	vld [tilespmem:$0xC200];
	[tilespmem:$0x1C180] =	vst v0  }
0x157: {  	v53 =	vld [tilespmem:s25+$0x11300];
	_ =	sdelay $0x4  }
0x158: {  	v0 =	vsub.f32 v52, v53;
	_ =	sdelay $0x1  }
0x159: {  	v54 =	vld [tilespmem:$0xC280];
	[tilespmem:$0x1C200] =	vst v0  }
0x15a: {  	v55 =	vld [tilespmem:s25+$0x11300];
	_ =	sdelay $0x4  }
0x15b: {  	v0 =	vsub.f32 v54, v55;
	_ =	sdelay $0x1  }
0x15c: {  	v56 =	vld [tilespmem:$0xC300];
	[tilespmem:$0x1C280] =	vst v0  }
0x15d: {  	v57 =	vld [tilespmem:s25+$0x11300];
	_ =	sdelay $0x4  }
0x15e: {  	v0 =	vsub.f32 v56, v57;
	_ =	sdelay $0x1  }
0x15f: {  	v58 =	vld [tilespmem:$0xC380];
	[tilespmem:$0x1C300] =	vst v0  }
0x160: {  	v59 =	vld [tilespmem:s25+$0x11300];
	_ =	sdelay $0x4  }
0x161: {  	v0 =	vsub.f32 v58, v59;
	_ =	sdelay $0x1  }
0x162: {  	v60 =	vld [tilespmem:$0xC400];
	[tilespmem:$0x1C380] =	vst v0  }
0x163: {  	v61 =	vld [tilespmem:s25+$0x11300];
	_ =	sdelay $0x4  }
0x164: {  	v0 =	vsub.f32 v60, v61;
	_ =	sdelay $0x1  }
0x165: {  	v62 =	vld [tilespmem:$0xC480];
	[tilespmem:$0x1C400] =	vst v0  }
0x166: {  	v63 =	vld [tilespmem:s25+$0x11300];
	_ =	sdelay $0x4  }
0x167: {  	v0 =	vsub.f32 v62, v63;
	_ =	sdelay $0x1  }
0x168: {  	v4 =	vld [tilespmem:$0xC500];
	[tilespmem:$0x1C480] =	vst v0  }
0x169: {  	v5 =	vld [tilespmem:s25+$0x11300];
	_ =	sdelay $0x4  }
0x16a: {  	v0 =	vsub.f32 v4, v5;
	_ =	sdelay $0x1  }
0x16b: {  	v6 =	vld [tilespmem:$0xC580];
	[tilespmem:$0x1C500] =	vst v0  }
0x16c: {  	v7 =	vld [tilespmem:s25+$0x11300];
	_ =	sdelay $0x4  }
0x16d: {  	v0 =	vsub.f32 v6, v7;
	_ =	sdelay $0x1  }
0x16e: {  	v8 =	vld [tilespmem:$0xC600];
	[tilespmem:$0x1C580] =	vst v0  }
0x16f: {  	v9 =	vld [tilespmem:s25+$0x11300];
	_ =	sdelay $0x4  }
0x170: {  	v0 =	vsub.f32 v8, v9;
	_ =	sdelay $0x1  }
0x171: {  	v10 =	vld [tilespmem:$0xC680];
	[tilespmem:$0x1C600] =	vst v0  }
0x172: {  	v11 =	vld [tilespmem:s25+$0x11300];
	_ =	sdelay $0x4  }
0x173: {  	v0 =	vsub.f32 v10, v11;
	_ =	sdelay $0x1  }
0x174: {  	v12 =	vld [tilespmem:$0xC700];
	[tilespmem:$0x1C680] =	vst v0  }
0x175: {  	v13 =	vld [tilespmem:s25+$0x11300];
	_ =	sdelay $0x4  }
0x176: {  	v0 =	vsub.f32 v12, v13;
	_ =	sdelay $0x1  }
0x177: {  	v14 =	vld [tilespmem:$0xC780];
	[tilespmem:$0x1C700] =	vst v0  }
0x178: {  	v15 =	vld [tilespmem:s25+$0x11300];
	_ =	sdelay $0x4  }
0x179: {  	v0 =	vsub.f32 v14, v15;
	_ =	sdelay $0x1  }
0x17a: {  	v16 =	vld [tilespmem:$0xC800];
	[tilespmem:$0x1C780] =	vst v0  }
0x17b: {  	v17 =	vld [tilespmem:s25+$0x11380];
	_ =	sdelay $0x4  }
0x17c: {  	v0 =	vsub.f32 v16, v17;
	_ =	sdelay $0x1  }
0x17d: {  	v18 =	vld [tilespmem:$0xC880];
	[tilespmem:$0x1C800] =	vst v0  }
0x17e: {  	v19 =	vld [tilespmem:s25+$0x11380];
	_ =	sdelay $0x4  }
0x17f: {  	v0 =	vsub.f32 v18, v19;
	_ =	sdelay $0x1  }
0x180: {  	v20 =	vld [tilespmem:$0xC900];
	[tilespmem:$0x1C880] =	vst v0  }
0x181: {  	v21 =	vld [tilespmem:s25+$0x11380];
	_ =	sdelay $0x4  }
0x182: {  	v0 =	vsub.f32 v20, v21;
	_ =	sdelay $0x1  }
0x183: {  	v22 =	vld [tilespmem:$0xC980];
	[tilespmem:$0x1C900] =	vst v0  }
0x184: {  	v23 =	vld [tilespmem:s25+$0x11380];
	_ =	sdelay $0x4  }
0x185: {  	v0 =	vsub.f32 v22, v23;
	_ =	sdelay $0x1  }
0x186: {  	v24 =	vld [tilespmem:$0xCA00];
	[tilespmem:$0x1C980] =	vst v0  }
0x187: {  	v25 =	vld [tilespmem:s25+$0x11380];
	_ =	sdelay $0x4  }
0x188: {  	v0 =	vsub.f32 v24, v25;
	_ =	sdelay $0x1  }
0x189: {  	v26 =	vld [tilespmem:$0xCA80];
	[tilespmem:$0x1CA00] =	vst v0  }
0x18a: {  	v27 =	vld [tilespmem:s25+$0x11380];
	_ =	sdelay $0x4  }
0x18b: {  	v0 =	vsub.f32 v26, v27;
	_ =	sdelay $0x1  }
0x18c: {  	v28 =	vld [tilespmem:$0xCB00];
	[tilespmem:$0x1CA80] =	vst v0  }
0x18d: {  	v29 =	vld [tilespmem:s25+$0x11380];
	_ =	sdelay $0x4  }
0x18e: {  	v0 =	vsub.f32 v28, v29;
	_ =	sdelay $0x1  }
0x18f: {  	v30 =	vld [tilespmem:$0xCB80];
	[tilespmem:$0x1CB00] =	vst v0  }
0x190: {  	v31 =	vld [tilespmem:s25+$0x11380];
	_ =	sdelay $0x4  }
0x191: {  	v0 =	vsub.f32 v30, v31;
	_ =	sdelay $0x1  }
0x192: {  	v32 =	vld [tilespmem:$0xCC00];
	[tilespmem:$0x1CB80] =	vst v0  }
0x193: {  	v33 =	vld [tilespmem:s25+$0x11380];
	_ =	sdelay $0x4  }
0x194: {  	v0 =	vsub.f32 v32, v33;
	_ =	sdelay $0x1  }
0x195: {  	v34 =	vld [tilespmem:$0xCC80];
	[tilespmem:$0x1CC00] =	vst v0  }
0x196: {  	v35 =	vld [tilespmem:s25+$0x11380];
	_ =	sdelay $0x4  }
0x197: {  	v0 =	vsub.f32 v34, v35;
	_ =	sdelay $0x1  }
0x198: {  	v36 =	vld [tilespmem:$0xCD00];
	[tilespmem:$0x1CC80] =	vst v0  }
0x199: {  	v37 =	vld [tilespmem:s25+$0x11380];
	_ =	sdelay $0x4  }
0x19a: {  	v0 =	vsub.f32 v36, v37;
	_ =	sdelay $0x1  }
0x19b: {  	v38 =	vld [tilespmem:$0xCD80];
	[tilespmem:$0x1CD00] =	vst v0  }
0x19c: {  	v39 =	vld [tilespmem:s25+$0x11380];
	_ =	sdelay $0x4  }
0x19d: {  	v0 =	vsub.f32 v38, v39;
	_ =	sdelay $0x1  }
0x19e: {  	v40 =	vld [tilespmem:$0xCE00];
	[tilespmem:$0x1CD80] =	vst v0  }
0x19f: {  	v41 =	vld [tilespmem:s25+$0x11380];
	_ =	sdelay $0x4  }
0x1a0: {  	v0 =	vsub.f32 v40, v41;
	_ =	sdelay $0x1  }
0x1a1: {  	v42 =	vld [tilespmem:$0xCE80];
	[tilespmem:$0x1CE00] =	vst v0  }
0x1a2: {  	v43 =	vld [tilespmem:s25+$0x11380];
	_ =	sdelay $0x4  }
0x1a3: {  	v0 =	vsub.f32 v42, v43;
	_ =	sdelay $0x1  }
0x1a4: {  	v44 =	vld [tilespmem:$0xCF00];
	[tilespmem:$0x1CE80] =	vst v0  }
0x1a5: {  	v45 =	vld [tilespmem:s25+$0x11380];
	_ =	sdelay $0x4  }
0x1a6: {  	v0 =	vsub.f32 v44, v45;
	_ =	sdelay $0x1  }
0x1a7: {  	v46 =	vld [tilespmem:$0xCF80];
	[tilespmem:$0x1CF00] =	vst v0  }
0x1a8: {  	v47 =	vld [tilespmem:s25+$0x11380];
	_ =	sdelay $0x4  }
0x1a9: {  	s28 =	sshll.u32 s24, $0xC;
	v0 =	vsub.f32 v46, v47  }
0x1aa: {  	s25 =	sadd.s32 s9, s28  }
0x1ab: {  	s26 =	sadd.s32 s3, s25;
	[tilespmem:$0x1CF80] =	vst v0  }
0x1ac: {  	[hbm4b:s26+s4] =	stream.linear.scatter [tilespmem:s14], [sflag:$0x5], $0x4000, $0x38;
	[tilespmem:$0x1D000] =	vst v63  }
0x1ad: {  	_ =	swait.ge [sflag:s11], $0x4000  }
0x1ae: {  	[sflag:s11] =	ssyncset.done $0x0  }
0x1af: {  	p0 =	seq.s32 s24, $0xF;
	s25 =	sadd.s32 s6, s25;
	[sflag:s11] =	ssyncadd.s32 $0xFFFFC000  }
0x1b0: {  	[hbm4b:s25+s4] =	stream.linear.scatter [tilespmem:s20], [sflag:$0x5], $0x4000, $0x38;
	[tilespmem:$0x1D000] =	vst v63  }
0x1b1: {  	s25 =	sshll.u32 @!p0 s24, $0x8;
	_ =	swait.ge [sflag:s11], $0x4000  }
0x1b2: {  	s28 =	simm.s32 @!p0 $0x1000;
	s25 =	sand.u32 @!p0 $0x3FFFFF00, s25;
	[sflag:s11] =	ssyncset.done $0x0  }
0x1b3: {  	s26 =	simm.s32 @!p0 $0x80;
	s25 =	sadd.s32 @!p0 $0x100, s25;
	[sflag:s11] =	ssyncadd.s32 $0xFFFFC000  }
0x1b4: {  	[tilespmem:s28], [sflag:$0x1] =	stream.indirect.gather @!p0 [hbm4b:s1+s26], $0x80, s25, s26, $0xb8;
	[tilespmem:$0x1D000] =	vst v63  }
0x1b5: {  	s28 =	simm.s32 @!p0 $0x9000  }
0x1b6: {  	[tilespmem:s28], [sflag:$0x3] =	stream.indirect.gather @!p0 [hbm4b:s5+s26], $0x80, s25, s26, $0xb8;
	[tilespmem:$0x1D000] =	vst v63  }
0x1b7: {  	_ =	swait.ge [sflag:s21], $0x4000  }
0x1b8: {  	[sflag:s21] =	ssyncset.done $0x0  }
0x1b9: {  	[sflag:s21] =	ssyncadd.s32 $0xFFFFC000  }
0x1ba: {  	s29 =	sshll.u32 s24, $0x1;
	_ =	swait.ge [sflag:s22], $0x4000  }
0x1bb: {  	s25 =	sor.u32 $0x1, s29;
	[sflag:s22] =	ssyncset.done $0x0  }
0x1bc: {  	s30 =	sshll.u32 s25, $0xA;
	[sflag:s22] =	ssyncadd.s32 $0xFFFFC000  }
0x1bd: {  	s26 =	sand.u32 $0x3FFFFC00, s30;
	v48 =	vld [tilespmem:$0xD000]  }
0x1be: {  	v49 =	vld [tilespmem:s26+$0x11000];
	_ =	sdelay $0x4  }
0x1bf: {  	v0 =	vsub.f32 v48, v49;
	_ =	sdelay $0x1  }
0x1c0: {  	v50 =	vld [tilespmem:$0xD080];
	[tilespmem:$0x19000] =	vst v0  }
0x1c1: {  	v51 =	vld [tilespmem:s26+$0x11000];
	_ =	sdelay $0x4  }
0x1c2: {  	v0 =	vsub.f32 v50, v51;
	_ =	sdelay $0x1  }
0x1c3: {  	v52 =	vld [tilespmem:$0xD100];
	[tilespmem:$0x19080] =	vst v0  }
0x1c4: {  	v53 =	vld [tilespmem:s26+$0x11000];
	_ =	sdelay $0x4  }
0x1c5: {  	v0 =	vsub.f32 v52, v53;
	_ =	sdelay $0x1  }
0x1c6: {  	v54 =	vld [tilespmem:$0xD180];
	[tilespmem:$0x19100] =	vst v0  }
0x1c7: {  	v55 =	vld [tilespmem:s26+$0x11000];
	_ =	sdelay $0x4  }
0x1c8: {  	v0 =	vsub.f32 v54, v55;
	_ =	sdelay $0x1  }
0x1c9: {  	v56 =	vld [tilespmem:$0xD200];
	[tilespmem:$0x19180] =	vst v0  }
0x1ca: {  	v57 =	vld [tilespmem:s26+$0x11000];
	_ =	sdelay $0x4  }
0x1cb: {  	v0 =	vsub.f32 v56, v57;
	_ =	sdelay $0x1  }
0x1cc: {  	v58 =	vld [tilespmem:$0xD280];
	[tilespmem:$0x19200] =	vst v0  }
0x1cd: {  	v59 =	vld [tilespmem:s26+$0x11000];
	_ =	sdelay $0x4  }
0x1ce: {  	v0 =	vsub.f32 v58, v59;
	_ =	sdelay $0x1  }
0x1cf: {  	v60 =	vld [tilespmem:$0xD300];
	[tilespmem:$0x19280] =	vst v0  }
0x1d0: {  	v61 =	vld [tilespmem:s26+$0x11000];
	_ =	sdelay $0x4  }
0x1d1: {  	v0 =	vsub.f32 v60, v61;
	_ =	sdelay $0x1  }
0x1d2: {  	v62 =	vld [tilespmem:$0xD380];
	[tilespmem:$0x19300] =	vst v0  }
0x1d3: {  	v63 =	vld [tilespmem:s26+$0x11000];
	_ =	sdelay $0x4  }
0x1d4: {  	v0 =	vsub.f32 v62, v63;
	_ =	sdelay $0x1  }
0x1d5: {  	v4 =	vld [tilespmem:$0xD400];
	[tilespmem:$0x19380] =	vst v0  }
0x1d6: {  	v5 =	vld [tilespmem:s26+$0x11000];
	_ =	sdelay $0x4  }
0x1d7: {  	v0 =	vsub.f32 v4, v5;
	_ =	sdelay $0x1  }
0x1d8: {  	v6 =	vld [tilespmem:$0xD480];
	[tilespmem:$0x19400] =	vst v0  }
0x1d9: {  	v7 =	vld [tilespmem:s26+$0x11000];
	_ =	sdelay $0x4  }
0x1da: {  	v0 =	vsub.f32 v6, v7;
	_ =	sdelay $0x1  }
0x1db: {  	v8 =	vld [tilespmem:$0xD500];
	[tilespmem:$0x19480] =	vst v0  }
0x1dc: {  	v9 =	vld [tilespmem:s26+$0x11000];
	_ =	sdelay $0x4  }
0x1dd: {  	v0 =	vsub.f32 v8, v9;
	_ =	sdelay $0x1  }
0x1de: {  	v10 =	vld [tilespmem:$0xD580];
	[tilespmem:$0x19500] =	vst v0  }
0x1df: {  	v11 =	vld [tilespmem:s26+$0x11000];
	_ =	sdelay $0x4  }
0x1e0: {  	v0 =	vsub.f32 v10, v11;
	_ =	sdelay $0x1  }
0x1e1: {  	v12 =	vld [tilespmem:$0xD600];
	[tilespmem:$0x19580] =	vst v0  }
0x1e2: {  	v13 =	vld [tilespmem:s26+$0x11000];
	_ =	sdelay $0x4  }
0x1e3: {  	v0 =	vsub.f32 v12, v13;
	_ =	sdelay $0x1  }
0x1e4: {  	v14 =	vld [tilespmem:$0xD680];
	[tilespmem:$0x19600] =	vst v0  }
0x1e5: {  	v15 =	vld [tilespmem:s26+$0x11000];
	_ =	sdelay $0x4  }
0x1e6: {  	v0 =	vsub.f32 v14, v15;
	_ =	sdelay $0x1  }
0x1e7: {  	v16 =	vld [tilespmem:$0xD700];
	[tilespmem:$0x19680] =	vst v0  }
0x1e8: {  	v17 =	vld [tilespmem:s26+$0x11000];
	_ =	sdelay $0x4  }
0x1e9: {  	v0 =	vsub.f32 v16, v17;
	_ =	sdelay $0x1  }
0x1ea: {  	v18 =	vld [tilespmem:$0xD780];
	[tilespmem:$0x19700] =	vst v0  }
0x1eb: {  	v19 =	vld [tilespmem:s26+$0x11000];
	_ =	sdelay $0x4  }
0x1ec: {  	v0 =	vsub.f32 v18, v19;
	_ =	sdelay $0x1  }
0x1ed: {  	v20 =	vld [tilespmem:$0xD800];
	[tilespmem:$0x19780] =	vst v0  }
0x1ee: {  	v21 =	vld [tilespmem:s26+$0x11080];
	_ =	sdelay $0x4  }
0x1ef: {  	v0 =	vsub.f32 v20, v21;
	_ =	sdelay $0x1  }
0x1f0: {  	v22 =	vld [tilespmem:$0xD880];
	[tilespmem:$0x19800] =	vst v0  }
0x1f1: {  	v23 =	vld [tilespmem:s26+$0x11080];
	_ =	sdelay $0x4  }
0x1f2: {  	v0 =	vsub.f32 v22, v23;
	_ =	sdelay $0x1  }
0x1f3: {  	v24 =	vld [tilespmem:$0xD900];
	[tilespmem:$0x19880] =	vst v0  }
0x1f4: {  	v25 =	vld [tilespmem:s26+$0x11080];
	_ =	sdelay $0x4  }
0x1f5: {  	v0 =	vsub.f32 v24, v25;
	_ =	sdelay $0x1  }
0x1f6: {  	v26 =	vld [tilespmem:$0xD980];
	[tilespmem:$0x19900] =	vst v0  }
0x1f7: {  	v27 =	vld [tilespmem:s26+$0x11080];
	_ =	sdelay $0x4  }
0x1f8: {  	v0 =	vsub.f32 v26, v27;
	_ =	sdelay $0x1  }
0x1f9: {  	v28 =	vld [tilespmem:$0xDA00];
	[tilespmem:$0x19980] =	vst v0  }
0x1fa: {  	v29 =	vld [tilespmem:s26+$0x11080];
	_ =	sdelay $0x4  }
0x1fb: {  	v0 =	vsub.f32 v28, v29;
	_ =	sdelay $0x1  }
0x1fc: {  	v30 =	vld [tilespmem:$0xDA80];
	[tilespmem:$0x19A00] =	vst v0  }
0x1fd: {  	v31 =	vld [tilespmem:s26+$0x11080];
	_ =	sdelay $0x4  }
0x1fe: {  	v0 =	vsub.f32 v30, v31;
	_ =	sdelay $0x1  }
0x1ff: {  	v32 =	vld [tilespmem:$0xDB00];
	[tilespmem:$0x19A80] =	vst v0  }
0x200: {  	v33 =	vld [tilespmem:s26+$0x11080];
	_ =	sdelay $0x4  }
0x201: {  	v0 =	vsub.f32 v32, v33;
	_ =	sdelay $0x1  }
0x202: {  	v34 =	vld [tilespmem:$0xDB80];
	[tilespmem:$0x19B00] =	vst v0  }
0x203: {  	v35 =	vld [tilespmem:s26+$0x11080];
	_ =	sdelay $0x4  }
0x204: {  	v0 =	vsub.f32 v34, v35;
	_ =	sdelay $0x1  }
0x205: {  	v36 =	vld [tilespmem:$0xDC00];
	[tilespmem:$0x19B80] =	vst v0  }
0x206: {  	v37 =	vld [tilespmem:s26+$0x11080];
	_ =	sdelay $0x4  }
0x207: {  	v0 =	vsub.f32 v36, v37;
	_ =	sdelay $0x1  }
0x208: {  	v38 =	vld [tilespmem:$0xDC80];
	[tilespmem:$0x19C00] =	vst v0  }
0x209: {  	v39 =	vld [tilespmem:s26+$0x11080];
	_ =	sdelay $0x4  }
0x20a: {  	v0 =	vsub.f32 v38, v39;
	_ =	sdelay $0x1  }
0x20b: {  	v40 =	vld [tilespmem:$0xDD00];
	[tilespmem:$0x19C80] =	vst v0  }
0x20c: {  	v41 =	vld [tilespmem:s26+$0x11080];
	_ =	sdelay $0x4  }
0x20d: {  	v0 =	vsub.f32 v40, v41;
	_ =	sdelay $0x1  }
0x20e: {  	v42 =	vld [tilespmem:$0xDD80];
	[tilespmem:$0x19D00] =	vst v0  }
0x20f: {  	v43 =	vld [tilespmem:s26+$0x11080];
	_ =	sdelay $0x4  }
0x210: {  	v0 =	vsub.f32 v42, v43;
	_ =	sdelay $0x1  }
0x211: {  	v44 =	vld [tilespmem:$0xDE00];
	[tilespmem:$0x19D80] =	vst v0  }
0x212: {  	v45 =	vld [tilespmem:s26+$0x11080];
	_ =	sdelay $0x4  }
0x213: {  	v0 =	vsub.f32 v44, v45;
	_ =	sdelay $0x1  }
0x214: {  	v46 =	vld [tilespmem:$0xDE80];
	[tilespmem:$0x19E00] =	vst v0  }
0x215: {  	v47 =	vld [tilespmem:s26+$0x11080];
	_ =	sdelay $0x4  }
0x216: {  	v0 =	vsub.f32 v46, v47;
	_ =	sdelay $0x1  }
0x217: {  	v48 =	vld [tilespmem:$0xDF00];
	[tilespmem:$0x19E80] =	vst v0  }
0x218: {  	v49 =	vld [tilespmem:s26+$0x11080];
	_ =	sdelay $0x4  }
0x219: {  	v0 =	vsub.f32 v48, v49;
	_ =	sdelay $0x1  }
0x21a: {  	v50 =	vld [tilespmem:$0xDF80];
	[tilespmem:$0x19F00] =	vst v0  }
0x21b: {  	v51 =	vld [tilespmem:s26+$0x11080];
	_ =	sdelay $0x4  }
0x21c: {  	v0 =	vsub.f32 v50, v51;
	_ =	sdelay $0x1  }
0x21d: {  	v52 =	vld [tilespmem:$0xE000];
	[tilespmem:$0x19F80] =	vst v0  }
0x21e: {  	v53 =	vld [tilespmem:s26+$0x11100];
	_ =	sdelay $0x4  }
0x21f: {  	v0 =	vsub.f32 v52, v53;
	_ =	sdelay $0x1  }
0x220: {  	v54 =	vld [tilespmem:$0xE080];
	[tilespmem:$0x1A000] =	vst v0  }
0x221: {  	v55 =	vld [tilespmem:s26+$0x11100];
	_ =	sdelay $0x4  }
0x222: {  	v0 =	vsub.f32 v54, v55;
	_ =	sdelay $0x1  }
0x223: {  	v56 =	vld [tilespmem:$0xE100];
	[tilespmem:$0x1A080] =	vst v0  }
0x224: {  	v57 =	vld [tilespmem:s26+$0x11100];
	_ =	sdelay $0x4  }
0x225: {  	v0 =	vsub.f32 v56, v57;
	_ =	sdelay $0x1  }
0x226: {  	v58 =	vld [tilespmem:$0xE180];
	[tilespmem:$0x1A100] =	vst v0  }
0x227: {  	v59 =	vld [tilespmem:s26+$0x11100];
	_ =	sdelay $0x4  }
0x228: {  	v0 =	vsub.f32 v58, v59;
	_ =	sdelay $0x1  }
0x229: {  	v60 =	vld [tilespmem:$0xE200];
	[tilespmem:$0x1A180] =	vst v0  }
0x22a: {  	v61 =	vld [tilespmem:s26+$0x11100];
	_ =	sdelay $0x4  }
0x22b: {  	v0 =	vsub.f32 v60, v61;
	_ =	sdelay $0x1  }
0x22c: {  	v62 =	vld [tilespmem:$0xE280];
	[tilespmem:$0x1A200] =	vst v0  }
0x22d: {  	v63 =	vld [tilespmem:s26+$0x11100];
	_ =	sdelay $0x4  }
0x22e: {  	v0 =	vsub.f32 v62, v63;
	_ =	sdelay $0x1  }
0x22f: {  	v4 =	vld [tilespmem:$0xE300];
	[tilespmem:$0x1A280] =	vst v0  }
0x230: {  	v5 =	vld [tilespmem:s26+$0x11100];
	_ =	sdelay $0x4  }
0x231: {  	v0 =	vsub.f32 v4, v5;
	_ =	sdelay $0x1  }
0x232: {  	v6 =	vld [tilespmem:$0xE380];
	[tilespmem:$0x1A300] =	vst v0  }
0x233: {  	v7 =	vld [tilespmem:s26+$0x11100];
	_ =	sdelay $0x4  }
0x234: {  	v0 =	vsub.f32 v6, v7;
	_ =	sdelay $0x1  }
0x235: {  	v8 =	vld [tilespmem:$0xE400];
	[tilespmem:$0x1A380] =	vst v0  }
0x236: {  	v9 =	vld [tilespmem:s26+$0x11100];
	_ =	sdelay $0x4  }
0x237: {  	v0 =	vsub.f32 v8, v9;
	_ =	sdelay $0x1  }
0x238: {  	v10 =	vld [tilespmem:$0xE480];
	[tilespmem:$0x1A400] =	vst v0  }
0x239: {  	v11 =	vld [tilespmem:s26+$0x11100];
	_ =	sdelay $0x4  }
0x23a: {  	v0 =	vsub.f32 v10, v11;
	_ =	sdelay $0x1  }
0x23b: {  	v12 =	vld [tilespmem:$0xE500];
	[tilespmem:$0x1A480] =	vst v0  }
0x23c: {  	v13 =	vld [tilespmem:s26+$0x11100];
	_ =	sdelay $0x4  }
0x23d: {  	v0 =	vsub.f32 v12, v13;
	_ =	sdelay $0x1  }
0x23e: {  	v14 =	vld [tilespmem:$0xE580];
	[tilespmem:$0x1A500] =	vst v0  }
0x23f: {  	v15 =	vld [tilespmem:s26+$0x11100];
	_ =	sdelay $0x4  }
0x240: {  	v0 =	vsub.f32 v14, v15;
	_ =	sdelay $0x1  }
0x241: {  	v16 =	vld [tilespmem:$0xE600];
	[tilespmem:$0x1A580] =	vst v0  }
0x242: {  	v17 =	vld [tilespmem:s26+$0x11100];
	_ =	sdelay $0x4  }
0x243: {  	v0 =	vsub.f32 v16, v17;
	_ =	sdelay $0x1  }
0x244: {  	v18 =	vld [tilespmem:$0xE680];
	[tilespmem:$0x1A600] =	vst v0  }
0x245: {  	v19 =	vld [tilespmem:s26+$0x11100];
	_ =	sdelay $0x4  }
0x246: {  	v0 =	vsub.f32 v18, v19;
	_ =	sdelay $0x1  }
0x247: {  	v20 =	vld [tilespmem:$0xE700];
	[tilespmem:$0x1A680] =	vst v0  }
0x248: {  	v21 =	vld [tilespmem:s26+$0x11100];
	_ =	sdelay $0x4  }
0x249: {  	v0 =	vsub.f32 v20, v21;
	_ =	sdelay $0x1  }
0x24a: {  	v22 =	vld [tilespmem:$0xE780];
	[tilespmem:$0x1A700] =	vst v0  }
0x24b: {  	v23 =	vld [tilespmem:s26+$0x11100];
	_ =	sdelay $0x4  }
0x24c: {  	v0 =	vsub.f32 v22, v23;
	_ =	sdelay $0x1  }
0x24d: {  	v24 =	vld [tilespmem:$0xE800];
	[tilespmem:$0x1A780] =	vst v0  }
0x24e: {  	v25 =	vld [tilespmem:s26+$0x11180];
	_ =	sdelay $0x4  }
0x24f: {  	v0 =	vsub.f32 v24, v25;
	_ =	sdelay $0x1  }
0x250: {  	v26 =	vld [tilespmem:$0xE880];
	[tilespmem:$0x1A800] =	vst v0  }
0x251: {  	v27 =	vld [tilespmem:s26+$0x11180];
	_ =	sdelay $0x4  }
0x252: {  	v0 =	vsub.f32 v26, v27;
	_ =	sdelay $0x1  }
0x253: {  	v28 =	vld [tilespmem:$0xE900];
	[tilespmem:$0x1A880] =	vst v0  }
0x254: {  	v29 =	vld [tilespmem:s26+$0x11180];
	_ =	sdelay $0x4  }
0x255: {  	v0 =	vsub.f32 v28, v29;
	_ =	sdelay $0x1  }
0x256: {  	v30 =	vld [tilespmem:$0xE980];
	[tilespmem:$0x1A900] =	vst v0  }
0x257: {  	v31 =	vld [tilespmem:s26+$0x11180];
	_ =	sdelay $0x4  }
0x258: {  	v0 =	vsub.f32 v30, v31;
	_ =	sdelay $0x1  }
0x259: {  	v32 =	vld [tilespmem:$0xEA00];
	[tilespmem:$0x1A980] =	vst v0  }
0x25a: {  	v33 =	vld [tilespmem:s26+$0x11180];
	_ =	sdelay $0x4  }
0x25b: {  	v0 =	vsub.f32 v32, v33;
	_ =	sdelay $0x1  }
0x25c: {  	v34 =	vld [tilespmem:$0xEA80];
	[tilespmem:$0x1AA00] =	vst v0  }
0x25d: {  	v35 =	vld [tilespmem:s26+$0x11180];
	_ =	sdelay $0x4  }
0x25e: {  	v0 =	vsub.f32 v34, v35;
	_ =	sdelay $0x1  }
0x25f: {  	v36 =	vld [tilespmem:$0xEB00];
	[tilespmem:$0x1AA80] =	vst v0  }
0x260: {  	v37 =	vld [tilespmem:s26+$0x11180];
	_ =	sdelay $0x4  }
0x261: {  	v0 =	vsub.f32 v36, v37;
	_ =	sdelay $0x1  }
0x262: {  	v38 =	vld [tilespmem:$0xEB80];
	[tilespmem:$0x1AB00] =	vst v0  }
0x263: {  	v39 =	vld [tilespmem:s26+$0x11180];
	_ =	sdelay $0x4  }
0x264: {  	v0 =	vsub.f32 v38, v39;
	_ =	sdelay $0x1  }
0x265: {  	v40 =	vld [tilespmem:$0xEC00];
	[tilespmem:$0x1AB80] =	vst v0  }
0x266: {  	v41 =	vld [tilespmem:s26+$0x11180];
	_ =	sdelay $0x4  }
0x267: {  	v0 =	vsub.f32 v40, v41;
	_ =	sdelay $0x1  }
0x268: {  	v42 =	vld [tilespmem:$0xEC80];
	[tilespmem:$0x1AC00] =	vst v0  }
0x269: {  	v43 =	vld [tilespmem:s26+$0x11180];
	_ =	sdelay $0x4  }
0x26a: {  	v0 =	vsub.f32 v42, v43;
	_ =	sdelay $0x1  }
0x26b: {  	v44 =	vld [tilespmem:$0xED00];
	[tilespmem:$0x1AC80] =	vst v0  }
0x26c: {  	v45 =	vld [tilespmem:s26+$0x11180];
	_ =	sdelay $0x4  }
0x26d: {  	v0 =	vsub.f32 v44, v45;
	_ =	sdelay $0x1  }
0x26e: {  	v46 =	vld [tilespmem:$0xED80];
	[tilespmem:$0x1AD00] =	vst v0  }
0x26f: {  	v47 =	vld [tilespmem:s26+$0x11180];
	_ =	sdelay $0x4  }
0x270: {  	v0 =	vsub.f32 v46, v47;
	_ =	sdelay $0x1  }
0x271: {  	v48 =	vld [tilespmem:$0xEE00];
	[tilespmem:$0x1AD80] =	vst v0  }
0x272: {  	v49 =	vld [tilespmem:s26+$0x11180];
	_ =	sdelay $0x4  }
0x273: {  	v0 =	vsub.f32 v48, v49;
	_ =	sdelay $0x1  }
0x274: {  	v50 =	vld [tilespmem:$0xEE80];
	[tilespmem:$0x1AE00] =	vst v0  }
0x275: {  	v51 =	vld [tilespmem:s26+$0x11180];
	_ =	sdelay $0x4  }
0x276: {  	v0 =	vsub.f32 v50, v51;
	_ =	sdelay $0x1  }
0x277: {  	v52 =	vld [tilespmem:$0xEF00];
	[tilespmem:$0x1AE80] =	vst v0  }
0x278: {  	v53 =	vld [tilespmem:s26+$0x11180];
	_ =	sdelay $0x4  }
0x279: {  	v0 =	vsub.f32 v52, v53;
	_ =	sdelay $0x1  }
0x27a: {  	v54 =	vld [tilespmem:$0xEF80];
	[tilespmem:$0x1AF00] =	vst v0  }
0x27b: {  	v55 =	vld [tilespmem:s26+$0x11180];
	_ =	sdelay $0x4  }
0x27c: {  	v0 =	vsub.f32 v54, v55;
	_ =	sdelay $0x1  }
0x27d: {  	v56 =	vld [tilespmem:$0xF000];
	[tilespmem:$0x1AF80] =	vst v0  }
0x27e: {  	v57 =	vld [tilespmem:s26+$0x11200];
	_ =	sdelay $0x4  }
0x27f: {  	v0 =	vsub.f32 v56, v57;
	_ =	sdelay $0x1  }
0x280: {  	v58 =	vld [tilespmem:$0xF080];
	[tilespmem:$0x1B000] =	vst v0  }
0x281: {  	v59 =	vld [tilespmem:s26+$0x11200];
	_ =	sdelay $0x4  }
0x282: {  	v0 =	vsub.f32 v58, v59;
	_ =	sdelay $0x1  }
0x283: {  	v60 =	vld [tilespmem:$0xF100];
	[tilespmem:$0x1B080] =	vst v0  }
0x284: {  	v61 =	vld [tilespmem:s26+$0x11200];
	_ =	sdelay $0x4  }
0x285: {  	v0 =	vsub.f32 v60, v61;
	_ =	sdelay $0x1  }
0x286: {  	v62 =	vld [tilespmem:$0xF180];
	[tilespmem:$0x1B100] =	vst v0  }
0x287: {  	v63 =	vld [tilespmem:s26+$0x11200];
	_ =	sdelay $0x4  }
0x288: {  	v0 =	vsub.f32 v62, v63;
	_ =	sdelay $0x1  }
0x289: {  	v4 =	vld [tilespmem:$0xF200];
	[tilespmem:$0x1B180] =	vst v0  }
0x28a: {  	v5 =	vld [tilespmem:s26+$0x11200];
	_ =	sdelay $0x4  }
0x28b: {  	v0 =	vsub.f32 v4, v5;
	_ =	sdelay $0x1  }
0x28c: {  	v6 =	vld [tilespmem:$0xF280];
	[tilespmem:$0x1B200] =	vst v0  }
0x28d: {  	v7 =	vld [tilespmem:s26+$0x11200];
	_ =	sdelay $0x4  }
0x28e: {  	v0 =	vsub.f32 v6, v7;
	_ =	sdelay $0x1  }
0x28f: {  	v8 =	vld [tilespmem:$0xF300];
	[tilespmem:$0x1B280] =	vst v0  }
0x290: {  	v9 =	vld [tilespmem:s26+$0x11200];
	_ =	sdelay $0x4  }
0x291: {  	v0 =	vsub.f32 v8, v9;
	_ =	sdelay $0x1  }
0x292: {  	v10 =	vld [tilespmem:$0xF380];
	[tilespmem:$0x1B300] =	vst v0  }
0x293: {  	v11 =	vld [tilespmem:s26+$0x11200];
	_ =	sdelay $0x4  }
0x294: {  	v0 =	vsub.f32 v10, v11;
	_ =	sdelay $0x1  }
0x295: {  	v12 =	vld [tilespmem:$0xF400];
	[tilespmem:$0x1B380] =	vst v0  }
0x296: {  	v13 =	vld [tilespmem:s26+$0x11200];
	_ =	sdelay $0x4  }
0x297: {  	v0 =	vsub.f32 v12, v13;
	_ =	sdelay $0x1  }
0x298: {  	v14 =	vld [tilespmem:$0xF480];
	[tilespmem:$0x1B400] =	vst v0  }
0x299: {  	v15 =	vld [tilespmem:s26+$0x11200];
	_ =	sdelay $0x4  }
0x29a: {  	v0 =	vsub.f32 v14, v15;
	_ =	sdelay $0x1  }
0x29b: {  	v16 =	vld [tilespmem:$0xF500];
	[tilespmem:$0x1B480] =	vst v0  }
0x29c: {  	v17 =	vld [tilespmem:s26+$0x11200];
	_ =	sdelay $0x4  }
0x29d: {  	v0 =	vsub.f32 v16, v17;
	_ =	sdelay $0x1  }
0x29e: {  	v18 =	vld [tilespmem:$0xF580];
	[tilespmem:$0x1B500] =	vst v0  }
0x29f: {  	v19 =	vld [tilespmem:s26+$0x11200];
	_ =	sdelay $0x4  }
0x2a0: {  	v0 =	vsub.f32 v18, v19;
	_ =	sdelay $0x1  }
0x2a1: {  	v20 =	vld [tilespmem:$0xF600];
	[tilespmem:$0x1B580] =	vst v0  }
0x2a2: {  	v21 =	vld [tilespmem:s26+$0x11200];
	_ =	sdelay $0x4  }
0x2a3: {  	v0 =	vsub.f32 v20, v21;
	_ =	sdelay $0x1  }
0x2a4: {  	v22 =	vld [tilespmem:$0xF680];
	[tilespmem:$0x1B600] =	vst v0  }
0x2a5: {  	v23 =	vld [tilespmem:s26+$0x11200];
	_ =	sdelay $0x4  }
0x2a6: {  	v0 =	vsub.f32 v22, v23;
	_ =	sdelay $0x1  }
0x2a7: {  	v24 =	vld [tilespmem:$0xF700];
	[tilespmem:$0x1B680] =	vst v0  }
0x2a8: {  	v25 =	vld [tilespmem:s26+$0x11200];
	_ =	sdelay $0x4  }
0x2a9: {  	v0 =	vsub.f32 v24, v25;
	_ =	sdelay $0x1  }
0x2aa: {  	v26 =	vld [tilespmem:$0xF780];
	[tilespmem:$0x1B700] =	vst v0  }
0x2ab: {  	v27 =	vld [tilespmem:s26+$0x11200];
	_ =	sdelay $0x4  }
0x2ac: {  	v0 =	vsub.f32 v26, v27;
	_ =	sdelay $0x1  }
0x2ad: {  	v28 =	vld [tilespmem:$0xF800];
	[tilespmem:$0x1B780] =	vst v0  }
0x2ae: {  	v29 =	vld [tilespmem:s26+$0x11280];
	_ =	sdelay $0x4  }
0x2af: {  	v0 =	vsub.f32 v28, v29;
	_ =	sdelay $0x1  }
0x2b0: {  	v30 =	vld [tilespmem:$0xF880];
	[tilespmem:$0x1B800] =	vst v0  }
0x2b1: {  	v31 =	vld [tilespmem:s26+$0x11280];
	_ =	sdelay $0x4  }
0x2b2: {  	v0 =	vsub.f32 v30, v31;
	_ =	sdelay $0x1  }
0x2b3: {  	v32 =	vld [tilespmem:$0xF900];
	[tilespmem:$0x1B880] =	vst v0  }
0x2b4: {  	v33 =	vld [tilespmem:s26+$0x11280];
	_ =	sdelay $0x4  }
0x2b5: {  	v0 =	vsub.f32 v32, v33;
	_ =	sdelay $0x1  }
0x2b6: {  	v34 =	vld [tilespmem:$0xF980];
	[tilespmem:$0x1B900] =	vst v0  }
0x2b7: {  	v35 =	vld [tilespmem:s26+$0x11280];
	_ =	sdelay $0x4  }
0x2b8: {  	v0 =	vsub.f32 v34, v35;
	_ =	sdelay $0x1  }
0x2b9: {  	v36 =	vld [tilespmem:$0xFA00];
	[tilespmem:$0x1B980] =	vst v0  }
0x2ba: {  	v37 =	vld [tilespmem:s26+$0x11280];
	_ =	sdelay $0x4  }
0x2bb: {  	v0 =	vsub.f32 v36, v37;
	_ =	sdelay $0x1  }
0x2bc: {  	v38 =	vld [tilespmem:$0xFA80];
	[tilespmem:$0x1BA00] =	vst v0  }
0x2bd: {  	v39 =	vld [tilespmem:s26+$0x11280];
	_ =	sdelay $0x4  }
0x2be: {  	v0 =	vsub.f32 v38, v39;
	_ =	sdelay $0x1  }
0x2bf: {  	v40 =	vld [tilespmem:$0xFB00];
	[tilespmem:$0x1BA80] =	vst v0  }
0x2c0: {  	v41 =	vld [tilespmem:s26+$0x11280];
	_ =	sdelay $0x4  }
0x2c1: {  	v0 =	vsub.f32 v40, v41;
	_ =	sdelay $0x1  }
0x2c2: {  	v42 =	vld [tilespmem:$0xFB80];
	[tilespmem:$0x1BB00] =	vst v0  }
0x2c3: {  	v43 =	vld [tilespmem:s26+$0x11280];
	_ =	sdelay $0x4  }
0x2c4: {  	v0 =	vsub.f32 v42, v43;
	_ =	sdelay $0x1  }
0x2c5: {  	v44 =	vld [tilespmem:$0xFC00];
	[tilespmem:$0x1BB80] =	vst v0  }
0x2c6: {  	v45 =	vld [tilespmem:s26+$0x11280];
	_ =	sdelay $0x4  }
0x2c7: {  	v0 =	vsub.f32 v44, v45;
	_ =	sdelay $0x1  }
0x2c8: {  	v46 =	vld [tilespmem:$0xFC80];
	[tilespmem:$0x1BC00] =	vst v0  }
0x2c9: {  	v47 =	vld [tilespmem:s26+$0x11280];
	_ =	sdelay $0x4  }
0x2ca: {  	v0 =	vsub.f32 v46, v47;
	_ =	sdelay $0x1  }
0x2cb: {  	v48 =	vld [tilespmem:$0xFD00];
	[tilespmem:$0x1BC80] =	vst v0  }
0x2cc: {  	v49 =	vld [tilespmem:s26+$0x11280];
	_ =	sdelay $0x4  }
0x2cd: {  	v0 =	vsub.f32 v48, v49;
	_ =	sdelay $0x1  }
0x2ce: {  	v50 =	vld [tilespmem:$0xFD80];
	[tilespmem:$0x1BD00] =	vst v0  }
0x2cf: {  	v51 =	vld [tilespmem:s26+$0x11280];
	_ =	sdelay $0x4  }
0x2d0: {  	v0 =	vsub.f32 v50, v51;
	_ =	sdelay $0x1  }
0x2d1: {  	v52 =	vld [tilespmem:$0xFE00];
	[tilespmem:$0x1BD80] =	vst v0  }
0x2d2: {  	v53 =	vld [tilespmem:s26+$0x11280];
	_ =	sdelay $0x4  }
0x2d3: {  	v0 =	vsub.f32 v52, v53;
	_ =	sdelay $0x1  }
0x2d4: {  	v54 =	vld [tilespmem:$0xFE80];
	[tilespmem:$0x1BE00] =	vst v0  }
0x2d5: {  	v55 =	vld [tilespmem:s26+$0x11280];
	_ =	sdelay $0x4  }
0x2d6: {  	v0 =	vsub.f32 v54, v55;
	_ =	sdelay $0x1  }
0x2d7: {  	v56 =	vld [tilespmem:$0xFF00];
	[tilespmem:$0x1BE80] =	vst v0  }
0x2d8: {  	v57 =	vld [tilespmem:s26+$0x11280];
	_ =	sdelay $0x4  }
0x2d9: {  	v0 =	vsub.f32 v56, v57;
	_ =	sdelay $0x1  }
0x2da: {  	v58 =	vld [tilespmem:$0xFF80];
	[tilespmem:$0x1BF00] =	vst v0  }
0x2db: {  	v59 =	vld [tilespmem:s26+$0x11280];
	_ =	sdelay $0x4  }
0x2dc: {  	v0 =	vsub.f32 v58, v59;
	_ =	sdelay $0x1  }
0x2dd: {  	v60 =	vld [tilespmem:$0x10000];
	[tilespmem:$0x1BF80] =	vst v0  }
0x2de: {  	v61 =	vld [tilespmem:s26+$0x11300];
	_ =	sdelay $0x4  }
0x2df: {  	v0 =	vsub.f32 v60, v61;
	_ =	sdelay $0x1  }
0x2e0: {  	v62 =	vld [tilespmem:$0x10080];
	[tilespmem:$0x1C000] =	vst v0  }
0x2e1: {  	v63 =	vld [tilespmem:s26+$0x11300];
	_ =	sdelay $0x4  }
0x2e2: {  	v0 =	vsub.f32 v62, v63;
	_ =	sdelay $0x1  }
0x2e3: {  	v4 =	vld [tilespmem:$0x10100];
	[tilespmem:$0x1C080] =	vst v0  }
0x2e4: {  	v5 =	vld [tilespmem:s26+$0x11300];
	_ =	sdelay $0x4  }
0x2e5: {  	v0 =	vsub.f32 v4, v5;
	_ =	sdelay $0x1  }
0x2e6: {  	v6 =	vld [tilespmem:$0x10180];
	[tilespmem:$0x1C100] =	vst v0  }
0x2e7: {  	v7 =	vld [tilespmem:s26+$0x11300];
	_ =	sdelay $0x4  }
0x2e8: {  	v0 =	vsub.f32 v6, v7;
	_ =	sdelay $0x1  }
0x2e9: {  	v8 =	vld [tilespmem:$0x10200];
	[tilespmem:$0x1C180] =	vst v0  }
0x2ea: {  	v9 =	vld [tilespmem:s26+$0x11300];
	_ =	sdelay $0x4  }
0x2eb: {  	v0 =	vsub.f32 v8, v9;
	_ =	sdelay $0x1  }
0x2ec: {  	v10 =	vld [tilespmem:$0x10280];
	[tilespmem:$0x1C200] =	vst v0  }
0x2ed: {  	v11 =	vld [tilespmem:s26+$0x11300];
	_ =	sdelay $0x4  }
0x2ee: {  	v0 =	vsub.f32 v10, v11;
	_ =	sdelay $0x1  }
0x2ef: {  	v12 =	vld [tilespmem:$0x10300];
	[tilespmem:$0x1C280] =	vst v0  }
0x2f0: {  	v13 =	vld [tilespmem:s26+$0x11300];
	_ =	sdelay $0x4  }
0x2f1: {  	v0 =	vsub.f32 v12, v13;
	_ =	sdelay $0x1  }
0x2f2: {  	v14 =	vld [tilespmem:$0x10380];
	[tilespmem:$0x1C300] =	vst v0  }
0x2f3: {  	v15 =	vld [tilespmem:s26+$0x11300];
	_ =	sdelay $0x4  }
0x2f4: {  	v0 =	vsub.f32 v14, v15;
	_ =	sdelay $0x1  }
0x2f5: {  	v16 =	vld [tilespmem:$0x10400];
	[tilespmem:$0x1C380] =	vst v0  }
0x2f6: {  	v17 =	vld [tilespmem:s26+$0x11300];
	_ =	sdelay $0x4  }
0x2f7: {  	v0 =	vsub.f32 v16, v17;
	_ =	sdelay $0x1  }
0x2f8: {  	v18 =	vld [tilespmem:$0x10480];
	[tilespmem:$0x1C400] =	vst v0  }
0x2f9: {  	v19 =	vld [tilespmem:s26+$0x11300];
	_ =	sdelay $0x4  }
0x2fa: {  	v0 =	vsub.f32 v18, v19;
	_ =	sdelay $0x1  }
0x2fb: {  	v20 =	vld [tilespmem:$0x10500];
	[tilespmem:$0x1C480] =	vst v0  }
0x2fc: {  	v21 =	vld [tilespmem:s26+$0x11300];
	_ =	sdelay $0x4  }
0x2fd: {  	v0 =	vsub.f32 v20, v21;
	_ =	sdelay $0x1  }
0x2fe: {  	v22 =	vld [tilespmem:$0x10580];
	[tilespmem:$0x1C500] =	vst v0  }
0x2ff: {  	v23 =	vld [tilespmem:s26+$0x11300];
	_ =	sdelay $0x4  }
0x300: {  	v0 =	vsub.f32 v22, v23;
	_ =	sdelay $0x1  }
0x301: {  	v24 =	vld [tilespmem:$0x10600];
	[tilespmem:$0x1C580] =	vst v0  }
0x302: {  	v25 =	vld [tilespmem:s26+$0x11300];
	_ =	sdelay $0x4  }
0x303: {  	v0 =	vsub.f32 v24, v25;
	_ =	sdelay $0x1  }
0x304: {  	v26 =	vld [tilespmem:$0x10680];
	[tilespmem:$0x1C600] =	vst v0  }
0x305: {  	v27 =	vld [tilespmem:s26+$0x11300];
	_ =	sdelay $0x4  }
0x306: {  	v0 =	vsub.f32 v26, v27;
	_ =	sdelay $0x1  }
0x307: {  	v28 =	vld [tilespmem:$0x10700];
	[tilespmem:$0x1C680] =	vst v0  }
0x308: {  	v29 =	vld [tilespmem:s26+$0x11300];
	_ =	sdelay $0x4  }
0x309: {  	v0 =	vsub.f32 v28, v29;
	_ =	sdelay $0x1  }
0x30a: {  	v30 =	vld [tilespmem:$0x10780];
	[tilespmem:$0x1C700] =	vst v0  }
0x30b: {  	v31 =	vld [tilespmem:s26+$0x11300];
	_ =	sdelay $0x4  }
0x30c: {  	v0 =	vsub.f32 v30, v31;
	_ =	sdelay $0x1  }
0x30d: {  	v32 =	vld [tilespmem:$0x10800];
	[tilespmem:$0x1C780] =	vst v0  }
0x30e: {  	v33 =	vld [tilespmem:s26+$0x11380];
	_ =	sdelay $0x4  }
0x30f: {  	v0 =	vsub.f32 v32, v33;
	_ =	sdelay $0x1  }
0x310: {  	v34 =	vld [tilespmem:$0x10880];
	[tilespmem:$0x1C800] =	vst v0  }
0x311: {  	v35 =	vld [tilespmem:s26+$0x11380];
	_ =	sdelay $0x4  }
0x312: {  	v0 =	vsub.f32 v34, v35;
	_ =	sdelay $0x1  }
0x313: {  	v36 =	vld [tilespmem:$0x10900];
	[tilespmem:$0x1C880] =	vst v0  }
0x314: {  	v37 =	vld [tilespmem:s26+$0x11380];
	_ =	sdelay $0x4  }
0x315: {  	v0 =	vsub.f32 v36, v37;
	_ =	sdelay $0x1  }
0x316: {  	v38 =	vld [tilespmem:$0x10980];
	[tilespmem:$0x1C900] =	vst v0  }
0x317: {  	v39 =	vld [tilespmem:s26+$0x11380];
	_ =	sdelay $0x4  }
0x318: {  	v0 =	vsub.f32 v38, v39;
	_ =	sdelay $0x1  }
0x319: {  	v40 =	vld [tilespmem:$0x10A00];
	[tilespmem:$0x1C980] =	vst v0  }
0x31a: {  	v41 =	vld [tilespmem:s26+$0x11380];
	_ =	sdelay $0x4  }
0x31b: {  	v0 =	vsub.f32 v40, v41;
	_ =	sdelay $0x1  }
0x31c: {  	v42 =	vld [tilespmem:$0x10A80];
	[tilespmem:$0x1CA00] =	vst v0  }
0x31d: {  	v43 =	vld [tilespmem:s26+$0x11380];
	_ =	sdelay $0x4  }
0x31e: {  	v0 =	vsub.f32 v42, v43;
	_ =	sdelay $0x1  }
0x31f: {  	v44 =	vld [tilespmem:$0x10B00];
	[tilespmem:$0x1CA80] =	vst v0  }
0x320: {  	v45 =	vld [tilespmem:s26+$0x11380];
	_ =	sdelay $0x4  }
0x321: {  	v0 =	vsub.f32 v44, v45;
	_ =	sdelay $0x1  }
0x322: {  	v46 =	vld [tilespmem:$0x10B80];
	[tilespmem:$0x1CB00] =	vst v0  }
0x323: {  	v47 =	vld [tilespmem:s26+$0x11380];
	_ =	sdelay $0x4  }
0x324: {  	v0 =	vsub.f32 v46, v47;
	_ =	sdelay $0x1  }
0x325: {  	v48 =	vld [tilespmem:$0x10C00];
	[tilespmem:$0x1CB80] =	vst v0  }
0x326: {  	v49 =	vld [tilespmem:s26+$0x11380];
	_ =	sdelay $0x4  }
0x327: {  	v0 =	vsub.f32 v48, v49;
	_ =	sdelay $0x1  }
0x328: {  	v50 =	vld [tilespmem:$0x10C80];
	[tilespmem:$0x1CC00] =	vst v0  }
0x329: {  	v51 =	vld [tilespmem:s26+$0x11380];
	_ =	sdelay $0x4  }
0x32a: {  	v0 =	vsub.f32 v50, v51;
	_ =	sdelay $0x1  }
0x32b: {  	v52 =	vld [tilespmem:$0x10D00];
	[tilespmem:$0x1CC80] =	vst v0  }
0x32c: {  	v53 =	vld [tilespmem:s26+$0x11380];
	_ =	sdelay $0x4  }
0x32d: {  	v0 =	vsub.f32 v52, v53;
	_ =	sdelay $0x1  }
0x32e: {  	v54 =	vld [tilespmem:$0x10D80];
	[tilespmem:$0x1CD00] =	vst v0  }
0x32f: {  	v55 =	vld [tilespmem:s26+$0x11380];
	_ =	sdelay $0x4  }
0x330: {  	v0 =	vsub.f32 v54, v55;
	_ =	sdelay $0x1  }
0x331: {  	v56 =	vld [tilespmem:$0x10E00];
	[tilespmem:$0x1CD80] =	vst v0  }
0x332: {  	v57 =	vld [tilespmem:s26+$0x11380];
	_ =	sdelay $0x4  }
0x333: {  	v0 =	vsub.f32 v56, v57;
	_ =	sdelay $0x1  }
0x334: {  	v58 =	vld [tilespmem:$0x10E80];
	[tilespmem:$0x1CE00] =	vst v0  }
0x335: {  	v59 =	vld [tilespmem:s26+$0x11380];
	_ =	sdelay $0x4  }
0x336: {  	v0 =	vsub.f32 v58, v59;
	_ =	sdelay $0x1  }
0x337: {  	v60 =	vld [tilespmem:$0x10F00];
	[tilespmem:$0x1CE80] =	vst v0  }
0x338: {  	v61 =	vld [tilespmem:s26+$0x11380];
	_ =	sdelay $0x4  }
0x339: {  	v0 =	vsub.f32 v60, v61;
	_ =	sdelay $0x1  }
0x33a: {  	v62 =	vld [tilespmem:$0x10F80];
	[tilespmem:$0x1CF00] =	vst v0  }
0x33b: {  	v63 =	vld [tilespmem:s26+$0x11380];
	_ =	sdelay $0x4  }
0x33c: {  	s25 =	sshll.u32 s25, $0xB;
	v0 =	vsub.f32 v62, v63  }
0x33d: {  	s25 =	sadd.s32 s9, s25  }
0x33e: {  	s31 =	sadd.s32 s3, s25;
	[tilespmem:$0x1CF80] =	vst v0  }
0x33f: {  	[hbm4b:s31+s4] =	stream.linear.scatter [tilespmem:s16], [sflag:$0x5], $0x4000, $0x38;
	[tilespmem:$0x1D000] =	vst v63  }
0x340: {  	_ =	swait.ge [sflag:s11], $0x4000  }
0x341: {  	[sflag:s11] =	ssyncset.done $0x0  }
.Ltmp2:
0x342: {  	s25 =	sadd.s32 s6, s25;
	[sflag:s11] =	ssyncadd.s32 $0xFFFFC000;
	(pc) =	sbr.rel @p0 .LBB2_4-.Ltmp2, $4  }
0x343: {  	[hbm4b:s25+s4] =	stream.linear.scatter [tilespmem:s20], [sflag:$0x5], $0x4000, $0x38;
	[tilespmem:$0x1D000] =	vst v63  }
0x344: {  	_ =	swait.ge [sflag:s11], $0x4000  }
0x345: {  	[sflag:s11] =	ssyncset.done $0x0  }
0x346: {  	[sflag:s11] =	ssyncadd.s32 $0xFFFFC000  }
0x347: {  	s25 =	sshll.u32 s24, $0x8  }
.Ltmp3:
0x348: {  	s25 =	sand.u32 $0x3FFFFF00, s25;
	(pc) =	sbr.rel .LBB2_2-.Ltmp3, $4  }
0x349: {  	s25 =	sadd.s32 $0x180, s25  }
0x34a: {  	[tilespmem:s16], [sflag:$0x2] =	stream.indirect.gather [hbm4b:s1+s13], $0x80, s25, s13, $0xb8;
	[tilespmem:$0x1D000] =	vst v63  }
0x34b: {  	s24 =	sadd.s32 $0x1, s24  }
0x34c: {  	[tilespmem:s17], [sflag:$0x4] =	stream.indirect.gather [hbm4b:s5+s13], $0x80, s25, s13, $0xb8;
	[tilespmem:$0x1D000] =	vst v63  }
.LBB2_5:
0x34d: {  	_ =	sfence.sel $0x180000  }
0x34e: {  	[bflag:$0x0] =	sbarrier.arrive $0xFFFF  }
0x34f: {  	p0 =	sne.s32 s2, $0x0;
	_ =	strace $0x90000047  }
0x350: {  	s0 =	sadd.s32 @!p0 $0x100000, s0;
	[bflag:$0x2] =	sbarrier.arrive $0xFFFF  }
0x351: {  	[sflag:s0] =	ssyncadd.tile.s32 @!p0 $0x1;
	_ =	shalt  }
.Lfunc_end2:
_tile_overlayer_lowered:
.L_overlay_start_2:
0x352: {  	(tag) =	ssettag $0x2  }
0x353: {  	s0 =	rddreg [dreg:$0x0];
	s2 =	stileid.u32  }
0x354: {  	s1 =	rddreg [dreg:$0x1];
	p0 =	sne.s32 s2, $0x0  }
0x355: {  	s3 =	rddreg [dreg:$0x2];
	[bflag:$0x3] =	sbarrier.arrive $0xFFFF;
	s2 =	simm.s32 @!p0 $0x1C05  }
0x356: {  	[timem:s3], [sflag:s2] =	dma.local @!p0 [hbm:s0], s1  }
0x357: {  	s0 =	simm.s32 @!p0 $0x5  }
0x358: {  	_ =	swait.ge @!p0 [sflag:s0], s1  }
0x359: {  	s1 =	ssub.s32 @!p0 $0x0, s1;
	[sflag:s0] =	ssyncset.done @!p0 $0x0  }
0x35a: {  	[sflag:s0] =	ssyncadd.s32 @!p0 s1  }
0x35b: {  	[bflag:$0x3] =	sbarrier.arrive $0xFFFF  }
0x35c: {  	_ =	shalt  }

// kernel: sparse-core-data-format-call.cloned.1.call-start
scs
called_computation_lowered:
.L_overlay_start_0:
0x0: {  	s2 =	sld [smem:$0x3FD9]  }
0x1: {  	s3 =	sld [smem:$0x3FFE];
	_ =	sdelay $0x1  }
0x2: {  	s1 =	srdreg.scid  }
0x3: {  	s0 =	sand.u32 $0x1, s1  }
0x4: {  	s15 =	sshll.u32 s0, $0xA;
	s2 =	sadd.s32 s3, s2  }
0x5: {  	s2 =	sadd.s32 s2, s15  }
0x6: {  	[smem:$0x3FC5] =	sst s2  }
0x7: {  	_ = 	snop  }
0x8: {  	s2 =	sld [smem:$0x3FD0];
	_ =	sdelay $0x2  }
0x9: {  	s16 =	simm.s32 $0xA;
	s4 =	simm.s32 $0x10  }
0xa: {  	[smem:s4], [sflag:s16] =	dma.local [hbm:s2], $0x1  }
0xb: {  	_ =	swait.eq [sflag:s16], $0x1  }
0xc: {  	[sflag:s16] =	ssyncset.done $0x0  }
0xd: {  	[sflag:s16] =	ssyncadd.s32 $0xFFFFFFFF  }
0xe: {  	s17 =	sld [smem:$0x10];
	(tm) =	ssettm $0x1  }
0xf: {  	s18 =	sld [smem:$0x3FFB];
	_ =	sdelay $0x3  }
0x10: {  	_ =	strace s18  }
0x11: {  	s3 =	sld [smem:$0x3FFC];
	_ =	sdelay $0x3  }
0x12: {  	_ =	strace s3  }
0x13: {  	s3 =	sld [smem:$0x3FFD];
	_ =	sdelay $0x3  }
0x14: {  	_ =	strace s3  }
0x15: {  	_ =	strace $0x8FFFFFFF  }
0x16: {  	s19 =	sld [smem:$0x3FDB];
	_ =	sdelay $0x1  }
0x17: {  	s20 =	simm.s32 $_scs_section_size  }
0x18: {  	s5 =	simm.s32 $_size__tile_overlayer_lowered;
	s6 =	simm.s32 $_tile_overlayer_lowered  }
0x19: {  	s23 =	simm.s32 $0x1BFF;
	s22 =	sshll.u32 s6, $0x1;
	s3 =	sadd.s32 s20, s19  }
0x1a: {  	s7 =	simm.s32 $0x0;
	s21 =	sshll.u32 s5, $0x1;
	s5 =	sadd.s32 s22, s3  }
0x1b: {  	[timem:s7], [sflag:s23] =	dma.local [hbm:s5], s21  }
0x1c: {  	_ =	swait.ge [sflag:s23], s21  }
0x1d: {  	s4 =	ssub.s32 $0x0, s21;
	[sflag:s23] =	ssyncset.done $0x0  }
0x1e: {  	[sflag:s23] =	ssyncadd.s32 s4;
	_ =	sdelay $0x1  }
0x1f: {  	s24 =	simm.s32 $0x1B8B  }
0x20: {  	_ =	swait.ge [sflag:s24], $0x1  }
0x21: {  	[sflag:s24] =	ssyncset.done $0x0  }
0x22: {  	s26 =	simm.s32 $0x1B8E;
	s25 =	sld [smem:$0x3FFE];
	[sflag:s24] =	ssyncadd.s32 $0xFFFFFFFF  }
0x23: {  	s27 =	simm.s32 $execute0_lowered;
	[smem:$0x3FD2] =	sst s26  }
0x24: {  	s5 =	sshll.u32 s27, $0x1;
	_ =	strace $0x80000049;
	[dreg:$0x1] =	wrdreg $0xFFFFFFFF  }
0x25: {  	s28 =	simm.s32 $_size_execute0_lowered;
	s3 =	sadd.s32 s3, s5;
	[dreg:$0x0] =	wrdreg $0x0  }
0x26: {  	s5 =	sshll.u32 s28, $0x1;
	[dreg:$0x2] =	wrdreg s3  }
0x27: {  	[dreg:$0x3] =	wrdreg s5  }
0x28: {  	[dreg:$0x4] =	wrdreg $0xC0  }
0x29: {  	_ =	task [dreg:s7], $0x5FFFF  }
0x2a: {  	[dreg:$0x1] =	wrdreg $0xFFFFFFFF  }
0x2b: {  	[dreg:$0x0] =	wrdreg $0x60  }
0x2c: {  	[dreg:$0x2] =	wrdreg s25  }
0x2d: {  	[dreg:$0x3] =	wrdreg s17  }
0x2e: {  	[dreg:$0x4] =	wrdreg $0x9  }
0x2f: {  	_ =	task.clear_ibuf [dreg:s7], $0x5FFFF;
	_ =	strace $0x90000049  }
0x30: {  	s29 =	simm.s32 $0x9;
	_ =	strace $0x8000004B  }
0x31: {  	_ =	swait.ge [sflag:s29], $0x1  }
0x32: {  	[sflag:s29] =	ssyncadd.s32 $0xFFFFFFFF  }
0x33: {  	_ =	strace $0x9000004B  }
0x34: {  	_ =	sfence  }
0x35: {  	s30 =	sld [smem:$0x0];
	_ =	sdelay $0x2  }
0x36: {  	s31 =	sshll.u32 s1, $0xD;
	s1 =	sshrl.u32 s1, $0x2  }
0x37: {  	s3 =	sand.u32 $0x4000, s31;
	s1 =	sadd.s32 s1, s30  }
0x38: {  	s0 =	sor.u32 s3, s0;
	s1 =	sshll.u32 s1, $0x11  }
0x39: {  	s0 =	sor.u32 s1, s0  }
0x3a: {  	s0 =	sadd.s32 $0x8F2B, s0  }
0x3b: {  	[sflag:s0] =	ssyncadd.remote.s32 $0x1  }
0x3c: {  	_ =	sfence.sel $0xFFFF  }
0x3d: {  	[dreg:$0x0] =	wrdreg $0xFFFFFFFF;
	(pc) =	sbr.abs _section_cstart, $3  }
0x3e: {  	[dreg:$0x1] =	wrdreg $0xFFFFFFFF  }
0x3f: {  	_ =	task.clear_ibuf [dreg:s7], $0x2FFFF;
	_ =	strace $0x9FFFFFFF  }
0x40: {  	(tm) =	ssettm $0x7FFFFFFF  }
0x41: {  	_ =	shalt  }
tec
execute0_lowered:
.L_overlay_start_1:
0x0: {  	(tag) =	ssettag $0x1  }
0x1: {  	s0 =	stileid.u32  }
0x2: {  	s1 =	srdreg.scid;
	s5 =	rddreg [dreg:$0x0]  }
0x3: {  	s31 =	simm.s32 $0x2;
	s19 =	simm.s32 $0x0;
	s9 =	simm.s32 $0x10000  }
0x4: {  	s21 =	simm.s32 $0x0;
	s20 =	simm.s32 $0x0;
	s22 =	simm.s32 $0x0  }
0x5: {  	s10 =	simm.s32 $0x0;
	s2 =	sshll.u32 s0, $0x6;
	s1 =	sshll.u32 s1, $0xA  }
0x6: {  	s11 =	simm.s32 $0x0;
	s12 =	simm.s32 $0x0;
	s1 =	sor.u32 s2, s1  }
0x7: {  	s13 =	simm.s32 $0x0;
	s14 =	simm.s32 $0x0;
	s1 =	sand.u32 $0x780, s1  }
0x8: {  	s15 =	simm.s32 $0x0;
	s2 =	sand.u32 $0x1, s0;
	s3 =	ssub.s32 $0x1000, s1  }
0x9: {  	s18 =	simm.s32 $0x0;
	s4 =	ssub.s32 $0x2, s2;
	s6 =	sand.u32 $0x780, s3  }
0xa: {  	s7 =	sshrl.u32 s4, $0x1;
	p0 =	sne.s32 s6, $0x0;
	s6 =	simm.s32 $0x1  }
0xb: {  	s8 =	sand.u32 $0x1, s4;
	s3 =	sshrl.u32 s3, $0xB;
	s6 =	simm.s32 @!p0 $0x0  }
.Ltmp0:
0xc: {  	s7 =	sadd.s32 s8, s7;
	s6 =	sadd.s32 s6, s3;
	(pc) =	sbr.rel .LBB1_1-.Ltmp0, $4  }
0xd: {  	s5 =	sadd.s32 $0x260C00, s5;
	s17 =	smov.u32 s2;
	s7 =	smul.u32 s6, s7  }
0xe: {  	s4 =	rddreg [dreg:$0x1];
	_ =	strace $0x8000004A;
	s6 =	simm.s32 $0x1  }
0xf: {  	s16 =	smov.u32 s1;
	[sflag:s6] =	ssyncpa.u1 $0x0;
	s7 =	sshll.u32 s7, $0x5  }
0x10: {  	p0 =	por $0x0, $0x0;
	[sflag:s31] =	ssyncpa.u1 $0x0;
	s8 =	sor.u32 $0x1, s7  }
.LBB1_4:
0x11: {  	s28 =	sshra.s32 s13, $0x1F;
	p1 =	sgt.s32 s13, $0x1;
	s29 =	smov.u32 s13;
	[tilespmem:s25+$0x2040 ss:$0x81] =	vst.msk $0xffff, v4  }
0x12: {  	s27 =	sshra.s32 s27, $0x2;
	s30 =	smov.u32 s12;
	[tilespmem:s25+$0x2850 ss:$0x81] =	vst.msk $0xffff, v3;
	s28 =	sand.u32 s28, s13  }
0x13: {  	s31 =	sshra.s32 s12, $0x1F;
	[tilespmem:s25+$0x3060 ss:$0x81] =	vst.msk $0xffff, v2;
	s29 =	simm.s32 @!p1 $0x1;
	s28 =	sxor.u32 $0xFFFFFFFF, s28  }
0x14: {  	s3 =	sshra.s32 s11, $0x1F;
	[tilespmem:s25+$0x0 ss:$0x81] =	vst.msk $0xffff, v0;
	s25 =	sshll.u32 s12, $0x3;
	s28 =	sadd.s32 s28, s29  }
0x15: {  	s26 =	sadd.s32 s27, s26;
	p1 =	sgt.s32 s28, $0x0;
	s28 =	ssub.s32 $0x1, s28  }
0x16: {  	s29 =	smov.u32 s10;
	s28 =	simm.s32 @p1 $0x0;
	p1 =	sgt.s32 s10, $0x3  }
0x17: {  	s27 =	sand.u32 s31, s12;
	s29 =	simm.s32 @!p1 $0x3;
	p1 =	sgt.s32 s12, $0xF80  }
0x18: {  	s31 =	smov.u32 s11;
	s30 =	simm.s32 @!p1 $0xF80;
	p1 =	sgt.s32 s11, $0xF  }
0x19: {  	s3 =	sand.u32 s3, s11;
	s27 =	ssub.s32 s30, s27;
	s31 =	simm.s32 @!p1 $0xF  }
0x1a: {  	s30 =	sadd.s32 $0xFFFFF080, s27;
	s3 =	ssub.s32 s31, s3;
	s31 =	sshra.s32 s10, $0x1F  }
0x1b: {  	s27 =	ssub.s32 $0x1000, s27;
	p1 =	sgt.s32 s30, $0x7F;
	s31 =	sand.u32 s31, s10  }
0x1c: {  	v5 =	vld [tilespmem:s24+$0xFFFFFFD0];
	s30 =	sshll.u32 s11, $0xC;
	s29 =	ssub.s32 s29, s31;
	s31 =	sadd.s32 $0xFFFFFFF1, s3  }
0x1d: {  	v58 =	vld [tilespmem:s24+$0xFFFFFFE0];
	s27 =	simm.s32 @p1 $0x0;
	s30 =	sand.u32 $0x8000, s30;
	s3 =	ssub.s32 $0x10, s3  }
0x1e: {  	v59 =	vld [tilespmem:s24+$0xFFFFFFF0];
	p1 =	sgt.s32 s31, $0x0;
	s31 =	sand.u32 $0x78, s12;
	s27 =	smul.u32 s28, s27  }
0x1f: {  	v60 =	vld [tilespmem:s24+$0x0];
	s28 =	sadd.s32 $0xFFFFFFFD, s29;
	s29 =	ssub.s32 $0x83, s29;
	s3 =	simm.s32 @p1 $0x0  }
0x20: {  	v61 =	vld [tilespmem:s24+$0x10];
	[tilespmem:s26+$0x3870 ss:$0x81] =	vst.msk $0xffff, v1;
	p1 =	sgt.s32 s28, $0x7F;
	s28 =	sand.u32 $0xFC00, s25;
	s25 =	sand.u32 $0xC00, s25  }
0x21: {  	v62 =	vld [tilespmem:s24+$0x20];
	[tilespmem:s26+$0x810 ss:$0x81] =	vst.msk $0xffff, v5;
	s3 =	smul.u32 s3, s27;
	s27 =	sshll.u32 s11, $0x7;
	s25 =	sor.u32 s31, s25  }
0x22: {  	v63 =	vld [tilespmem:s24+$0xFFFFFFC0];
	[tilespmem:s26+$0x1020 ss:$0x81] =	vst.msk $0xffff, v58;
	s31 =	smul.u32 $0x106000, s13;
	s28 =	sadd.s32 s28, s30;
	s27 =	sand.u32 $0x380, s27  }
0x23: {  	[tilespmem:s26+$0x1830 ss:$0x81] =	vst.msk $0xffff, v59;
	s29 =	simm.s32 @p1 $0x0;
	s28 =	sshrl.u32 s28, $0x3;
	s24 =	sor.u32 s27, s25  }
0x24: {  	[tilespmem:s26+$0x2040 ss:$0x81] =	vst.msk $0xffff, v60;
	s3 =	smul.u32 s29, s3;
	s29 =	sshll.u32 s10, $0xD;
	s25 =	sadd.s32 s4, s31  }
0x25: {  	[tilespmem:s26+$0x2850 ss:$0x81] =	vst.msk $0xffff, v61;
	s30 =	sand.u32 $0x7, s12;
	s28 =	sand.u32 $0x1E00, s28;
	s25 =	sadd.s32 s29, s25  }
0x26: {  	[tilespmem:s26+$0x3060 ss:$0x81] =	vst.msk $0xffff, v62;
	s27 =	sshll.u32 s30, $0x12;
	s24 =	sshrl.u32 s24, $0x3;
	s25 =	sadd.s32 s28, s25  }
0x27: {  	[tilespmem:s26+$0x0 ss:$0x81] =	vst.msk $0xffff, v63;
	s31 =	sor.u32 $0x80, s27;
	s3 =	sand.u32 $0x3FFFFFFF, s3;
	s24 =	sadd.s32 s24, s25  }
0x28: {  	[hbm4b:s24+s31] =	stream.strided.scatter [tilespmem:s23], [sflag:$0x2], s3, s9, s31, $0x20;
	[tilespmem:$0x10100] =	vst v63  }
.LBB1_5:
0x29: {  	p1 =	slt.u32 s18, $0x2;
	s23 =	smov.u32 s22;
	s24 =	sadd.s32 $0x80, s14  }
0x2a: {  	s25 =	smov.u32 s16;
	p2 =	sgt.s32 @!p1 s22, $0x1;
	s3 =	sshra.s32 @!p1 s22, $0x1F  }
0x2b: {  	s26 =	smov.u32 s17;
	p2 =	por !p2, p1;
	s3 =	sand.u32 @!p1 s3, s22  }
0x2c: {  	p0 =	por !p0, !p0;
	s23 =	simm.s32 @p2 $0x1;
	s3 =	sxor.u32 @!p1 $0xFFFFFFFF, s3  }
0x2d: {  	p3 =	sgt.s32 @!p1 s21, $0xF;
	s22 =	smov.u32 s21;
	s3 =	sadd.s32 @!p1 s3, s23  }
0x2e: {  	s23 =	sshra.s32 @!p1 s21, $0x1F;
	p2 =	sgt.s32 @!p1 s3, $0x0;
	s3 =	ssub.s32 @!p1 $0x1, s3  }
0x2f: {  	s21 =	sand.u32 @!p1 s23, s21;
	s23 =	sshra.s32 @!p1 s19, $0x1F;
	p2 =	por !p2, p1  }
0x30: {  	s23 =	sand.u32 @!p1 s23, s19;
	s3 =	simm.s32 @!p2 $0x0;
	p2 =	por !p3, p1  }
0x31: {  	p3 =	sgt.s32 @!p1 s19, $0x3;
	s22 =	simm.s32 @p2 $0xF;
	p2 =	sgt.s32 @!p1 s20, $0xF80  }
0x32: {  	s21 =	ssub.s32 @!p1 s22, s21;
	s22 =	sshra.s32 @!p1 s20, $0x1F;
	p2 =	por !p2, p1  }
0x33: {  	p3 =	por !p3, p1;
	s22 =	sand.u32 @!p1 s22, s20;
	s20 =	simm.s32 @p2 $0xF80  }
0x34: {  	s19 =	simm.s32 @p3 $0x3;
	s20 =	ssub.s32 @!p1 s20, s22;
	s22 =	sadd.s32 @!p1 $0xFFFFFFF1, s21  }
0x35: {  	s19 =	ssub.s32 @!p1 s19, s23;
	p2 =	sgt.s32 @!p1 s22, $0x0;
	s22 =	sadd.s32 @!p1 $0xFFFFF080, s20  }
0x36: {  	s23 =	sadd.s32 @!p1 $0xFFFFFFFD, s19;
	s21 =	ssub.s32 @!p1 $0x10, s21;
	p3 =	sgt.s32 @!p1 s22, $0x7F  }
0x37: {  	s20 =	ssub.s32 @!p1 $0x1000, s20;
	p2 =	por !p2, p1;
	p3 =	por !p3, p1  }
0x38: {  	s21 =	simm.s32 @!p2 $0x0;
	p2 =	sgt.s32 s24, $0x82;
	s20 =	simm.s32 @!p3 $0x0  }
0x39: {  	p3 =	sgt.s32 @!p1 s23, $0x7F;
	s3 =	smul.u32 @!p1 s3, s20;
	s20 =	simm.s32 $0x1  }
0x3a: {  	s19 =	ssub.s32 @!p1 $0x83, s19;
	p3 =	por !p3, p1;
	s20 =	simm.s32 @!p2 $0x0  }
0x3b: {  	s27 =	simm.s32 @!p1 $0x2;
	s19 =	simm.s32 @!p3 $0x0;
	s23 =	sadd.s32 s20, s15  }
0x3c: {  	s3 =	smul.u32 @!p1 s21, s3;
	s20 =	sadd.s32 $0x800, s16;
	p3 =	sgt.s32 s23, $0xF  }
0x3d: {  	s22 =	smov.u32 s13;
	s24 =	simm.s32 @p2 $0x0;
	s25 =	smov.u32 @p3 s20  }
0x3e: {  	s3 =	smul.u32 @!p1 s19, s3;
	s19 =	sadd.s32 $0x2, s17;
	p2 =	sgt.s32 s25, $0xFFF  }
0x3f: {  	s13 =	smov.u32 s17;
	s21 =	smov.u32 s11;
	s26 =	smov.u32 @p2 s19  }
0x40: {  	s11 =	smov.u32 s15;
	s25 =	smov.u32 @p2 s1;
	p2 =	sgt.s32 s26, $0x1  }
0x41: {  	s23 =	simm.s32 @p3 $0x0;
	s26 =	smov.u32 @p2 s2;
	p2 =	sne.s32 s18, s8  }
.Ltmp1:
0x42: {  	s20 =	smov.u32 s12;
	s12 =	smov.u32 s16;
	(pc) =	sbr.rel @!p2 .LBB1_6-.Ltmp1, $4  }
0x43: {  	s15 =	smov.u32 s23;
	s3 =	sand.u32 @!p1 $0x3FFFFFFF, s3;
	s19 =	smov.u32 s10  }
0x44: {  	s10 =	smov.u32 s14;
	s14 =	smov.u32 s24;
	_ =	swait.ge @!p1 [sflag:s27], s3  }
0x45: {  	s3 =	ssub.s32 @!p1 $0x0, s3;
	s16 =	smov.u32 s25;
	[sflag:s27] =	ssyncset.done @!p1 $0x0  }
0x46: {  	s18 =	sadd.s32 $0x1, s18;
	[sflag:s27] =	ssyncadd.s32 @!p1 s3;
	s17 =	smov.u32 s26  }
.LBB1_1:
0x47: {  	p1 =	sge.u32 s18, s7;
	s31 =	sadd.s32 $0xFFFFFFFF, s18  }
0x48: {  	s23 =	sxor.u32 @!p1 $0xFFFFFFFF, s18;
	s24 =	sand.u32 @!p1 $0x78, s14;
	s25 =	sshll.u32 @!p1 s15, $0x8  }
0x49: {  	s26 =	sshll.u32 @!p1 s14, $0x3;
	s27 =	sshll.u32 @!p1 s15, $0x7;
	s23 =	sshll.u32 @!p1 s23, $0xE  }
0x4a: {  	s25 =	sand.u32 @!p1 $0x800, s25;
	s26 =	sand.u32 @!p1 $0xC00, s26;
	s23 =	sand.u32 @!p1 $0x4000, s23  }
0x4b: {  	s25 =	sadd.s32 @!p1 s25, s26;
	s26 =	sand.u32 @!p1 $0x300, s27;
	s27 =	sand.u32 @!p1 $0x80, s27  }
0x4c: {  	s25 =	sor.u32 @!p1 s26, s25;
	s24 =	sor.u32 @!p1 s24, s27;
	s26 =	sshll.u32 @!p1 s17, $0x15  }
0x4d: {  	s27 =	sshll.u32 @!p1 s16, $0x9;
	s25 =	sshrl.u32 @!p1 s25, $0x3;
	s26 =	sadd.s32 @!p1 s5, s26  }
0x4e: {  	s24 =	sshrl.u32 @!p1 s24, $0x3;
	s26 =	sadd.s32 @!p1 s27, s26;
	s27 =	sand.u32 @!p1 $0x7, s14  }
0x4f: {  	s25 =	sand.u32 @!p1 $0x1E0, s25;
	s24 =	sadd.s32 @!p1 s24, s26;
	s26 =	sshll.u32 @!p1 s27, $0x12  }
0x50: {  	s24 =	sadd.s32 @!p1 s25, s24;
	s25 =	sor.u32 @!p1 $0x80, s26;
	s26 =	simm.s32 @!p1 $0x1000  }
0x51: {  	[tilespmem:s23], [sflag:$0x1] =	stream.strided.gather @!p1 [hbm4b:s24+s25], $0x4000, s26, s25, $0x38;
	[tilespmem:$0x10100] =	vst v63  }
0x52: {  	p1 =	sge.u32 s31, s7  }
.Ltmp2:
0x53: {  	_ = 	snop;
	(pc) =	sbr.rel @p1 .LBB1_5-.Ltmp2, $1  }
0x54: {  	_ =	sdelay $0x3  }
0x55: {  	s23 =	simm.s32 $0x1  }
0x56: {  	_ =	swait.ge [sflag:s6], $0x4000;
	s23 =	simm.s32 @!p0 $0x0  }
0x57: {  	[sflag:s6] =	ssyncset.done $0x0;
	s24 =	sshll.u32 s23, $0xE  }
0x58: {  	[sflag:s6] =	ssyncadd.s32 $0xFFFFC000;
	s24 =	sor.u32 $0x40, s24  }
0x59: {  	s23 =	smul.u32 $0x10200, s23;
	v0 =	vld [tilespmem:s24+$0x30]  }
0x5a: {  	v1 =	vld [tilespmem:s24+$0xFFFFFFD0]  }
0x5b: {  	s23 =	sshrl.u32 s23, $0x2;
	v5 =	vld [tilespmem:s24+$0xFFFFFFE0]  }
0x5c: {  	v6 =	vld [tilespmem:s24+$0xFFFFFFF0];
	s26 =	sor.u32 $0x8000, s23  }
0x5d: {  	s31 =	sand.u32 $0x1, s18;
	v4 =	vld [tilespmem:s24+$0x0];
	s25 =	sadd.s32 $0x0, s26  }
0x5e: {  	v3 =	vld [tilespmem:s24+$0x10];
	s23 =	smul.u32 $0x10200, s31;
	[tilespmem:s25+$0x3870 ss:$0x81] =	vst.msk $0xffff, v0  }
0x5f: {  	v2 =	vld [tilespmem:s24+$0x20];
	[tilespmem:s25+$0x810 ss:$0x81] =	vst.msk $0xffff, v1  }
0x60: {  	s23 =	sshrl.u32 s23, $0x2;
	v0 =	vld [tilespmem:s24+$0xFFFFFFC0];
	[tilespmem:s25+$0x1020 ss:$0x81] =	vst.msk $0xffff, v5;
	s24 =	sadd.s32 $0x80, s24  }
0x61: {  	s27 =	simm.s32 $0x4;
	s28 =	simm.s32 $0x8;
	s23 =	sor.u32 $0x8000, s23;
	[tilespmem:s25+$0x1830 ss:$0x81] =	vst.msk $0xffff, v6;
	v1 =	vld [tilespmem:s24+$0x30]  }
.LBB1_3:
0x62: {  	p1 =	sne.s32 s28, $0x1FC;
	v5 =	vld [tilespmem:s24+$0xFFFFFFD0];
	[tilespmem:s25+$0x2040 ss:$0x81] =	vst.msk $0xffff, v4  }
0x63: {  	v6 =	vld [tilespmem:s24+$0xFFFFFFE0];
	[tilespmem:s25+$0x2850 ss:$0x81] =	vst.msk $0xffff, v3  }
0x64: {  	s29 =	sshra.s32 s27, $0x2;
	s27 =	smov.u32 s28;
	v7 =	vld [tilespmem:s24+$0xFFFFFFF0];
	[tilespmem:s25+$0x3060 ss:$0x81] =	vst.msk $0xffff, v2  }
.Ltmp3:
0x65: {  	v4 =	vld [tilespmem:s24+$0x0];
	[tilespmem:s25+$0x0 ss:$0x81] =	vst.msk $0xffff, v0;
	s25 =	sadd.s32 s29, s26;
	(pc) =	sbr.rel @p1 .LBB1_3-.Ltmp3, $4  }
0x66: {  	v3 =	vld [tilespmem:s24+$0x10];
	[tilespmem:s25+$0x3870 ss:$0x81] =	vst.msk $0xffff, v1  }
0x67: {  	[tilespmem:s25+$0x810 ss:$0x81] =	vst.msk $0xffff, v5;
	v2 =	vld [tilespmem:s24+$0x20]  }
0x68: {  	v0 =	vld [tilespmem:s24+$0xFFFFFFC0];
	[tilespmem:s25+$0x1020 ss:$0x81] =	vst.msk $0xffff, v6;
	s24 =	sadd.s32 $0x80, s24  }
0x69: {  	s28 =	sadd.s32 $0x4, s28;
	v1 =	vld [tilespmem:s24+$0x30];
	[tilespmem:s25+$0x1830 ss:$0x81] =	vst.msk $0xffff, v7  }
.Ltmp4:
0x6a: {  	_ = 	snop;
	(pc) =	sbr.rel .LBB1_4-.Ltmp4, $1  }
0x6b: {  	_ =	sdelay $0x3  }
.LBB1_6:
0x6c: {  	_ =	sfence.sel $0x180000  }
0x6d: {  	s1 =	simm.s32 $0x1;
	[bflag:$0x0] =	sbarrier.arrive $0xFFFF  }
0x6e: {  	s31 =	simm.s32 $0x2;
	[sflag:s1] =	ssyncpa.u1 $0x1  }
0x6f: {  	[sflag:s31] =	ssyncpa.u1 $0x1  }
0x70: {  	_ =	strace $0x9000004A  }
0x71: {  	[bflag:$0x2] =	sbarrier.arrive $0xFFFF  }
0x72: {  	p0 =	sne.s32 s0, $0x0;
	s0 =	rddreg [dreg:$0x2]  }
0x73: {  	s0 =	sadd.s32 @!p0 $0x100000, s0  }
0x74: {  	[sflag:s0] =	ssyncadd.tile.s32 @!p0 $0x1;
	_ =	shalt  }
.Lfunc_end1:
_tile_overlayer_lowered:
.L_overlay_start_2:
0x75: {  	(tag) =	ssettag $0x2  }
0x76: {  	s0 =	rddreg [dreg:$0x0];
	s2 =	stileid.u32  }
0x77: {  	s1 =	rddreg [dreg:$0x1];
	p0 =	sne.s32 s2, $0x0  }
0x78: {  	s3 =	rddreg [dreg:$0x2];
	[bflag:$0x3] =	sbarrier.arrive $0xFFFF;
	s2 =	simm.s32 @!p0 $0x1C01  }
0x79: {  	[timem:s3], [sflag:s2] =	dma.local @!p0 [hbm:s0], s1  }
0x7a: {  	s0 =	simm.s32 @!p0 $0x1  }
0x7b: {  	_ =	swait.ge @!p0 [sflag:s0], s1  }
0x7c: {  	s1 =	ssub.s32 @!p0 $0x0, s1;
	[sflag:s0] =	ssyncset.done @!p0 $0x0  }
0x7d: {  	[sflag:s0] =	ssyncadd.s32 @!p0 s1  }
0x7e: {  	[bflag:$0x3] =	sbarrier.arrive $0xFFFF  }
0x7f: {  	_ =	shalt  }

</sc_bundles>
